<compile_context>
chip_gen: v7x
topology: tpu7x:2x2x1
jax: 0.10.2.dev20260603
libtpu: 0.0.44.dev20260713+nightly
codegen_flags: <defaults>
</compile_context>

<pallas_src>
import functools

import jax
import jax.numpy as jnp
from jax import lax
from jax.experimental import pallas as pl
from jax.experimental.pallas import tpu as pltpu
from jax.experimental.pallas import tpu_sc as plsc

N = 10000
E = 320000
D = 128
C = 64

NTILE = 16
NP = 10240
ROWS_PER_TILE = NP // NTILE
B = 128
EP = 2560 * B
EDGES_PER_TILE = EP // NTILE
NCHUNK = EDGES_PER_TILE // B
GRP = 4
NGROUP = NCHUNK // GRP


def _make_sc_agg(compute_deg):
    mesh = plsc.VectorSubcoreMesh(core_axis_name="c", subcore_axis_name="s")
    out_type = [jax.ShapeDtypeStruct((NP, D), jnp.bfloat16),
                jax.ShapeDtypeStruct((NP, D), jnp.bfloat16)]
    if compute_deg:
        out_type += [jax.ShapeDtypeStruct((NP,), jnp.float32),
                     jax.ShapeDtypeStruct((NP,), jnp.float32)]
    scratch_types = (
        [pltpu.VMEM((2 * GRP, B), jnp.int32)] * 2 +
        [pltpu.VMEM((B, D), jnp.bfloat16)] * 4 +
        [pltpu.VMEM((B,), jnp.float32),
         pltpu.VMEM((ROWS_PER_TILE,), jnp.float32),
         pltpu.VMEM_SHARED((NP, D), jnp.bfloat16),
         pltpu.VMEM_SHARED((NP,), jnp.float32)] +
        [pltpu.SemaphoreType.DMA] * 14
    )

    @functools.partial(
        pl.kernel, mesh=mesh, out_type=out_type, scratch_types=scratch_types,
        compiler_params=pltpu.CompilerParams(use_tc_tiling_on_sc=False))
    def sc_agg(xa, xb, eda, edb, *refs):
        if compute_deg:
            agg_a, agg_b, deg_a, deg_b = refs[:4]
            rest = refs[4:]
        else:
            agg_a, agg_b = refs[:2]
            deg_a = deg_b = None
            rest = refs[2:]
        idx = list(rest[0:2])
        rows = list(rest[2:6])
        ones_v, zeros_v, agg_sh, deg_sh = rest[6:10]
        isem = list(rest[10:12])
        gsem = list(rest[12:16])
        ssem = list(rest[16:20])
        dsem = list(rest[20:24])
        rows0 = rows[0]

        c = lax.axis_index("c")
        s = lax.axis_index("s")
        row0 = s * ROWS_PER_TILE

        def zrow(j, _):
            r = j // (D // 32)
            k = j % (D // 32)
            rows0[r, pl.ds(k * 32, 32)] = jnp.zeros((32,), jnp.bfloat16)
            return 0
        lax.fori_loop(0, (B * D) // 32, zrow, 0)

        def zvec(j, _):
            zeros_v[pl.ds(j * 16, 16)] = jnp.zeros((16,), jnp.float32)
            return 0
        lax.fori_loop(0, ROWS_PER_TILE // 16, zvec, 0)
        if compute_deg:
            def ovec(j, _):
                ones_v[pl.ds(j * 16, 16)] = jnp.ones((16,), jnp.float32)
                return 0
            lax.fori_loop(0, B // 16, ovec, 0)

        for j in range(ROWS_PER_TILE // B):
            pltpu.sync_copy(rows0, agg_sh.at[pl.ds(row0 + j * B, B)])
        if compute_deg:
            pltpu.sync_copy(zeros_v, deg_sh.at[pl.ds(row0, ROWS_PER_TILE)])
        plsc.subcore_barrier()

        def run(x_hbm, ed_hbm):
            gbase = s * NGROUP

            def substep(g, sg, j):
                i = GRP * g + j
                cur, nxt = idx[sg], idx[1 - sg]
                q = (j + 1) % 4
                prev3_dst = (cur.at[1] if j == 3
                             else nxt.at[2 * (j + 1) + 1])
                pltpu.make_async_copy(x_hbm.at[cur.at[2 * j]], rows[j],
                                      gsem[j]).wait()
                @pl.when(i + 1 < NCHUNK)
                def _():
                    @pl.when(i >= 3)
                    def _():
                        pltpu.make_async_copy(rows[q], agg_sh.at[prev3_dst],
                                              ssem[q]).wait()
                        if compute_deg:
                            pltpu.make_async_copy(ones_v, deg_sh.at[prev3_dst],
                                                  dsem[q]).wait()
                    if j == 2:
                        @pl.when((g >= 1) & (g + 1 < NGROUP))
                        def _():
                            pltpu.async_copy(ed_hbm.at[gbase + g + 1], nxt,
                                             isem[1 - sg])
                    if j < GRP - 1:
                        pltpu.async_copy(x_hbm.at[cur.at[2 * j + 2]], rows[q],
                                         gsem[q])
                    else:
                        pltpu.make_async_copy(ed_hbm.at[gbase + g + 1], nxt,
                                              isem[1 - sg]).wait()
                        pltpu.async_copy(x_hbm.at[nxt.at[0]], rows[q], gsem[q])
                pltpu.async_copy(rows[j], agg_sh.at[cur.at[2 * j + 1]], ssem[j],
                                 add=True)
                if compute_deg:
                    pltpu.async_copy(ones_v, deg_sh.at[cur.at[2 * j + 1]],
                                     dsem[j], add=True)

            pltpu.sync_copy(ed_hbm.at[gbase], idx[0])
            pltpu.async_copy(ed_hbm.at[gbase + 1], idx[1], isem[1])
            pltpu.async_copy(x_hbm.at[idx[0].at[0]], rows[0], gsem[0])

            def body(G, _):
                for gg in range(2):
                    for j in range(GRP):
                        substep(2 * G + gg, gg, j)
                return 0
            lax.fori_loop(0, NGROUP // 2, body, 0)
            lastbuf = idx[(NGROUP - 1) % 2]
            for j in (NCHUNK - 4, NCHUNK - 3, NCHUNK - 2, NCHUNK - 1):
                jj = j % GRP
                pltpu.make_async_copy(rows[jj],
                                      agg_sh.at[lastbuf.at[2 * jj + 1]],
                                      ssem[jj]).wait()
                if compute_deg:
                    pltpu.make_async_copy(ones_v,
                                          deg_sh.at[lastbuf.at[2 * jj + 1]],
                                          dsem[jj]).wait()

        @pl.when(c == 0)
        def _():
            run(xa, eda)

        @pl.when(c == 1)
        def _():
            run(xb, edb)

        plsc.subcore_barrier()

        def write_out(agg_out, deg_out):
            pltpu.sync_copy(agg_sh.at[pl.ds(row0, ROWS_PER_TILE)],
                            agg_out.at[pl.ds(row0, ROWS_PER_TILE)])
            if compute_deg:
                pltpu.sync_copy(deg_sh.at[pl.ds(row0, ROWS_PER_TILE)],
                                deg_out.at[pl.ds(row0, ROWS_PER_TILE)])

        @pl.when(c == 0)
        def _():
            write_out(agg_a, deg_a)

        @pl.when(c == 1)
        def _():
            write_out(agg_b, deg_b)

    return sc_agg


_sc_agg_deg = _make_sc_agg(compute_deg=True)
_sc_agg = _make_sc_agg(compute_deg=False)


BR = 1024


def _layer_body(x_ref, aa_ref, ab_ref, da_ref, db_ref,
                wsa_ref, wna_ref, wsb_ref, wnb_ref,
                oa_ref, ob_ref, oabf_ref, obbf_ref):
    xb = x_ref[...]
    ma = aa_ref[...].astype(jnp.float32) * (1.0 / jnp.maximum(da_ref[...], 1.0))
    mb = ab_ref[...].astype(jnp.float32) * (1.0 / jnp.maximum(db_ref[...], 1.0))
    ha = jnp.maximum(
        jnp.dot(xb, wsa_ref[...], preferred_element_type=jnp.float32)
        + jnp.dot(ma, wna_ref[...], preferred_element_type=jnp.float32), 0.0)
    hb = jnp.maximum(
        jnp.dot(xb, wsb_ref[...], preferred_element_type=jnp.float32)
        + jnp.dot(mb, wnb_ref[...], preferred_element_type=jnp.float32), 0.0)
    oa_ref[...] = ha
    ob_ref[...] = hb
    oabf_ref[...] = ha.astype(jnp.bfloat16)
    obbf_ref[...] = hb.astype(jnp.bfloat16)


def _tc_layer1(x, agg_a, agg_b, deg_a, deg_b, wsa, wna, wsb, wnb):
    row_spec = pl.BlockSpec((BR, D), lambda i: (i, 0))
    deg_spec = pl.BlockSpec((BR, 1), lambda i: (i, 0))
    w_spec = pl.BlockSpec((D, D), lambda i: (0, 0))
    return pl.pallas_call(
        _layer_body,
        grid=(NP // BR,),
        in_specs=[row_spec, row_spec, row_spec, deg_spec, deg_spec,
                  w_spec, w_spec, w_spec, w_spec],
        out_specs=[row_spec, row_spec, row_spec, row_spec],
        out_shape=[jax.ShapeDtypeStruct((NP, D), jnp.float32),
                   jax.ShapeDtypeStruct((NP, D), jnp.float32),
                   jax.ShapeDtypeStruct((NP, D), jnp.bfloat16),
                   jax.ShapeDtypeStruct((NP, D), jnp.bfloat16)],
    )(x, agg_a, agg_b, deg_a, deg_b, wsa, wna, wsb, wnb)


def _final_body(ha_ref, hb_ref, aa_ref, ab_ref, da_ref, db_ref,
                wsa_ref, wna_ref, wsb_ref, wnb_ref, wla_ref, wlb_ref,
                out_ref, acc_a, acc_b):
    i = pl.program_id(0)
    ma = aa_ref[...].astype(jnp.float32) * (1.0 / jnp.maximum(da_ref[...], 1.0))
    mb = ab_ref[...].astype(jnp.float32) * (1.0 / jnp.maximum(db_ref[...], 1.0))
    h2a = jnp.maximum(
        jnp.dot(ha_ref[...], wsa_ref[...], preferred_element_type=jnp.float32)
        + jnp.dot(ma, wna_ref[...], preferred_element_type=jnp.float32), 0.0)
    h2b = jnp.maximum(
        jnp.dot(hb_ref[...], wsb_ref[...], preferred_element_type=jnp.float32)
        + jnp.dot(mb, wnb_ref[...], preferred_element_type=jnp.float32), 0.0)
    rid = i * BR + lax.broadcasted_iota(jnp.int32, (BR, D), 0)
    mask = (rid < N).astype(jnp.float32)
    ca = jnp.sum(h2a * mask, axis=0, keepdims=True)
    cb = jnp.sum(h2b * mask, axis=0, keepdims=True)

    @pl.when(i == 0)
    def _():
        acc_a[...] = ca
        acc_b[...] = cb

    @pl.when(i > 0)
    def _():
        acc_a[...] += ca
        acc_b[...] += cb

    @pl.when(i == (NP // BR) - 1)
    def _():
        ra = jnp.dot(acc_a[...] * (1.0 / N), wla_ref[...],
                     preferred_element_type=jnp.float32)
        rb = jnp.dot(acc_b[...] * (1.0 / N), wlb_ref[...],
                     preferred_element_type=jnp.float32)
        sa = 1.0 / (1.0 + jnp.exp(-ra))
        sb = 1.0 / (1.0 + jnp.exp(-rb))
        out_ref[...] = (sa + sb) * 0.5


def _tc_final(h1a, h1b, agg_a, agg_b, deg_a, deg_b, wsa, wna, wsb, wnb, wla, wlb):
    row_spec = pl.BlockSpec((BR, D), lambda i: (i, 0))
    deg_spec = pl.BlockSpec((BR, 1), lambda i: (i, 0))
    w_spec = pl.BlockSpec((D, D), lambda i: (0, 0))
    wl_spec = pl.BlockSpec((D, C), lambda i: (0, 0))
    return pl.pallas_call(
        _final_body,
        grid=(NP // BR,),
        in_specs=[row_spec, row_spec, row_spec, row_spec, deg_spec, deg_spec,
                  w_spec, w_spec, w_spec, w_spec, wl_spec, wl_spec],
        out_specs=pl.BlockSpec((1, C), lambda i: (0, 0)),
        out_shape=jax.ShapeDtypeStruct((1, C), jnp.float32),
        scratch_shapes=[pltpu.VMEM((1, D), jnp.float32),
                        pltpu.VMEM((1, D), jnp.float32)],
    )(h1a, h1b, agg_a, agg_b, deg_a, deg_b, wsa, wna, wsb, wnb, wla, wlb)


def kernel(H1_edge_index, H2_edge_index, feats,
           W1s_a, W1n_a, W2s_a, W2n_a, Wl_a,
           W1s_b, W1n_b, W2s_b, W2n_b, Wl_b):
    pad_src = jnp.zeros((EP - E,), jnp.int32)
    pad_dst = jnp.full((EP - E,), N, jnp.int32)
    eda = jnp.stack(
        [jnp.concatenate([H1_edge_index[0], pad_src]).reshape(EP // B, B),
         jnp.concatenate([H1_edge_index[1], pad_dst]).reshape(EP // B, B)],
        axis=1).reshape(EP // (GRP * B), 2 * GRP, B)
    edb = jnp.stack(
        [jnp.concatenate([H2_edge_index[0], pad_src]).reshape(EP // B, B),
         jnp.concatenate([H2_edge_index[1], pad_dst]).reshape(EP // B, B)],
        axis=1).reshape(EP // (GRP * B), 2 * GRP, B)
    x = jnp.pad(feats, ((0, NP - N), (0, 0)))
    xbf = x.astype(jnp.bfloat16)

    agg1_a, agg1_b, deg_a, deg_b = _sc_agg_deg(xbf, xbf, eda, edb)
    deg_a = deg_a.reshape(NP, 1)
    deg_b = deg_b.reshape(NP, 1)
    h1a, h1b, h1abf, h1bbf = _tc_layer1(x, agg1_a, agg1_b, deg_a, deg_b,
                                        W1s_a, W1n_a, W1s_b, W1n_b)
    agg2_a, agg2_b = _sc_agg(h1abf, h1bbf, eda, edb)
    return _tc_final(h1a, h1b, agg2_a, agg2_b, deg_a, deg_b,
                     W2s_a, W2n_a, W2s_b, W2n_b, Wl_a, Wl_b)

# --- scband reference (transcript-rebuilt; emitter-appended) ---
"""Pipeline reference for scband-my-model-39943195853194 (READ-ONLY COPY).

The authoritative reference and input builder live on the scoring server;
editing this copy changes nothing except your own understanding.
"""

import jax, jax.numpy as jnp
import numpy as np

N = 10000
E = 320000
D = 128
H = 128
C = 64


def _sage_layer(x, src, dst, Ws, Wn, n):
    agg = jax.ops.segment_sum(x[src], dst, num_segments=n)
    deg = jax.ops.segment_sum(jnp.ones((src.shape[0],), x.dtype), dst, num_segments=n)
    mean = agg / jnp.maximum(deg, 1.0)[:, None]
    return x @ Ws + mean @ Wn


def _graphsage(edges, feats, W1s, W1n, W2s, W2n, Wl):
    src = edges[0]
    dst = edges[1]
    n = feats.shape[0]
    h = jax.nn.relu(_sage_layer(feats, src, dst, W1s, W1n, n))
    h = jax.nn.relu(_sage_layer(h, src, dst, W2s, W2n, n))
    rep = jnp.mean(h, axis=0, keepdims=True) @ Wl
    return jax.nn.sigmoid(rep)


def setup_inputs(seed: int = 0) -> dict:
    key = jax.random.key(seed)
    ks = jax.random.split(key, 13)
    feats = jax.random.normal(ks[0], (N, D), jnp.float32)
    H1_edge_index = jax.random.randint(ks[1], (2, E), 0, N, jnp.int32)
    H2_edge_index = jax.random.randint(ks[2], (2, E), 0, N, jnp.int32)
    s = 0.05
    return {
        "H1_edge_index": H1_edge_index,
        "H2_edge_index": H2_edge_index,
        "feats": feats,
        "W1s_a": jax.random.normal(ks[3], (D, H), jnp.float32) * s,
        "W1n_a": jax.random.normal(ks[4], (D, H), jnp.float32) * s,
        "W2s_a": jax.random.normal(ks[5], (H, H), jnp.float32) * s,
        "W2n_a": jax.random.normal(ks[6], (H, H), jnp.float32) * s,
        "Wl_a": jax.random.normal(ks[7], (H, C), jnp.float32) * s,
        "W1s_b": jax.random.normal(ks[8], (D, H), jnp.float32) * s,
        "W1n_b": jax.random.normal(ks[9], (D, H), jnp.float32) * s,
        "W2s_b": jax.random.normal(ks[10], (H, H), jnp.float32) * s,
        "W2n_b": jax.random.normal(ks[11], (H, H), jnp.float32) * s,
        "Wl_b": jax.random.normal(ks[12], (H, C), jnp.float32) * s,
    }


def reference(H1_edge_index, H2_edge_index, feats, W1s_a, W1n_a, W2s_a, W2n_a, Wl_a, W1s_b, W1n_b, W2s_b, W2n_b, Wl_b):
    r1 = _graphsage(H1_edge_index, feats, W1s_a, W1n_a, W2s_a, W2n_a, Wl_a)
    r2 = _graphsage(H2_edge_index, feats, W1s_b, W1n_b, W2s_b, W2n_b, Wl_b)
    return (r1 + r2) / 2.0

if __name__ == "__main__":
    import jax
    _d = setup_inputs()
    print(jax.jit(kernel)(*tuple(_d.values())))

</pallas_src>

<mosaic_0001>
#map = affine_map<(d0, d1) -> (0, 0)>
#map1 = affine_map<(d0, d1) -> (0, 0, 0)>
module attributes {stable_mosaic.version = 14 : i64} {
  func.func @sc_agg(%arg0: i32, %arg1: i32, %arg2: memref<10240x128xbf16, #tpu.memory_space<hbm>>, %arg3: memref<10240x128xbf16, #tpu.memory_space<hbm>>, %arg4: memref<640x8x128xi32, #tpu.memory_space<hbm>>, %arg5: memref<640x8x128xi32, #tpu.memory_space<hbm>>, %arg6: memref<10240x128xbf16, #tpu.memory_space<hbm>>, %arg7: memref<10240x128xbf16, #tpu.memory_space<hbm>>, %arg8: memref<8x128xi32, #tpu.memory_space<vmem>>, %arg9: memref<8x128xi32, #tpu.memory_space<vmem>>, %arg10: memref<128x128xbf16, #tpu.memory_space<vmem>>, %arg11: memref<128x128xbf16, #tpu.memory_space<vmem>>, %arg12: memref<128x128xbf16, #tpu.memory_space<vmem>>, %arg13: memref<128x128xbf16, #tpu.memory_space<vmem>>, %arg14: memref<128xf32, #tpu.memory_space<vmem>>, %arg15: memref<640xf32, #tpu.memory_space<vmem>>, %arg16: memref<10240x128xbf16, #tpu.memory_space<vmem_shared>>, %arg17: memref<10240xf32, #tpu.memory_space<vmem_shared>>, %arg18: memref<!tpu.dma_semaphore, #tpu.memory_space<semaphore_mem>>, %arg19: memref<!tpu.dma_semaphore, #tpu.memory_space<semaphore_mem>>, %arg20: memref<!tpu.dma_semaphore, #tpu.memory_space<semaphore_mem>>, %arg21: memref<!tpu.dma_semaphore, #tpu.memory_space<semaphore_mem>>, %arg22: memref<!tpu.dma_semaphore, #tpu.memory_space<semaphore_mem>>, %arg23: memref<!tpu.dma_semaphore, #tpu.memory_space<semaphore_mem>>, %arg24: memref<!tpu.dma_semaphore, #tpu.memory_space<semaphore_mem>>, %arg25: memref<!tpu.dma_semaphore, #tpu.memory_space<semaphore_mem>>, %arg26: memref<!tpu.dma_semaphore, #tpu.memory_space<semaphore_mem>>, %arg27: memref<!tpu.dma_semaphore, #tpu.memory_space<semaphore_mem>>, %arg28: memref<!tpu.dma_semaphore, #tpu.memory_space<semaphore_mem>>, %arg29: memref<!tpu.dma_semaphore, #tpu.memory_space<semaphore_mem>>, %arg30: memref<!tpu.dma_semaphore, #tpu.memory_space<semaphore_mem>>, %arg31: memref<!tpu.dma_semaphore, #tpu.memory_space<semaphore_mem>>) attributes {dimension_semantics = [#tpu.dimension_semantics<core_parallel>, #tpu.dimension_semantics<subcore_parallel>], iteration_bounds = array<i64: 2, 16>, scalar_prefetch = 0 : i64, scratch_operands = 24 : i64, tpu.core_type = #tpu.core_type<sc_vector_subcore>, window_params = [{transform_indices = #map}, {transform_indices = #map}, {transform_indices = #map1}, {transform_indices = #map1}, {transform_indices = #map}, {transform_indices = #map}]} {
    %mul3A = arith.constant 640 : i32
    %mul3A_0 = arith.muli %arg1, %mul3A : i32
    %scan3A = arith.constant 0 : i32
    %scan3A_1 = arith.constant 0 : i32
    %scan3A_2 = arith.constant 512 : i32
    %scan3A_3 = arith.addi %scan3A_1, %scan3A_2 : i32
    %scan3A_4 = arith.constant 1 : i32
    %scan3A_5 = scf.for %scan3A_41 = %scan3A_1 to %scan3A_3 step %scan3A_4 iter_args(%scan3A_42 = %scan3A) -> (i32)  : i32 {
      %jit3A = arith.constant 4 : i32
      %div3A = arith.divsi %scan3A_41, %jit3A : i32
      %sign3A = arith.constant 0 : i32
      %sign3A_43 = arith.cmpi sgt, %scan3A_41, %sign3A : i32
      %sign3A_44 = arith.extui %sign3A_43 : i1 to i32
      %sign3A_45 = arith.constant 0 : i32
      %sign3A_46 = arith.cmpi slt, %scan3A_41, %sign3A_45 : i32
      %sign3A_47 = arith.extui %sign3A_46 : i1 to i32
      %sign3A_48 = arith.subi %sign3A_44, %sign3A_47 : i32
      %sign3A_49 = arith.constant 0 : i32
      %sign3A_50 = arith.cmpi sgt, %jit3A, %sign3A_49 : i32
      %sign3A_51 = arith.extui %sign3A_50 : i1 to i32
      %sign3A_52 = arith.constant 0 : i32
      %sign3A_53 = arith.cmpi slt, %jit3A, %sign3A_52 : i32
      %sign3A_54 = arith.extui %sign3A_53 : i1 to i32
      %sign3A_55 = arith.subi %sign3A_51, %sign3A_54 : i32
      %ne3A = arith.cmpi ne, %sign3A_48, %sign3A_55 : i32
      %rem3A = arith.remsi %scan3A_41, %jit3A : i32
      %ne3A_56 = arith.constant 0 : i32
      %ne3A_57 = arith.cmpi ne, %rem3A, %ne3A_56 : i32
      %and3A = arith.andi %ne3A, %ne3A_57 : i1
      %sub3A = arith.constant 1 : i32
      %sub3A_58 = arith.subi %div3A, %sub3A : i32
      %select_n3A = arith.select %and3A, %sub3A_58, %div3A : i32
      %jit3A_59 = arith.constant 4 : i32
      %eq3A_60 = arith.constant 0 : i32
      %eq3A_61 = arith.cmpi eq, %jit3A_59, %eq3A_60 : i32
      %jit3A_62 = arith.constant 1 : i32
      %select_n3A_63 = arith.select %eq3A_61, %jit3A_62, %jit3A_59 : i32
      %rem3A_64 = arith.remsi %scan3A_41, %select_n3A_63 : i32
      %ne3A_65 = arith.constant 0 : i32
      %ne3A_66 = arith.cmpi ne, %rem3A_64, %ne3A_65 : i32
      %lt3A = arith.constant 0 : i32
      %lt3A_67 = arith.cmpi slt, %rem3A_64, %lt3A : i32
      %lt3A_68 = arith.constant 0 : i32
      %lt3A_69 = arith.cmpi slt, %select_n3A_63, %lt3A_68 : i32
      %ne3A_70 = arith.xori %lt3A_67, %lt3A_69 : i1
      %and3A_71 = arith.andi %ne3A_70, %ne3A_66 : i1
      %add3A_72 = arith.addi %rem3A_64, %select_n3A_63 : i32
      %select_n3A_73 = arith.select %and3A_71, %add3A_72, %rem3A_64 : i32
      %broadcast_in_dim3A = arith.constant 0.000000e+00 : bf16
      %broadcast_in_dim3A_74 = vector.broadcast %broadcast_in_dim3A : bf16 to vector<32xbf16>
      %mul3A_75 = arith.constant 32 : i32
      %mul3A_76 = arith.muli %select_n3A_73, %mul3A_75 : i32
      %swap3A = arith.index_cast %select_n3A : i32 to index
      %swap3A_77 = arith.index_cast %mul3A_76 : i32 to index
      %swap3A_78 = tpu.vector_load %arg10[%swap3A, %swap3A_77] {strides = array<i32>} : memref<128x128xbf16, #tpu.memory_space<vmem>>, vector<1x32xbf16>,
      %swap3A_79 = vector.shape_cast %swap3A_78 : vector<1x32xbf16> to vector<32xbf16>
      %swap3A_80 = vector.shape_cast %broadcast_in_dim3A_74 : vector<32xbf16> to vector<1x32xbf16>
      tpu.vector_store %arg10[%swap3A, %swap3A_77], %swap3A_80 {strides = array<i32>} : memref<128x128xbf16, #tpu.memory_space<vmem>>, vector<1x32xbf16>,
      %scan3A_81 = arith.constant 0 : i32
      scf.yield %scan3A_81 : i32
    }
    %scan3A_6 = arith.constant 512 : i32
    %scan3A_7 = arith.constant 0 : i32
    %scan3A_8 = arith.constant 0 : i32
    %scan3A_9 = arith.constant 40 : i32
    %scan3A_10 = arith.addi %scan3A_8, %scan3A_9 : i32
    %scan3A_11 = arith.constant 1 : i32
    %scan3A_12 = scf.for %scan3A_41 = %scan3A_8 to %scan3A_10 step %scan3A_11 iter_args(%scan3A_42 = %scan3A_7) -> (i32)  : i32 {
      %broadcast_in_dim3A = arith.constant 0.000000e+00 : f32
      %broadcast_in_dim3A_43 = vector.broadcast %broadcast_in_dim3A : f32 to vector<16xf32>
      %mul3A_44 = arith.constant 16 : i32
      %mul3A_45 = arith.muli %scan3A_41, %mul3A_44 : i32
      %swap3A = arith.index_cast %mul3A_45 : i32 to index
      %swap3A_46 = tpu.vector_load %arg15[%swap3A] {strides = array<i32>} : memref<640xf32, #tpu.memory_space<vmem>>, vector<16xf32>,
      %swap3A_47 = vector.shape_cast %swap3A_46 : vector<16xf32> to vector<16xf32>
      %swap3A_48 = vector.shape_cast %broadcast_in_dim3A_43 : vector<16xf32> to vector<16xf32>
      tpu.vector_store %arg15[%swap3A], %swap3A_48 {strides = array<i32>} : memref<640xf32, #tpu.memory_space<vmem>>, vector<16xf32>,
      %scan3A_49 = arith.constant 0 : i32
      scf.yield %scan3A_49 : i32
    }
    %scan3A_13 = arith.constant 40 : i32
    %add3A = arith.constant 0 : i32
    %add3A_14 = arith.addi %mul3A_0, %add3A : i32
    "tpu.region"() ({
      %run_scoped3A = tpu.sem_alloc : memref<!tpu.dma_semaphore, #tpu.memory_space<semaphore_mem>>
      %dma_start3A = arith.constant 0 : i32
      %dma_start3A_41 = tpu.memref_slice %arg16[%add3A_14, %dma_start3A] : memref<10240x128xbf16, #tpu.memory_space<vmem_shared>> -> memref<128x128xbf16, #tpu.memory_space<vmem_shared>>
      %dma_start3A_42 = arith.constant 0 : i32
      %dma_start3A_43 = tpu.memref_slice %arg16[%add3A_14, %dma_start3A_42] : memref<10240x128xbf16, #tpu.memory_space<vmem_shared>> -> memref<128x128xbf16, #tpu.memory_space<vmem_shared>>
      tpu.enqueue_dma source(%arg10 : memref<128x128xbf16, #tpu.memory_space<vmem>>) target(%dma_start3A_43 : memref<128x128xbf16, #tpu.memory_space<vmem_shared>>) target_semaphore(%run_scoped3A : memref<!tpu.dma_semaphore, #tpu.memory_space<semaphore_mem>>)
      %dma_wait3A = arith.constant 0 : i32
      %dma_wait3A_44 = tpu.memref_slice %arg16[%add3A_14, %dma_wait3A] : memref<10240x128xbf16, #tpu.memory_space<vmem_shared>> -> memref<128x128xbf16, #tpu.memory_space<vmem_shared>>
      %dma_wait3A_45 = arith.constant 0 : i32
      %dma_wait3A_46 = tpu.memref_slice %arg16[%add3A_14, %dma_wait3A_45] : memref<10240x128xbf16, #tpu.memory_space<vmem_shared>> -> memref<128x128xbf16, #tpu.memory_space<vmem_shared>>
      tpu.wait_dma2 semaphore(%run_scoped3A : memref<!tpu.dma_semaphore, #tpu.memory_space<semaphore_mem>>) src(%arg10 : memref<128x128xbf16, #tpu.memory_space<vmem>>) dst(%dma_wait3A_46 : memref<128x128xbf16, #tpu.memory_space<vmem_shared>>)
      tpu.yield
    }) : () -> ()
    %add3A_15 = arith.constant 128 : i32
    %add3A_16 = arith.addi %mul3A_0, %add3A_15 : i32
    "tpu.region"() ({
      %run_scoped3A = tpu.sem_alloc : memref<!tpu.dma_semaphore, #tpu.memory_space<semaphore_mem>>
      %dma_start3A = arith.constant 0 : i32
      %dma_start3A_41 = tpu.memref_slice %arg16[%add3A_16, %dma_start3A] : memref<10240x128xbf16, #tpu.memory_space<vmem_shared>> -> memref<128x128xbf16, #tpu.memory_space<vmem_shared>>
      %dma_start3A_42 = arith.constant 0 : i32
      %dma_start3A_43 = tpu.memref_slice %arg16[%add3A_16, %dma_start3A_42] : memref<10240x128xbf16, #tpu.memory_space<vmem_shared>> -> memref<128x128xbf16, #tpu.memory_space<vmem_shared>>
      tpu.enqueue_dma source(%arg10 : memref<128x128xbf16, #tpu.memory_space<vmem>>) target(%dma_start3A_43 : memref<128x128xbf16, #tpu.memory_space<vmem_shared>>) target_semaphore(%run_scoped3A : memref<!tpu.dma_semaphore, #tpu.memory_space<semaphore_mem>>)
      %dma_wait3A = arith.constant 0 : i32
      %dma_wait3A_44 = tpu.memref_slice %arg16[%add3A_16, %dma_wait3A] : memref<10240x128xbf16, #tpu.memory_space<vmem_shared>> -> memref<128x128xbf16, #tpu.memory_space<vmem_shared>>
      %dma_wait3A_45 = arith.constant 0 : i32
      %dma_wait3A_46 = tpu.memref_slice %arg16[%add3A_16, %dma_wait3A_45] : memref<10240x128xbf16, #tpu.memory_space<vmem_shared>> -> memref<128x128xbf16, #tpu.memory_space<vmem_shared>>
      tpu.wait_dma2 semaphore(%run_scoped3A : memref<!tpu.dma_semaphore, #tpu.memory_space<semaphore_mem>>) src(%arg10 : memref<128x128xbf16, #tpu.memory_space<vmem>>) dst(%dma_wait3A_46 : memref<128x128xbf16, #tpu.memory_space<vmem_shared>>)
      tpu.yield
    }) : () -> ()
    %add3A_17 = arith.constant 256 : i32
    %add3A_18 = arith.addi %mul3A_0, %add3A_17 : i32
    "tpu.region"() ({
      %run_scoped3A = tpu.sem_alloc : memref<!tpu.dma_semaphore, #tpu.memory_space<semaphore_mem>>
      %dma_start3A = arith.constant 0 : i32
      %dma_start3A_41 = tpu.memref_slice %arg16[%add3A_18, %dma_start3A] : memref<10240x128xbf16, #tpu.memory_space<vmem_shared>> -> memref<128x128xbf16, #tpu.memory_space<vmem_shared>>
      %dma_start3A_42 = arith.constant 0 : i32
      %dma_start3A_43 = tpu.memref_slice %arg16[%add3A_18, %dma_start3A_42] : memref<10240x128xbf16, #tpu.memory_space<vmem_shared>> -> memref<128x128xbf16, #tpu.memory_space<vmem_shared>>
      tpu.enqueue_dma source(%arg10 : memref<128x128xbf16, #tpu.memory_space<vmem>>) target(%dma_start3A_43 : memref<128x128xbf16, #tpu.memory_space<vmem_shared>>) target_semaphore(%run_scoped3A : memref<!tpu.dma_semaphore, #tpu.memory_space<semaphore_mem>>)
      %dma_wait3A = arith.constant 0 : i32
      %dma_wait3A_44 = tpu.memref_slice %arg16[%add3A_18, %dma_wait3A] : memref<10240x128xbf16, #tpu.memory_space<vmem_shared>> -> memref<128x128xbf16, #tpu.memory_space<vmem_shared>>
      %dma_wait3A_45 = arith.constant 0 : i32
      %dma_wait3A_46 = tpu.memref_slice %arg16[%add3A_18, %dma_wait3A_45] : memref<10240x128xbf16, #tpu.memory_space<vmem_shared>> -> memref<128x128xbf16, #tpu.memory_space<vmem_shared>>
      tpu.wait_dma2 semaphore(%run_scoped3A : memref<!tpu.dma_semaphore, #tpu.memory_space<semaphore_mem>>) src(%arg10 : memref<128x128xbf16, #tpu.memory_space<vmem>>) dst(%dma_wait3A_46 : memref<128x128xbf16, #tpu.memory_space<vmem_shared>>)
      tpu.yield
    }) : () -> ()
    %add3A_19 = arith.constant 384 : i32
    %add3A_20 = arith.addi %mul3A_0, %add3A_19 : i32
    "tpu.region"() ({
      %run_scoped3A = tpu.sem_alloc : memref<!tpu.dma_semaphore, #tpu.memory_space<semaphore_mem>>
      %dma_start3A = arith.constant 0 : i32
      %dma_start3A_41 = tpu.memref_slice %arg16[%add3A_20, %dma_start3A] : memref<10240x128xbf16, #tpu.memory_space<vmem_shared>> -> memref<128x128xbf16, #tpu.memory_space<vmem_shared>>
      %dma_start3A_42 = arith.constant 0 : i32
      %dma_start3A_43 = tpu.memref_slice %arg16[%add3A_20, %dma_start3A_42] : memref<10240x128xbf16, #tpu.memory_space<vmem_shared>> -> memref<128x128xbf16, #tpu.memory_space<vmem_shared>>
      tpu.enqueue_dma source(%arg10 : memref<128x128xbf16, #tpu.memory_space<vmem>>) target(%dma_start3A_43 : memref<128x128xbf16, #tpu.memory_space<vmem_shared>>) target_semaphore(%run_scoped3A : memref<!tpu.dma_semaphore, #tpu.memory_space<semaphore_mem>>)
      %dma_wait3A = arith.constant 0 : i32
      %dma_wait3A_44 = tpu.memref_slice %arg16[%add3A_20, %dma_wait3A] : memref<10240x128xbf16, #tpu.memory_space<vmem_shared>> -> memref<128x128xbf16, #tpu.memory_space<vmem_shared>>
      %dma_wait3A_45 = arith.constant 0 : i32
      %dma_wait3A_46 = tpu.memref_slice %arg16[%add3A_20, %dma_wait3A_45] : memref<10240x128xbf16, #tpu.memory_space<vmem_shared>> -> memref<128x128xbf16, #tpu.memory_space<vmem_shared>>
      tpu.wait_dma2 semaphore(%run_scoped3A : memref<!tpu.dma_semaphore, #tpu.memory_space<semaphore_mem>>) src(%arg10 : memref<128x128xbf16, #tpu.memory_space<vmem>>) dst(%dma_wait3A_46 : memref<128x128xbf16, #tpu.memory_space<vmem_shared>>)
      tpu.yield
    }) : () -> ()
    %add3A_21 = arith.constant 512 : i32
    %add3A_22 = arith.addi %mul3A_0, %add3A_21 : i32
    "tpu.region"() ({
      %run_scoped3A = tpu.sem_alloc : memref<!tpu.dma_semaphore, #tpu.memory_space<semaphore_mem>>
      %dma_start3A = arith.constant 0 : i32
      %dma_start3A_41 = tpu.memref_slice %arg16[%add3A_22, %dma_start3A] : memref<10240x128xbf16, #tpu.memory_space<vmem_shared>> -> memref<128x128xbf16, #tpu.memory_space<vmem_shared>>
      %dma_start3A_42 = arith.constant 0 : i32
      %dma_start3A_43 = tpu.memref_slice %arg16[%add3A_22, %dma_start3A_42] : memref<10240x128xbf16, #tpu.memory_space<vmem_shared>> -> memref<128x128xbf16, #tpu.memory_space<vmem_shared>>
      tpu.enqueue_dma source(%arg10 : memref<128x128xbf16, #tpu.memory_space<vmem>>) target(%dma_start3A_43 : memref<128x128xbf16, #tpu.memory_space<vmem_shared>>) target_semaphore(%run_scoped3A : memref<!tpu.dma_semaphore, #tpu.memory_space<semaphore_mem>>)
      %dma_wait3A = arith.constant 0 : i32
      %dma_wait3A_44 = tpu.memref_slice %arg16[%add3A_22, %dma_wait3A] : memref<10240x128xbf16, #tpu.memory_space<vmem_shared>> -> memref<128x128xbf16, #tpu.memory_space<vmem_shared>>
      %dma_wait3A_45 = arith.constant 0 : i32
      %dma_wait3A_46 = tpu.memref_slice %arg16[%add3A_22, %dma_wait3A_45] : memref<10240x128xbf16, #tpu.memory_space<vmem_shared>> -> memref<128x128xbf16, #tpu.memory_space<vmem_shared>>
      tpu.wait_dma2 semaphore(%run_scoped3A : memref<!tpu.dma_semaphore, #tpu.memory_space<semaphore_mem>>) src(%arg10 : memref<128x128xbf16, #tpu.memory_space<vmem>>) dst(%dma_wait3A_46 : memref<128x128xbf16, #tpu.memory_space<vmem_shared>>)
      tpu.yield
    }) : () -> ()
    %barrier3A = arith.constant 0 : index
    tpu.barrier barrier_id(%barrier3A)
    %eq3A = arith.constant 0 : i32
    %eq3A_23 = arith.cmpi eq, %arg0, %eq3A : i32
    %convert_element_type3A = arith.extui %eq3A_23 : i1 to i32
    %cond3A = arith.constant 0 : i32
    %cond3A_24 = arith.cmpi ne, %convert_element_type3A, %cond3A : i32
    scf.if %cond3A_24 {
      %mul3A_41 = arith.constant 40 : i32
      %mul3A_42 = arith.muli %arg1, %mul3A_41 : i32
      "tpu.region"() ({
        %run_scoped3A = tpu.sem_alloc : memref<!tpu.dma_semaphore, #tpu.memory_space<semaphore_mem>>
        %dma_start3A_93 = arith.constant 0 : i32
        %dma_start3A_94 = arith.constant 0 : i32
        %dma_start3A_95 = tpu.memref_slice %arg4[%mul3A_42, %dma_start3A_93, %dma_start3A_94] : memref<640x8x128xi32, #tpu.memory_space<hbm>> -> memref<1x8x128xi32, #tpu.memory_space<hbm>>
        %dma_start3A_96 = tpu.memref_squeeze %dma_start3A_95 : memref<1x8x128xi32, #tpu.memory_space<hbm>> -> memref<8x128xi32, #tpu.memory_space<hbm>>
        %dma_start3A_97 = arith.constant 0 : i32
        %dma_start3A_98 = arith.constant 0 : i32
        %dma_start3A_99 = tpu.memref_slice %arg4[%mul3A_42, %dma_start3A_97, %dma_start3A_98] : memref<640x8x128xi32, #tpu.memory_space<hbm>> -> memref<1x8x128xi32, #tpu.memory_space<hbm>>
        %dma_start3A_100 = tpu.memref_squeeze %dma_start3A_99 : memref<1x8x128xi32, #tpu.memory_space<hbm>> -> memref<8x128xi32, #tpu.memory_space<hbm>>
        tpu.enqueue_dma source(%dma_start3A_100 : memref<8x128xi32, #tpu.memory_space<hbm>>) target(%arg8 : memref<8x128xi32, #tpu.memory_space<vmem>>) target_semaphore(%run_scoped3A : memref<!tpu.dma_semaphore, #tpu.memory_space<semaphore_mem>>)
        %dma_wait3A_101 = arith.constant 0 : i32
        %dma_wait3A_102 = arith.constant 0 : i32
        %dma_wait3A_103 = tpu.memref_slice %arg4[%mul3A_42, %dma_wait3A_101, %dma_wait3A_102] : memref<640x8x128xi32, #tpu.memory_space<hbm>> -> memref<1x8x128xi32, #tpu.memory_space<hbm>>
        %dma_wait3A_104 = tpu.memref_squeeze %dma_wait3A_103 : memref<1x8x128xi32, #tpu.memory_space<hbm>> -> memref<8x128xi32, #tpu.memory_space<hbm>>
        %dma_wait3A_105 = arith.constant 0 : i32
        %dma_wait3A_106 = arith.constant 0 : i32
        %dma_wait3A_107 = tpu.memref_slice %arg4[%mul3A_42, %dma_wait3A_105, %dma_wait3A_106] : memref<640x8x128xi32, #tpu.memory_space<hbm>> -> memref<1x8x128xi32, #tpu.memory_space<hbm>>
        %dma_wait3A_108 = tpu.memref_squeeze %dma_wait3A_107 : memref<1x8x128xi32, #tpu.memory_space<hbm>> -> memref<8x128xi32, #tpu.memory_space<hbm>>
        tpu.wait_dma2 semaphore(%run_scoped3A : memref<!tpu.dma_semaphore, #tpu.memory_space<semaphore_mem>>) src(%dma_wait3A_108 : memref<8x128xi32, #tpu.memory_space<hbm>>) dst(%arg8 : memref<8x128xi32, #tpu.memory_space<vmem>>)
        tpu.yield
      }) : () -> ()
      %add3A_43 = arith.constant 1 : i32
      %add3A_44 = arith.addi %mul3A_42, %add3A_43 : i32
      %dma_start3A = arith.constant 0 : i32
      %dma_start3A_45 = arith.constant 0 : i32
      %dma_start3A_46 = tpu.memref_slice %arg4[%add3A_44, %dma_start3A, %dma_start3A_45] : memref<640x8x128xi32, #tpu.memory_space<hbm>> -> memref<1x8x128xi32, #tpu.memory_space<hbm>>
      %dma_start3A_47 = tpu.memref_squeeze %dma_start3A_46 : memref<1x8x128xi32, #tpu.memory_space<hbm>> -> memref<8x128xi32, #tpu.memory_space<hbm>>
      %dma_start3A_48 = arith.constant 0 : i32
      %dma_start3A_49 = arith.constant 0 : i32
      %dma_start3A_50 = tpu.memref_slice %arg4[%add3A_44, %dma_start3A_48, %dma_start3A_49] : memref<640x8x128xi32, #tpu.memory_space<hbm>> -> memref<1x8x128xi32, #tpu.memory_space<hbm>>
      %dma_start3A_51 = tpu.memref_squeeze %dma_start3A_50 : memref<1x8x128xi32, #tpu.memory_space<hbm>> -> memref<8x128xi32, #tpu.memory_space<hbm>>
      tpu.enqueue_dma source(%dma_start3A_51 : memref<8x128xi32, #tpu.memory_space<hbm>>) target(%arg9 : memref<8x128xi32, #tpu.memory_space<vmem>>) target_semaphore(%arg19 : memref<!tpu.dma_semaphore, #tpu.memory_space<semaphore_mem>>)
      %dma_start3A_52 = arith.constant 0 : i32
      %dma_start3A_53 = arith.constant 0 : i32
      %dma_start3A_54 = tpu.memref_slice %arg8[%dma_start3A_52, %dma_start3A_53] : memref<8x128xi32, #tpu.memory_space<vmem>> -> memref<1x128xi32, #tpu.memory_space<vmem>>
      %dma_start3A_55 = tpu.memref_squeeze %dma_start3A_54 : memref<1x128xi32, #tpu.memory_space<vmem>> -> memref<128xi32, #tpu.memory_space<vmem>>
      %dma_start3A_56 = arith.constant 0 : i32
      %dma_start3A_57 = arith.constant 0 : i32
      %dma_start3A_58 = tpu.memref_slice %arg2[%dma_start3A_56, %dma_start3A_57] : memref<10240x128xbf16, #tpu.memory_space<hbm>> -> memref<10240x128xbf16, #tpu.memory_space<hbm>>
      tpu.enqueue_indirect_dma source(%dma_start3A_58 : memref<10240x128xbf16, #tpu.memory_space<hbm>>) target(%arg10 : memref<128x128xbf16, #tpu.memory_space<vmem>>) offsets(%dma_start3A_55 : memref<128xi32, #tpu.memory_space<vmem>>) semaphore(%arg20 : memref<!tpu.dma_semaphore, #tpu.memory_space<semaphore_mem>>)
      %scan3A_59 = arith.constant 0 : i32
      %scan3A_60 = arith.constant 0 : i32
      %scan3A_61 = arith.constant 20 : i32
      %scan3A_62 = arith.addi %scan3A_60, %scan3A_61 : i32
      %scan3A_63 = arith.constant 1 : i32
      %scan3A_64 = scf.for %scan3A_93 = %scan3A_60 to %scan3A_62 step %scan3A_63 iter_args(%scan3A_94 = %scan3A_59) -> (i32)  : i32 {
        %mul3A_95 = arith.constant 2 : i32
        %mul3A_96 = arith.muli %mul3A_95, %scan3A_93 : i32
        %add3A_97 = arith.constant 0 : i32
        %add3A_98 = arith.addi %mul3A_96, %add3A_97 : i32
        %mul3A_99 = arith.constant 4 : i32
        %mul3A_100 = arith.muli %mul3A_99, %add3A_98 : i32
        %add3A_101 = arith.constant 0 : i32
        %add3A_102 = arith.addi %mul3A_100, %add3A_101 : i32
        %dma_wait3A_103 = arith.constant 0 : i32
        %dma_wait3A_104 = arith.constant 0 : i32
        %dma_wait3A_105 = tpu.memref_slice %arg8[%dma_wait3A_103, %dma_wait3A_104] : memref<8x128xi32, #tpu.memory_space<vmem>> -> memref<1x128xi32, #tpu.memory_space<vmem>>
        %dma_wait3A_106 = tpu.memref_squeeze %dma_wait3A_105 : memref<1x128xi32, #tpu.memory_space<vmem>> -> memref<128xi32, #tpu.memory_space<vmem>>
        %dma_wait3A_107 = arith.constant 0 : i32
        %dma_wait3A_108 = arith.constant 0 : i32
        %dma_wait3A_109 = tpu.memref_slice %arg2[%dma_wait3A_107, %dma_wait3A_108] : memref<10240x128xbf16, #tpu.memory_space<hbm>> -> memref<10240x128xbf16, #tpu.memory_space<hbm>>
        tpu.wait_indirect_dma semaphore(%arg20 : memref<!tpu.dma_semaphore, #tpu.memory_space<semaphore_mem>>) src(%dma_wait3A_109 : memref<10240x128xbf16, #tpu.memory_space<hbm>>) dst(%arg10 : memref<128x128xbf16, #tpu.memory_space<vmem>>)
        %add3A_110 = arith.constant 1 : i32
        %add3A_111 = arith.addi %add3A_102, %add3A_110 : i32
        %lt3A = arith.constant 160 : i32
        %lt3A_112 = arith.cmpi slt, %add3A_111, %lt3A : i32
        %convert_element_type3A_113 = arith.extui %lt3A_112 : i1 to i32
        %cond3A_114 = arith.constant 3 : i32
        %cond3A_115 = arith.constant 0 : i32
        %cond3A_116 = arith.cmpi ne, %convert_element_type3A_113, %cond3A_115 : i32
        scf.if %cond3A_116 {
          %ge3A = arith.constant 3 : i32
          %ge3A_335 = arith.cmpi sge, %add3A_102, %ge3A : i32
          %convert_element_type3A_336 = arith.extui %ge3A_335 : i1 to i32
          %cond3A_337 = arith.constant 0 : i32
          %cond3A_338 = arith.cmpi ne, %convert_element_type3A_336, %cond3A_337 : i32
          scf.if %cond3A_338 {
            %dma_wait3A_346 = arith.constant 0 : i32
            %dma_wait3A_347 = tpu.memref_slice %arg9[%cond3A_114, %dma_wait3A_346] : memref<8x128xi32, #tpu.memory_space<vmem>> -> memref<1x128xi32, #tpu.memory_space<vmem>>
            %dma_wait3A_348 = tpu.memref_squeeze %dma_wait3A_347 : memref<1x128xi32, #tpu.memory_space<vmem>> -> memref<128xi32, #tpu.memory_space<vmem>>
            %dma_wait3A_349 = arith.constant 0 : i32
            %dma_wait3A_350 = arith.constant 0 : i32
            %dma_wait3A_351 = tpu.memref_slice %arg16[%dma_wait3A_349, %dma_wait3A_350] : memref<10240x128xbf16, #tpu.memory_space<vmem_shared>> -> memref<10240x128xbf16, #tpu.memory_space<vmem_shared>>
            tpu.wait_indirect_dma semaphore(%arg25 : memref<!tpu.dma_semaphore, #tpu.memory_space<semaphore_mem>>) src(%arg11 : memref<128x128xbf16, #tpu.memory_space<vmem>>) dst(%dma_wait3A_351 : memref<10240x128xbf16, #tpu.memory_space<vmem_shared>>)
          } else {
          }
          %dma_start3A_339 = arith.constant 2 : i32
          %dma_start3A_340 = arith.constant 0 : i32
          %dma_start3A_341 = tpu.memref_slice %arg8[%dma_start3A_339, %dma_start3A_340] : memref<8x128xi32, #tpu.memory_space<vmem>> -> memref<1x128xi32, #tpu.memory_space<vmem>>
          %dma_start3A_342 = tpu.memref_squeeze %dma_start3A_341 : memref<1x128xi32, #tpu.memory_space<vmem>> -> memref<128xi32, #tpu.memory_space<vmem>>
          %dma_start3A_343 = arith.constant 0 : i32
          %dma_start3A_344 = arith.constant 0 : i32
          %dma_start3A_345 = tpu.memref_slice %arg2[%dma_start3A_343, %dma_start3A_344] : memref<10240x128xbf16, #tpu.memory_space<hbm>> -> memref<10240x128xbf16, #tpu.memory_space<hbm>>
          tpu.enqueue_indirect_dma source(%dma_start3A_345 : memref<10240x128xbf16, #tpu.memory_space<hbm>>) target(%arg11 : memref<128x128xbf16, #tpu.memory_space<vmem>>) offsets(%dma_start3A_342 : memref<128xi32, #tpu.memory_space<vmem>>) semaphore(%arg21 : memref<!tpu.dma_semaphore, #tpu.memory_space<semaphore_mem>>)
        } else {
        }
        %dma_start3A_117 = arith.constant 1 : i32
        %dma_start3A_118 = arith.constant 0 : i32
        %dma_start3A_119 = tpu.memref_slice %arg8[%dma_start3A_117, %dma_start3A_118] : memref<8x128xi32, #tpu.memory_space<vmem>> -> memref<1x128xi32, #tpu.memory_space<vmem>>
        %dma_start3A_120 = tpu.memref_squeeze %dma_start3A_119 : memref<1x128xi32, #tpu.memory_space<vmem>> -> memref<128xi32, #tpu.memory_space<vmem>>
        %dma_start3A_121 = arith.constant 0 : i32
        %dma_start3A_122 = arith.constant 0 : i32
        %dma_start3A_123 = tpu.memref_slice %arg16[%dma_start3A_121, %dma_start3A_122] : memref<10240x128xbf16, #tpu.memory_space<vmem_shared>> -> memref<10240x128xbf16, #tpu.memory_space<vmem_shared>>
        tpu.enqueue_indirect_dma source(%arg10 : memref<128x128xbf16, #tpu.memory_space<vmem>>) target(%dma_start3A_123 : memref<10240x128xbf16, #tpu.memory_space<vmem_shared>>) offsets(%dma_start3A_120 : memref<128xi32, #tpu.memory_space<vmem>>) semaphore(%arg24 : memref<!tpu.dma_semaphore, #tpu.memory_space<semaphore_mem>>) {add = true}
        %mul3A_124 = arith.constant 2 : i32
        %mul3A_125 = arith.muli %mul3A_124, %scan3A_93 : i32
        %add3A_126 = arith.constant 0 : i32
        %add3A_127 = arith.addi %mul3A_125, %add3A_126 : i32
        %mul3A_128 = arith.constant 4 : i32
        %mul3A_129 = arith.muli %mul3A_128, %add3A_127 : i32
        %add3A_130 = arith.constant 1 : i32
        %add3A_131 = arith.addi %mul3A_129, %add3A_130 : i32
        %dma_wait3A_132 = arith.constant 2 : i32
        %dma_wait3A_133 = arith.constant 0 : i32
        %dma_wait3A_134 = tpu.memref_slice %arg8[%dma_wait3A_132, %dma_wait3A_133] : memref<8x128xi32, #tpu.memory_space<vmem>> -> memref<1x128xi32, #tpu.memory_space<vmem>>
        %dma_wait3A_135 = tpu.memref_squeeze %dma_wait3A_134 : memref<1x128xi32, #tpu.memory_space<vmem>> -> memref<128xi32, #tpu.memory_space<vmem>>
        %dma_wait3A_136 = arith.constant 0 : i32
        %dma_wait3A_137 = arith.constant 0 : i32
        %dma_wait3A_138 = tpu.memref_slice %arg2[%dma_wait3A_136, %dma_wait3A_137] : memref<10240x128xbf16, #tpu.memory_space<hbm>> -> memref<10240x128xbf16, #tpu.memory_space<hbm>>
        tpu.wait_indirect_dma semaphore(%arg21 : memref<!tpu.dma_semaphore, #tpu.memory_space<semaphore_mem>>) src(%dma_wait3A_138 : memref<10240x128xbf16, #tpu.memory_space<hbm>>) dst(%arg11 : memref<128x128xbf16, #tpu.memory_space<vmem>>)
        %add3A_139 = arith.constant 1 : i32
        %add3A_140 = arith.addi %add3A_131, %add3A_139 : i32
        %lt3A_141 = arith.constant 160 : i32
        %lt3A_142 = arith.cmpi slt, %add3A_140, %lt3A_141 : i32
        %convert_element_type3A_143 = arith.extui %lt3A_142 : i1 to i32
        %cond3A_144 = arith.constant 5 : i32
        %cond3A_145 = arith.constant 0 : i32
        %cond3A_146 = arith.cmpi ne, %convert_element_type3A_143, %cond3A_145 : i32
        scf.if %cond3A_146 {
          %ge3A = arith.constant 3 : i32
          %ge3A_335 = arith.cmpi sge, %add3A_131, %ge3A : i32
          %convert_element_type3A_336 = arith.extui %ge3A_335 : i1 to i32
          %cond3A_337 = arith.constant 0 : i32
          %cond3A_338 = arith.cmpi ne, %convert_element_type3A_336, %cond3A_337 : i32
          scf.if %cond3A_338 {
            %dma_wait3A_346 = arith.constant 0 : i32
            %dma_wait3A_347 = tpu.memref_slice %arg9[%cond3A_144, %dma_wait3A_346] : memref<8x128xi32, #tpu.memory_space<vmem>> -> memref<1x128xi32, #tpu.memory_space<vmem>>
            %dma_wait3A_348 = tpu.memref_squeeze %dma_wait3A_347 : memref<1x128xi32, #tpu.memory_space<vmem>> -> memref<128xi32, #tpu.memory_space<vmem>>
            %dma_wait3A_349 = arith.constant 0 : i32
            %dma_wait3A_350 = arith.constant 0 : i32
            %dma_wait3A_351 = tpu.memref_slice %arg16[%dma_wait3A_349, %dma_wait3A_350] : memref<10240x128xbf16, #tpu.memory_space<vmem_shared>> -> memref<10240x128xbf16, #tpu.memory_space<vmem_shared>>
            tpu.wait_indirect_dma semaphore(%arg26 : memref<!tpu.dma_semaphore, #tpu.memory_space<semaphore_mem>>) src(%arg12 : memref<128x128xbf16, #tpu.memory_space<vmem>>) dst(%dma_wait3A_351 : memref<10240x128xbf16, #tpu.memory_space<vmem_shared>>)
          } else {
          }
          %dma_start3A_339 = arith.constant 4 : i32
          %dma_start3A_340 = arith.constant 0 : i32
          %dma_start3A_341 = tpu.memref_slice %arg8[%dma_start3A_339, %dma_start3A_340] : memref<8x128xi32, #tpu.memory_space<vmem>> -> memref<1x128xi32, #tpu.memory_space<vmem>>
          %dma_start3A_342 = tpu.memref_squeeze %dma_start3A_341 : memref<1x128xi32, #tpu.memory_space<vmem>> -> memref<128xi32, #tpu.memory_space<vmem>>
          %dma_start3A_343 = arith.constant 0 : i32
          %dma_start3A_344 = arith.constant 0 : i32
          %dma_start3A_345 = tpu.memref_slice %arg2[%dma_start3A_343, %dma_start3A_344] : memref<10240x128xbf16, #tpu.memory_space<hbm>> -> memref<10240x128xbf16, #tpu.memory_space<hbm>>
          tpu.enqueue_indirect_dma source(%dma_start3A_345 : memref<10240x128xbf16, #tpu.memory_space<hbm>>) target(%arg12 : memref<128x128xbf16, #tpu.memory_space<vmem>>) offsets(%dma_start3A_342 : memref<128xi32, #tpu.memory_space<vmem>>) semaphore(%arg22 : memref<!tpu.dma_semaphore, #tpu.memory_space<semaphore_mem>>)
        } else {
        }
        %dma_start3A_147 = arith.constant 3 : i32
        %dma_start3A_148 = arith.constant 0 : i32
        %dma_start3A_149 = tpu.memref_slice %arg8[%dma_start3A_147, %dma_start3A_148] : memref<8x128xi32, #tpu.memory_space<vmem>> -> memref<1x128xi32, #tpu.memory_space<vmem>>
        %dma_start3A_150 = tpu.memref_squeeze %dma_start3A_149 : memref<1x128xi32, #tpu.memory_space<vmem>> -> memref<128xi32, #tpu.memory_space<vmem>>
        %dma_start3A_151 = arith.constant 0 : i32
        %dma_start3A_152 = arith.constant 0 : i32
        %dma_start3A_153 = tpu.memref_slice %arg16[%dma_start3A_151, %dma_start3A_152] : memref<10240x128xbf16, #tpu.memory_space<vmem_shared>> -> memref<10240x128xbf16, #tpu.memory_space<vmem_shared>>
        tpu.enqueue_indirect_dma source(%arg11 : memref<128x128xbf16, #tpu.memory_space<vmem>>) target(%dma_start3A_153 : memref<10240x128xbf16, #tpu.memory_space<vmem_shared>>) offsets(%dma_start3A_150 : memref<128xi32, #tpu.memory_space<vmem>>) semaphore(%arg25 : memref<!tpu.dma_semaphore, #tpu.memory_space<semaphore_mem>>) {add = true}
        %mul3A_154 = arith.constant 2 : i32
        %mul3A_155 = arith.muli %mul3A_154, %scan3A_93 : i32
        %add3A_156 = arith.constant 0 : i32
        %add3A_157 = arith.addi %mul3A_155, %add3A_156 : i32
        %mul3A_158 = arith.constant 4 : i32
        %mul3A_159 = arith.muli %mul3A_158, %add3A_157 : i32
        %add3A_160 = arith.constant 2 : i32
        %add3A_161 = arith.addi %mul3A_159, %add3A_160 : i32
        %dma_wait3A_162 = arith.constant 4 : i32
        %dma_wait3A_163 = arith.constant 0 : i32
        %dma_wait3A_164 = tpu.memref_slice %arg8[%dma_wait3A_162, %dma_wait3A_163] : memref<8x128xi32, #tpu.memory_space<vmem>> -> memref<1x128xi32, #tpu.memory_space<vmem>>
        %dma_wait3A_165 = tpu.memref_squeeze %dma_wait3A_164 : memref<1x128xi32, #tpu.memory_space<vmem>> -> memref<128xi32, #tpu.memory_space<vmem>>
        %dma_wait3A_166 = arith.constant 0 : i32
        %dma_wait3A_167 = arith.constant 0 : i32
        %dma_wait3A_168 = tpu.memref_slice %arg2[%dma_wait3A_166, %dma_wait3A_167] : memref<10240x128xbf16, #tpu.memory_space<hbm>> -> memref<10240x128xbf16, #tpu.memory_space<hbm>>
        tpu.wait_indirect_dma semaphore(%arg22 : memref<!tpu.dma_semaphore, #tpu.memory_space<semaphore_mem>>) src(%dma_wait3A_168 : memref<10240x128xbf16, #tpu.memory_space<hbm>>) dst(%arg12 : memref<128x128xbf16, #tpu.memory_space<vmem>>)
        %add3A_169 = arith.constant 1 : i32
        %add3A_170 = arith.addi %add3A_161, %add3A_169 : i32
        %lt3A_171 = arith.constant 160 : i32
        %lt3A_172 = arith.cmpi slt, %add3A_170, %lt3A_171 : i32
        %convert_element_type3A_173 = arith.extui %lt3A_172 : i1 to i32
        %cond3A_174 = arith.constant 7 : i32
        %cond3A_175 = arith.constant 0 : i32
        %cond3A_176 = arith.cmpi ne, %convert_element_type3A_173, %cond3A_175 : i32
        scf.if %cond3A_176 {
          %ge3A = arith.constant 3 : i32
          %ge3A_335 = arith.cmpi sge, %add3A_161, %ge3A : i32
          %convert_element_type3A_336 = arith.extui %ge3A_335 : i1 to i32
          %cond3A_337 = arith.constant 0 : i32
          %cond3A_338 = arith.cmpi ne, %convert_element_type3A_336, %cond3A_337 : i32
          scf.if %cond3A_338 {
            %dma_wait3A_355 = arith.constant 0 : i32
            %dma_wait3A_356 = tpu.memref_slice %arg9[%cond3A_174, %dma_wait3A_355] : memref<8x128xi32, #tpu.memory_space<vmem>> -> memref<1x128xi32, #tpu.memory_space<vmem>>
            %dma_wait3A_357 = tpu.memref_squeeze %dma_wait3A_356 : memref<1x128xi32, #tpu.memory_space<vmem>> -> memref<128xi32, #tpu.memory_space<vmem>>
            %dma_wait3A_358 = arith.constant 0 : i32
            %dma_wait3A_359 = arith.constant 0 : i32
            %dma_wait3A_360 = tpu.memref_slice %arg16[%dma_wait3A_358, %dma_wait3A_359] : memref<10240x128xbf16, #tpu.memory_space<vmem_shared>> -> memref<10240x128xbf16, #tpu.memory_space<vmem_shared>>
            tpu.wait_indirect_dma semaphore(%arg27 : memref<!tpu.dma_semaphore, #tpu.memory_space<semaphore_mem>>) src(%arg13 : memref<128x128xbf16, #tpu.memory_space<vmem>>) dst(%dma_wait3A_360 : memref<10240x128xbf16, #tpu.memory_space<vmem_shared>>)
          } else {
          }
          %ge3A_339 = arith.constant 1 : i32
          %ge3A_340 = arith.cmpi sge, %add3A_157, %ge3A_339 : i32
          %add3A_341 = arith.constant 1 : i32
          %add3A_342 = arith.addi %add3A_157, %add3A_341 : i32
          %lt3A_343 = arith.constant 40 : i32
          %lt3A_344 = arith.cmpi slt, %add3A_342, %lt3A_343 : i32
          %and3A = arith.andi %ge3A_340, %lt3A_344 : i1
          %convert_element_type3A_345 = arith.extui %and3A : i1 to i32
          %cond3A_346 = arith.constant 0 : i32
          %cond3A_347 = arith.cmpi ne, %convert_element_type3A_345, %cond3A_346 : i32
          scf.if %cond3A_347 {
            %add3A_355 = arith.addi %mul3A_42, %add3A_157 : i32
            %add3A_356 = arith.constant 1 : i32
            %add3A_357 = arith.addi %add3A_355, %add3A_356 : i32
            %dma_start3A_358 = arith.constant 0 : i32
            %dma_start3A_359 = arith.constant 0 : i32
            %dma_start3A_360 = tpu.memref_slice %arg4[%add3A_357, %dma_start3A_358, %dma_start3A_359] : memref<640x8x128xi32, #tpu.memory_space<hbm>> -> memref<1x8x128xi32, #tpu.memory_space<hbm>>
            %dma_start3A_361 = tpu.memref_squeeze %dma_start3A_360 : memref<1x8x128xi32, #tpu.memory_space<hbm>> -> memref<8x128xi32, #tpu.memory_space<hbm>>
            %dma_start3A_362 = arith.constant 0 : i32
            %dma_start3A_363 = arith.constant 0 : i32
            %dma_start3A_364 = tpu.memref_slice %arg4[%add3A_357, %dma_start3A_362, %dma_start3A_363] : memref<640x8x128xi32, #tpu.memory_space<hbm>> -> memref<1x8x128xi32, #tpu.memory_space<hbm>>
            %dma_start3A_365 = tpu.memref_squeeze %dma_start3A_364 : memref<1x8x128xi32, #tpu.memory_space<hbm>> -> memref<8x128xi32, #tpu.memory_space<hbm>>
            tpu.enqueue_dma source(%dma_start3A_365 : memref<8x128xi32, #tpu.memory_space<hbm>>) target(%arg9 : memref<8x128xi32, #tpu.memory_space<vmem>>) target_semaphore(%arg19 : memref<!tpu.dma_semaphore, #tpu.memory_space<semaphore_mem>>)
          } else {
          }
          %dma_start3A_348 = arith.constant 6 : i32
          %dma_start3A_349 = arith.constant 0 : i32
          %dma_start3A_350 = tpu.memref_slice %arg8[%dma_start3A_348, %dma_start3A_349] : memref<8x128xi32, #tpu.memory_space<vmem>> -> memref<1x128xi32, #tpu.memory_space<vmem>>
          %dma_start3A_351 = tpu.memref_squeeze %dma_start3A_350 : memref<1x128xi32, #tpu.memory_space<vmem>> -> memref<128xi32, #tpu.memory_space<vmem>>
          %dma_start3A_352 = arith.constant 0 : i32
          %dma_start3A_353 = arith.constant 0 : i32
          %dma_start3A_354 = tpu.memref_slice %arg2[%dma_start3A_352, %dma_start3A_353] : memref<10240x128xbf16, #tpu.memory_space<hbm>> -> memref<10240x128xbf16, #tpu.memory_space<hbm>>
          tpu.enqueue_indirect_dma source(%dma_start3A_354 : memref<10240x128xbf16, #tpu.memory_space<hbm>>) target(%arg13 : memref<128x128xbf16, #tpu.memory_space<vmem>>) offsets(%dma_start3A_351 : memref<128xi32, #tpu.memory_space<vmem>>) semaphore(%arg23 : memref<!tpu.dma_semaphore, #tpu.memory_space<semaphore_mem>>)
        } else {
        }
        %dma_start3A_177 = arith.constant 5 : i32
        %dma_start3A_178 = arith.constant 0 : i32
        %dma_start3A_179 = tpu.memref_slice %arg8[%dma_start3A_177, %dma_start3A_178] : memref<8x128xi32, #tpu.memory_space<vmem>> -> memref<1x128xi32, #tpu.memory_space<vmem>>
        %dma_start3A_180 = tpu.memref_squeeze %dma_start3A_179 : memref<1x128xi32, #tpu.memory_space<vmem>> -> memref<128xi32, #tpu.memory_space<vmem>>
        %dma_start3A_181 = arith.constant 0 : i32
        %dma_start3A_182 = arith.constant 0 : i32
        %dma_start3A_183 = tpu.memref_slice %arg16[%dma_start3A_181, %dma_start3A_182] : memref<10240x128xbf16, #tpu.memory_space<vmem_shared>> -> memref<10240x128xbf16, #tpu.memory_space<vmem_shared>>
        tpu.enqueue_indirect_dma source(%arg12 : memref<128x128xbf16, #tpu.memory_space<vmem>>) target(%dma_start3A_183 : memref<10240x128xbf16, #tpu.memory_space<vmem_shared>>) offsets(%dma_start3A_180 : memref<128xi32, #tpu.memory_space<vmem>>) semaphore(%arg26 : memref<!tpu.dma_semaphore, #tpu.memory_space<semaphore_mem>>) {add = true}
        %mul3A_184 = arith.constant 2 : i32
        %mul3A_185 = arith.muli %mul3A_184, %scan3A_93 : i32
        %add3A_186 = arith.constant 0 : i32
        %add3A_187 = arith.addi %mul3A_185, %add3A_186 : i32
        %mul3A_188 = arith.constant 4 : i32
        %mul3A_189 = arith.muli %mul3A_188, %add3A_187 : i32
        %add3A_190 = arith.constant 3 : i32
        %add3A_191 = arith.addi %mul3A_189, %add3A_190 : i32
        %dma_wait3A_192 = arith.constant 6 : i32
        %dma_wait3A_193 = arith.constant 0 : i32
        %dma_wait3A_194 = tpu.memref_slice %arg8[%dma_wait3A_192, %dma_wait3A_193] : memref<8x128xi32, #tpu.memory_space<vmem>> -> memref<1x128xi32, #tpu.memory_space<vmem>>
        %dma_wait3A_195 = tpu.memref_squeeze %dma_wait3A_194 : memref<1x128xi32, #tpu.memory_space<vmem>> -> memref<128xi32, #tpu.memory_space<vmem>>
        %dma_wait3A_196 = arith.constant 0 : i32
        %dma_wait3A_197 = arith.constant 0 : i32
        %dma_wait3A_198 = tpu.memref_slice %arg2[%dma_wait3A_196, %dma_wait3A_197] : memref<10240x128xbf16, #tpu.memory_space<hbm>> -> memref<10240x128xbf16, #tpu.memory_space<hbm>>
        tpu.wait_indirect_dma semaphore(%arg23 : memref<!tpu.dma_semaphore, #tpu.memory_space<semaphore_mem>>) src(%dma_wait3A_198 : memref<10240x128xbf16, #tpu.memory_space<hbm>>) dst(%arg13 : memref<128x128xbf16, #tpu.memory_space<vmem>>)
        %add3A_199 = arith.constant 1 : i32
        %add3A_200 = arith.addi %add3A_191, %add3A_199 : i32
        %lt3A_201 = arith.constant 160 : i32
        %lt3A_202 = arith.cmpi slt, %add3A_200, %lt3A_201 : i32
        %convert_element_type3A_203 = arith.extui %lt3A_202 : i1 to i32
        %cond3A_204 = arith.constant 1 : i32
        %cond3A_205 = arith.constant 0 : i32
        %cond3A_206 = arith.cmpi ne, %convert_element_type3A_203, %cond3A_205 : i32
        scf.if %cond3A_206 {
          %ge3A = arith.constant 3 : i32
          %ge3A_335 = arith.cmpi sge, %add3A_191, %ge3A : i32
          %convert_element_type3A_336 = arith.extui %ge3A_335 : i1 to i32
          %cond3A_337 = arith.constant 0 : i32
          %cond3A_338 = arith.cmpi ne, %convert_element_type3A_336, %cond3A_337 : i32
          scf.if %cond3A_338 {
            %dma_wait3A_357 = arith.constant 0 : i32
            %dma_wait3A_358 = tpu.memref_slice %arg8[%cond3A_204, %dma_wait3A_357] : memref<8x128xi32, #tpu.memory_space<vmem>> -> memref<1x128xi32, #tpu.memory_space<vmem>>
            %dma_wait3A_359 = tpu.memref_squeeze %dma_wait3A_358 : memref<1x128xi32, #tpu.memory_space<vmem>> -> memref<128xi32, #tpu.memory_space<vmem>>
            %dma_wait3A_360 = arith.constant 0 : i32
            %dma_wait3A_361 = arith.constant 0 : i32
            %dma_wait3A_362 = tpu.memref_slice %arg16[%dma_wait3A_360, %dma_wait3A_361] : memref<10240x128xbf16, #tpu.memory_space<vmem_shared>> -> memref<10240x128xbf16, #tpu.memory_space<vmem_shared>>
            tpu.wait_indirect_dma semaphore(%arg24 : memref<!tpu.dma_semaphore, #tpu.memory_space<semaphore_mem>>) src(%arg10 : memref<128x128xbf16, #tpu.memory_space<vmem>>) dst(%dma_wait3A_362 : memref<10240x128xbf16, #tpu.memory_space<vmem_shared>>)
          } else {
          }
          %add3A_339 = arith.addi %mul3A_42, %add3A_187 : i32
          %add3A_340 = arith.constant 1 : i32
          %add3A_341 = arith.addi %add3A_339, %add3A_340 : i32
          %dma_wait3A_342 = arith.constant 0 : i32
          %dma_wait3A_343 = arith.constant 0 : i32
          %dma_wait3A_344 = tpu.memref_slice %arg4[%add3A_341, %dma_wait3A_342, %dma_wait3A_343] : memref<640x8x128xi32, #tpu.memory_space<hbm>> -> memref<1x8x128xi32, #tpu.memory_space<hbm>>
          %dma_wait3A_345 = tpu.memref_squeeze %dma_wait3A_344 : memref<1x8x128xi32, #tpu.memory_space<hbm>> -> memref<8x128xi32, #tpu.memory_space<hbm>>
          %dma_wait3A_346 = arith.constant 0 : i32
          %dma_wait3A_347 = arith.constant 0 : i32
          %dma_wait3A_348 = tpu.memref_slice %arg4[%add3A_341, %dma_wait3A_346, %dma_wait3A_347] : memref<640x8x128xi32, #tpu.memory_space<hbm>> -> memref<1x8x128xi32, #tpu.memory_space<hbm>>
          %dma_wait3A_349 = tpu.memref_squeeze %dma_wait3A_348 : memref<1x8x128xi32, #tpu.memory_space<hbm>> -> memref<8x128xi32, #tpu.memory_space<hbm>>
          tpu.wait_dma2 semaphore(%arg19 : memref<!tpu.dma_semaphore, #tpu.memory_space<semaphore_mem>>) src(%dma_wait3A_349 : memref<8x128xi32, #tpu.memory_space<hbm>>) dst(%arg9 : memref<8x128xi32, #tpu.memory_space<vmem>>)
          %dma_start3A_350 = arith.constant 0 : i32
          %dma_start3A_351 = arith.constant 0 : i32
          %dma_start3A_352 = tpu.memref_slice %arg9[%dma_start3A_350, %dma_start3A_351] : memref<8x128xi32, #tpu.memory_space<vmem>> -> memref<1x128xi32, #tpu.memory_space<vmem>>
          %dma_start3A_353 = tpu.memref_squeeze %dma_start3A_352 : memref<1x128xi32, #tpu.memory_space<vmem>> -> memref<128xi32, #tpu.memory_space<vmem>>
          %dma_start3A_354 = arith.constant 0 : i32
          %dma_start3A_355 = arith.constant 0 : i32
          %dma_start3A_356 = tpu.memref_slice %arg2[%dma_start3A_354, %dma_start3A_355] : memref<10240x128xbf16, #tpu.memory_space<hbm>> -> memref<10240x128xbf16, #tpu.memory_space<hbm>>
          tpu.enqueue_indirect_dma source(%dma_start3A_356 : memref<10240x128xbf16, #tpu.memory_space<hbm>>) target(%arg10 : memref<128x128xbf16, #tpu.memory_space<vmem>>) offsets(%dma_start3A_353 : memref<128xi32, #tpu.memory_space<vmem>>) semaphore(%arg20 : memref<!tpu.dma_semaphore, #tpu.memory_space<semaphore_mem>>)
        } else {
        }
        %dma_start3A_207 = arith.constant 7 : i32
        %dma_start3A_208 = arith.constant 0 : i32
        %dma_start3A_209 = tpu.memref_slice %arg8[%dma_start3A_207, %dma_start3A_208] : memref<8x128xi32, #tpu.memory_space<vmem>> -> memref<1x128xi32, #tpu.memory_space<vmem>>
        %dma_start3A_210 = tpu.memref_squeeze %dma_start3A_209 : memref<1x128xi32, #tpu.memory_space<vmem>> -> memref<128xi32, #tpu.memory_space<vmem>>
        %dma_start3A_211 = arith.constant 0 : i32
        %dma_start3A_212 = arith.constant 0 : i32
        %dma_start3A_213 = tpu.memref_slice %arg16[%dma_start3A_211, %dma_start3A_212] : memref<10240x128xbf16, #tpu.memory_space<vmem_shared>> -> memref<10240x128xbf16, #tpu.memory_space<vmem_shared>>
        tpu.enqueue_indirect_dma source(%arg13 : memref<128x128xbf16, #tpu.memory_space<vmem>>) target(%dma_start3A_213 : memref<10240x128xbf16, #tpu.memory_space<vmem_shared>>) offsets(%dma_start3A_210 : memref<128xi32, #tpu.memory_space<vmem>>) semaphore(%arg27 : memref<!tpu.dma_semaphore, #tpu.memory_space<semaphore_mem>>) {add = true}
        %mul3A_214 = arith.constant 2 : i32
        %mul3A_215 = arith.muli %mul3A_214, %scan3A_93 : i32
        %add3A_216 = arith.constant 1 : i32
        %add3A_217 = arith.addi %mul3A_215, %add3A_216 : i32
        %mul3A_218 = arith.constant 4 : i32
        %mul3A_219 = arith.muli %mul3A_218, %add3A_217 : i32
        %add3A_220 = arith.constant 0 : i32
        %add3A_221 = arith.addi %mul3A_219, %add3A_220 : i32
        %dma_wait3A_222 = arith.constant 0 : i32
        %dma_wait3A_223 = arith.constant 0 : i32
        %dma_wait3A_224 = tpu.memref_slice %arg9[%dma_wait3A_222, %dma_wait3A_223] : memref<8x128xi32, #tpu.memory_space<vmem>> -> memref<1x128xi32, #tpu.memory_space<vmem>>
        %dma_wait3A_225 = tpu.memref_squeeze %dma_wait3A_224 : memref<1x128xi32, #tpu.memory_space<vmem>> -> memref<128xi32, #tpu.memory_space<vmem>>
        %dma_wait3A_226 = arith.constant 0 : i32
        %dma_wait3A_227 = arith.constant 0 : i32
        %dma_wait3A_228 = tpu.memref_slice %arg2[%dma_wait3A_226, %dma_wait3A_227] : memref<10240x128xbf16, #tpu.memory_space<hbm>> -> memref<10240x128xbf16, #tpu.memory_space<hbm>>
        tpu.wait_indirect_dma semaphore(%arg20 : memref<!tpu.dma_semaphore, #tpu.memory_space<semaphore_mem>>) src(%dma_wait3A_228 : memref<10240x128xbf16, #tpu.memory_space<hbm>>) dst(%arg10 : memref<128x128xbf16, #tpu.memory_space<vmem>>)
        %add3A_229 = arith.constant 1 : i32
        %add3A_230 = arith.addi %add3A_221, %add3A_229 : i32
        %lt3A_231 = arith.constant 160 : i32
        %lt3A_232 = arith.cmpi slt, %add3A_230, %lt3A_231 : i32
        %convert_element_type3A_233 = arith.extui %lt3A_232 : i1 to i32
        %cond3A_234 = arith.constant 3 : i32
        %cond3A_235 = arith.constant 0 : i32
        %cond3A_236 = arith.cmpi ne, %convert_element_type3A_233, %cond3A_235 : i32
        scf.if %cond3A_236 {
          %ge3A = arith.constant 3 : i32
          %ge3A_335 = arith.cmpi sge, %add3A_221, %ge3A : i32
          %convert_element_type3A_336 = arith.extui %ge3A_335 : i1 to i32
          %cond3A_337 = arith.constant 0 : i32
          %cond3A_338 = arith.cmpi ne, %convert_element_type3A_336, %cond3A_337 : i32
          scf.if %cond3A_338 {
            %dma_wait3A_346 = arith.constant 0 : i32
            %dma_wait3A_347 = tpu.memref_slice %arg8[%cond3A_234, %dma_wait3A_346] : memref<8x128xi32, #tpu.memory_space<vmem>> -> memref<1x128xi32, #tpu.memory_space<vmem>>
            %dma_wait3A_348 = tpu.memref_squeeze %dma_wait3A_347 : memref<1x128xi32, #tpu.memory_space<vmem>> -> memref<128xi32, #tpu.memory_space<vmem>>
            %dma_wait3A_349 = arith.constant 0 : i32
            %dma_wait3A_350 = arith.constant 0 : i32
            %dma_wait3A_351 = tpu.memref_slice %arg16[%dma_wait3A_349, %dma_wait3A_350] : memref<10240x128xbf16, #tpu.memory_space<vmem_shared>> -> memref<10240x128xbf16, #tpu.memory_space<vmem_shared>>
            tpu.wait_indirect_dma semaphore(%arg25 : memref<!tpu.dma_semaphore, #tpu.memory_space<semaphore_mem>>) src(%arg11 : memref<128x128xbf16, #tpu.memory_space<vmem>>) dst(%dma_wait3A_351 : memref<10240x128xbf16, #tpu.memory_space<vmem_shared>>)
          } else {
          }
          %dma_start3A_339 = arith.constant 2 : i32
          %dma_start3A_340 = arith.constant 0 : i32
          %dma_start3A_341 = tpu.memref_slice %arg9[%dma_start3A_339, %dma_start3A_340] : memref<8x128xi32, #tpu.memory_space<vmem>> -> memref<1x128xi32, #tpu.memory_space<vmem>>
          %dma_start3A_342 = tpu.memref_squeeze %dma_start3A_341 : memref<1x128xi32, #tpu.memory_space<vmem>> -> memref<128xi32, #tpu.memory_space<vmem>>
          %dma_start3A_343 = arith.constant 0 : i32
          %dma_start3A_344 = arith.constant 0 : i32
          %dma_start3A_345 = tpu.memref_slice %arg2[%dma_start3A_343, %dma_start3A_344] : memref<10240x128xbf16, #tpu.memory_space<hbm>> -> memref<10240x128xbf16, #tpu.memory_space<hbm>>
          tpu.enqueue_indirect_dma source(%dma_start3A_345 : memref<10240x128xbf16, #tpu.memory_space<hbm>>) target(%arg11 : memref<128x128xbf16, #tpu.memory_space<vmem>>) offsets(%dma_start3A_342 : memref<128xi32, #tpu.memory_space<vmem>>) semaphore(%arg21 : memref<!tpu.dma_semaphore, #tpu.memory_space<semaphore_mem>>)
        } else {
        }
        %dma_start3A_237 = arith.constant 1 : i32
        %dma_start3A_238 = arith.constant 0 : i32
        %dma_start3A_239 = tpu.memref_slice %arg9[%dma_start3A_237, %dma_start3A_238] : memref<8x128xi32, #tpu.memory_space<vmem>> -> memref<1x128xi32, #tpu.memory_space<vmem>>
        %dma_start3A_240 = tpu.memref_squeeze %dma_start3A_239 : memref<1x128xi32, #tpu.memory_space<vmem>> -> memref<128xi32, #tpu.memory_space<vmem>>
        %dma_start3A_241 = arith.constant 0 : i32
        %dma_start3A_242 = arith.constant 0 : i32
        %dma_start3A_243 = tpu.memref_slice %arg16[%dma_start3A_241, %dma_start3A_242] : memref<10240x128xbf16, #tpu.memory_space<vmem_shared>> -> memref<10240x128xbf16, #tpu.memory_space<vmem_shared>>
        tpu.enqueue_indirect_dma source(%arg10 : memref<128x128xbf16, #tpu.memory_space<vmem>>) target(%dma_start3A_243 : memref<10240x128xbf16, #tpu.memory_space<vmem_shared>>) offsets(%dma_start3A_240 : memref<128xi32, #tpu.memory_space<vmem>>) semaphore(%arg24 : memref<!tpu.dma_semaphore, #tpu.memory_space<semaphore_mem>>) {add = true}
        %mul3A_244 = arith.constant 2 : i32
        %mul3A_245 = arith.muli %mul3A_244, %scan3A_93 : i32
        %add3A_246 = arith.constant 1 : i32
        %add3A_247 = arith.addi %mul3A_245, %add3A_246 : i32
        %mul3A_248 = arith.constant 4 : i32
        %mul3A_249 = arith.muli %mul3A_248, %add3A_247 : i32
        %add3A_250 = arith.constant 1 : i32
        %add3A_251 = arith.addi %mul3A_249, %add3A_250 : i32
        %dma_wait3A_252 = arith.constant 2 : i32
        %dma_wait3A_253 = arith.constant 0 : i32
        %dma_wait3A_254 = tpu.memref_slice %arg9[%dma_wait3A_252, %dma_wait3A_253] : memref<8x128xi32, #tpu.memory_space<vmem>> -> memref<1x128xi32, #tpu.memory_space<vmem>>
        %dma_wait3A_255 = tpu.memref_squeeze %dma_wait3A_254 : memref<1x128xi32, #tpu.memory_space<vmem>> -> memref<128xi32, #tpu.memory_space<vmem>>
        %dma_wait3A_256 = arith.constant 0 : i32
        %dma_wait3A_257 = arith.constant 0 : i32
        %dma_wait3A_258 = tpu.memref_slice %arg2[%dma_wait3A_256, %dma_wait3A_257] : memref<10240x128xbf16, #tpu.memory_space<hbm>> -> memref<10240x128xbf16, #tpu.memory_space<hbm>>
        tpu.wait_indirect_dma semaphore(%arg21 : memref<!tpu.dma_semaphore, #tpu.memory_space<semaphore_mem>>) src(%dma_wait3A_258 : memref<10240x128xbf16, #tpu.memory_space<hbm>>) dst(%arg11 : memref<128x128xbf16, #tpu.memory_space<vmem>>)
        %add3A_259 = arith.constant 1 : i32
        %add3A_260 = arith.addi %add3A_251, %add3A_259 : i32
        %lt3A_261 = arith.constant 160 : i32
        %lt3A_262 = arith.cmpi slt, %add3A_260, %lt3A_261 : i32
        %convert_element_type3A_263 = arith.extui %lt3A_262 : i1 to i32
        %cond3A_264 = arith.constant 5 : i32
        %cond3A_265 = arith.constant 0 : i32
        %cond3A_266 = arith.cmpi ne, %convert_element_type3A_263, %cond3A_265 : i32
        scf.if %cond3A_266 {
          %ge3A = arith.constant 3 : i32
          %ge3A_335 = arith.cmpi sge, %add3A_251, %ge3A : i32
          %convert_element_type3A_336 = arith.extui %ge3A_335 : i1 to i32
          %cond3A_337 = arith.constant 0 : i32
          %cond3A_338 = arith.cmpi ne, %convert_element_type3A_336, %cond3A_337 : i32
          scf.if %cond3A_338 {
            %dma_wait3A_346 = arith.constant 0 : i32
            %dma_wait3A_347 = tpu.memref_slice %arg8[%cond3A_264, %dma_wait3A_346] : memref<8x128xi32, #tpu.memory_space<vmem>> -> memref<1x128xi32, #tpu.memory_space<vmem>>
            %dma_wait3A_348 = tpu.memref_squeeze %dma_wait3A_347 : memref<1x128xi32, #tpu.memory_space<vmem>> -> memref<128xi32, #tpu.memory_space<vmem>>
            %dma_wait3A_349 = arith.constant 0 : i32
            %dma_wait3A_350 = arith.constant 0 : i32
            %dma_wait3A_351 = tpu.memref_slice %arg16[%dma_wait3A_349, %dma_wait3A_350] : memref<10240x128xbf16, #tpu.memory_space<vmem_shared>> -> memref<10240x128xbf16, #tpu.memory_space<vmem_shared>>
            tpu.wait_indirect_dma semaphore(%arg26 : memref<!tpu.dma_semaphore, #tpu.memory_space<semaphore_mem>>) src(%arg12 : memref<128x128xbf16, #tpu.memory_space<vmem>>) dst(%dma_wait3A_351 : memref<10240x128xbf16, #tpu.memory_space<vmem_shared>>)
          } else {
          }
          %dma_start3A_339 = arith.constant 4 : i32
          %dma_start3A_340 = arith.constant 0 : i32
          %dma_start3A_341 = tpu.memref_slice %arg9[%dma_start3A_339, %dma_start3A_340] : memref<8x128xi32, #tpu.memory_space<vmem>> -> memref<1x128xi32, #tpu.memory_space<vmem>>
          %dma_start3A_342 = tpu.memref_squeeze %dma_start3A_341 : memref<1x128xi32, #tpu.memory_space<vmem>> -> memref<128xi32, #tpu.memory_space<vmem>>
          %dma_start3A_343 = arith.constant 0 : i32
          %dma_start3A_344 = arith.constant 0 : i32
          %dma_start3A_345 = tpu.memref_slice %arg2[%dma_start3A_343, %dma_start3A_344] : memref<10240x128xbf16, #tpu.memory_space<hbm>> -> memref<10240x128xbf16, #tpu.memory_space<hbm>>
          tpu.enqueue_indirect_dma source(%dma_start3A_345 : memref<10240x128xbf16, #tpu.memory_space<hbm>>) target(%arg12 : memref<128x128xbf16, #tpu.memory_space<vmem>>) offsets(%dma_start3A_342 : memref<128xi32, #tpu.memory_space<vmem>>) semaphore(%arg22 : memref<!tpu.dma_semaphore, #tpu.memory_space<semaphore_mem>>)
        } else {
        }
        %dma_start3A_267 = arith.constant 3 : i32
        %dma_start3A_268 = arith.constant 0 : i32
        %dma_start3A_269 = tpu.memref_slice %arg9[%dma_start3A_267, %dma_start3A_268] : memref<8x128xi32, #tpu.memory_space<vmem>> -> memref<1x128xi32, #tpu.memory_space<vmem>>
        %dma_start3A_270 = tpu.memref_squeeze %dma_start3A_269 : memref<1x128xi32, #tpu.memory_space<vmem>> -> memref<128xi32, #tpu.memory_space<vmem>>
        %dma_start3A_271 = arith.constant 0 : i32
        %dma_start3A_272 = arith.constant 0 : i32
        %dma_start3A_273 = tpu.memref_slice %arg16[%dma_start3A_271, %dma_start3A_272] : memref<10240x128xbf16, #tpu.memory_space<vmem_shared>> -> memref<10240x128xbf16, #tpu.memory_space<vmem_shared>>
        tpu.enqueue_indirect_dma source(%arg11 : memref<128x128xbf16, #tpu.memory_space<vmem>>) target(%dma_start3A_273 : memref<10240x128xbf16, #tpu.memory_space<vmem_shared>>) offsets(%dma_start3A_270 : memref<128xi32, #tpu.memory_space<vmem>>) semaphore(%arg25 : memref<!tpu.dma_semaphore, #tpu.memory_space<semaphore_mem>>) {add = true}
        %mul3A_274 = arith.constant 2 : i32
        %mul3A_275 = arith.muli %mul3A_274, %scan3A_93 : i32
        %add3A_276 = arith.constant 1 : i32
        %add3A_277 = arith.addi %mul3A_275, %add3A_276 : i32
        %mul3A_278 = arith.constant 4 : i32
        %mul3A_279 = arith.muli %mul3A_278, %add3A_277 : i32
        %add3A_280 = arith.constant 2 : i32
        %add3A_281 = arith.addi %mul3A_279, %add3A_280 : i32
        %dma_wait3A_282 = arith.constant 4 : i32
        %dma_wait3A_283 = arith.constant 0 : i32
        %dma_wait3A_284 = tpu.memref_slice %arg9[%dma_wait3A_282, %dma_wait3A_283] : memref<8x128xi32, #tpu.memory_space<vmem>> -> memref<1x128xi32, #tpu.memory_space<vmem>>
        %dma_wait3A_285 = tpu.memref_squeeze %dma_wait3A_284 : memref<1x128xi32, #tpu.memory_space<vmem>> -> memref<128xi32, #tpu.memory_space<vmem>>
        %dma_wait3A_286 = arith.constant 0 : i32
        %dma_wait3A_287 = arith.constant 0 : i32
        %dma_wait3A_288 = tpu.memref_slice %arg2[%dma_wait3A_286, %dma_wait3A_287] : memref<10240x128xbf16, #tpu.memory_space<hbm>> -> memref<10240x128xbf16, #tpu.memory_space<hbm>>
        tpu.wait_indirect_dma semaphore(%arg22 : memref<!tpu.dma_semaphore, #tpu.memory_space<semaphore_mem>>) src(%dma_wait3A_288 : memref<10240x128xbf16, #tpu.memory_space<hbm>>) dst(%arg12 : memref<128x128xbf16, #tpu.memory_space<vmem>>)
        %add3A_289 = arith.constant 1 : i32
        %add3A_290 = arith.addi %add3A_281, %add3A_289 : i32
        %lt3A_291 = arith.constant 160 : i32
        %lt3A_292 = arith.cmpi slt, %add3A_290, %lt3A_291 : i32
        %convert_element_type3A_293 = arith.extui %lt3A_292 : i1 to i32
        %cond3A_294 = arith.constant 7 : i32
        %cond3A_295 = arith.constant 0 : i32
        %cond3A_296 = arith.cmpi ne, %convert_element_type3A_293, %cond3A_295 : i32
        scf.if %cond3A_296 {
          %ge3A = arith.constant 3 : i32
          %ge3A_335 = arith.cmpi sge, %add3A_281, %ge3A : i32
          %convert_element_type3A_336 = arith.extui %ge3A_335 : i1 to i32
          %cond3A_337 = arith.constant 0 : i32
          %cond3A_338 = arith.cmpi ne, %convert_element_type3A_336, %cond3A_337 : i32
          scf.if %cond3A_338 {
            %dma_wait3A_355 = arith.constant 0 : i32
            %dma_wait3A_356 = tpu.memref_slice %arg8[%cond3A_294, %dma_wait3A_355] : memref<8x128xi32, #tpu.memory_space<vmem>> -> memref<1x128xi32, #tpu.memory_space<vmem>>
            %dma_wait3A_357 = tpu.memref_squeeze %dma_wait3A_356 : memref<1x128xi32, #tpu.memory_space<vmem>> -> memref<128xi32, #tpu.memory_space<vmem>>
            %dma_wait3A_358 = arith.constant 0 : i32
            %dma_wait3A_359 = arith.constant 0 : i32
            %dma_wait3A_360 = tpu.memref_slice %arg16[%dma_wait3A_358, %dma_wait3A_359] : memref<10240x128xbf16, #tpu.memory_space<vmem_shared>> -> memref<10240x128xbf16, #tpu.memory_space<vmem_shared>>
            tpu.wait_indirect_dma semaphore(%arg27 : memref<!tpu.dma_semaphore, #tpu.memory_space<semaphore_mem>>) src(%arg13 : memref<128x128xbf16, #tpu.memory_space<vmem>>) dst(%dma_wait3A_360 : memref<10240x128xbf16, #tpu.memory_space<vmem_shared>>)
          } else {
          }
          %ge3A_339 = arith.constant 1 : i32
          %ge3A_340 = arith.cmpi sge, %add3A_277, %ge3A_339 : i32
          %add3A_341 = arith.constant 1 : i32
          %add3A_342 = arith.addi %add3A_277, %add3A_341 : i32
          %lt3A_343 = arith.constant 40 : i32
          %lt3A_344 = arith.cmpi slt, %add3A_342, %lt3A_343 : i32
          %and3A = arith.andi %ge3A_340, %lt3A_344 : i1
          %convert_element_type3A_345 = arith.extui %and3A : i1 to i32
          %cond3A_346 = arith.constant 0 : i32
          %cond3A_347 = arith.cmpi ne, %convert_element_type3A_345, %cond3A_346 : i32
          scf.if %cond3A_347 {
            %add3A_355 = arith.addi %mul3A_42, %add3A_277 : i32
            %add3A_356 = arith.constant 1 : i32
            %add3A_357 = arith.addi %add3A_355, %add3A_356 : i32
            %dma_start3A_358 = arith.constant 0 : i32
            %dma_start3A_359 = arith.constant 0 : i32
            %dma_start3A_360 = tpu.memref_slice %arg4[%add3A_357, %dma_start3A_358, %dma_start3A_359] : memref<640x8x128xi32, #tpu.memory_space<hbm>> -> memref<1x8x128xi32, #tpu.memory_space<hbm>>
            %dma_start3A_361 = tpu.memref_squeeze %dma_start3A_360 : memref<1x8x128xi32, #tpu.memory_space<hbm>> -> memref<8x128xi32, #tpu.memory_space<hbm>>
            %dma_start3A_362 = arith.constant 0 : i32
            %dma_start3A_363 = arith.constant 0 : i32
            %dma_start3A_364 = tpu.memref_slice %arg4[%add3A_357, %dma_start3A_362, %dma_start3A_363] : memref<640x8x128xi32, #tpu.memory_space<hbm>> -> memref<1x8x128xi32, #tpu.memory_space<hbm>>
            %dma_start3A_365 = tpu.memref_squeeze %dma_start3A_364 : memref<1x8x128xi32, #tpu.memory_space<hbm>> -> memref<8x128xi32, #tpu.memory_space<hbm>>
            tpu.enqueue_dma source(%dma_start3A_365 : memref<8x128xi32, #tpu.memory_space<hbm>>) target(%arg8 : memref<8x128xi32, #tpu.memory_space<vmem>>) target_semaphore(%arg18 : memref<!tpu.dma_semaphore, #tpu.memory_space<semaphore_mem>>)
          } else {
          }
          %dma_start3A_348 = arith.constant 6 : i32
          %dma_start3A_349 = arith.constant 0 : i32
          %dma_start3A_350 = tpu.memref_slice %arg9[%dma_start3A_348, %dma_start3A_349] : memref<8x128xi32, #tpu.memory_space<vmem>> -> memref<1x128xi32, #tpu.memory_space<vmem>>
          %dma_start3A_351 = tpu.memref_squeeze %dma_start3A_350 : memref<1x128xi32, #tpu.memory_space<vmem>> -> memref<128xi32, #tpu.memory_space<vmem>>
          %dma_start3A_352 = arith.constant 0 : i32
          %dma_start3A_353 = arith.constant 0 : i32
          %dma_start3A_354 = tpu.memref_slice %arg2[%dma_start3A_352, %dma_start3A_353] : memref<10240x128xbf16, #tpu.memory_space<hbm>> -> memref<10240x128xbf16, #tpu.memory_space<hbm>>
          tpu.enqueue_indirect_dma source(%dma_start3A_354 : memref<10240x128xbf16, #tpu.memory_space<hbm>>) target(%arg13 : memref<128x128xbf16, #tpu.memory_space<vmem>>) offsets(%dma_start3A_351 : memref<128xi32, #tpu.memory_space<vmem>>) semaphore(%arg23 : memref<!tpu.dma_semaphore, #tpu.memory_space<semaphore_mem>>)
        } else {
        }
        %dma_start3A_297 = arith.constant 5 : i32
        %dma_start3A_298 = arith.constant 0 : i32
        %dma_start3A_299 = tpu.memref_slice %arg9[%dma_start3A_297, %dma_start3A_298] : memref<8x128xi32, #tpu.memory_space<vmem>> -> memref<1x128xi32, #tpu.memory_space<vmem>>
        %dma_start3A_300 = tpu.memref_squeeze %dma_start3A_299 : memref<1x128xi32, #tpu.memory_space<vmem>> -> memref<128xi32, #tpu.memory_space<vmem>>
        %dma_start3A_301 = arith.constant 0 : i32
        %dma_start3A_302 = arith.constant 0 : i32
        %dma_start3A_303 = tpu.memref_slice %arg16[%dma_start3A_301, %dma_start3A_302] : memref<10240x128xbf16, #tpu.memory_space<vmem_shared>> -> memref<10240x128xbf16, #tpu.memory_space<vmem_shared>>
        tpu.enqueue_indirect_dma source(%arg12 : memref<128x128xbf16, #tpu.memory_space<vmem>>) target(%dma_start3A_303 : memref<10240x128xbf16, #tpu.memory_space<vmem_shared>>) offsets(%dma_start3A_300 : memref<128xi32, #tpu.memory_space<vmem>>) semaphore(%arg26 : memref<!tpu.dma_semaphore, #tpu.memory_space<semaphore_mem>>) {add = true}
        %mul3A_304 = arith.constant 2 : i32
        %mul3A_305 = arith.muli %mul3A_304, %scan3A_93 : i32
        %add3A_306 = arith.constant 1 : i32
        %add3A_307 = arith.addi %mul3A_305, %add3A_306 : i32
        %mul3A_308 = arith.constant 4 : i32
        %mul3A_309 = arith.muli %mul3A_308, %add3A_307 : i32
        %add3A_310 = arith.constant 3 : i32
        %add3A_311 = arith.addi %mul3A_309, %add3A_310 : i32
        %dma_wait3A_312 = arith.constant 6 : i32
        %dma_wait3A_313 = arith.constant 0 : i32
        %dma_wait3A_314 = tpu.memref_slice %arg9[%dma_wait3A_312, %dma_wait3A_313] : memref<8x128xi32, #tpu.memory_space<vmem>> -> memref<1x128xi32, #tpu.memory_space<vmem>>
        %dma_wait3A_315 = tpu.memref_squeeze %dma_wait3A_314 : memref<1x128xi32, #tpu.memory_space<vmem>> -> memref<128xi32, #tpu.memory_space<vmem>>
        %dma_wait3A_316 = arith.constant 0 : i32
        %dma_wait3A_317 = arith.constant 0 : i32
        %dma_wait3A_318 = tpu.memref_slice %arg2[%dma_wait3A_316, %dma_wait3A_317] : memref<10240x128xbf16, #tpu.memory_space<hbm>> -> memref<10240x128xbf16, #tpu.memory_space<hbm>>
        tpu.wait_indirect_dma semaphore(%arg23 : memref<!tpu.dma_semaphore, #tpu.memory_space<semaphore_mem>>) src(%dma_wait3A_318 : memref<10240x128xbf16, #tpu.memory_space<hbm>>) dst(%arg13 : memref<128x128xbf16, #tpu.memory_space<vmem>>)
        %add3A_319 = arith.constant 1 : i32
        %add3A_320 = arith.addi %add3A_311, %add3A_319 : i32
        %lt3A_321 = arith.constant 160 : i32
        %lt3A_322 = arith.cmpi slt, %add3A_320, %lt3A_321 : i32
        %convert_element_type3A_323 = arith.extui %lt3A_322 : i1 to i32
        %cond3A_324 = arith.constant 1 : i32
        %cond3A_325 = arith.constant 0 : i32
        %cond3A_326 = arith.cmpi ne, %convert_element_type3A_323, %cond3A_325 : i32
        scf.if %cond3A_326 {
          %ge3A = arith.constant 3 : i32
          %ge3A_335 = arith.cmpi sge, %add3A_311, %ge3A : i32
          %convert_element_type3A_336 = arith.extui %ge3A_335 : i1 to i32
          %cond3A_337 = arith.constant 0 : i32
          %cond3A_338 = arith.cmpi ne, %convert_element_type3A_336, %cond3A_337 : i32
          scf.if %cond3A_338 {
            %dma_wait3A_357 = arith.constant 0 : i32
            %dma_wait3A_358 = tpu.memref_slice %arg9[%cond3A_324, %dma_wait3A_357] : memref<8x128xi32, #tpu.memory_space<vmem>> -> memref<1x128xi32, #tpu.memory_space<vmem>>
            %dma_wait3A_359 = tpu.memref_squeeze %dma_wait3A_358 : memref<1x128xi32, #tpu.memory_space<vmem>> -> memref<128xi32, #tpu.memory_space<vmem>>
            %dma_wait3A_360 = arith.constant 0 : i32
            %dma_wait3A_361 = arith.constant 0 : i32
            %dma_wait3A_362 = tpu.memref_slice %arg16[%dma_wait3A_360, %dma_wait3A_361] : memref<10240x128xbf16, #tpu.memory_space<vmem_shared>> -> memref<10240x128xbf16, #tpu.memory_space<vmem_shared>>
            tpu.wait_indirect_dma semaphore(%arg24 : memref<!tpu.dma_semaphore, #tpu.memory_space<semaphore_mem>>) src(%arg10 : memref<128x128xbf16, #tpu.memory_space<vmem>>) dst(%dma_wait3A_362 : memref<10240x128xbf16, #tpu.memory_space<vmem_shared>>)
          } else {
          }
          %add3A_339 = arith.addi %mul3A_42, %add3A_307 : i32
          %add3A_340 = arith.constant 1 : i32
          %add3A_341 = arith.addi %add3A_339, %add3A_340 : i32
          %dma_wait3A_342 = arith.constant 0 : i32
          %dma_wait3A_343 = arith.constant 0 : i32
          %dma_wait3A_344 = tpu.memref_slice %arg4[%add3A_341, %dma_wait3A_342, %dma_wait3A_343] : memref<640x8x128xi32, #tpu.memory_space<hbm>> -> memref<1x8x128xi32, #tpu.memory_space<hbm>>
          %dma_wait3A_345 = tpu.memref_squeeze %dma_wait3A_344 : memref<1x8x128xi32, #tpu.memory_space<hbm>> -> memref<8x128xi32, #tpu.memory_space<hbm>>
          %dma_wait3A_346 = arith.constant 0 : i32
          %dma_wait3A_347 = arith.constant 0 : i32
          %dma_wait3A_348 = tpu.memref_slice %arg4[%add3A_341, %dma_wait3A_346, %dma_wait3A_347] : memref<640x8x128xi32, #tpu.memory_space<hbm>> -> memref<1x8x128xi32, #tpu.memory_space<hbm>>
          %dma_wait3A_349 = tpu.memref_squeeze %dma_wait3A_348 : memref<1x8x128xi32, #tpu.memory_space<hbm>> -> memref<8x128xi32, #tpu.memory_space<hbm>>
          tpu.wait_dma2 semaphore(%arg18 : memref<!tpu.dma_semaphore, #tpu.memory_space<semaphore_mem>>) src(%dma_wait3A_349 : memref<8x128xi32, #tpu.memory_space<hbm>>) dst(%arg8 : memref<8x128xi32, #tpu.memory_space<vmem>>)
          %dma_start3A_350 = arith.constant 0 : i32
          %dma_start3A_351 = arith.constant 0 : i32
          %dma_start3A_352 = tpu.memref_slice %arg8[%dma_start3A_350, %dma_start3A_351] : memref<8x128xi32, #tpu.memory_space<vmem>> -> memref<1x128xi32, #tpu.memory_space<vmem>>
          %dma_start3A_353 = tpu.memref_squeeze %dma_start3A_352 : memref<1x128xi32, #tpu.memory_space<vmem>> -> memref<128xi32, #tpu.memory_space<vmem>>
          %dma_start3A_354 = arith.constant 0 : i32
          %dma_start3A_355 = arith.constant 0 : i32
          %dma_start3A_356 = tpu.memref_slice %arg2[%dma_start3A_354, %dma_start3A_355] : memref<10240x128xbf16, #tpu.memory_space<hbm>> -> memref<10240x128xbf16, #tpu.memory_space<hbm>>
          tpu.enqueue_indirect_dma source(%dma_start3A_356 : memref<10240x128xbf16, #tpu.memory_space<hbm>>) target(%arg10 : memref<128x128xbf16, #tpu.memory_space<vmem>>) offsets(%dma_start3A_353 : memref<128xi32, #tpu.memory_space<vmem>>) semaphore(%arg20 : memref<!tpu.dma_semaphore, #tpu.memory_space<semaphore_mem>>)
        } else {
        }
        %dma_start3A_327 = arith.constant 7 : i32
        %dma_start3A_328 = arith.constant 0 : i32
        %dma_start3A_329 = tpu.memref_slice %arg9[%dma_start3A_327, %dma_start3A_328] : memref<8x128xi32, #tpu.memory_space<vmem>> -> memref<1x128xi32, #tpu.memory_space<vmem>>
        %dma_start3A_330 = tpu.memref_squeeze %dma_start3A_329 : memref<1x128xi32, #tpu.memory_space<vmem>> -> memref<128xi32, #tpu.memory_space<vmem>>
        %dma_start3A_331 = arith.constant 0 : i32
        %dma_start3A_332 = arith.constant 0 : i32
        %dma_start3A_333 = tpu.memref_slice %arg16[%dma_start3A_331, %dma_start3A_332] : memref<10240x128xbf16, #tpu.memory_space<vmem_shared>> -> memref<10240x128xbf16, #tpu.memory_space<vmem_shared>>
        tpu.enqueue_indirect_dma source(%arg13 : memref<128x128xbf16, #tpu.memory_space<vmem>>) target(%dma_start3A_333 : memref<10240x128xbf16, #tpu.memory_space<vmem_shared>>) offsets(%dma_start3A_330 : memref<128xi32, #tpu.memory_space<vmem>>) semaphore(%arg27 : memref<!tpu.dma_semaphore, #tpu.memory_space<semaphore_mem>>) {add = true}
        %scan3A_334 = arith.constant 0 : i32
        scf.yield %scan3A_334 : i32
      }
      %scan3A_65 = arith.constant 20 : i32
      %dma_wait3A = arith.constant 1 : i32
      %dma_wait3A_66 = arith.constant 0 : i32
      %dma_wait3A_67 = tpu.memref_slice %arg9[%dma_wait3A, %dma_wait3A_66] : memref<8x128xi32, #tpu.memory_space<vmem>> -> memref<1x128xi32, #tpu.memory_space<vmem>>
      %dma_wait3A_68 = tpu.memref_squeeze %dma_wait3A_67 : memref<1x128xi32, #tpu.memory_space<vmem>> -> memref<128xi32, #tpu.memory_space<vmem>>
      %dma_wait3A_69 = arith.constant 0 : i32
      %dma_wait3A_70 = arith.constant 0 : i32
      %dma_wait3A_71 = tpu.memref_slice %arg16[%dma_wait3A_69, %dma_wait3A_70] : memref<10240x128xbf16, #tpu.memory_space<vmem_shared>> -> memref<10240x128xbf16, #tpu.memory_space<vmem_shared>>
      tpu.wait_indirect_dma semaphore(%arg24 : memref<!tpu.dma_semaphore, #tpu.memory_space<semaphore_mem>>) src(%arg10 : memref<128x128xbf16, #tpu.memory_space<vmem>>) dst(%dma_wait3A_71 : memref<10240x128xbf16, #tpu.memory_space<vmem_shared>>)
      %dma_wait3A_72 = arith.constant 3 : i32
      %dma_wait3A_73 = arith.constant 0 : i32
      %dma_wait3A_74 = tpu.memref_slice %arg9[%dma_wait3A_72, %dma_wait3A_73] : memref<8x128xi32, #tpu.memory_space<vmem>> -> memref<1x128xi32, #tpu.memory_space<vmem>>
      %dma_wait3A_75 = tpu.memref_squeeze %dma_wait3A_74 : memref<1x128xi32, #tpu.memory_space<vmem>> -> memref<128xi32, #tpu.memory_space<vmem>>
      %dma_wait3A_76 = arith.constant 0 : i32
      %dma_wait3A_77 = arith.constant 0 : i32
      %dma_wait3A_78 = tpu.memref_slice %arg16[%dma_wait3A_76, %dma_wait3A_77] : memref<10240x128xbf16, #tpu.memory_space<vmem_shared>> -> memref<10240x128xbf16, #tpu.memory_space<vmem_shared>>
      tpu.wait_indirect_dma semaphore(%arg25 : memref<!tpu.dma_semaphore, #tpu.memory_space<semaphore_mem>>) src(%arg11 : memref<128x128xbf16, #tpu.memory_space<vmem>>) dst(%dma_wait3A_78 : memref<10240x128xbf16, #tpu.memory_space<vmem_shared>>)
      %dma_wait3A_79 = arith.constant 5 : i32
      %dma_wait3A_80 = arith.constant 0 : i32
      %dma_wait3A_81 = tpu.memref_slice %arg9[%dma_wait3A_79, %dma_wait3A_80] : memref<8x128xi32, #tpu.memory_space<vmem>> -> memref<1x128xi32, #tpu.memory_space<vmem>>
      %dma_wait3A_82 = tpu.memref_squeeze %dma_wait3A_81 : memref<1x128xi32, #tpu.memory_space<vmem>> -> memref<128xi32, #tpu.memory_space<vmem>>
      %dma_wait3A_83 = arith.constant 0 : i32
      %dma_wait3A_84 = arith.constant 0 : i32
      %dma_wait3A_85 = tpu.memref_slice %arg16[%dma_wait3A_83, %dma_wait3A_84] : memref<10240x128xbf16, #tpu.memory_space<vmem_shared>> -> memref<10240x128xbf16, #tpu.memory_space<vmem_shared>>
      tpu.wait_indirect_dma semaphore(%arg26 : memref<!tpu.dma_semaphore, #tpu.memory_space<semaphore_mem>>) src(%arg12 : memref<128x128xbf16, #tpu.memory_space<vmem>>) dst(%dma_wait3A_85 : memref<10240x128xbf16, #tpu.memory_space<vmem_shared>>)
      %dma_wait3A_86 = arith.constant 7 : i32
      %dma_wait3A_87 = arith.constant 0 : i32
      %dma_wait3A_88 = tpu.memref_slice %arg9[%dma_wait3A_86, %dma_wait3A_87] : memref<8x128xi32, #tpu.memory_space<vmem>> -> memref<1x128xi32, #tpu.memory_space<vmem>>
      %dma_wait3A_89 = tpu.memref_squeeze %dma_wait3A_88 : memref<1x128xi32, #tpu.memory_space<vmem>> -> memref<128xi32, #tpu.memory_space<vmem>>
      %dma_wait3A_90 = arith.constant 0 : i32
      %dma_wait3A_91 = arith.constant 0 : i32
      %dma_wait3A_92 = tpu.memref_slice %arg16[%dma_wait3A_90, %dma_wait3A_91] : memref<10240x128xbf16, #tpu.memory_space<vmem_shared>> -> memref<10240x128xbf16, #tpu.memory_space<vmem_shared>>
      tpu.wait_indirect_dma semaphore(%arg27 : memref<!tpu.dma_semaphore, #tpu.memory_space<semaphore_mem>>) src(%arg13 : memref<128x128xbf16, #tpu.memory_space<vmem>>) dst(%dma_wait3A_92 : memref<10240x128xbf16, #tpu.memory_space<vmem_shared>>)
    } else {
    }
    %eq3A_25 = arith.constant 1 : i32
    %eq3A_26 = arith.cmpi eq, %arg0, %eq3A_25 : i32
    %convert_element_type3A_27 = arith.extui %eq3A_26 : i1 to i32
    %cond3A_28 = arith.constant 0 : i32
    %cond3A_29 = arith.cmpi ne, %convert_element_type3A_27, %cond3A_28 : i32
    scf.if %cond3A_29 {
      %mul3A_41 = arith.constant 40 : i32
      %mul3A_42 = arith.muli %arg1, %mul3A_41 : i32
      "tpu.region"() ({
        %run_scoped3A = tpu.sem_alloc : memref<!tpu.dma_semaphore, #tpu.memory_space<semaphore_mem>>
        %dma_start3A_93 = arith.constant 0 : i32
        %dma_start3A_94 = arith.constant 0 : i32
        %dma_start3A_95 = tpu.memref_slice %arg5[%mul3A_42, %dma_start3A_93, %dma_start3A_94] : memref<640x8x128xi32, #tpu.memory_space<hbm>> -> memref<1x8x128xi32, #tpu.memory_space<hbm>>
        %dma_start3A_96 = tpu.memref_squeeze %dma_start3A_95 : memref<1x8x128xi32, #tpu.memory_space<hbm>> -> memref<8x128xi32, #tpu.memory_space<hbm>>
        %dma_start3A_97 = arith.constant 0 : i32
        %dma_start3A_98 = arith.constant 0 : i32
        %dma_start3A_99 = tpu.memref_slice %arg5[%mul3A_42, %dma_start3A_97, %dma_start3A_98] : memref<640x8x128xi32, #tpu.memory_space<hbm>> -> memref<1x8x128xi32, #tpu.memory_space<hbm>>
        %dma_start3A_100 = tpu.memref_squeeze %dma_start3A_99 : memref<1x8x128xi32, #tpu.memory_space<hbm>> -> memref<8x128xi32, #tpu.memory_space<hbm>>
        tpu.enqueue_dma source(%dma_start3A_100 : memref<8x128xi32, #tpu.memory_space<hbm>>) target(%arg8 : memref<8x128xi32, #tpu.memory_space<vmem>>) target_semaphore(%run_scoped3A : memref<!tpu.dma_semaphore, #tpu.memory_space<semaphore_mem>>)
        %dma_wait3A_101 = arith.constant 0 : i32
        %dma_wait3A_102 = arith.constant 0 : i32
        %dma_wait3A_103 = tpu.memref_slice %arg5[%mul3A_42, %dma_wait3A_101, %dma_wait3A_102] : memref<640x8x128xi32, #tpu.memory_space<hbm>> -> memref<1x8x128xi32, #tpu.memory_space<hbm>>
        %dma_wait3A_104 = tpu.memref_squeeze %dma_wait3A_103 : memref<1x8x128xi32, #tpu.memory_space<hbm>> -> memref<8x128xi32, #tpu.memory_space<hbm>>
        %dma_wait3A_105 = arith.constant 0 : i32
        %dma_wait3A_106 = arith.constant 0 : i32
        %dma_wait3A_107 = tpu.memref_slice %arg5[%mul3A_42, %dma_wait3A_105, %dma_wait3A_106] : memref<640x8x128xi32, #tpu.memory_space<hbm>> -> memref<1x8x128xi32, #tpu.memory_space<hbm>>
        %dma_wait3A_108 = tpu.memref_squeeze %dma_wait3A_107 : memref<1x8x128xi32, #tpu.memory_space<hbm>> -> memref<8x128xi32, #tpu.memory_space<hbm>>
        tpu.wait_dma2 semaphore(%run_scoped3A : memref<!tpu.dma_semaphore, #tpu.memory_space<semaphore_mem>>) src(%dma_wait3A_108 : memref<8x128xi32, #tpu.memory_space<hbm>>) dst(%arg8 : memref<8x128xi32, #tpu.memory_space<vmem>>)
        tpu.yield
      }) : () -> ()
      %add3A_43 = arith.constant 1 : i32
      %add3A_44 = arith.addi %mul3A_42, %add3A_43 : i32
      %dma_start3A = arith.constant 0 : i32
      %dma_start3A_45 = arith.constant 0 : i32
      %dma_start3A_46 = tpu.memref_slice %arg5[%add3A_44, %dma_start3A, %dma_start3A_45] : memref<640x8x128xi32, #tpu.memory_space<hbm>> -> memref<1x8x128xi32, #tpu.memory_space<hbm>>
      %dma_start3A_47 = tpu.memref_squeeze %dma_start3A_46 : memref<1x8x128xi32, #tpu.memory_space<hbm>> -> memref<8x128xi32, #tpu.memory_space<hbm>>
      %dma_start3A_48 = arith.constant 0 : i32
      %dma_start3A_49 = arith.constant 0 : i32
      %dma_start3A_50 = tpu.memref_slice %arg5[%add3A_44, %dma_start3A_48, %dma_start3A_49] : memref<640x8x128xi32, #tpu.memory_space<hbm>> -> memref<1x8x128xi32, #tpu.memory_space<hbm>>
      %dma_start3A_51 = tpu.memref_squeeze %dma_start3A_50 : memref<1x8x128xi32, #tpu.memory_space<hbm>> -> memref<8x128xi32, #tpu.memory_space<hbm>>
      tpu.enqueue_dma source(%dma_start3A_51 : memref<8x128xi32, #tpu.memory_space<hbm>>) target(%arg9 : memref<8x128xi32, #tpu.memory_space<vmem>>) target_semaphore(%arg19 : memref<!tpu.dma_semaphore, #tpu.memory_space<semaphore_mem>>)
      %dma_start3A_52 = arith.constant 0 : i32
      %dma_start3A_53 = arith.constant 0 : i32
      %dma_start3A_54 = tpu.memref_slice %arg8[%dma_start3A_52, %dma_start3A_53] : memref<8x128xi32, #tpu.memory_space<vmem>> -> memref<1x128xi32, #tpu.memory_space<vmem>>
      %dma_start3A_55 = tpu.memref_squeeze %dma_start3A_54 : memref<1x128xi32, #tpu.memory_space<vmem>> -> memref<128xi32, #tpu.memory_space<vmem>>
      %dma_start3A_56 = arith.constant 0 : i32
      %dma_start3A_57 = arith.constant 0 : i32
      %dma_start3A_58 = tpu.memref_slice %arg3[%dma_start3A_56, %dma_start3A_57] : memref<10240x128xbf16, #tpu.memory_space<hbm>> -> memref<10240x128xbf16, #tpu.memory_space<hbm>>
      tpu.enqueue_indirect_dma source(%dma_start3A_58 : memref<10240x128xbf16, #tpu.memory_space<hbm>>) target(%arg10 : memref<128x128xbf16, #tpu.memory_space<vmem>>) offsets(%dma_start3A_55 : memref<128xi32, #tpu.memory_space<vmem>>) semaphore(%arg20 : memref<!tpu.dma_semaphore, #tpu.memory_space<semaphore_mem>>)
      %scan3A_59 = arith.constant 0 : i32
      %scan3A_60 = arith.constant 0 : i32
      %scan3A_61 = arith.constant 20 : i32
      %scan3A_62 = arith.addi %scan3A_60, %scan3A_61 : i32
      %scan3A_63 = arith.constant 1 : i32
      %scan3A_64 = scf.for %scan3A_93 = %scan3A_60 to %scan3A_62 step %scan3A_63 iter_args(%scan3A_94 = %scan3A_59) -> (i32)  : i32 {
        %mul3A_95 = arith.constant 2 : i32
        %mul3A_96 = arith.muli %mul3A_95, %scan3A_93 : i32
        %add3A_97 = arith.constant 0 : i32
        %add3A_98 = arith.addi %mul3A_96, %add3A_97 : i32
        %mul3A_99 = arith.constant 4 : i32
        %mul3A_100 = arith.muli %mul3A_99, %add3A_98 : i32
        %add3A_101 = arith.constant 0 : i32
        %add3A_102 = arith.addi %mul3A_100, %add3A_101 : i32
        %dma_wait3A_103 = arith.constant 0 : i32
        %dma_wait3A_104 = arith.constant 0 : i32
        %dma_wait3A_105 = tpu.memref_slice %arg8[%dma_wait3A_103, %dma_wait3A_104] : memref<8x128xi32, #tpu.memory_space<vmem>> -> memref<1x128xi32, #tpu.memory_space<vmem>>
        %dma_wait3A_106 = tpu.memref_squeeze %dma_wait3A_105 : memref<1x128xi32, #tpu.memory_space<vmem>> -> memref<128xi32, #tpu.memory_space<vmem>>
        %dma_wait3A_107 = arith.constant 0 : i32
        %dma_wait3A_108 = arith.constant 0 : i32
        %dma_wait3A_109 = tpu.memref_slice %arg3[%dma_wait3A_107, %dma_wait3A_108] : memref<10240x128xbf16, #tpu.memory_space<hbm>> -> memref<10240x128xbf16, #tpu.memory_space<hbm>>
        tpu.wait_indirect_dma semaphore(%arg20 : memref<!tpu.dma_semaphore, #tpu.memory_space<semaphore_mem>>) src(%dma_wait3A_109 : memref<10240x128xbf16, #tpu.memory_space<hbm>>) dst(%arg10 : memref<128x128xbf16, #tpu.memory_space<vmem>>)
        %add3A_110 = arith.constant 1 : i32
        %add3A_111 = arith.addi %add3A_102, %add3A_110 : i32
        %lt3A = arith.constant 160 : i32
        %lt3A_112 = arith.cmpi slt, %add3A_111, %lt3A : i32
        %convert_element_type3A_113 = arith.extui %lt3A_112 : i1 to i32
        %cond3A_114 = arith.constant 3 : i32
        %cond3A_115 = arith.constant 0 : i32
        %cond3A_116 = arith.cmpi ne, %convert_element_type3A_113, %cond3A_115 : i32
        scf.if %cond3A_116 {
          %ge3A = arith.constant 3 : i32
          %ge3A_335 = arith.cmpi sge, %add3A_102, %ge3A : i32
          %convert_element_type3A_336 = arith.extui %ge3A_335 : i1 to i32
          %cond3A_337 = arith.constant 0 : i32
          %cond3A_338 = arith.cmpi ne, %convert_element_type3A_336, %cond3A_337 : i32
          scf.if %cond3A_338 {
            %dma_wait3A_346 = arith.constant 0 : i32
            %dma_wait3A_347 = tpu.memref_slice %arg9[%cond3A_114, %dma_wait3A_346] : memref<8x128xi32, #tpu.memory_space<vmem>> -> memref<1x128xi32, #tpu.memory_space<vmem>>
            %dma_wait3A_348 = tpu.memref_squeeze %dma_wait3A_347 : memref<1x128xi32, #tpu.memory_space<vmem>> -> memref<128xi32, #tpu.memory_space<vmem>>
            %dma_wait3A_349 = arith.constant 0 : i32
            %dma_wait3A_350 = arith.constant 0 : i32
            %dma_wait3A_351 = tpu.memref_slice %arg16[%dma_wait3A_349, %dma_wait3A_350] : memref<10240x128xbf16, #tpu.memory_space<vmem_shared>> -> memref<10240x128xbf16, #tpu.memory_space<vmem_shared>>
            tpu.wait_indirect_dma semaphore(%arg25 : memref<!tpu.dma_semaphore, #tpu.memory_space<semaphore_mem>>) src(%arg11 : memref<128x128xbf16, #tpu.memory_space<vmem>>) dst(%dma_wait3A_351 : memref<10240x128xbf16, #tpu.memory_space<vmem_shared>>)
          } else {
          }
          %dma_start3A_339 = arith.constant 2 : i32
          %dma_start3A_340 = arith.constant 0 : i32
          %dma_start3A_341 = tpu.memref_slice %arg8[%dma_start3A_339, %dma_start3A_340] : memref<8x128xi32, #tpu.memory_space<vmem>> -> memref<1x128xi32, #tpu.memory_space<vmem>>
          %dma_start3A_342 = tpu.memref_squeeze %dma_start3A_341 : memref<1x128xi32, #tpu.memory_space<vmem>> -> memref<128xi32, #tpu.memory_space<vmem>>
          %dma_start3A_343 = arith.constant 0 : i32
          %dma_start3A_344 = arith.constant 0 : i32
          %dma_start3A_345 = tpu.memref_slice %arg3[%dma_start3A_343, %dma_start3A_344] : memref<10240x128xbf16, #tpu.memory_space<hbm>> -> memref<10240x128xbf16, #tpu.memory_space<hbm>>
          tpu.enqueue_indirect_dma source(%dma_start3A_345 : memref<10240x128xbf16, #tpu.memory_space<hbm>>) target(%arg11 : memref<128x128xbf16, #tpu.memory_space<vmem>>) offsets(%dma_start3A_342 : memref<128xi32, #tpu.memory_space<vmem>>) semaphore(%arg21 : memref<!tpu.dma_semaphore, #tpu.memory_space<semaphore_mem>>)
        } else {
        }
        %dma_start3A_117 = arith.constant 1 : i32
        %dma_start3A_118 = arith.constant 0 : i32
        %dma_start3A_119 = tpu.memref_slice %arg8[%dma_start3A_117, %dma_start3A_118] : memref<8x128xi32, #tpu.memory_space<vmem>> -> memref<1x128xi32, #tpu.memory_space<vmem>>
        %dma_start3A_120 = tpu.memref_squeeze %dma_start3A_119 : memref<1x128xi32, #tpu.memory_space<vmem>> -> memref<128xi32, #tpu.memory_space<vmem>>
        %dma_start3A_121 = arith.constant 0 : i32
        %dma_start3A_122 = arith.constant 0 : i32
        %dma_start3A_123 = tpu.memref_slice %arg16[%dma_start3A_121, %dma_start3A_122] : memref<10240x128xbf16, #tpu.memory_space<vmem_shared>> -> memref<10240x128xbf16, #tpu.memory_space<vmem_shared>>
        tpu.enqueue_indirect_dma source(%arg10 : memref<128x128xbf16, #tpu.memory_space<vmem>>) target(%dma_start3A_123 : memref<10240x128xbf16, #tpu.memory_space<vmem_shared>>) offsets(%dma_start3A_120 : memref<128xi32, #tpu.memory_space<vmem>>) semaphore(%arg24 : memref<!tpu.dma_semaphore, #tpu.memory_space<semaphore_mem>>) {add = true}
        %mul3A_124 = arith.constant 2 : i32
        %mul3A_125 = arith.muli %mul3A_124, %scan3A_93 : i32
        %add3A_126 = arith.constant 0 : i32
        %add3A_127 = arith.addi %mul3A_125, %add3A_126 : i32
        %mul3A_128 = arith.constant 4 : i32
        %mul3A_129 = arith.muli %mul3A_128, %add3A_127 : i32
        %add3A_130 = arith.constant 1 : i32
        %add3A_131 = arith.addi %mul3A_129, %add3A_130 : i32
        %dma_wait3A_132 = arith.constant 2 : i32
        %dma_wait3A_133 = arith.constant 0 : i32
        %dma_wait3A_134 = tpu.memref_slice %arg8[%dma_wait3A_132, %dma_wait3A_133] : memref<8x128xi32, #tpu.memory_space<vmem>> -> memref<1x128xi32, #tpu.memory_space<vmem>>
        %dma_wait3A_135 = tpu.memref_squeeze %dma_wait3A_134 : memref<1x128xi32, #tpu.memory_space<vmem>> -> memref<128xi32, #tpu.memory_space<vmem>>
        %dma_wait3A_136 = arith.constant 0 : i32
        %dma_wait3A_137 = arith.constant 0 : i32
        %dma_wait3A_138 = tpu.memref_slice %arg3[%dma_wait3A_136, %dma_wait3A_137] : memref<10240x128xbf16, #tpu.memory_space<hbm>> -> memref<10240x128xbf16, #tpu.memory_space<hbm>>
        tpu.wait_indirect_dma semaphore(%arg21 : memref<!tpu.dma_semaphore, #tpu.memory_space<semaphore_mem>>) src(%dma_wait3A_138 : memref<10240x128xbf16, #tpu.memory_space<hbm>>) dst(%arg11 : memref<128x128xbf16, #tpu.memory_space<vmem>>)
        %add3A_139 = arith.constant 1 : i32
        %add3A_140 = arith.addi %add3A_131, %add3A_139 : i32
        %lt3A_141 = arith.constant 160 : i32
        %lt3A_142 = arith.cmpi slt, %add3A_140, %lt3A_141 : i32
        %convert_element_type3A_143 = arith.extui %lt3A_142 : i1 to i32
        %cond3A_144 = arith.constant 5 : i32
        %cond3A_145 = arith.constant 0 : i32
        %cond3A_146 = arith.cmpi ne, %convert_element_type3A_143, %cond3A_145 : i32
        scf.if %cond3A_146 {
          %ge3A = arith.constant 3 : i32
          %ge3A_335 = arith.cmpi sge, %add3A_131, %ge3A : i32
          %convert_element_type3A_336 = arith.extui %ge3A_335 : i1 to i32
          %cond3A_337 = arith.constant 0 : i32
          %cond3A_338 = arith.cmpi ne, %convert_element_type3A_336, %cond3A_337 : i32
          scf.if %cond3A_338 {
            %dma_wait3A_346 = arith.constant 0 : i32
            %dma_wait3A_347 = tpu.memref_slice %arg9[%cond3A_144, %dma_wait3A_346] : memref<8x128xi32, #tpu.memory_space<vmem>> -> memref<1x128xi32, #tpu.memory_space<vmem>>
            %dma_wait3A_348 = tpu.memref_squeeze %dma_wait3A_347 : memref<1x128xi32, #tpu.memory_space<vmem>> -> memref<128xi32, #tpu.memory_space<vmem>>
            %dma_wait3A_349 = arith.constant 0 : i32
            %dma_wait3A_350 = arith.constant 0 : i32
            %dma_wait3A_351 = tpu.memref_slice %arg16[%dma_wait3A_349, %dma_wait3A_350] : memref<10240x128xbf16, #tpu.memory_space<vmem_shared>> -> memref<10240x128xbf16, #tpu.memory_space<vmem_shared>>
            tpu.wait_indirect_dma semaphore(%arg26 : memref<!tpu.dma_semaphore, #tpu.memory_space<semaphore_mem>>) src(%arg12 : memref<128x128xbf16, #tpu.memory_space<vmem>>) dst(%dma_wait3A_351 : memref<10240x128xbf16, #tpu.memory_space<vmem_shared>>)
          } else {
          }
          %dma_start3A_339 = arith.constant 4 : i32
          %dma_start3A_340 = arith.constant 0 : i32
          %dma_start3A_341 = tpu.memref_slice %arg8[%dma_start3A_339, %dma_start3A_340] : memref<8x128xi32, #tpu.memory_space<vmem>> -> memref<1x128xi32, #tpu.memory_space<vmem>>
          %dma_start3A_342 = tpu.memref_squeeze %dma_start3A_341 : memref<1x128xi32, #tpu.memory_space<vmem>> -> memref<128xi32, #tpu.memory_space<vmem>>
          %dma_start3A_343 = arith.constant 0 : i32
          %dma_start3A_344 = arith.constant 0 : i32
          %dma_start3A_345 = tpu.memref_slice %arg3[%dma_start3A_343, %dma_start3A_344] : memref<10240x128xbf16, #tpu.memory_space<hbm>> -> memref<10240x128xbf16, #tpu.memory_space<hbm>>
          tpu.enqueue_indirect_dma source(%dma_start3A_345 : memref<10240x128xbf16, #tpu.memory_space<hbm>>) target(%arg12 : memref<128x128xbf16, #tpu.memory_space<vmem>>) offsets(%dma_start3A_342 : memref<128xi32, #tpu.memory_space<vmem>>) semaphore(%arg22 : memref<!tpu.dma_semaphore, #tpu.memory_space<semaphore_mem>>)
        } else {
        }
        %dma_start3A_147 = arith.constant 3 : i32
        %dma_start3A_148 = arith.constant 0 : i32
        %dma_start3A_149 = tpu.memref_slice %arg8[%dma_start3A_147, %dma_start3A_148] : memref<8x128xi32, #tpu.memory_space<vmem>> -> memref<1x128xi32, #tpu.memory_space<vmem>>
        %dma_start3A_150 = tpu.memref_squeeze %dma_start3A_149 : memref<1x128xi32, #tpu.memory_space<vmem>> -> memref<128xi32, #tpu.memory_space<vmem>>
        %dma_start3A_151 = arith.constant 0 : i32
        %dma_start3A_152 = arith.constant 0 : i32
        %dma_start3A_153 = tpu.memref_slice %arg16[%dma_start3A_151, %dma_start3A_152] : memref<10240x128xbf16, #tpu.memory_space<vmem_shared>> -> memref<10240x128xbf16, #tpu.memory_space<vmem_shared>>
        tpu.enqueue_indirect_dma source(%arg11 : memref<128x128xbf16, #tpu.memory_space<vmem>>) target(%dma_start3A_153 : memref<10240x128xbf16, #tpu.memory_space<vmem_shared>>) offsets(%dma_start3A_150 : memref<128xi32, #tpu.memory_space<vmem>>) semaphore(%arg25 : memref<!tpu.dma_semaphore, #tpu.memory_space<semaphore_mem>>) {add = true}
        %mul3A_154 = arith.constant 2 : i32
        %mul3A_155 = arith.muli %mul3A_154, %scan3A_93 : i32
        %add3A_156 = arith.constant 0 : i32
        %add3A_157 = arith.addi %mul3A_155, %add3A_156 : i32
        %mul3A_158 = arith.constant 4 : i32
        %mul3A_159 = arith.muli %mul3A_158, %add3A_157 : i32
        %add3A_160 = arith.constant 2 : i32
        %add3A_161 = arith.addi %mul3A_159, %add3A_160 : i32
        %dma_wait3A_162 = arith.constant 4 : i32
        %dma_wait3A_163 = arith.constant 0 : i32
        %dma_wait3A_164 = tpu.memref_slice %arg8[%dma_wait3A_162, %dma_wait3A_163] : memref<8x128xi32, #tpu.memory_space<vmem>> -> memref<1x128xi32, #tpu.memory_space<vmem>>
        %dma_wait3A_165 = tpu.memref_squeeze %dma_wait3A_164 : memref<1x128xi32, #tpu.memory_space<vmem>> -> memref<128xi32, #tpu.memory_space<vmem>>
        %dma_wait3A_166 = arith.constant 0 : i32
        %dma_wait3A_167 = arith.constant 0 : i32
        %dma_wait3A_168 = tpu.memref_slice %arg3[%dma_wait3A_166, %dma_wait3A_167] : memref<10240x128xbf16, #tpu.memory_space<hbm>> -> memref<10240x128xbf16, #tpu.memory_space<hbm>>
        tpu.wait_indirect_dma semaphore(%arg22 : memref<!tpu.dma_semaphore, #tpu.memory_space<semaphore_mem>>) src(%dma_wait3A_168 : memref<10240x128xbf16, #tpu.memory_space<hbm>>) dst(%arg12 : memref<128x128xbf16, #tpu.memory_space<vmem>>)
        %add3A_169 = arith.constant 1 : i32
        %add3A_170 = arith.addi %add3A_161, %add3A_169 : i32
        %lt3A_171 = arith.constant 160 : i32
        %lt3A_172 = arith.cmpi slt, %add3A_170, %lt3A_171 : i32
        %convert_element_type3A_173 = arith.extui %lt3A_172 : i1 to i32
        %cond3A_174 = arith.constant 7 : i32
        %cond3A_175 = arith.constant 0 : i32
        %cond3A_176 = arith.cmpi ne, %convert_element_type3A_173, %cond3A_175 : i32
        scf.if %cond3A_176 {
          %ge3A = arith.constant 3 : i32
          %ge3A_335 = arith.cmpi sge, %add3A_161, %ge3A : i32
          %convert_element_type3A_336 = arith.extui %ge3A_335 : i1 to i32
          %cond3A_337 = arith.constant 0 : i32
          %cond3A_338 = arith.cmpi ne, %convert_element_type3A_336, %cond3A_337 : i32
          scf.if %cond3A_338 {
            %dma_wait3A_355 = arith.constant 0 : i32
            %dma_wait3A_356 = tpu.memref_slice %arg9[%cond3A_174, %dma_wait3A_355] : memref<8x128xi32, #tpu.memory_space<vmem>> -> memref<1x128xi32, #tpu.memory_space<vmem>>
            %dma_wait3A_357 = tpu.memref_squeeze %dma_wait3A_356 : memref<1x128xi32, #tpu.memory_space<vmem>> -> memref<128xi32, #tpu.memory_space<vmem>>
            %dma_wait3A_358 = arith.constant 0 : i32
            %dma_wait3A_359 = arith.constant 0 : i32
            %dma_wait3A_360 = tpu.memref_slice %arg16[%dma_wait3A_358, %dma_wait3A_359] : memref<10240x128xbf16, #tpu.memory_space<vmem_shared>> -> memref<10240x128xbf16, #tpu.memory_space<vmem_shared>>
            tpu.wait_indirect_dma semaphore(%arg27 : memref<!tpu.dma_semaphore, #tpu.memory_space<semaphore_mem>>) src(%arg13 : memref<128x128xbf16, #tpu.memory_space<vmem>>) dst(%dma_wait3A_360 : memref<10240x128xbf16, #tpu.memory_space<vmem_shared>>)
          } else {
          }
          %ge3A_339 = arith.constant 1 : i32
          %ge3A_340 = arith.cmpi sge, %add3A_157, %ge3A_339 : i32
          %add3A_341 = arith.constant 1 : i32
          %add3A_342 = arith.addi %add3A_157, %add3A_341 : i32
          %lt3A_343 = arith.constant 40 : i32
          %lt3A_344 = arith.cmpi slt, %add3A_342, %lt3A_343 : i32
          %and3A = arith.andi %ge3A_340, %lt3A_344 : i1
          %convert_element_type3A_345 = arith.extui %and3A : i1 to i32
          %cond3A_346 = arith.constant 0 : i32
          %cond3A_347 = arith.cmpi ne, %convert_element_type3A_345, %cond3A_346 : i32
          scf.if %cond3A_347 {
            %add3A_355 = arith.addi %mul3A_42, %add3A_157 : i32
            %add3A_356 = arith.constant 1 : i32
            %add3A_357 = arith.addi %add3A_355, %add3A_356 : i32
            %dma_start3A_358 = arith.constant 0 : i32
            %dma_start3A_359 = arith.constant 0 : i32
            %dma_start3A_360 = tpu.memref_slice %arg5[%add3A_357, %dma_start3A_358, %dma_start3A_359] : memref<640x8x128xi32, #tpu.memory_space<hbm>> -> memref<1x8x128xi32, #tpu.memory_space<hbm>>
            %dma_start3A_361 = tpu.memref_squeeze %dma_start3A_360 : memref<1x8x128xi32, #tpu.memory_space<hbm>> -> memref<8x128xi32, #tpu.memory_space<hbm>>
            %dma_start3A_362 = arith.constant 0 : i32
            %dma_start3A_363 = arith.constant 0 : i32
            %dma_start3A_364 = tpu.memref_slice %arg5[%add3A_357, %dma_start3A_362, %dma_start3A_363] : memref<640x8x128xi32, #tpu.memory_space<hbm>> -> memref<1x8x128xi32, #tpu.memory_space<hbm>>
            %dma_start3A_365 = tpu.memref_squeeze %dma_start3A_364 : memref<1x8x128xi32, #tpu.memory_space<hbm>> -> memref<8x128xi32, #tpu.memory_space<hbm>>
            tpu.enqueue_dma source(%dma_start3A_365 : memref<8x128xi32, #tpu.memory_space<hbm>>) target(%arg9 : memref<8x128xi32, #tpu.memory_space<vmem>>) target_semaphore(%arg19 : memref<!tpu.dma_semaphore, #tpu.memory_space<semaphore_mem>>)
          } else {
          }
          %dma_start3A_348 = arith.constant 6 : i32
          %dma_start3A_349 = arith.constant 0 : i32
          %dma_start3A_350 = tpu.memref_slice %arg8[%dma_start3A_348, %dma_start3A_349] : memref<8x128xi32, #tpu.memory_space<vmem>> -> memref<1x128xi32, #tpu.memory_space<vmem>>
          %dma_start3A_351 = tpu.memref_squeeze %dma_start3A_350 : memref<1x128xi32, #tpu.memory_space<vmem>> -> memref<128xi32, #tpu.memory_space<vmem>>
          %dma_start3A_352 = arith.constant 0 : i32
          %dma_start3A_353 = arith.constant 0 : i32
          %dma_start3A_354 = tpu.memref_slice %arg3[%dma_start3A_352, %dma_start3A_353] : memref<10240x128xbf16, #tpu.memory_space<hbm>> -> memref<10240x128xbf16, #tpu.memory_space<hbm>>
          tpu.enqueue_indirect_dma source(%dma_start3A_354 : memref<10240x128xbf16, #tpu.memory_space<hbm>>) target(%arg13 : memref<128x128xbf16, #tpu.memory_space<vmem>>) offsets(%dma_start3A_351 : memref<128xi32, #tpu.memory_space<vmem>>) semaphore(%arg23 : memref<!tpu.dma_semaphore, #tpu.memory_space<semaphore_mem>>)
        } else {
        }
        %dma_start3A_177 = arith.constant 5 : i32
        %dma_start3A_178 = arith.constant 0 : i32
        %dma_start3A_179 = tpu.memref_slice %arg8[%dma_start3A_177, %dma_start3A_178] : memref<8x128xi32, #tpu.memory_space<vmem>> -> memref<1x128xi32, #tpu.memory_space<vmem>>
        %dma_start3A_180 = tpu.memref_squeeze %dma_start3A_179 : memref<1x128xi32, #tpu.memory_space<vmem>> -> memref<128xi32, #tpu.memory_space<vmem>>
        %dma_start3A_181 = arith.constant 0 : i32
        %dma_start3A_182 = arith.constant 0 : i32
        %dma_start3A_183 = tpu.memref_slice %arg16[%dma_start3A_181, %dma_start3A_182] : memref<10240x128xbf16, #tpu.memory_space<vmem_shared>> -> memref<10240x128xbf16, #tpu.memory_space<vmem_shared>>
        tpu.enqueue_indirect_dma source(%arg12 : memref<128x128xbf16, #tpu.memory_space<vmem>>) target(%dma_start3A_183 : memref<10240x128xbf16, #tpu.memory_space<vmem_shared>>) offsets(%dma_start3A_180 : memref<128xi32, #tpu.memory_space<vmem>>) semaphore(%arg26 : memref<!tpu.dma_semaphore, #tpu.memory_space<semaphore_mem>>) {add = true}
        %mul3A_184 = arith.constant 2 : i32
        %mul3A_185 = arith.muli %mul3A_184, %scan3A_93 : i32
        %add3A_186 = arith.constant 0 : i32
        %add3A_187 = arith.addi %mul3A_185, %add3A_186 : i32
        %mul3A_188 = arith.constant 4 : i32
        %mul3A_189 = arith.muli %mul3A_188, %add3A_187 : i32
        %add3A_190 = arith.constant 3 : i32
        %add3A_191 = arith.addi %mul3A_189, %add3A_190 : i32
        %dma_wait3A_192 = arith.constant 6 : i32
        %dma_wait3A_193 = arith.constant 0 : i32
        %dma_wait3A_194 = tpu.memref_slice %arg8[%dma_wait3A_192, %dma_wait3A_193] : memref<8x128xi32, #tpu.memory_space<vmem>> -> memref<1x128xi32, #tpu.memory_space<vmem>>
        %dma_wait3A_195 = tpu.memref_squeeze %dma_wait3A_194 : memref<1x128xi32, #tpu.memory_space<vmem>> -> memref<128xi32, #tpu.memory_space<vmem>>
        %dma_wait3A_196 = arith.constant 0 : i32
        %dma_wait3A_197 = arith.constant 0 : i32
        %dma_wait3A_198 = tpu.memref_slice %arg3[%dma_wait3A_196, %dma_wait3A_197] : memref<10240x128xbf16, #tpu.memory_space<hbm>> -> memref<10240x128xbf16, #tpu.memory_space<hbm>>
        tpu.wait_indirect_dma semaphore(%arg23 : memref<!tpu.dma_semaphore, #tpu.memory_space<semaphore_mem>>) src(%dma_wait3A_198 : memref<10240x128xbf16, #tpu.memory_space<hbm>>) dst(%arg13 : memref<128x128xbf16, #tpu.memory_space<vmem>>)
        %add3A_199 = arith.constant 1 : i32
        %add3A_200 = arith.addi %add3A_191, %add3A_199 : i32
        %lt3A_201 = arith.constant 160 : i32
        %lt3A_202 = arith.cmpi slt, %add3A_200, %lt3A_201 : i32
        %convert_element_type3A_203 = arith.extui %lt3A_202 : i1 to i32
        %cond3A_204 = arith.constant 1 : i32
        %cond3A_205 = arith.constant 0 : i32
        %cond3A_206 = arith.cmpi ne, %convert_element_type3A_203, %cond3A_205 : i32
        scf.if %cond3A_206 {
          %ge3A = arith.constant 3 : i32
          %ge3A_335 = arith.cmpi sge, %add3A_191, %ge3A : i32
          %convert_element_type3A_336 = arith.extui %ge3A_335 : i1 to i32
          %cond3A_337 = arith.constant 0 : i32
          %cond3A_338 = arith.cmpi ne, %convert_element_type3A_336, %cond3A_337 : i32
          scf.if %cond3A_338 {
            %dma_wait3A_357 = arith.constant 0 : i32
            %dma_wait3A_358 = tpu.memref_slice %arg8[%cond3A_204, %dma_wait3A_357] : memref<8x128xi32, #tpu.memory_space<vmem>> -> memref<1x128xi32, #tpu.memory_space<vmem>>
            %dma_wait3A_359 = tpu.memref_squeeze %dma_wait3A_358 : memref<1x128xi32, #tpu.memory_space<vmem>> -> memref<128xi32, #tpu.memory_space<vmem>>
            %dma_wait3A_360 = arith.constant 0 : i32
            %dma_wait3A_361 = arith.constant 0 : i32
            %dma_wait3A_362 = tpu.memref_slice %arg16[%dma_wait3A_360, %dma_wait3A_361] : memref<10240x128xbf16, #tpu.memory_space<vmem_shared>> -> memref<10240x128xbf16, #tpu.memory_space<vmem_shared>>
            tpu.wait_indirect_dma semaphore(%arg24 : memref<!tpu.dma_semaphore, #tpu.memory_space<semaphore_mem>>) src(%arg10 : memref<128x128xbf16, #tpu.memory_space<vmem>>) dst(%dma_wait3A_362 : memref<10240x128xbf16, #tpu.memory_space<vmem_shared>>)
          } else {
          }
          %add3A_339 = arith.addi %mul3A_42, %add3A_187 : i32
          %add3A_340 = arith.constant 1 : i32
          %add3A_341 = arith.addi %add3A_339, %add3A_340 : i32
          %dma_wait3A_342 = arith.constant 0 : i32
          %dma_wait3A_343 = arith.constant 0 : i32
          %dma_wait3A_344 = tpu.memref_slice %arg5[%add3A_341, %dma_wait3A_342, %dma_wait3A_343] : memref<640x8x128xi32, #tpu.memory_space<hbm>> -> memref<1x8x128xi32, #tpu.memory_space<hbm>>
          %dma_wait3A_345 = tpu.memref_squeeze %dma_wait3A_344 : memref<1x8x128xi32, #tpu.memory_space<hbm>> -> memref<8x128xi32, #tpu.memory_space<hbm>>
          %dma_wait3A_346 = arith.constant 0 : i32
          %dma_wait3A_347 = arith.constant 0 : i32
          %dma_wait3A_348 = tpu.memref_slice %arg5[%add3A_341, %dma_wait3A_346, %dma_wait3A_347] : memref<640x8x128xi32, #tpu.memory_space<hbm>> -> memref<1x8x128xi32, #tpu.memory_space<hbm>>
          %dma_wait3A_349 = tpu.memref_squeeze %dma_wait3A_348 : memref<1x8x128xi32, #tpu.memory_space<hbm>> -> memref<8x128xi32, #tpu.memory_space<hbm>>
          tpu.wait_dma2 semaphore(%arg19 : memref<!tpu.dma_semaphore, #tpu.memory_space<semaphore_mem>>) src(%dma_wait3A_349 : memref<8x128xi32, #tpu.memory_space<hbm>>) dst(%arg9 : memref<8x128xi32, #tpu.memory_space<vmem>>)
          %dma_start3A_350 = arith.constant 0 : i32
          %dma_start3A_351 = arith.constant 0 : i32
          %dma_start3A_352 = tpu.memref_slice %arg9[%dma_start3A_350, %dma_start3A_351] : memref<8x128xi32, #tpu.memory_space<vmem>> -> memref<1x128xi32, #tpu.memory_space<vmem>>
          %dma_start3A_353 = tpu.memref_squeeze %dma_start3A_352 : memref<1x128xi32, #tpu.memory_space<vmem>> -> memref<128xi32, #tpu.memory_space<vmem>>
          %dma_start3A_354 = arith.constant 0 : i32
          %dma_start3A_355 = arith.constant 0 : i32
          %dma_start3A_356 = tpu.memref_slice %arg3[%dma_start3A_354, %dma_start3A_355] : memref<10240x128xbf16, #tpu.memory_space<hbm>> -> memref<10240x128xbf16, #tpu.memory_space<hbm>>
          tpu.enqueue_indirect_dma source(%dma_start3A_356 : memref<10240x128xbf16, #tpu.memory_space<hbm>>) target(%arg10 : memref<128x128xbf16, #tpu.memory_space<vmem>>) offsets(%dma_start3A_353 : memref<128xi32, #tpu.memory_space<vmem>>) semaphore(%arg20 : memref<!tpu.dma_semaphore, #tpu.memory_space<semaphore_mem>>)
        } else {
        }
        %dma_start3A_207 = arith.constant 7 : i32
        %dma_start3A_208 = arith.constant 0 : i32
        %dma_start3A_209 = tpu.memref_slice %arg8[%dma_start3A_207, %dma_start3A_208] : memref<8x128xi32, #tpu.memory_space<vmem>> -> memref<1x128xi32, #tpu.memory_space<vmem>>
        %dma_start3A_210 = tpu.memref_squeeze %dma_start3A_209 : memref<1x128xi32, #tpu.memory_space<vmem>> -> memref<128xi32, #tpu.memory_space<vmem>>
        %dma_start3A_211 = arith.constant 0 : i32
        %dma_start3A_212 = arith.constant 0 : i32
        %dma_start3A_213 = tpu.memref_slice %arg16[%dma_start3A_211, %dma_start3A_212] : memref<10240x128xbf16, #tpu.memory_space<vmem_shared>> -> memref<10240x128xbf16, #tpu.memory_space<vmem_shared>>
        tpu.enqueue_indirect_dma source(%arg13 : memref<128x128xbf16, #tpu.memory_space<vmem>>) target(%dma_start3A_213 : memref<10240x128xbf16, #tpu.memory_space<vmem_shared>>) offsets(%dma_start3A_210 : memref<128xi32, #tpu.memory_space<vmem>>) semaphore(%arg27 : memref<!tpu.dma_semaphore, #tpu.memory_space<semaphore_mem>>) {add = true}
        %mul3A_214 = arith.constant 2 : i32
        %mul3A_215 = arith.muli %mul3A_214, %scan3A_93 : i32
        %add3A_216 = arith.constant 1 : i32
        %add3A_217 = arith.addi %mul3A_215, %add3A_216 : i32
        %mul3A_218 = arith.constant 4 : i32
        %mul3A_219 = arith.muli %mul3A_218, %add3A_217 : i32
        %add3A_220 = arith.constant 0 : i32
        %add3A_221 = arith.addi %mul3A_219, %add3A_220 : i32
        %dma_wait3A_222 = arith.constant 0 : i32
        %dma_wait3A_223 = arith.constant 0 : i32
        %dma_wait3A_224 = tpu.memref_slice %arg9[%dma_wait3A_222, %dma_wait3A_223] : memref<8x128xi32, #tpu.memory_space<vmem>> -> memref<1x128xi32, #tpu.memory_space<vmem>>
        %dma_wait3A_225 = tpu.memref_squeeze %dma_wait3A_224 : memref<1x128xi32, #tpu.memory_space<vmem>> -> memref<128xi32, #tpu.memory_space<vmem>>
        %dma_wait3A_226 = arith.constant 0 : i32
        %dma_wait3A_227 = arith.constant 0 : i32
        %dma_wait3A_228 = tpu.memref_slice %arg3[%dma_wait3A_226, %dma_wait3A_227] : memref<10240x128xbf16, #tpu.memory_space<hbm>> -> memref<10240x128xbf16, #tpu.memory_space<hbm>>
        tpu.wait_indirect_dma semaphore(%arg20 : memref<!tpu.dma_semaphore, #tpu.memory_space<semaphore_mem>>) src(%dma_wait3A_228 : memref<10240x128xbf16, #tpu.memory_space<hbm>>) dst(%arg10 : memref<128x128xbf16, #tpu.memory_space<vmem>>)
        %add3A_229 = arith.constant 1 : i32
        %add3A_230 = arith.addi %add3A_221, %add3A_229 : i32
        %lt3A_231 = arith.constant 160 : i32
        %lt3A_232 = arith.cmpi slt, %add3A_230, %lt3A_231 : i32
        %convert_element_type3A_233 = arith.extui %lt3A_232 : i1 to i32
        %cond3A_234 = arith.constant 3 : i32
        %cond3A_235 = arith.constant 0 : i32
        %cond3A_236 = arith.cmpi ne, %convert_element_type3A_233, %cond3A_235 : i32
        scf.if %cond3A_236 {
          %ge3A = arith.constant 3 : i32
          %ge3A_335 = arith.cmpi sge, %add3A_221, %ge3A : i32
          %convert_element_type3A_336 = arith.extui %ge3A_335 : i1 to i32
          %cond3A_337 = arith.constant 0 : i32
          %cond3A_338 = arith.cmpi ne, %convert_element_type3A_336, %cond3A_337 : i32
          scf.if %cond3A_338 {
            %dma_wait3A_346 = arith.constant 0 : i32
            %dma_wait3A_347 = tpu.memref_slice %arg8[%cond3A_234, %dma_wait3A_346] : memref<8x128xi32, #tpu.memory_space<vmem>> -> memref<1x128xi32, #tpu.memory_space<vmem>>
            %dma_wait3A_348 = tpu.memref_squeeze %dma_wait3A_347 : memref<1x128xi32, #tpu.memory_space<vmem>> -> memref<128xi32, #tpu.memory_space<vmem>>
            %dma_wait3A_349 = arith.constant 0 : i32
            %dma_wait3A_350 = arith.constant 0 : i32
            %dma_wait3A_351 = tpu.memref_slice %arg16[%dma_wait3A_349, %dma_wait3A_350] : memref<10240x128xbf16, #tpu.memory_space<vmem_shared>> -> memref<10240x128xbf16, #tpu.memory_space<vmem_shared>>
            tpu.wait_indirect_dma semaphore(%arg25 : memref<!tpu.dma_semaphore, #tpu.memory_space<semaphore_mem>>) src(%arg11 : memref<128x128xbf16, #tpu.memory_space<vmem>>) dst(%dma_wait3A_351 : memref<10240x128xbf16, #tpu.memory_space<vmem_shared>>)
          } else {
          }
          %dma_start3A_339 = arith.constant 2 : i32
          %dma_start3A_340 = arith.constant 0 : i32
          %dma_start3A_341 = tpu.memref_slice %arg9[%dma_start3A_339, %dma_start3A_340] : memref<8x128xi32, #tpu.memory_space<vmem>> -> memref<1x128xi32, #tpu.memory_space<vmem>>
          %dma_start3A_342 = tpu.memref_squeeze %dma_start3A_341 : memref<1x128xi32, #tpu.memory_space<vmem>> -> memref<128xi32, #tpu.memory_space<vmem>>
          %dma_start3A_343 = arith.constant 0 : i32
          %dma_start3A_344 = arith.constant 0 : i32
          %dma_start3A_345 = tpu.memref_slice %arg3[%dma_start3A_343, %dma_start3A_344] : memref<10240x128xbf16, #tpu.memory_space<hbm>> -> memref<10240x128xbf16, #tpu.memory_space<hbm>>
          tpu.enqueue_indirect_dma source(%dma_start3A_345 : memref<10240x128xbf16, #tpu.memory_space<hbm>>) target(%arg11 : memref<128x128xbf16, #tpu.memory_space<vmem>>) offsets(%dma_start3A_342 : memref<128xi32, #tpu.memory_space<vmem>>) semaphore(%arg21 : memref<!tpu.dma_semaphore, #tpu.memory_space<semaphore_mem>>)
        } else {
        }
        %dma_start3A_237 = arith.constant 1 : i32
        %dma_start3A_238 = arith.constant 0 : i32
        %dma_start3A_239 = tpu.memref_slice %arg9[%dma_start3A_237, %dma_start3A_238] : memref<8x128xi32, #tpu.memory_space<vmem>> -> memref<1x128xi32, #tpu.memory_space<vmem>>
        %dma_start3A_240 = tpu.memref_squeeze %dma_start3A_239 : memref<1x128xi32, #tpu.memory_space<vmem>> -> memref<128xi32, #tpu.memory_space<vmem>>
        %dma_start3A_241 = arith.constant 0 : i32
        %dma_start3A_242 = arith.constant 0 : i32
        %dma_start3A_243 = tpu.memref_slice %arg16[%dma_start3A_241, %dma_start3A_242] : memref<10240x128xbf16, #tpu.memory_space<vmem_shared>> -> memref<10240x128xbf16, #tpu.memory_space<vmem_shared>>
        tpu.enqueue_indirect_dma source(%arg10 : memref<128x128xbf16, #tpu.memory_space<vmem>>) target(%dma_start3A_243 : memref<10240x128xbf16, #tpu.memory_space<vmem_shared>>) offsets(%dma_start3A_240 : memref<128xi32, #tpu.memory_space<vmem>>) semaphore(%arg24 : memref<!tpu.dma_semaphore, #tpu.memory_space<semaphore_mem>>) {add = true}
        %mul3A_244 = arith.constant 2 : i32
        %mul3A_245 = arith.muli %mul3A_244, %scan3A_93 : i32
        %add3A_246 = arith.constant 1 : i32
        %add3A_247 = arith.addi %mul3A_245, %add3A_246 : i32
        %mul3A_248 = arith.constant 4 : i32
        %mul3A_249 = arith.muli %mul3A_248, %add3A_247 : i32
        %add3A_250 = arith.constant 1 : i32
        %add3A_251 = arith.addi %mul3A_249, %add3A_250 : i32
        %dma_wait3A_252 = arith.constant 2 : i32
        %dma_wait3A_253 = arith.constant 0 : i32
        %dma_wait3A_254 = tpu.memref_slice %arg9[%dma_wait3A_252, %dma_wait3A_253] : memref<8x128xi32, #tpu.memory_space<vmem>> -> memref<1x128xi32, #tpu.memory_space<vmem>>
        %dma_wait3A_255 = tpu.memref_squeeze %dma_wait3A_254 : memref<1x128xi32, #tpu.memory_space<vmem>> -> memref<128xi32, #tpu.memory_space<vmem>>
        %dma_wait3A_256 = arith.constant 0 : i32
        %dma_wait3A_257 = arith.constant 0 : i32
        %dma_wait3A_258 = tpu.memref_slice %arg3[%dma_wait3A_256, %dma_wait3A_257] : memref<10240x128xbf16, #tpu.memory_space<hbm>> -> memref<10240x128xbf16, #tpu.memory_space<hbm>>
        tpu.wait_indirect_dma semaphore(%arg21 : memref<!tpu.dma_semaphore, #tpu.memory_space<semaphore_mem>>) src(%dma_wait3A_258 : memref<10240x128xbf16, #tpu.memory_space<hbm>>) dst(%arg11 : memref<128x128xbf16, #tpu.memory_space<vmem>>)
        %add3A_259 = arith.constant 1 : i32
        %add3A_260 = arith.addi %add3A_251, %add3A_259 : i32
        %lt3A_261 = arith.constant 160 : i32
        %lt3A_262 = arith.cmpi slt, %add3A_260, %lt3A_261 : i32
        %convert_element_type3A_263 = arith.extui %lt3A_262 : i1 to i32
        %cond3A_264 = arith.constant 5 : i32
        %cond3A_265 = arith.constant 0 : i32
        %cond3A_266 = arith.cmpi ne, %convert_element_type3A_263, %cond3A_265 : i32
        scf.if %cond3A_266 {
          %ge3A = arith.constant 3 : i32
          %ge3A_335 = arith.cmpi sge, %add3A_251, %ge3A : i32
          %convert_element_type3A_336 = arith.extui %ge3A_335 : i1 to i32
          %cond3A_337 = arith.constant 0 : i32
          %cond3A_338 = arith.cmpi ne, %convert_element_type3A_336, %cond3A_337 : i32
          scf.if %cond3A_338 {
            %dma_wait3A_346 = arith.constant 0 : i32
            %dma_wait3A_347 = tpu.memref_slice %arg8[%cond3A_264, %dma_wait3A_346] : memref<8x128xi32, #tpu.memory_space<vmem>> -> memref<1x128xi32, #tpu.memory_space<vmem>>
            %dma_wait3A_348 = tpu.memref_squeeze %dma_wait3A_347 : memref<1x128xi32, #tpu.memory_space<vmem>> -> memref<128xi32, #tpu.memory_space<vmem>>
            %dma_wait3A_349 = arith.constant 0 : i32
            %dma_wait3A_350 = arith.constant 0 : i32
            %dma_wait3A_351 = tpu.memref_slice %arg16[%dma_wait3A_349, %dma_wait3A_350] : memref<10240x128xbf16, #tpu.memory_space<vmem_shared>> -> memref<10240x128xbf16, #tpu.memory_space<vmem_shared>>
            tpu.wait_indirect_dma semaphore(%arg26 : memref<!tpu.dma_semaphore, #tpu.memory_space<semaphore_mem>>) src(%arg12 : memref<128x128xbf16, #tpu.memory_space<vmem>>) dst(%dma_wait3A_351 : memref<10240x128xbf16, #tpu.memory_space<vmem_shared>>)
          } else {
          }
          %dma_start3A_339 = arith.constant 4 : i32
          %dma_start3A_340 = arith.constant 0 : i32
          %dma_start3A_341 = tpu.memref_slice %arg9[%dma_start3A_339, %dma_start3A_340] : memref<8x128xi32, #tpu.memory_space<vmem>> -> memref<1x128xi32, #tpu.memory_space<vmem>>
          %dma_start3A_342 = tpu.memref_squeeze %dma_start3A_341 : memref<1x128xi32, #tpu.memory_space<vmem>> -> memref<128xi32, #tpu.memory_space<vmem>>
          %dma_start3A_343 = arith.constant 0 : i32
          %dma_start3A_344 = arith.constant 0 : i32
          %dma_start3A_345 = tpu.memref_slice %arg3[%dma_start3A_343, %dma_start3A_344] : memref<10240x128xbf16, #tpu.memory_space<hbm>> -> memref<10240x128xbf16, #tpu.memory_space<hbm>>
          tpu.enqueue_indirect_dma source(%dma_start3A_345 : memref<10240x128xbf16, #tpu.memory_space<hbm>>) target(%arg12 : memref<128x128xbf16, #tpu.memory_space<vmem>>) offsets(%dma_start3A_342 : memref<128xi32, #tpu.memory_space<vmem>>) semaphore(%arg22 : memref<!tpu.dma_semaphore, #tpu.memory_space<semaphore_mem>>)
        } else {
        }
        %dma_start3A_267 = arith.constant 3 : i32
        %dma_start3A_268 = arith.constant 0 : i32
        %dma_start3A_269 = tpu.memref_slice %arg9[%dma_start3A_267, %dma_start3A_268] : memref<8x128xi32, #tpu.memory_space<vmem>> -> memref<1x128xi32, #tpu.memory_space<vmem>>
        %dma_start3A_270 = tpu.memref_squeeze %dma_start3A_269 : memref<1x128xi32, #tpu.memory_space<vmem>> -> memref<128xi32, #tpu.memory_space<vmem>>
        %dma_start3A_271 = arith.constant 0 : i32
        %dma_start3A_272 = arith.constant 0 : i32
        %dma_start3A_273 = tpu.memref_slice %arg16[%dma_start3A_271, %dma_start3A_272] : memref<10240x128xbf16, #tpu.memory_space<vmem_shared>> -> memref<10240x128xbf16, #tpu.memory_space<vmem_shared>>
        tpu.enqueue_indirect_dma source(%arg11 : memref<128x128xbf16, #tpu.memory_space<vmem>>) target(%dma_start3A_273 : memref<10240x128xbf16, #tpu.memory_space<vmem_shared>>) offsets(%dma_start3A_270 : memref<128xi32, #tpu.memory_space<vmem>>) semaphore(%arg25 : memref<!tpu.dma_semaphore, #tpu.memory_space<semaphore_mem>>) {add = true}
        %mul3A_274 = arith.constant 2 : i32
        %mul3A_275 = arith.muli %mul3A_274, %scan3A_93 : i32
        %add3A_276 = arith.constant 1 : i32
        %add3A_277 = arith.addi %mul3A_275, %add3A_276 : i32
        %mul3A_278 = arith.constant 4 : i32
        %mul3A_279 = arith.muli %mul3A_278, %add3A_277 : i32
        %add3A_280 = arith.constant 2 : i32
        %add3A_281 = arith.addi %mul3A_279, %add3A_280 : i32
        %dma_wait3A_282 = arith.constant 4 : i32
        %dma_wait3A_283 = arith.constant 0 : i32
        %dma_wait3A_284 = tpu.memref_slice %arg9[%dma_wait3A_282, %dma_wait3A_283] : memref<8x128xi32, #tpu.memory_space<vmem>> -> memref<1x128xi32, #tpu.memory_space<vmem>>
        %dma_wait3A_285 = tpu.memref_squeeze %dma_wait3A_284 : memref<1x128xi32, #tpu.memory_space<vmem>> -> memref<128xi32, #tpu.memory_space<vmem>>
        %dma_wait3A_286 = arith.constant 0 : i32
        %dma_wait3A_287 = arith.constant 0 : i32
        %dma_wait3A_288 = tpu.memref_slice %arg3[%dma_wait3A_286, %dma_wait3A_287] : memref<10240x128xbf16, #tpu.memory_space<hbm>> -> memref<10240x128xbf16, #tpu.memory_space<hbm>>
        tpu.wait_indirect_dma semaphore(%arg22 : memref<!tpu.dma_semaphore, #tpu.memory_space<semaphore_mem>>) src(%dma_wait3A_288 : memref<10240x128xbf16, #tpu.memory_space<hbm>>) dst(%arg12 : memref<128x128xbf16, #tpu.memory_space<vmem>>)
        %add3A_289 = arith.constant 1 : i32
        %add3A_290 = arith.addi %add3A_281, %add3A_289 : i32
        %lt3A_291 = arith.constant 160 : i32
        %lt3A_292 = arith.cmpi slt, %add3A_290, %lt3A_291 : i32
        %convert_element_type3A_293 = arith.extui %lt3A_292 : i1 to i32
        %cond3A_294 = arith.constant 7 : i32
        %cond3A_295 = arith.constant 0 : i32
        %cond3A_296 = arith.cmpi ne, %convert_element_type3A_293, %cond3A_295 : i32
        scf.if %cond3A_296 {
          %ge3A = arith.constant 3 : i32
          %ge3A_335 = arith.cmpi sge, %add3A_281, %ge3A : i32
          %convert_element_type3A_336 = arith.extui %ge3A_335 : i1 to i32
          %cond3A_337 = arith.constant 0 : i32
          %cond3A_338 = arith.cmpi ne, %convert_element_type3A_336, %cond3A_337 : i32
          scf.if %cond3A_338 {
            %dma_wait3A_355 = arith.constant 0 : i32
            %dma_wait3A_356 = tpu.memref_slice %arg8[%cond3A_294, %dma_wait3A_355] : memref<8x128xi32, #tpu.memory_space<vmem>> -> memref<1x128xi32, #tpu.memory_space<vmem>>
            %dma_wait3A_357 = tpu.memref_squeeze %dma_wait3A_356 : memref<1x128xi32, #tpu.memory_space<vmem>> -> memref<128xi32, #tpu.memory_space<vmem>>
            %dma_wait3A_358 = arith.constant 0 : i32
            %dma_wait3A_359 = arith.constant 0 : i32
            %dma_wait3A_360 = tpu.memref_slice %arg16[%dma_wait3A_358, %dma_wait3A_359] : memref<10240x128xbf16, #tpu.memory_space<vmem_shared>> -> memref<10240x128xbf16, #tpu.memory_space<vmem_shared>>
            tpu.wait_indirect_dma semaphore(%arg27 : memref<!tpu.dma_semaphore, #tpu.memory_space<semaphore_mem>>) src(%arg13 : memref<128x128xbf16, #tpu.memory_space<vmem>>) dst(%dma_wait3A_360 : memref<10240x128xbf16, #tpu.memory_space<vmem_shared>>)
          } else {
          }
          %ge3A_339 = arith.constant 1 : i32
          %ge3A_340 = arith.cmpi sge, %add3A_277, %ge3A_339 : i32
          %add3A_341 = arith.constant 1 : i32
          %add3A_342 = arith.addi %add3A_277, %add3A_341 : i32
          %lt3A_343 = arith.constant 40 : i32
          %lt3A_344 = arith.cmpi slt, %add3A_342, %lt3A_343 : i32
          %and3A = arith.andi %ge3A_340, %lt3A_344 : i1
          %convert_element_type3A_345 = arith.extui %and3A : i1 to i32
          %cond3A_346 = arith.constant 0 : i32
          %cond3A_347 = arith.cmpi ne, %convert_element_type3A_345, %cond3A_346 : i32
          scf.if %cond3A_347 {
            %add3A_355 = arith.addi %mul3A_42, %add3A_277 : i32
            %add3A_356 = arith.constant 1 : i32
            %add3A_357 = arith.addi %add3A_355, %add3A_356 : i32
            %dma_start3A_358 = arith.constant 0 : i32
            %dma_start3A_359 = arith.constant 0 : i32
            %dma_start3A_360 = tpu.memref_slice %arg5[%add3A_357, %dma_start3A_358, %dma_start3A_359] : memref<640x8x128xi32, #tpu.memory_space<hbm>> -> memref<1x8x128xi32, #tpu.memory_space<hbm>>
            %dma_start3A_361 = tpu.memref_squeeze %dma_start3A_360 : memref<1x8x128xi32, #tpu.memory_space<hbm>> -> memref<8x128xi32, #tpu.memory_space<hbm>>
            %dma_start3A_362 = arith.constant 0 : i32
            %dma_start3A_363 = arith.constant 0 : i32
            %dma_start3A_364 = tpu.memref_slice %arg5[%add3A_357, %dma_start3A_362, %dma_start3A_363] : memref<640x8x128xi32, #tpu.memory_space<hbm>> -> memref<1x8x128xi32, #tpu.memory_space<hbm>>
            %dma_start3A_365 = tpu.memref_squeeze %dma_start3A_364 : memref<1x8x128xi32, #tpu.memory_space<hbm>> -> memref<8x128xi32, #tpu.memory_space<hbm>>
            tpu.enqueue_dma source(%dma_start3A_365 : memref<8x128xi32, #tpu.memory_space<hbm>>) target(%arg8 : memref<8x128xi32, #tpu.memory_space<vmem>>) target_semaphore(%arg18 : memref<!tpu.dma_semaphore, #tpu.memory_space<semaphore_mem>>)
          } else {
          }
          %dma_start3A_348 = arith.constant 6 : i32
          %dma_start3A_349 = arith.constant 0 : i32
          %dma_start3A_350 = tpu.memref_slice %arg9[%dma_start3A_348, %dma_start3A_349] : memref<8x128xi32, #tpu.memory_space<vmem>> -> memref<1x128xi32, #tpu.memory_space<vmem>>
          %dma_start3A_351 = tpu.memref_squeeze %dma_start3A_350 : memref<1x128xi32, #tpu.memory_space<vmem>> -> memref<128xi32, #tpu.memory_space<vmem>>
          %dma_start3A_352 = arith.constant 0 : i32
          %dma_start3A_353 = arith.constant 0 : i32
          %dma_start3A_354 = tpu.memref_slice %arg3[%dma_start3A_352, %dma_start3A_353] : memref<10240x128xbf16, #tpu.memory_space<hbm>> -> memref<10240x128xbf16, #tpu.memory_space<hbm>>
          tpu.enqueue_indirect_dma source(%dma_start3A_354 : memref<10240x128xbf16, #tpu.memory_space<hbm>>) target(%arg13 : memref<128x128xbf16, #tpu.memory_space<vmem>>) offsets(%dma_start3A_351 : memref<128xi32, #tpu.memory_space<vmem>>) semaphore(%arg23 : memref<!tpu.dma_semaphore, #tpu.memory_space<semaphore_mem>>)
        } else {
        }
        %dma_start3A_297 = arith.constant 5 : i32
        %dma_start3A_298 = arith.constant 0 : i32
        %dma_start3A_299 = tpu.memref_slice %arg9[%dma_start3A_297, %dma_start3A_298] : memref<8x128xi32, #tpu.memory_space<vmem>> -> memref<1x128xi32, #tpu.memory_space<vmem>>
        %dma_start3A_300 = tpu.memref_squeeze %dma_start3A_299 : memref<1x128xi32, #tpu.memory_space<vmem>> -> memref<128xi32, #tpu.memory_space<vmem>>
        %dma_start3A_301 = arith.constant 0 : i32
        %dma_start3A_302 = arith.constant 0 : i32
        %dma_start3A_303 = tpu.memref_slice %arg16[%dma_start3A_301, %dma_start3A_302] : memref<10240x128xbf16, #tpu.memory_space<vmem_shared>> -> memref<10240x128xbf16, #tpu.memory_space<vmem_shared>>
        tpu.enqueue_indirect_dma source(%arg12 : memref<128x128xbf16, #tpu.memory_space<vmem>>) target(%dma_start3A_303 : memref<10240x128xbf16, #tpu.memory_space<vmem_shared>>) offsets(%dma_start3A_300 : memref<128xi32, #tpu.memory_space<vmem>>) semaphore(%arg26 : memref<!tpu.dma_semaphore, #tpu.memory_space<semaphore_mem>>) {add = true}
        %mul3A_304 = arith.constant 2 : i32
        %mul3A_305 = arith.muli %mul3A_304, %scan3A_93 : i32
        %add3A_306 = arith.constant 1 : i32
        %add3A_307 = arith.addi %mul3A_305, %add3A_306 : i32
        %mul3A_308 = arith.constant 4 : i32
        %mul3A_309 = arith.muli %mul3A_308, %add3A_307 : i32
        %add3A_310 = arith.constant 3 : i32
        %add3A_311 = arith.addi %mul3A_309, %add3A_310 : i32
        %dma_wait3A_312 = arith.constant 6 : i32
        %dma_wait3A_313 = arith.constant 0 : i32
        %dma_wait3A_314 = tpu.memref_slice %arg9[%dma_wait3A_312, %dma_wait3A_313] : memref<8x128xi32, #tpu.memory_space<vmem>> -> memref<1x128xi32, #tpu.memory_space<vmem>>
        %dma_wait3A_315 = tpu.memref_squeeze %dma_wait3A_314 : memref<1x128xi32, #tpu.memory_space<vmem>> -> memref<128xi32, #tpu.memory_space<vmem>>
        %dma_wait3A_316 = arith.constant 0 : i32
        %dma_wait3A_317 = arith.constant 0 : i32
        %dma_wait3A_318 = tpu.memref_slice %arg3[%dma_wait3A_316, %dma_wait3A_317] : memref<10240x128xbf16, #tpu.memory_space<hbm>> -> memref<10240x128xbf16, #tpu.memory_space<hbm>>
        tpu.wait_indirect_dma semaphore(%arg23 : memref<!tpu.dma_semaphore, #tpu.memory_space<semaphore_mem>>) src(%dma_wait3A_318 : memref<10240x128xbf16, #tpu.memory_space<hbm>>) dst(%arg13 : memref<128x128xbf16, #tpu.memory_space<vmem>>)
        %add3A_319 = arith.constant 1 : i32
        %add3A_320 = arith.addi %add3A_311, %add3A_319 : i32
        %lt3A_321 = arith.constant 160 : i32
        %lt3A_322 = arith.cmpi slt, %add3A_320, %lt3A_321 : i32
        %convert_element_type3A_323 = arith.extui %lt3A_322 : i1 to i32
        %cond3A_324 = arith.constant 1 : i32
        %cond3A_325 = arith.constant 0 : i32
        %cond3A_326 = arith.cmpi ne, %convert_element_type3A_323, %cond3A_325 : i32
        scf.if %cond3A_326 {
          %ge3A = arith.constant 3 : i32
          %ge3A_335 = arith.cmpi sge, %add3A_311, %ge3A : i32
          %convert_element_type3A_336 = arith.extui %ge3A_335 : i1 to i32
          %cond3A_337 = arith.constant 0 : i32
          %cond3A_338 = arith.cmpi ne, %convert_element_type3A_336, %cond3A_337 : i32
          scf.if %cond3A_338 {
            %dma_wait3A_357 = arith.constant 0 : i32
            %dma_wait3A_358 = tpu.memref_slice %arg9[%cond3A_324, %dma_wait3A_357] : memref<8x128xi32, #tpu.memory_space<vmem>> -> memref<1x128xi32, #tpu.memory_space<vmem>>
            %dma_wait3A_359 = tpu.memref_squeeze %dma_wait3A_358 : memref<1x128xi32, #tpu.memory_space<vmem>> -> memref<128xi32, #tpu.memory_space<vmem>>
            %dma_wait3A_360 = arith.constant 0 : i32
            %dma_wait3A_361 = arith.constant 0 : i32
            %dma_wait3A_362 = tpu.memref_slice %arg16[%dma_wait3A_360, %dma_wait3A_361] : memref<10240x128xbf16, #tpu.memory_space<vmem_shared>> -> memref<10240x128xbf16, #tpu.memory_space<vmem_shared>>
            tpu.wait_indirect_dma semaphore(%arg24 : memref<!tpu.dma_semaphore, #tpu.memory_space<semaphore_mem>>) src(%arg10 : memref<128x128xbf16, #tpu.memory_space<vmem>>) dst(%dma_wait3A_362 : memref<10240x128xbf16, #tpu.memory_space<vmem_shared>>)
          } else {
          }
          %add3A_339 = arith.addi %mul3A_42, %add3A_307 : i32
          %add3A_340 = arith.constant 1 : i32
          %add3A_341 = arith.addi %add3A_339, %add3A_340 : i32
          %dma_wait3A_342 = arith.constant 0 : i32
          %dma_wait3A_343 = arith.constant 0 : i32
          %dma_wait3A_344 = tpu.memref_slice %arg5[%add3A_341, %dma_wait3A_342, %dma_wait3A_343] : memref<640x8x128xi32, #tpu.memory_space<hbm>> -> memref<1x8x128xi32, #tpu.memory_space<hbm>>
          %dma_wait3A_345 = tpu.memref_squeeze %dma_wait3A_344 : memref<1x8x128xi32, #tpu.memory_space<hbm>> -> memref<8x128xi32, #tpu.memory_space<hbm>>
          %dma_wait3A_346 = arith.constant 0 : i32
          %dma_wait3A_347 = arith.constant 0 : i32
          %dma_wait3A_348 = tpu.memref_slice %arg5[%add3A_341, %dma_wait3A_346, %dma_wait3A_347] : memref<640x8x128xi32, #tpu.memory_space<hbm>> -> memref<1x8x128xi32, #tpu.memory_space<hbm>>
          %dma_wait3A_349 = tpu.memref_squeeze %dma_wait3A_348 : memref<1x8x128xi32, #tpu.memory_space<hbm>> -> memref<8x128xi32, #tpu.memory_space<hbm>>
          tpu.wait_dma2 semaphore(%arg18 : memref<!tpu.dma_semaphore, #tpu.memory_space<semaphore_mem>>) src(%dma_wait3A_349 : memref<8x128xi32, #tpu.memory_space<hbm>>) dst(%arg8 : memref<8x128xi32, #tpu.memory_space<vmem>>)
          %dma_start3A_350 = arith.constant 0 : i32
          %dma_start3A_351 = arith.constant 0 : i32
          %dma_start3A_352 = tpu.memref_slice %arg8[%dma_start3A_350, %dma_start3A_351] : memref<8x128xi32, #tpu.memory_space<vmem>> -> memref<1x128xi32, #tpu.memory_space<vmem>>
          %dma_start3A_353 = tpu.memref_squeeze %dma_start3A_352 : memref<1x128xi32, #tpu.memory_space<vmem>> -> memref<128xi32, #tpu.memory_space<vmem>>
          %dma_start3A_354 = arith.constant 0 : i32
          %dma_start3A_355 = arith.constant 0 : i32
          %dma_start3A_356 = tpu.memref_slice %arg3[%dma_start3A_354, %dma_start3A_355] : memref<10240x128xbf16, #tpu.memory_space<hbm>> -> memref<10240x128xbf16, #tpu.memory_space<hbm>>
          tpu.enqueue_indirect_dma source(%dma_start3A_356 : memref<10240x128xbf16, #tpu.memory_space<hbm>>) target(%arg10 : memref<128x128xbf16, #tpu.memory_space<vmem>>) offsets(%dma_start3A_353 : memref<128xi32, #tpu.memory_space<vmem>>) semaphore(%arg20 : memref<!tpu.dma_semaphore, #tpu.memory_space<semaphore_mem>>)
        } else {
        }
        %dma_start3A_327 = arith.constant 7 : i32
        %dma_start3A_328 = arith.constant 0 : i32
        %dma_start3A_329 = tpu.memref_slice %arg9[%dma_start3A_327, %dma_start3A_328] : memref<8x128xi32, #tpu.memory_space<vmem>> -> memref<1x128xi32, #tpu.memory_space<vmem>>
        %dma_start3A_330 = tpu.memref_squeeze %dma_start3A_329 : memref<1x128xi32, #tpu.memory_space<vmem>> -> memref<128xi32, #tpu.memory_space<vmem>>
        %dma_start3A_331 = arith.constant 0 : i32
        %dma_start3A_332 = arith.constant 0 : i32
        %dma_start3A_333 = tpu.memref_slice %arg16[%dma_start3A_331, %dma_start3A_332] : memref<10240x128xbf16, #tpu.memory_space<vmem_shared>> -> memref<10240x128xbf16, #tpu.memory_space<vmem_shared>>
        tpu.enqueue_indirect_dma source(%arg13 : memref<128x128xbf16, #tpu.memory_space<vmem>>) target(%dma_start3A_333 : memref<10240x128xbf16, #tpu.memory_space<vmem_shared>>) offsets(%dma_start3A_330 : memref<128xi32, #tpu.memory_space<vmem>>) semaphore(%arg27 : memref<!tpu.dma_semaphore, #tpu.memory_space<semaphore_mem>>) {add = true}
        %scan3A_334 = arith.constant 0 : i32
        scf.yield %scan3A_334 : i32
      }
      %scan3A_65 = arith.constant 20 : i32
      %dma_wait3A = arith.constant 1 : i32
      %dma_wait3A_66 = arith.constant 0 : i32
      %dma_wait3A_67 = tpu.memref_slice %arg9[%dma_wait3A, %dma_wait3A_66] : memref<8x128xi32, #tpu.memory_space<vmem>> -> memref<1x128xi32, #tpu.memory_space<vmem>>
      %dma_wait3A_68 = tpu.memref_squeeze %dma_wait3A_67 : memref<1x128xi32, #tpu.memory_space<vmem>> -> memref<128xi32, #tpu.memory_space<vmem>>
      %dma_wait3A_69 = arith.constant 0 : i32
      %dma_wait3A_70 = arith.constant 0 : i32
      %dma_wait3A_71 = tpu.memref_slice %arg16[%dma_wait3A_69, %dma_wait3A_70] : memref<10240x128xbf16, #tpu.memory_space<vmem_shared>> -> memref<10240x128xbf16, #tpu.memory_space<vmem_shared>>
      tpu.wait_indirect_dma semaphore(%arg24 : memref<!tpu.dma_semaphore, #tpu.memory_space<semaphore_mem>>) src(%arg10 : memref<128x128xbf16, #tpu.memory_space<vmem>>) dst(%dma_wait3A_71 : memref<10240x128xbf16, #tpu.memory_space<vmem_shared>>)
      %dma_wait3A_72 = arith.constant 3 : i32
      %dma_wait3A_73 = arith.constant 0 : i32
      %dma_wait3A_74 = tpu.memref_slice %arg9[%dma_wait3A_72, %dma_wait3A_73] : memref<8x128xi32, #tpu.memory_space<vmem>> -> memref<1x128xi32, #tpu.memory_space<vmem>>
      %dma_wait3A_75 = tpu.memref_squeeze %dma_wait3A_74 : memref<1x128xi32, #tpu.memory_space<vmem>> -> memref<128xi32, #tpu.memory_space<vmem>>
      %dma_wait3A_76 = arith.constant 0 : i32
      %dma_wait3A_77 = arith.constant 0 : i32
      %dma_wait3A_78 = tpu.memref_slice %arg16[%dma_wait3A_76, %dma_wait3A_77] : memref<10240x128xbf16, #tpu.memory_space<vmem_shared>> -> memref<10240x128xbf16, #tpu.memory_space<vmem_shared>>
      tpu.wait_indirect_dma semaphore(%arg25 : memref<!tpu.dma_semaphore, #tpu.memory_space<semaphore_mem>>) src(%arg11 : memref<128x128xbf16, #tpu.memory_space<vmem>>) dst(%dma_wait3A_78 : memref<10240x128xbf16, #tpu.memory_space<vmem_shared>>)
      %dma_wait3A_79 = arith.constant 5 : i32
      %dma_wait3A_80 = arith.constant 0 : i32
      %dma_wait3A_81 = tpu.memref_slice %arg9[%dma_wait3A_79, %dma_wait3A_80] : memref<8x128xi32, #tpu.memory_space<vmem>> -> memref<1x128xi32, #tpu.memory_space<vmem>>
      %dma_wait3A_82 = tpu.memref_squeeze %dma_wait3A_81 : memref<1x128xi32, #tpu.memory_space<vmem>> -> memref<128xi32, #tpu.memory_space<vmem>>
      %dma_wait3A_83 = arith.constant 0 : i32
      %dma_wait3A_84 = arith.constant 0 : i32
      %dma_wait3A_85 = tpu.memref_slice %arg16[%dma_wait3A_83, %dma_wait3A_84] : memref<10240x128xbf16, #tpu.memory_space<vmem_shared>> -> memref<10240x128xbf16, #tpu.memory_space<vmem_shared>>
      tpu.wait_indirect_dma semaphore(%arg26 : memref<!tpu.dma_semaphore, #tpu.memory_space<semaphore_mem>>) src(%arg12 : memref<128x128xbf16, #tpu.memory_space<vmem>>) dst(%dma_wait3A_85 : memref<10240x128xbf16, #tpu.memory_space<vmem_shared>>)
      %dma_wait3A_86 = arith.constant 7 : i32
      %dma_wait3A_87 = arith.constant 0 : i32
      %dma_wait3A_88 = tpu.memref_slice %arg9[%dma_wait3A_86, %dma_wait3A_87] : memref<8x128xi32, #tpu.memory_space<vmem>> -> memref<1x128xi32, #tpu.memory_space<vmem>>
      %dma_wait3A_89 = tpu.memref_squeeze %dma_wait3A_88 : memref<1x128xi32, #tpu.memory_space<vmem>> -> memref<128xi32, #tpu.memory_space<vmem>>
      %dma_wait3A_90 = arith.constant 0 : i32
      %dma_wait3A_91 = arith.constant 0 : i32
      %dma_wait3A_92 = tpu.memref_slice %arg16[%dma_wait3A_90, %dma_wait3A_91] : memref<10240x128xbf16, #tpu.memory_space<vmem_shared>> -> memref<10240x128xbf16, #tpu.memory_space<vmem_shared>>
      tpu.wait_indirect_dma semaphore(%arg27 : memref<!tpu.dma_semaphore, #tpu.memory_space<semaphore_mem>>) src(%arg13 : memref<128x128xbf16, #tpu.memory_space<vmem>>) dst(%dma_wait3A_92 : memref<10240x128xbf16, #tpu.memory_space<vmem_shared>>)
    } else {
    }
    %barrier3A_30 = arith.constant 0 : index
    tpu.barrier barrier_id(%barrier3A_30)
    %eq3A_31 = arith.constant 0 : i32
    %eq3A_32 = arith.cmpi eq, %arg0, %eq3A_31 : i32
    %convert_element_type3A_33 = arith.extui %eq3A_32 : i1 to i32
    %cond3A_34 = arith.constant 0 : i32
    %cond3A_35 = arith.cmpi ne, %convert_element_type3A_33, %cond3A_34 : i32
    scf.if %cond3A_35 {
      "tpu.region"() ({
        %run_scoped3A = tpu.sem_alloc : memref<!tpu.dma_semaphore, #tpu.memory_space<semaphore_mem>>
        %dma_start3A = arith.constant 0 : i32
        %dma_start3A_41 = tpu.memref_slice %arg6[%mul3A_0, %dma_start3A] : memref<10240x128xbf16, #tpu.memory_space<hbm>> -> memref<640x128xbf16, #tpu.memory_space<hbm>>
        %dma_start3A_42 = arith.constant 0 : i32
        %dma_start3A_43 = tpu.memref_slice %arg16[%mul3A_0, %dma_start3A_42] : memref<10240x128xbf16, #tpu.memory_space<vmem_shared>> -> memref<640x128xbf16, #tpu.memory_space<vmem_shared>>
        tpu.enqueue_dma source(%dma_start3A_43 : memref<640x128xbf16, #tpu.memory_space<vmem_shared>>) target(%dma_start3A_41 : memref<640x128xbf16, #tpu.memory_space<hbm>>) target_semaphore(%run_scoped3A : memref<!tpu.dma_semaphore, #tpu.memory_space<semaphore_mem>>)
        %dma_wait3A = arith.constant 0 : i32
        %dma_wait3A_44 = tpu.memref_slice %arg6[%mul3A_0, %dma_wait3A] : memref<10240x128xbf16, #tpu.memory_space<hbm>> -> memref<640x128xbf16, #tpu.memory_space<hbm>>
        %dma_wait3A_45 = arith.constant 0 : i32
        %dma_wait3A_46 = tpu.memref_slice %arg16[%mul3A_0, %dma_wait3A_45] : memref<10240x128xbf16, #tpu.memory_space<vmem_shared>> -> memref<640x128xbf16, #tpu.memory_space<vmem_shared>>
        tpu.wait_dma2 semaphore(%run_scoped3A : memref<!tpu.dma_semaphore, #tpu.memory_space<semaphore_mem>>) src(%dma_wait3A_46 : memref<640x128xbf16, #tpu.memory_space<vmem_shared>>) dst(%dma_wait3A_44 : memref<640x128xbf16, #tpu.memory_space<hbm>>)
        tpu.yield
      }) : () -> ()
    } else {
    }
    %eq3A_36 = arith.constant 1 : i32
    %eq3A_37 = arith.cmpi eq, %arg0, %eq3A_36 : i32
    %convert_element_type3A_38 = arith.extui %eq3A_37 : i1 to i32
    %cond3A_39 = arith.constant 0 : i32
    %cond3A_40 = arith.cmpi ne, %convert_element_type3A_38, %cond3A_39 : i32
    scf.if %cond3A_40 {
      "tpu.region"() ({
        %run_scoped3A = tpu.sem_alloc : memref<!tpu.dma_semaphore, #tpu.memory_space<semaphore_mem>>
        %dma_start3A = arith.constant 0 : i32
        %dma_start3A_41 = tpu.memref_slice %arg7[%mul3A_0, %dma_start3A] : memref<10240x128xbf16, #tpu.memory_space<hbm>> -> memref<640x128xbf16, #tpu.memory_space<hbm>>
        %dma_start3A_42 = arith.constant 0 : i32
        %dma_start3A_43 = tpu.memref_slice %arg16[%mul3A_0, %dma_start3A_42] : memref<10240x128xbf16, #tpu.memory_space<vmem_shared>> -> memref<640x128xbf16, #tpu.memory_space<vmem_shared>>
        tpu.enqueue_dma source(%dma_start3A_43 : memref<640x128xbf16, #tpu.memory_space<vmem_shared>>) target(%dma_start3A_41 : memref<640x128xbf16, #tpu.memory_space<hbm>>) target_semaphore(%run_scoped3A : memref<!tpu.dma_semaphore, #tpu.memory_space<semaphore_mem>>)
        %dma_wait3A = arith.constant 0 : i32
        %dma_wait3A_44 = tpu.memref_slice %arg7[%mul3A_0, %dma_wait3A] : memref<10240x128xbf16, #tpu.memory_space<hbm>> -> memref<640x128xbf16, #tpu.memory_space<hbm>>
        %dma_wait3A_45 = arith.constant 0 : i32
        %dma_wait3A_46 = tpu.memref_slice %arg16[%mul3A_0, %dma_wait3A_45] : memref<10240x128xbf16, #tpu.memory_space<vmem_shared>> -> memref<640x128xbf16, #tpu.memory_space<vmem_shared>>
        tpu.wait_dma2 semaphore(%run_scoped3A : memref<!tpu.dma_semaphore, #tpu.memory_space<semaphore_mem>>) src(%dma_wait3A_46 : memref<640x128xbf16, #tpu.memory_space<vmem_shared>>) dst(%dma_wait3A_44 : memref<640x128xbf16, #tpu.memory_space<hbm>>)
        tpu.yield
      }) : () -> ()
    } else {
    }
    return
  }
}

#map = affine_map<(d0, d1) -> (0, 0)>
#map1 = affine_map<(d0, d1) -> (0, 0, 0)>
#map2 = affine_map<(d0, d1) -> (0)>
module attributes {stable_mosaic.version = 14 : i64} {
  func.func @sc_agg(%arg0: i32, %arg1: i32, %arg2: memref<10240x128xbf16, #tpu.memory_space<hbm>>, %arg3: memref<10240x128xbf16, #tpu.memory_space<hbm>>, %arg4: memref<640x8x128xi32, #tpu.memory_space<hbm>>, %arg5: memref<640x8x128xi32, #tpu.memory_space<hbm>>, %arg6: memref<10240x128xbf16, #tpu.memory_space<hbm>>, %arg7: memref<10240x128xbf16, #tpu.memory_space<hbm>>, %arg8: memref<10240xf32, #tpu.memory_space<hbm>>, %arg9: memref<10240xf32, #tpu.memory_space<hbm>>, %arg10: memref<8x128xi32, #tpu.memory_space<vmem>>, %arg11: memref<8x128xi32, #tpu.memory_space<vmem>>, %arg12: memref<128x128xbf16, #tpu.memory_space<vmem>>, %arg13: memref<128x128xbf16, #tpu.memory_space<vmem>>, %arg14: memref<128x128xbf16, #tpu.memory_space<vmem>>, %arg15: memref<128x128xbf16, #tpu.memory_space<vmem>>, %arg16: memref<128xf32, #tpu.memory_space<vmem>>, %arg17: memref<640xf32, #tpu.memory_space<vmem>>, %arg18: memref<10240x128xbf16, #tpu.memory_space<vmem_shared>>, %arg19: memref<10240xf32, #tpu.memory_space<vmem_shared>>, %arg20: memref<!tpu.dma_semaphore, #tpu.memory_space<semaphore_mem>>, %arg21: memref<!tpu.dma_semaphore, #tpu.memory_space<semaphore_mem>>, %arg22: memref<!tpu.dma_semaphore, #tpu.memory_space<semaphore_mem>>, %arg23: memref<!tpu.dma_semaphore, #tpu.memory_space<semaphore_mem>>, %arg24: memref<!tpu.dma_semaphore, #tpu.memory_space<semaphore_mem>>, %arg25: memref<!tpu.dma_semaphore, #tpu.memory_space<semaphore_mem>>, %arg26: memref<!tpu.dma_semaphore, #tpu.memory_space<semaphore_mem>>, %arg27: memref<!tpu.dma_semaphore, #tpu.memory_space<semaphore_mem>>, %arg28: memref<!tpu.dma_semaphore, #tpu.memory_space<semaphore_mem>>, %arg29: memref<!tpu.dma_semaphore, #tpu.memory_space<semaphore_mem>>, %arg30: memref<!tpu.dma_semaphore, #tpu.memory_space<semaphore_mem>>, %arg31: memref<!tpu.dma_semaphore, #tpu.memory_space<semaphore_mem>>, %arg32: memref<!tpu.dma_semaphore, #tpu.memory_space<semaphore_mem>>, %arg33: memref<!tpu.dma_semaphore, #tpu.memory_space<semaphore_mem>>) attributes {dimension_semantics = [#tpu.dimension_semantics<core_parallel>, #tpu.dimension_semantics<subcore_parallel>], iteration_bounds = array<i64: 2, 16>, scalar_prefetch = 0 : i64, scratch_operands = 24 : i64, tpu.core_type = #tpu.core_type<sc_vector_subcore>, window_params = [{transform_indices = #map}, {transform_indices = #map}, {transform_indices = #map1}, {transform_indices = #map1}, {transform_indices = #map}, {transform_indices = #map}, {transform_indices = #map2}, {transform_indices = #map2}]} {
    %mul3A = arith.constant 640 : i32
    %mul3A_0 = arith.muli %arg1, %mul3A : i32
    %scan3A = arith.constant 0 : i32
    %scan3A_1 = arith.constant 0 : i32
    %scan3A_2 = arith.constant 512 : i32
    %scan3A_3 = arith.addi %scan3A_1, %scan3A_2 : i32
    %scan3A_4 = arith.constant 1 : i32
    %scan3A_5 = scf.for %scan3A_48 = %scan3A_1 to %scan3A_3 step %scan3A_4 iter_args(%scan3A_49 = %scan3A) -> (i32)  : i32 {
      %jit3A = arith.constant 4 : i32
      %div3A = arith.divsi %scan3A_48, %jit3A : i32
      %sign3A = arith.constant 0 : i32
      %sign3A_50 = arith.cmpi sgt, %scan3A_48, %sign3A : i32
      %sign3A_51 = arith.extui %sign3A_50 : i1 to i32
      %sign3A_52 = arith.constant 0 : i32
      %sign3A_53 = arith.cmpi slt, %scan3A_48, %sign3A_52 : i32
      %sign3A_54 = arith.extui %sign3A_53 : i1 to i32
      %sign3A_55 = arith.subi %sign3A_51, %sign3A_54 : i32
      %sign3A_56 = arith.constant 0 : i32
      %sign3A_57 = arith.cmpi sgt, %jit3A, %sign3A_56 : i32
      %sign3A_58 = arith.extui %sign3A_57 : i1 to i32
      %sign3A_59 = arith.constant 0 : i32
      %sign3A_60 = arith.cmpi slt, %jit3A, %sign3A_59 : i32
      %sign3A_61 = arith.extui %sign3A_60 : i1 to i32
      %sign3A_62 = arith.subi %sign3A_58, %sign3A_61 : i32
      %ne3A = arith.cmpi ne, %sign3A_55, %sign3A_62 : i32
      %rem3A = arith.remsi %scan3A_48, %jit3A : i32
      %ne3A_63 = arith.constant 0 : i32
      %ne3A_64 = arith.cmpi ne, %rem3A, %ne3A_63 : i32
      %and3A = arith.andi %ne3A, %ne3A_64 : i1
      %sub3A = arith.constant 1 : i32
      %sub3A_65 = arith.subi %div3A, %sub3A : i32
      %select_n3A = arith.select %and3A, %sub3A_65, %div3A : i32
      %jit3A_66 = arith.constant 4 : i32
      %eq3A_67 = arith.constant 0 : i32
      %eq3A_68 = arith.cmpi eq, %jit3A_66, %eq3A_67 : i32
      %jit3A_69 = arith.constant 1 : i32
      %select_n3A_70 = arith.select %eq3A_68, %jit3A_69, %jit3A_66 : i32
      %rem3A_71 = arith.remsi %scan3A_48, %select_n3A_70 : i32
      %ne3A_72 = arith.constant 0 : i32
      %ne3A_73 = arith.cmpi ne, %rem3A_71, %ne3A_72 : i32
      %lt3A = arith.constant 0 : i32
      %lt3A_74 = arith.cmpi slt, %rem3A_71, %lt3A : i32
      %lt3A_75 = arith.constant 0 : i32
      %lt3A_76 = arith.cmpi slt, %select_n3A_70, %lt3A_75 : i32
      %ne3A_77 = arith.xori %lt3A_74, %lt3A_76 : i1
      %and3A_78 = arith.andi %ne3A_77, %ne3A_73 : i1
      %add3A_79 = arith.addi %rem3A_71, %select_n3A_70 : i32
      %select_n3A_80 = arith.select %and3A_78, %add3A_79, %rem3A_71 : i32
      %broadcast_in_dim3A = arith.constant 0.000000e+00 : bf16
      %broadcast_in_dim3A_81 = vector.broadcast %broadcast_in_dim3A : bf16 to vector<32xbf16>
      %mul3A_82 = arith.constant 32 : i32
      %mul3A_83 = arith.muli %select_n3A_80, %mul3A_82 : i32
      %swap3A = arith.index_cast %select_n3A : i32 to index
      %swap3A_84 = arith.index_cast %mul3A_83 : i32 to index
      %swap3A_85 = tpu.vector_load %arg12[%swap3A, %swap3A_84] {strides = array<i32>} : memref<128x128xbf16, #tpu.memory_space<vmem>>, vector<1x32xbf16>,
      %swap3A_86 = vector.shape_cast %swap3A_85 : vector<1x32xbf16> to vector<32xbf16>
      %swap3A_87 = vector.shape_cast %broadcast_in_dim3A_81 : vector<32xbf16> to vector<1x32xbf16>
      tpu.vector_store %arg12[%swap3A, %swap3A_84], %swap3A_87 {strides = array<i32>} : memref<128x128xbf16, #tpu.memory_space<vmem>>, vector<1x32xbf16>,
      %scan3A_88 = arith.constant 0 : i32
      scf.yield %scan3A_88 : i32
    }
    %scan3A_6 = arith.constant 512 : i32
    %scan3A_7 = arith.constant 0 : i32
    %scan3A_8 = arith.constant 0 : i32
    %scan3A_9 = arith.constant 40 : i32
    %scan3A_10 = arith.addi %scan3A_8, %scan3A_9 : i32
    %scan3A_11 = arith.constant 1 : i32
    %scan3A_12 = scf.for %scan3A_48 = %scan3A_8 to %scan3A_10 step %scan3A_11 iter_args(%scan3A_49 = %scan3A_7) -> (i32)  : i32 {
      %broadcast_in_dim3A = arith.constant 0.000000e+00 : f32
      %broadcast_in_dim3A_50 = vector.broadcast %broadcast_in_dim3A : f32 to vector<16xf32>
      %mul3A_51 = arith.constant 16 : i32
      %mul3A_52 = arith.muli %scan3A_48, %mul3A_51 : i32
      %swap3A = arith.index_cast %mul3A_52 : i32 to index
      %swap3A_53 = tpu.vector_load %arg17[%swap3A] {strides = array<i32>} : memref<640xf32, #tpu.memory_space<vmem>>, vector<16xf32>,
      %swap3A_54 = vector.shape_cast %swap3A_53 : vector<16xf32> to vector<16xf32>
      %swap3A_55 = vector.shape_cast %broadcast_in_dim3A_50 : vector<16xf32> to vector<16xf32>
      tpu.vector_store %arg17[%swap3A], %swap3A_55 {strides = array<i32>} : memref<640xf32, #tpu.memory_space<vmem>>, vector<16xf32>,
      %scan3A_56 = arith.constant 0 : i32
      scf.yield %scan3A_56 : i32
    }
    %scan3A_13 = arith.constant 40 : i32
    %scan3A_14 = arith.constant 0 : i32
    %scan3A_15 = arith.constant 0 : i32
    %scan3A_16 = arith.constant 8 : i32
    %scan3A_17 = arith.addi %scan3A_15, %scan3A_16 : i32
    %scan3A_18 = arith.constant 1 : i32
    %scan3A_19 = scf.for %scan3A_48 = %scan3A_15 to %scan3A_17 step %scan3A_18 iter_args(%scan3A_49 = %scan3A_14) -> (i32)  : i32 {
      %broadcast_in_dim3A = arith.constant 1.000000e+00 : f32
      %broadcast_in_dim3A_50 = vector.broadcast %broadcast_in_dim3A : f32 to vector<16xf32>
      %mul3A_51 = arith.constant 16 : i32
      %mul3A_52 = arith.muli %scan3A_48, %mul3A_51 : i32
      %swap3A = arith.index_cast %mul3A_52 : i32 to index
      %swap3A_53 = tpu.vector_load %arg16[%swap3A] {strides = array<i32>} : memref<128xf32, #tpu.memory_space<vmem>>, vector<16xf32>,
      %swap3A_54 = vector.shape_cast %swap3A_53 : vector<16xf32> to vector<16xf32>
      %swap3A_55 = vector.shape_cast %broadcast_in_dim3A_50 : vector<16xf32> to vector<16xf32>
      tpu.vector_store %arg16[%swap3A], %swap3A_55 {strides = array<i32>} : memref<128xf32, #tpu.memory_space<vmem>>, vector<16xf32>,
      %scan3A_56 = arith.constant 0 : i32
      scf.yield %scan3A_56 : i32
    }
    %scan3A_20 = arith.constant 8 : i32
    %add3A = arith.constant 0 : i32
    %add3A_21 = arith.addi %mul3A_0, %add3A : i32
    "tpu.region"() ({
      %run_scoped3A = tpu.sem_alloc : memref<!tpu.dma_semaphore, #tpu.memory_space<semaphore_mem>>
      %dma_start3A = arith.constant 0 : i32
      %dma_start3A_48 = tpu.memref_slice %arg18[%add3A_21, %dma_start3A] : memref<10240x128xbf16, #tpu.memory_space<vmem_shared>> -> memref<128x128xbf16, #tpu.memory_space<vmem_shared>>
      %dma_start3A_49 = arith.constant 0 : i32
      %dma_start3A_50 = tpu.memref_slice %arg18[%add3A_21, %dma_start3A_49] : memref<10240x128xbf16, #tpu.memory_space<vmem_shared>> -> memref<128x128xbf16, #tpu.memory_space<vmem_shared>>
      tpu.enqueue_dma source(%arg12 : memref<128x128xbf16, #tpu.memory_space<vmem>>) target(%dma_start3A_50 : memref<128x128xbf16, #tpu.memory_space<vmem_shared>>) target_semaphore(%run_scoped3A : memref<!tpu.dma_semaphore, #tpu.memory_space<semaphore_mem>>)
      %dma_wait3A = arith.constant 0 : i32
      %dma_wait3A_51 = tpu.memref_slice %arg18[%add3A_21, %dma_wait3A] : memref<10240x128xbf16, #tpu.memory_space<vmem_shared>> -> memref<128x128xbf16, #tpu.memory_space<vmem_shared>>
      %dma_wait3A_52 = arith.constant 0 : i32
      %dma_wait3A_53 = tpu.memref_slice %arg18[%add3A_21, %dma_wait3A_52] : memref<10240x128xbf16, #tpu.memory_space<vmem_shared>> -> memref<128x128xbf16, #tpu.memory_space<vmem_shared>>
      tpu.wait_dma2 semaphore(%run_scoped3A : memref<!tpu.dma_semaphore, #tpu.memory_space<semaphore_mem>>) src(%arg12 : memref<128x128xbf16, #tpu.memory_space<vmem>>) dst(%dma_wait3A_53 : memref<128x128xbf16, #tpu.memory_space<vmem_shared>>)
      tpu.yield
    }) : () -> ()
    %add3A_22 = arith.constant 128 : i32
    %add3A_23 = arith.addi %mul3A_0, %add3A_22 : i32
    "tpu.region"() ({
      %run_scoped3A = tpu.sem_alloc : memref<!tpu.dma_semaphore, #tpu.memory_space<semaphore_mem>>
      %dma_start3A = arith.constant 0 : i32
      %dma_start3A_48 = tpu.memref_slice %arg18[%add3A_23, %dma_start3A] : memref<10240x128xbf16, #tpu.memory_space<vmem_shared>> -> memref<128x128xbf16, #tpu.memory_space<vmem_shared>>
      %dma_start3A_49 = arith.constant 0 : i32
      %dma_start3A_50 = tpu.memref_slice %arg18[%add3A_23, %dma_start3A_49] : memref<10240x128xbf16, #tpu.memory_space<vmem_shared>> -> memref<128x128xbf16, #tpu.memory_space<vmem_shared>>
      tpu.enqueue_dma source(%arg12 : memref<128x128xbf16, #tpu.memory_space<vmem>>) target(%dma_start3A_50 : memref<128x128xbf16, #tpu.memory_space<vmem_shared>>) target_semaphore(%run_scoped3A : memref<!tpu.dma_semaphore, #tpu.memory_space<semaphore_mem>>)
      %dma_wait3A = arith.constant 0 : i32
      %dma_wait3A_51 = tpu.memref_slice %arg18[%add3A_23, %dma_wait3A] : memref<10240x128xbf16, #tpu.memory_space<vmem_shared>> -> memref<128x128xbf16, #tpu.memory_space<vmem_shared>>
      %dma_wait3A_52 = arith.constant 0 : i32
      %dma_wait3A_53 = tpu.memref_slice %arg18[%add3A_23, %dma_wait3A_52] : memref<10240x128xbf16, #tpu.memory_space<vmem_shared>> -> memref<128x128xbf16, #tpu.memory_space<vmem_shared>>
      tpu.wait_dma2 semaphore(%run_scoped3A : memref<!tpu.dma_semaphore, #tpu.memory_space<semaphore_mem>>) src(%arg12 : memref<128x128xbf16, #tpu.memory_space<vmem>>) dst(%dma_wait3A_53 : memref<128x128xbf16, #tpu.memory_space<vmem_shared>>)
      tpu.yield
    }) : () -> ()
    %add3A_24 = arith.constant 256 : i32
    %add3A_25 = arith.addi %mul3A_0, %add3A_24 : i32
    "tpu.region"() ({
      %run_scoped3A = tpu.sem_alloc : memref<!tpu.dma_semaphore, #tpu.memory_space<semaphore_mem>>
      %dma_start3A = arith.constant 0 : i32
      %dma_start3A_48 = tpu.memref_slice %arg18[%add3A_25, %dma_start3A] : memref<10240x128xbf16, #tpu.memory_space<vmem_shared>> -> memref<128x128xbf16, #tpu.memory_space<vmem_shared>>
      %dma_start3A_49 = arith.constant 0 : i32
      %dma_start3A_50 = tpu.memref_slice %arg18[%add3A_25, %dma_start3A_49] : memref<10240x128xbf16, #tpu.memory_space<vmem_shared>> -> memref<128x128xbf16, #tpu.memory_space<vmem_shared>>
      tpu.enqueue_dma source(%arg12 : memref<128x128xbf16, #tpu.memory_space<vmem>>) target(%dma_start3A_50 : memref<128x128xbf16, #tpu.memory_space<vmem_shared>>) target_semaphore(%run_scoped3A : memref<!tpu.dma_semaphore, #tpu.memory_space<semaphore_mem>>)
      %dma_wait3A = arith.constant 0 : i32
      %dma_wait3A_51 = tpu.memref_slice %arg18[%add3A_25, %dma_wait3A] : memref<10240x128xbf16, #tpu.memory_space<vmem_shared>> -> memref<128x128xbf16, #tpu.memory_space<vmem_shared>>
      %dma_wait3A_52 = arith.constant 0 : i32
      %dma_wait3A_53 = tpu.memref_slice %arg18[%add3A_25, %dma_wait3A_52] : memref<10240x128xbf16, #tpu.memory_space<vmem_shared>> -> memref<128x128xbf16, #tpu.memory_space<vmem_shared>>
      tpu.wait_dma2 semaphore(%run_scoped3A : memref<!tpu.dma_semaphore, #tpu.memory_space<semaphore_mem>>) src(%arg12 : memref<128x128xbf16, #tpu.memory_space<vmem>>) dst(%dma_wait3A_53 : memref<128x128xbf16, #tpu.memory_space<vmem_shared>>)
      tpu.yield
    }) : () -> ()
    %add3A_26 = arith.constant 384 : i32
    %add3A_27 = arith.addi %mul3A_0, %add3A_26 : i32
    "tpu.region"() ({
      %run_scoped3A = tpu.sem_alloc : memref<!tpu.dma_semaphore, #tpu.memory_space<semaphore_mem>>
      %dma_start3A = arith.constant 0 : i32
      %dma_start3A_48 = tpu.memref_slice %arg18[%add3A_27, %dma_start3A] : memref<10240x128xbf16, #tpu.memory_space<vmem_shared>> -> memref<128x128xbf16, #tpu.memory_space<vmem_shared>>
      %dma_start3A_49 = arith.constant 0 : i32
      %dma_start3A_50 = tpu.memref_slice %arg18[%add3A_27, %dma_start3A_49] : memref<10240x128xbf16, #tpu.memory_space<vmem_shared>> -> memref<128x128xbf16, #tpu.memory_space<vmem_shared>>
      tpu.enqueue_dma source(%arg12 : memref<128x128xbf16, #tpu.memory_space<vmem>>) target(%dma_start3A_50 : memref<128x128xbf16, #tpu.memory_space<vmem_shared>>) target_semaphore(%run_scoped3A : memref<!tpu.dma_semaphore, #tpu.memory_space<semaphore_mem>>)
      %dma_wait3A = arith.constant 0 : i32
      %dma_wait3A_51 = tpu.memref_slice %arg18[%add3A_27, %dma_wait3A] : memref<10240x128xbf16, #tpu.memory_space<vmem_shared>> -> memref<128x128xbf16, #tpu.memory_space<vmem_shared>>
      %dma_wait3A_52 = arith.constant 0 : i32
      %dma_wait3A_53 = tpu.memref_slice %arg18[%add3A_27, %dma_wait3A_52] : memref<10240x128xbf16, #tpu.memory_space<vmem_shared>> -> memref<128x128xbf16, #tpu.memory_space<vmem_shared>>
      tpu.wait_dma2 semaphore(%run_scoped3A : memref<!tpu.dma_semaphore, #tpu.memory_space<semaphore_mem>>) src(%arg12 : memref<128x128xbf16, #tpu.memory_space<vmem>>) dst(%dma_wait3A_53 : memref<128x128xbf16, #tpu.memory_space<vmem_shared>>)
      tpu.yield
    }) : () -> ()
    %add3A_28 = arith.constant 512 : i32
    %add3A_29 = arith.addi %mul3A_0, %add3A_28 : i32
    "tpu.region"() ({
      %run_scoped3A = tpu.sem_alloc : memref<!tpu.dma_semaphore, #tpu.memory_space<semaphore_mem>>
      %dma_start3A = arith.constant 0 : i32
      %dma_start3A_48 = tpu.memref_slice %arg18[%add3A_29, %dma_start3A] : memref<10240x128xbf16, #tpu.memory_space<vmem_shared>> -> memref<128x128xbf16, #tpu.memory_space<vmem_shared>>
      %dma_start3A_49 = arith.constant 0 : i32
      %dma_start3A_50 = tpu.memref_slice %arg18[%add3A_29, %dma_start3A_49] : memref<10240x128xbf16, #tpu.memory_space<vmem_shared>> -> memref<128x128xbf16, #tpu.memory_space<vmem_shared>>
      tpu.enqueue_dma source(%arg12 : memref<128x128xbf16, #tpu.memory_space<vmem>>) target(%dma_start3A_50 : memref<128x128xbf16, #tpu.memory_space<vmem_shared>>) target_semaphore(%run_scoped3A : memref<!tpu.dma_semaphore, #tpu.memory_space<semaphore_mem>>)
      %dma_wait3A = arith.constant 0 : i32
      %dma_wait3A_51 = tpu.memref_slice %arg18[%add3A_29, %dma_wait3A] : memref<10240x128xbf16, #tpu.memory_space<vmem_shared>> -> memref<128x128xbf16, #tpu.memory_space<vmem_shared>>
      %dma_wait3A_52 = arith.constant 0 : i32
      %dma_wait3A_53 = tpu.memref_slice %arg18[%add3A_29, %dma_wait3A_52] : memref<10240x128xbf16, #tpu.memory_space<vmem_shared>> -> memref<128x128xbf16, #tpu.memory_space<vmem_shared>>
      tpu.wait_dma2 semaphore(%run_scoped3A : memref<!tpu.dma_semaphore, #tpu.memory_space<semaphore_mem>>) src(%arg12 : memref<128x128xbf16, #tpu.memory_space<vmem>>) dst(%dma_wait3A_53 : memref<128x128xbf16, #tpu.memory_space<vmem_shared>>)
      tpu.yield
    }) : () -> ()
    "tpu.region"() ({
      %run_scoped3A = tpu.sem_alloc : memref<!tpu.dma_semaphore, #tpu.memory_space<semaphore_mem>>
      %dma_start3A = tpu.memref_slice %arg19[%mul3A_0] : memref<10240xf32, #tpu.memory_space<vmem_shared>> -> memref<640xf32, #tpu.memory_space<vmem_shared>>
      %dma_start3A_48 = tpu.memref_slice %arg19[%mul3A_0] : memref<10240xf32, #tpu.memory_space<vmem_shared>> -> memref<640xf32, #tpu.memory_space<vmem_shared>>
      tpu.enqueue_dma source(%arg17 : memref<640xf32, #tpu.memory_space<vmem>>) target(%dma_start3A_48 : memref<640xf32, #tpu.memory_space<vmem_shared>>) target_semaphore(%run_scoped3A : memref<!tpu.dma_semaphore, #tpu.memory_space<semaphore_mem>>)
      %dma_wait3A = tpu.memref_slice %arg19[%mul3A_0] : memref<10240xf32, #tpu.memory_space<vmem_shared>> -> memref<640xf32, #tpu.memory_space<vmem_shared>>
      %dma_wait3A_49 = tpu.memref_slice %arg19[%mul3A_0] : memref<10240xf32, #tpu.memory_space<vmem_shared>> -> memref<640xf32, #tpu.memory_space<vmem_shared>>
      tpu.wait_dma2 semaphore(%run_scoped3A : memref<!tpu.dma_semaphore, #tpu.memory_space<semaphore_mem>>) src(%arg17 : memref<640xf32, #tpu.memory_space<vmem>>) dst(%dma_wait3A_49 : memref<640xf32, #tpu.memory_space<vmem_shared>>)
      tpu.yield
    }) : () -> ()
    %barrier3A = arith.constant 0 : index
    tpu.barrier barrier_id(%barrier3A)
    %eq3A = arith.constant 0 : i32
    %eq3A_30 = arith.cmpi eq, %arg0, %eq3A : i32
    %convert_element_type3A = arith.extui %eq3A_30 : i1 to i32
    %cond3A = arith.constant 0 : i32
    %cond3A_31 = arith.cmpi ne, %convert_element_type3A, %cond3A : i32
    scf.if %cond3A_31 {
      %mul3A_48 = arith.constant 40 : i32
      %mul3A_49 = arith.muli %arg1, %mul3A_48 : i32
      "tpu.region"() ({
        %run_scoped3A = tpu.sem_alloc : memref<!tpu.dma_semaphore, #tpu.memory_space<semaphore_mem>>
        %dma_start3A_124 = arith.constant 0 : i32
        %dma_start3A_125 = arith.constant 0 : i32
        %dma_start3A_126 = tpu.memref_slice %arg4[%mul3A_49, %dma_start3A_124, %dma_start3A_125] : memref<640x8x128xi32, #tpu.memory_space<hbm>> -> memref<1x8x128xi32, #tpu.memory_space<hbm>>
        %dma_start3A_127 = tpu.memref_squeeze %dma_start3A_126 : memref<1x8x128xi32, #tpu.memory_space<hbm>> -> memref<8x128xi32, #tpu.memory_space<hbm>>
        %dma_start3A_128 = arith.constant 0 : i32
        %dma_start3A_129 = arith.constant 0 : i32
        %dma_start3A_130 = tpu.memref_slice %arg4[%mul3A_49, %dma_start3A_128, %dma_start3A_129] : memref<640x8x128xi32, #tpu.memory_space<hbm>> -> memref<1x8x128xi32, #tpu.memory_space<hbm>>
        %dma_start3A_131 = tpu.memref_squeeze %dma_start3A_130 : memref<1x8x128xi32, #tpu.memory_space<hbm>> -> memref<8x128xi32, #tpu.memory_space<hbm>>
        tpu.enqueue_dma source(%dma_start3A_131 : memref<8x128xi32, #tpu.memory_space<hbm>>) target(%arg10 : memref<8x128xi32, #tpu.memory_space<vmem>>) target_semaphore(%run_scoped3A : memref<!tpu.dma_semaphore, #tpu.memory_space<semaphore_mem>>)
        %dma_wait3A_132 = arith.constant 0 : i32
        %dma_wait3A_133 = arith.constant 0 : i32
        %dma_wait3A_134 = tpu.memref_slice %arg4[%mul3A_49, %dma_wait3A_132, %dma_wait3A_133] : memref<640x8x128xi32, #tpu.memory_space<hbm>> -> memref<1x8x128xi32, #tpu.memory_space<hbm>>
        %dma_wait3A_135 = tpu.memref_squeeze %dma_wait3A_134 : memref<1x8x128xi32, #tpu.memory_space<hbm>> -> memref<8x128xi32, #tpu.memory_space<hbm>>
        %dma_wait3A_136 = arith.constant 0 : i32
        %dma_wait3A_137 = arith.constant 0 : i32
        %dma_wait3A_138 = tpu.memref_slice %arg4[%mul3A_49, %dma_wait3A_136, %dma_wait3A_137] : memref<640x8x128xi32, #tpu.memory_space<hbm>> -> memref<1x8x128xi32, #tpu.memory_space<hbm>>
        %dma_wait3A_139 = tpu.memref_squeeze %dma_wait3A_138 : memref<1x8x128xi32, #tpu.memory_space<hbm>> -> memref<8x128xi32, #tpu.memory_space<hbm>>
        tpu.wait_dma2 semaphore(%run_scoped3A : memref<!tpu.dma_semaphore, #tpu.memory_space<semaphore_mem>>) src(%dma_wait3A_139 : memref<8x128xi32, #tpu.memory_space<hbm>>) dst(%arg10 : memref<8x128xi32, #tpu.memory_space<vmem>>)
        tpu.yield
      }) : () -> ()
      %add3A_50 = arith.constant 1 : i32
      %add3A_51 = arith.addi %mul3A_49, %add3A_50 : i32
      %dma_start3A = arith.constant 0 : i32
      %dma_start3A_52 = arith.constant 0 : i32
      %dma_start3A_53 = tpu.memref_slice %arg4[%add3A_51, %dma_start3A, %dma_start3A_52] : memref<640x8x128xi32, #tpu.memory_space<hbm>> -> memref<1x8x128xi32, #tpu.memory_space<hbm>>
      %dma_start3A_54 = tpu.memref_squeeze %dma_start3A_53 : memref<1x8x128xi32, #tpu.memory_space<hbm>> -> memref<8x128xi32, #tpu.memory_space<hbm>>
      %dma_start3A_55 = arith.constant 0 : i32
      %dma_start3A_56 = arith.constant 0 : i32
      %dma_start3A_57 = tpu.memref_slice %arg4[%add3A_51, %dma_start3A_55, %dma_start3A_56] : memref<640x8x128xi32, #tpu.memory_space<hbm>> -> memref<1x8x128xi32, #tpu.memory_space<hbm>>
      %dma_start3A_58 = tpu.memref_squeeze %dma_start3A_57 : memref<1x8x128xi32, #tpu.memory_space<hbm>> -> memref<8x128xi32, #tpu.memory_space<hbm>>
      tpu.enqueue_dma source(%dma_start3A_58 : memref<8x128xi32, #tpu.memory_space<hbm>>) target(%arg11 : memref<8x128xi32, #tpu.memory_space<vmem>>) target_semaphore(%arg21 : memref<!tpu.dma_semaphore, #tpu.memory_space<semaphore_mem>>)
      %dma_start3A_59 = arith.constant 0 : i32
      %dma_start3A_60 = arith.constant 0 : i32
      %dma_start3A_61 = tpu.memref_slice %arg10[%dma_start3A_59, %dma_start3A_60] : memref<8x128xi32, #tpu.memory_space<vmem>> -> memref<1x128xi32, #tpu.memory_space<vmem>>
      %dma_start3A_62 = tpu.memref_squeeze %dma_start3A_61 : memref<1x128xi32, #tpu.memory_space<vmem>> -> memref<128xi32, #tpu.memory_space<vmem>>
      %dma_start3A_63 = arith.constant 0 : i32
      %dma_start3A_64 = arith.constant 0 : i32
      %dma_start3A_65 = tpu.memref_slice %arg2[%dma_start3A_63, %dma_start3A_64] : memref<10240x128xbf16, #tpu.memory_space<hbm>> -> memref<10240x128xbf16, #tpu.memory_space<hbm>>
      tpu.enqueue_indirect_dma source(%dma_start3A_65 : memref<10240x128xbf16, #tpu.memory_space<hbm>>) target(%arg12 : memref<128x128xbf16, #tpu.memory_space<vmem>>) offsets(%dma_start3A_62 : memref<128xi32, #tpu.memory_space<vmem>>) semaphore(%arg22 : memref<!tpu.dma_semaphore, #tpu.memory_space<semaphore_mem>>)
      %scan3A_66 = arith.constant 0 : i32
      %scan3A_67 = arith.constant 0 : i32
      %scan3A_68 = arith.constant 20 : i32
      %scan3A_69 = arith.addi %scan3A_67, %scan3A_68 : i32
      %scan3A_70 = arith.constant 1 : i32
      %scan3A_71 = scf.for %scan3A_124 = %scan3A_67 to %scan3A_69 step %scan3A_70 iter_args(%scan3A_125 = %scan3A_66) -> (i32)  : i32 {
        %mul3A_126 = arith.constant 2 : i32
        %mul3A_127 = arith.muli %mul3A_126, %scan3A_124 : i32
        %add3A_128 = arith.constant 0 : i32
        %add3A_129 = arith.addi %mul3A_127, %add3A_128 : i32
        %mul3A_130 = arith.constant 4 : i32
        %mul3A_131 = arith.muli %mul3A_130, %add3A_129 : i32
        %add3A_132 = arith.constant 0 : i32
        %add3A_133 = arith.addi %mul3A_131, %add3A_132 : i32
        %dma_wait3A_134 = arith.constant 0 : i32
        %dma_wait3A_135 = arith.constant 0 : i32
        %dma_wait3A_136 = tpu.memref_slice %arg10[%dma_wait3A_134, %dma_wait3A_135] : memref<8x128xi32, #tpu.memory_space<vmem>> -> memref<1x128xi32, #tpu.memory_space<vmem>>
        %dma_wait3A_137 = tpu.memref_squeeze %dma_wait3A_136 : memref<1x128xi32, #tpu.memory_space<vmem>> -> memref<128xi32, #tpu.memory_space<vmem>>
        %dma_wait3A_138 = arith.constant 0 : i32
        %dma_wait3A_139 = arith.constant 0 : i32
        %dma_wait3A_140 = tpu.memref_slice %arg2[%dma_wait3A_138, %dma_wait3A_139] : memref<10240x128xbf16, #tpu.memory_space<hbm>> -> memref<10240x128xbf16, #tpu.memory_space<hbm>>
        tpu.wait_indirect_dma semaphore(%arg22 : memref<!tpu.dma_semaphore, #tpu.memory_space<semaphore_mem>>) src(%dma_wait3A_140 : memref<10240x128xbf16, #tpu.memory_space<hbm>>) dst(%arg12 : memref<128x128xbf16, #tpu.memory_space<vmem>>)
        %add3A_141 = arith.constant 1 : i32
        %add3A_142 = arith.addi %add3A_133, %add3A_141 : i32
        %lt3A = arith.constant 160 : i32
        %lt3A_143 = arith.cmpi slt, %add3A_142, %lt3A : i32
        %convert_element_type3A_144 = arith.extui %lt3A_143 : i1 to i32
        %cond3A_145 = arith.constant 3 : i32
        %cond3A_146 = arith.constant 0 : i32
        %cond3A_147 = arith.cmpi ne, %convert_element_type3A_144, %cond3A_146 : i32
        scf.if %cond3A_147 {
          %ge3A = arith.constant 3 : i32
          %ge3A_414 = arith.cmpi sge, %add3A_133, %ge3A : i32
          %convert_element_type3A_415 = arith.extui %ge3A_414 : i1 to i32
          %cond3A_416 = arith.constant 0 : i32
          %cond3A_417 = arith.cmpi ne, %convert_element_type3A_415, %cond3A_416 : i32
          scf.if %cond3A_417 {
            %dma_wait3A_425 = arith.constant 0 : i32
            %dma_wait3A_426 = tpu.memref_slice %arg11[%cond3A_145, %dma_wait3A_425] : memref<8x128xi32, #tpu.memory_space<vmem>> -> memref<1x128xi32, #tpu.memory_space<vmem>>
            %dma_wait3A_427 = tpu.memref_squeeze %dma_wait3A_426 : memref<1x128xi32, #tpu.memory_space<vmem>> -> memref<128xi32, #tpu.memory_space<vmem>>
            %dma_wait3A_428 = arith.constant 0 : i32
            %dma_wait3A_429 = arith.constant 0 : i32
            %dma_wait3A_430 = tpu.memref_slice %arg18[%dma_wait3A_428, %dma_wait3A_429] : memref<10240x128xbf16, #tpu.memory_space<vmem_shared>> -> memref<10240x128xbf16, #tpu.memory_space<vmem_shared>>
            tpu.wait_indirect_dma semaphore(%arg27 : memref<!tpu.dma_semaphore, #tpu.memory_space<semaphore_mem>>) src(%arg13 : memref<128x128xbf16, #tpu.memory_space<vmem>>) dst(%dma_wait3A_430 : memref<10240x128xbf16, #tpu.memory_space<vmem_shared>>)
            %dma_wait3A_431 = arith.constant 0 : i32
            %dma_wait3A_432 = tpu.memref_slice %arg11[%cond3A_145, %dma_wait3A_431] : memref<8x128xi32, #tpu.memory_space<vmem>> -> memref<1x128xi32, #tpu.memory_space<vmem>>
            %dma_wait3A_433 = tpu.memref_squeeze %dma_wait3A_432 : memref<1x128xi32, #tpu.memory_space<vmem>> -> memref<128xi32, #tpu.memory_space<vmem>>
            %dma_wait3A_434 = arith.constant 0 : i32
            %dma_wait3A_435 = tpu.memref_slice %arg19[%dma_wait3A_434] : memref<10240xf32, #tpu.memory_space<vmem_shared>> -> memref<10240xf32, #tpu.memory_space<vmem_shared>>
            tpu.wait_indirect_dma semaphore(%arg31 : memref<!tpu.dma_semaphore, #tpu.memory_space<semaphore_mem>>) src(%arg16 : memref<128xf32, #tpu.memory_space<vmem>>) dst(%dma_wait3A_435 : memref<10240xf32, #tpu.memory_space<vmem_shared>>)
          } else {
          }
          %dma_start3A_418 = arith.constant 2 : i32
          %dma_start3A_419 = arith.constant 0 : i32
          %dma_start3A_420 = tpu.memref_slice %arg10[%dma_start3A_418, %dma_start3A_419] : memref<8x128xi32, #tpu.memory_space<vmem>> -> memref<1x128xi32, #tpu.memory_space<vmem>>
          %dma_start3A_421 = tpu.memref_squeeze %dma_start3A_420 : memref<1x128xi32, #tpu.memory_space<vmem>> -> memref<128xi32, #tpu.memory_space<vmem>>
          %dma_start3A_422 = arith.constant 0 : i32
          %dma_start3A_423 = arith.constant 0 : i32
          %dma_start3A_424 = tpu.memref_slice %arg2[%dma_start3A_422, %dma_start3A_423] : memref<10240x128xbf16, #tpu.memory_space<hbm>> -> memref<10240x128xbf16, #tpu.memory_space<hbm>>
          tpu.enqueue_indirect_dma source(%dma_start3A_424 : memref<10240x128xbf16, #tpu.memory_space<hbm>>) target(%arg13 : memref<128x128xbf16, #tpu.memory_space<vmem>>) offsets(%dma_start3A_421 : memref<128xi32, #tpu.memory_space<vmem>>) semaphore(%arg23 : memref<!tpu.dma_semaphore, #tpu.memory_space<semaphore_mem>>)
        } else {
        }
        %dma_start3A_148 = arith.constant 1 : i32
        %dma_start3A_149 = arith.constant 0 : i32
        %dma_start3A_150 = tpu.memref_slice %arg10[%dma_start3A_148, %dma_start3A_149] : memref<8x128xi32, #tpu.memory_space<vmem>> -> memref<1x128xi32, #tpu.memory_space<vmem>>
        %dma_start3A_151 = tpu.memref_squeeze %dma_start3A_150 : memref<1x128xi32, #tpu.memory_space<vmem>> -> memref<128xi32, #tpu.memory_space<vmem>>
        %dma_start3A_152 = arith.constant 0 : i32
        %dma_start3A_153 = arith.constant 0 : i32
        %dma_start3A_154 = tpu.memref_slice %arg18[%dma_start3A_152, %dma_start3A_153] : memref<10240x128xbf16, #tpu.memory_space<vmem_shared>> -> memref<10240x128xbf16, #tpu.memory_space<vmem_shared>>
        tpu.enqueue_indirect_dma source(%arg12 : memref<128x128xbf16, #tpu.memory_space<vmem>>) target(%dma_start3A_154 : memref<10240x128xbf16, #tpu.memory_space<vmem_shared>>) offsets(%dma_start3A_151 : memref<128xi32, #tpu.memory_space<vmem>>) semaphore(%arg26 : memref<!tpu.dma_semaphore, #tpu.memory_space<semaphore_mem>>) {add = true}
        %dma_start3A_155 = arith.constant 1 : i32
        %dma_start3A_156 = arith.constant 0 : i32
        %dma_start3A_157 = tpu.memref_slice %arg10[%dma_start3A_155, %dma_start3A_156] : memref<8x128xi32, #tpu.memory_space<vmem>> -> memref<1x128xi32, #tpu.memory_space<vmem>>
        %dma_start3A_158 = tpu.memref_squeeze %dma_start3A_157 : memref<1x128xi32, #tpu.memory_space<vmem>> -> memref<128xi32, #tpu.memory_space<vmem>>
        %dma_start3A_159 = arith.constant 0 : i32
        %dma_start3A_160 = tpu.memref_slice %arg19[%dma_start3A_159] : memref<10240xf32, #tpu.memory_space<vmem_shared>> -> memref<10240xf32, #tpu.memory_space<vmem_shared>>
        tpu.enqueue_indirect_dma source(%arg16 : memref<128xf32, #tpu.memory_space<vmem>>) target(%dma_start3A_160 : memref<10240xf32, #tpu.memory_space<vmem_shared>>) offsets(%dma_start3A_158 : memref<128xi32, #tpu.memory_space<vmem>>) semaphore(%arg30 : memref<!tpu.dma_semaphore, #tpu.memory_space<semaphore_mem>>) {add = true}
        %mul3A_161 = arith.constant 2 : i32
        %mul3A_162 = arith.muli %mul3A_161, %scan3A_124 : i32
        %add3A_163 = arith.constant 0 : i32
        %add3A_164 = arith.addi %mul3A_162, %add3A_163 : i32
        %mul3A_165 = arith.constant 4 : i32
        %mul3A_166 = arith.muli %mul3A_165, %add3A_164 : i32
        %add3A_167 = arith.constant 1 : i32
        %add3A_168 = arith.addi %mul3A_166, %add3A_167 : i32
        %dma_wait3A_169 = arith.constant 2 : i32
        %dma_wait3A_170 = arith.constant 0 : i32
        %dma_wait3A_171 = tpu.memref_slice %arg10[%dma_wait3A_169, %dma_wait3A_170] : memref<8x128xi32, #tpu.memory_space<vmem>> -> memref<1x128xi32, #tpu.memory_space<vmem>>
        %dma_wait3A_172 = tpu.memref_squeeze %dma_wait3A_171 : memref<1x128xi32, #tpu.memory_space<vmem>> -> memref<128xi32, #tpu.memory_space<vmem>>
        %dma_wait3A_173 = arith.constant 0 : i32
        %dma_wait3A_174 = arith.constant 0 : i32
        %dma_wait3A_175 = tpu.memref_slice %arg2[%dma_wait3A_173, %dma_wait3A_174] : memref<10240x128xbf16, #tpu.memory_space<hbm>> -> memref<10240x128xbf16, #tpu.memory_space<hbm>>
        tpu.wait_indirect_dma semaphore(%arg23 : memref<!tpu.dma_semaphore, #tpu.memory_space<semaphore_mem>>) src(%dma_wait3A_175 : memref<10240x128xbf16, #tpu.memory_space<hbm>>) dst(%arg13 : memref<128x128xbf16, #tpu.memory_space<vmem>>)
        %add3A_176 = arith.constant 1 : i32
        %add3A_177 = arith.addi %add3A_168, %add3A_176 : i32
        %lt3A_178 = arith.constant 160 : i32
        %lt3A_179 = arith.cmpi slt, %add3A_177, %lt3A_178 : i32
        %convert_element_type3A_180 = arith.extui %lt3A_179 : i1 to i32
        %cond3A_181 = arith.constant 5 : i32
        %cond3A_182 = arith.constant 0 : i32
        %cond3A_183 = arith.cmpi ne, %convert_element_type3A_180, %cond3A_182 : i32
        scf.if %cond3A_183 {
          %ge3A = arith.constant 3 : i32
          %ge3A_414 = arith.cmpi sge, %add3A_168, %ge3A : i32
          %convert_element_type3A_415 = arith.extui %ge3A_414 : i1 to i32
          %cond3A_416 = arith.constant 0 : i32
          %cond3A_417 = arith.cmpi ne, %convert_element_type3A_415, %cond3A_416 : i32
          scf.if %cond3A_417 {
            %dma_wait3A_425 = arith.constant 0 : i32
            %dma_wait3A_426 = tpu.memref_slice %arg11[%cond3A_181, %dma_wait3A_425] : memref<8x128xi32, #tpu.memory_space<vmem>> -> memref<1x128xi32, #tpu.memory_space<vmem>>
            %dma_wait3A_427 = tpu.memref_squeeze %dma_wait3A_426 : memref<1x128xi32, #tpu.memory_space<vmem>> -> memref<128xi32, #tpu.memory_space<vmem>>
            %dma_wait3A_428 = arith.constant 0 : i32
            %dma_wait3A_429 = arith.constant 0 : i32
            %dma_wait3A_430 = tpu.memref_slice %arg18[%dma_wait3A_428, %dma_wait3A_429] : memref<10240x128xbf16, #tpu.memory_space<vmem_shared>> -> memref<10240x128xbf16, #tpu.memory_space<vmem_shared>>
            tpu.wait_indirect_dma semaphore(%arg28 : memref<!tpu.dma_semaphore, #tpu.memory_space<semaphore_mem>>) src(%arg14 : memref<128x128xbf16, #tpu.memory_space<vmem>>) dst(%dma_wait3A_430 : memref<10240x128xbf16, #tpu.memory_space<vmem_shared>>)
            %dma_wait3A_431 = arith.constant 0 : i32
            %dma_wait3A_432 = tpu.memref_slice %arg11[%cond3A_181, %dma_wait3A_431] : memref<8x128xi32, #tpu.memory_space<vmem>> -> memref<1x128xi32, #tpu.memory_space<vmem>>
            %dma_wait3A_433 = tpu.memref_squeeze %dma_wait3A_432 : memref<1x128xi32, #tpu.memory_space<vmem>> -> memref<128xi32, #tpu.memory_space<vmem>>
            %dma_wait3A_434 = arith.constant 0 : i32
            %dma_wait3A_435 = tpu.memref_slice %arg19[%dma_wait3A_434] : memref<10240xf32, #tpu.memory_space<vmem_shared>> -> memref<10240xf32, #tpu.memory_space<vmem_shared>>
            tpu.wait_indirect_dma semaphore(%arg32 : memref<!tpu.dma_semaphore, #tpu.memory_space<semaphore_mem>>) src(%arg16 : memref<128xf32, #tpu.memory_space<vmem>>) dst(%dma_wait3A_435 : memref<10240xf32, #tpu.memory_space<vmem_shared>>)
          } else {
          }
          %dma_start3A_418 = arith.constant 4 : i32
          %dma_start3A_419 = arith.constant 0 : i32
          %dma_start3A_420 = tpu.memref_slice %arg10[%dma_start3A_418, %dma_start3A_419] : memref<8x128xi32, #tpu.memory_space<vmem>> -> memref<1x128xi32, #tpu.memory_space<vmem>>
          %dma_start3A_421 = tpu.memref_squeeze %dma_start3A_420 : memref<1x128xi32, #tpu.memory_space<vmem>> -> memref<128xi32, #tpu.memory_space<vmem>>
          %dma_start3A_422 = arith.constant 0 : i32
          %dma_start3A_423 = arith.constant 0 : i32
          %dma_start3A_424 = tpu.memref_slice %arg2[%dma_start3A_422, %dma_start3A_423] : memref<10240x128xbf16, #tpu.memory_space<hbm>> -> memref<10240x128xbf16, #tpu.memory_space<hbm>>
          tpu.enqueue_indirect_dma source(%dma_start3A_424 : memref<10240x128xbf16, #tpu.memory_space<hbm>>) target(%arg14 : memref<128x128xbf16, #tpu.memory_space<vmem>>) offsets(%dma_start3A_421 : memref<128xi32, #tpu.memory_space<vmem>>) semaphore(%arg24 : memref<!tpu.dma_semaphore, #tpu.memory_space<semaphore_mem>>)
        } else {
        }
        %dma_start3A_184 = arith.constant 3 : i32
        %dma_start3A_185 = arith.constant 0 : i32
        %dma_start3A_186 = tpu.memref_slice %arg10[%dma_start3A_184, %dma_start3A_185] : memref<8x128xi32, #tpu.memory_space<vmem>> -> memref<1x128xi32, #tpu.memory_space<vmem>>
        %dma_start3A_187 = tpu.memref_squeeze %dma_start3A_186 : memref<1x128xi32, #tpu.memory_space<vmem>> -> memref<128xi32, #tpu.memory_space<vmem>>
        %dma_start3A_188 = arith.constant 0 : i32
        %dma_start3A_189 = arith.constant 0 : i32
        %dma_start3A_190 = tpu.memref_slice %arg18[%dma_start3A_188, %dma_start3A_189] : memref<10240x128xbf16, #tpu.memory_space<vmem_shared>> -> memref<10240x128xbf16, #tpu.memory_space<vmem_shared>>
        tpu.enqueue_indirect_dma source(%arg13 : memref<128x128xbf16, #tpu.memory_space<vmem>>) target(%dma_start3A_190 : memref<10240x128xbf16, #tpu.memory_space<vmem_shared>>) offsets(%dma_start3A_187 : memref<128xi32, #tpu.memory_space<vmem>>) semaphore(%arg27 : memref<!tpu.dma_semaphore, #tpu.memory_space<semaphore_mem>>) {add = true}
        %dma_start3A_191 = arith.constant 3 : i32
        %dma_start3A_192 = arith.constant 0 : i32
        %dma_start3A_193 = tpu.memref_slice %arg10[%dma_start3A_191, %dma_start3A_192] : memref<8x128xi32, #tpu.memory_space<vmem>> -> memref<1x128xi32, #tpu.memory_space<vmem>>
        %dma_start3A_194 = tpu.memref_squeeze %dma_start3A_193 : memref<1x128xi32, #tpu.memory_space<vmem>> -> memref<128xi32, #tpu.memory_space<vmem>>
        %dma_start3A_195 = arith.constant 0 : i32
        %dma_start3A_196 = tpu.memref_slice %arg19[%dma_start3A_195] : memref<10240xf32, #tpu.memory_space<vmem_shared>> -> memref<10240xf32, #tpu.memory_space<vmem_shared>>
        tpu.enqueue_indirect_dma source(%arg16 : memref<128xf32, #tpu.memory_space<vmem>>) target(%dma_start3A_196 : memref<10240xf32, #tpu.memory_space<vmem_shared>>) offsets(%dma_start3A_194 : memref<128xi32, #tpu.memory_space<vmem>>) semaphore(%arg31 : memref<!tpu.dma_semaphore, #tpu.memory_space<semaphore_mem>>) {add = true}
        %mul3A_197 = arith.constant 2 : i32
        %mul3A_198 = arith.muli %mul3A_197, %scan3A_124 : i32
        %add3A_199 = arith.constant 0 : i32
        %add3A_200 = arith.addi %mul3A_198, %add3A_199 : i32
        %mul3A_201 = arith.constant 4 : i32
        %mul3A_202 = arith.muli %mul3A_201, %add3A_200 : i32
        %add3A_203 = arith.constant 2 : i32
        %add3A_204 = arith.addi %mul3A_202, %add3A_203 : i32
        %dma_wait3A_205 = arith.constant 4 : i32
        %dma_wait3A_206 = arith.constant 0 : i32
        %dma_wait3A_207 = tpu.memref_slice %arg10[%dma_wait3A_205, %dma_wait3A_206] : memref<8x128xi32, #tpu.memory_space<vmem>> -> memref<1x128xi32, #tpu.memory_space<vmem>>
        %dma_wait3A_208 = tpu.memref_squeeze %dma_wait3A_207 : memref<1x128xi32, #tpu.memory_space<vmem>> -> memref<128xi32, #tpu.memory_space<vmem>>
        %dma_wait3A_209 = arith.constant 0 : i32
        %dma_wait3A_210 = arith.constant 0 : i32
        %dma_wait3A_211 = tpu.memref_slice %arg2[%dma_wait3A_209, %dma_wait3A_210] : memref<10240x128xbf16, #tpu.memory_space<hbm>> -> memref<10240x128xbf16, #tpu.memory_space<hbm>>
        tpu.wait_indirect_dma semaphore(%arg24 : memref<!tpu.dma_semaphore, #tpu.memory_space<semaphore_mem>>) src(%dma_wait3A_211 : memref<10240x128xbf16, #tpu.memory_space<hbm>>) dst(%arg14 : memref<128x128xbf16, #tpu.memory_space<vmem>>)
        %add3A_212 = arith.constant 1 : i32
        %add3A_213 = arith.addi %add3A_204, %add3A_212 : i32
        %lt3A_214 = arith.constant 160 : i32
        %lt3A_215 = arith.cmpi slt, %add3A_213, %lt3A_214 : i32
        %convert_element_type3A_216 = arith.extui %lt3A_215 : i1 to i32
        %cond3A_217 = arith.constant 7 : i32
        %cond3A_218 = arith.constant 0 : i32
        %cond3A_219 = arith.cmpi ne, %convert_element_type3A_216, %cond3A_218 : i32
        scf.if %cond3A_219 {
          %ge3A = arith.constant 3 : i32
          %ge3A_414 = arith.cmpi sge, %add3A_204, %ge3A : i32
          %convert_element_type3A_415 = arith.extui %ge3A_414 : i1 to i32
          %cond3A_416 = arith.constant 0 : i32
          %cond3A_417 = arith.cmpi ne, %convert_element_type3A_415, %cond3A_416 : i32
          scf.if %cond3A_417 {
            %dma_wait3A_434 = arith.constant 0 : i32
            %dma_wait3A_435 = tpu.memref_slice %arg11[%cond3A_217, %dma_wait3A_434] : memref<8x128xi32, #tpu.memory_space<vmem>> -> memref<1x128xi32, #tpu.memory_space<vmem>>
            %dma_wait3A_436 = tpu.memref_squeeze %dma_wait3A_435 : memref<1x128xi32, #tpu.memory_space<vmem>> -> memref<128xi32, #tpu.memory_space<vmem>>
            %dma_wait3A_437 = arith.constant 0 : i32
            %dma_wait3A_438 = arith.constant 0 : i32
            %dma_wait3A_439 = tpu.memref_slice %arg18[%dma_wait3A_437, %dma_wait3A_438] : memref<10240x128xbf16, #tpu.memory_space<vmem_shared>> -> memref<10240x128xbf16, #tpu.memory_space<vmem_shared>>
            tpu.wait_indirect_dma semaphore(%arg29 : memref<!tpu.dma_semaphore, #tpu.memory_space<semaphore_mem>>) src(%arg15 : memref<128x128xbf16, #tpu.memory_space<vmem>>) dst(%dma_wait3A_439 : memref<10240x128xbf16, #tpu.memory_space<vmem_shared>>)
            %dma_wait3A_440 = arith.constant 0 : i32
            %dma_wait3A_441 = tpu.memref_slice %arg11[%cond3A_217, %dma_wait3A_440] : memref<8x128xi32, #tpu.memory_space<vmem>> -> memref<1x128xi32, #tpu.memory_space<vmem>>
            %dma_wait3A_442 = tpu.memref_squeeze %dma_wait3A_441 : memref<1x128xi32, #tpu.memory_space<vmem>> -> memref<128xi32, #tpu.memory_space<vmem>>
            %dma_wait3A_443 = arith.constant 0 : i32
            %dma_wait3A_444 = tpu.memref_slice %arg19[%dma_wait3A_443] : memref<10240xf32, #tpu.memory_space<vmem_shared>> -> memref<10240xf32, #tpu.memory_space<vmem_shared>>
            tpu.wait_indirect_dma semaphore(%arg33 : memref<!tpu.dma_semaphore, #tpu.memory_space<semaphore_mem>>) src(%arg16 : memref<128xf32, #tpu.memory_space<vmem>>) dst(%dma_wait3A_444 : memref<10240xf32, #tpu.memory_space<vmem_shared>>)
          } else {
          }
          %ge3A_418 = arith.constant 1 : i32
          %ge3A_419 = arith.cmpi sge, %add3A_200, %ge3A_418 : i32
          %add3A_420 = arith.constant 1 : i32
          %add3A_421 = arith.addi %add3A_200, %add3A_420 : i32
          %lt3A_422 = arith.constant 40 : i32
          %lt3A_423 = arith.cmpi slt, %add3A_421, %lt3A_422 : i32
          %and3A = arith.andi %ge3A_419, %lt3A_423 : i1
          %convert_element_type3A_424 = arith.extui %and3A : i1 to i32
          %cond3A_425 = arith.constant 0 : i32
          %cond3A_426 = arith.cmpi ne, %convert_element_type3A_424, %cond3A_425 : i32
          scf.if %cond3A_426 {
            %add3A_434 = arith.addi %mul3A_49, %add3A_200 : i32
            %add3A_435 = arith.constant 1 : i32
            %add3A_436 = arith.addi %add3A_434, %add3A_435 : i32
            %dma_start3A_437 = arith.constant 0 : i32
            %dma_start3A_438 = arith.constant 0 : i32
            %dma_start3A_439 = tpu.memref_slice %arg4[%add3A_436, %dma_start3A_437, %dma_start3A_438] : memref<640x8x128xi32, #tpu.memory_space<hbm>> -> memref<1x8x128xi32, #tpu.memory_space<hbm>>
            %dma_start3A_440 = tpu.memref_squeeze %dma_start3A_439 : memref<1x8x128xi32, #tpu.memory_space<hbm>> -> memref<8x128xi32, #tpu.memory_space<hbm>>
            %dma_start3A_441 = arith.constant 0 : i32
            %dma_start3A_442 = arith.constant 0 : i32
            %dma_start3A_443 = tpu.memref_slice %arg4[%add3A_436, %dma_start3A_441, %dma_start3A_442] : memref<640x8x128xi32, #tpu.memory_space<hbm>> -> memref<1x8x128xi32, #tpu.memory_space<hbm>>
            %dma_start3A_444 = tpu.memref_squeeze %dma_start3A_443 : memref<1x8x128xi32, #tpu.memory_space<hbm>> -> memref<8x128xi32, #tpu.memory_space<hbm>>
            tpu.enqueue_dma source(%dma_start3A_444 : memref<8x128xi32, #tpu.memory_space<hbm>>) target(%arg11 : memref<8x128xi32, #tpu.memory_space<vmem>>) target_semaphore(%arg21 : memref<!tpu.dma_semaphore, #tpu.memory_space<semaphore_mem>>)
          } else {
          }
          %dma_start3A_427 = arith.constant 6 : i32
          %dma_start3A_428 = arith.constant 0 : i32
          %dma_start3A_429 = tpu.memref_slice %arg10[%dma_start3A_427, %dma_start3A_428] : memref<8x128xi32, #tpu.memory_space<vmem>> -> memref<1x128xi32, #tpu.memory_space<vmem>>
          %dma_start3A_430 = tpu.memref_squeeze %dma_start3A_429 : memref<1x128xi32, #tpu.memory_space<vmem>> -> memref<128xi32, #tpu.memory_space<vmem>>
          %dma_start3A_431 = arith.constant 0 : i32
          %dma_start3A_432 = arith.constant 0 : i32
          %dma_start3A_433 = tpu.memref_slice %arg2[%dma_start3A_431, %dma_start3A_432] : memref<10240x128xbf16, #tpu.memory_space<hbm>> -> memref<10240x128xbf16, #tpu.memory_space<hbm>>
          tpu.enqueue_indirect_dma source(%dma_start3A_433 : memref<10240x128xbf16, #tpu.memory_space<hbm>>) target(%arg15 : memref<128x128xbf16, #tpu.memory_space<vmem>>) offsets(%dma_start3A_430 : memref<128xi32, #tpu.memory_space<vmem>>) semaphore(%arg25 : memref<!tpu.dma_semaphore, #tpu.memory_space<semaphore_mem>>)
        } else {
        }
        %dma_start3A_220 = arith.constant 5 : i32
        %dma_start3A_221 = arith.constant 0 : i32
        %dma_start3A_222 = tpu.memref_slice %arg10[%dma_start3A_220, %dma_start3A_221] : memref<8x128xi32, #tpu.memory_space<vmem>> -> memref<1x128xi32, #tpu.memory_space<vmem>>
        %dma_start3A_223 = tpu.memref_squeeze %dma_start3A_222 : memref<1x128xi32, #tpu.memory_space<vmem>> -> memref<128xi32, #tpu.memory_space<vmem>>
        %dma_start3A_224 = arith.constant 0 : i32
        %dma_start3A_225 = arith.constant 0 : i32
        %dma_start3A_226 = tpu.memref_slice %arg18[%dma_start3A_224, %dma_start3A_225] : memref<10240x128xbf16, #tpu.memory_space<vmem_shared>> -> memref<10240x128xbf16, #tpu.memory_space<vmem_shared>>
        tpu.enqueue_indirect_dma source(%arg14 : memref<128x128xbf16, #tpu.memory_space<vmem>>) target(%dma_start3A_226 : memref<10240x128xbf16, #tpu.memory_space<vmem_shared>>) offsets(%dma_start3A_223 : memref<128xi32, #tpu.memory_space<vmem>>) semaphore(%arg28 : memref<!tpu.dma_semaphore, #tpu.memory_space<semaphore_mem>>) {add = true}
        %dma_start3A_227 = arith.constant 5 : i32
        %dma_start3A_228 = arith.constant 0 : i32
        %dma_start3A_229 = tpu.memref_slice %arg10[%dma_start3A_227, %dma_start3A_228] : memref<8x128xi32, #tpu.memory_space<vmem>> -> memref<1x128xi32, #tpu.memory_space<vmem>>
        %dma_start3A_230 = tpu.memref_squeeze %dma_start3A_229 : memref<1x128xi32, #tpu.memory_space<vmem>> -> memref<128xi32, #tpu.memory_space<vmem>>
        %dma_start3A_231 = arith.constant 0 : i32
        %dma_start3A_232 = tpu.memref_slice %arg19[%dma_start3A_231] : memref<10240xf32, #tpu.memory_space<vmem_shared>> -> memref<10240xf32, #tpu.memory_space<vmem_shared>>
        tpu.enqueue_indirect_dma source(%arg16 : memref<128xf32, #tpu.memory_space<vmem>>) target(%dma_start3A_232 : memref<10240xf32, #tpu.memory_space<vmem_shared>>) offsets(%dma_start3A_230 : memref<128xi32, #tpu.memory_space<vmem>>) semaphore(%arg32 : memref<!tpu.dma_semaphore, #tpu.memory_space<semaphore_mem>>) {add = true}
        %mul3A_233 = arith.constant 2 : i32
        %mul3A_234 = arith.muli %mul3A_233, %scan3A_124 : i32
        %add3A_235 = arith.constant 0 : i32
        %add3A_236 = arith.addi %mul3A_234, %add3A_235 : i32
        %mul3A_237 = arith.constant 4 : i32
        %mul3A_238 = arith.muli %mul3A_237, %add3A_236 : i32
        %add3A_239 = arith.constant 3 : i32
        %add3A_240 = arith.addi %mul3A_238, %add3A_239 : i32
        %dma_wait3A_241 = arith.constant 6 : i32
        %dma_wait3A_242 = arith.constant 0 : i32
        %dma_wait3A_243 = tpu.memref_slice %arg10[%dma_wait3A_241, %dma_wait3A_242] : memref<8x128xi32, #tpu.memory_space<vmem>> -> memref<1x128xi32, #tpu.memory_space<vmem>>
        %dma_wait3A_244 = tpu.memref_squeeze %dma_wait3A_243 : memref<1x128xi32, #tpu.memory_space<vmem>> -> memref<128xi32, #tpu.memory_space<vmem>>
        %dma_wait3A_245 = arith.constant 0 : i32
        %dma_wait3A_246 = arith.constant 0 : i32
        %dma_wait3A_247 = tpu.memref_slice %arg2[%dma_wait3A_245, %dma_wait3A_246] : memref<10240x128xbf16, #tpu.memory_space<hbm>> -> memref<10240x128xbf16, #tpu.memory_space<hbm>>
        tpu.wait_indirect_dma semaphore(%arg25 : memref<!tpu.dma_semaphore, #tpu.memory_space<semaphore_mem>>) src(%dma_wait3A_247 : memref<10240x128xbf16, #tpu.memory_space<hbm>>) dst(%arg15 : memref<128x128xbf16, #tpu.memory_space<vmem>>)
        %add3A_248 = arith.constant 1 : i32
        %add3A_249 = arith.addi %add3A_240, %add3A_248 : i32
        %lt3A_250 = arith.constant 160 : i32
        %lt3A_251 = arith.cmpi slt, %add3A_249, %lt3A_250 : i32
        %convert_element_type3A_252 = arith.extui %lt3A_251 : i1 to i32
        %cond3A_253 = arith.constant 1 : i32
        %cond3A_254 = arith.constant 0 : i32
        %cond3A_255 = arith.cmpi ne, %convert_element_type3A_252, %cond3A_254 : i32
        scf.if %cond3A_255 {
          %ge3A = arith.constant 3 : i32
          %ge3A_414 = arith.cmpi sge, %add3A_240, %ge3A : i32
          %convert_element_type3A_415 = arith.extui %ge3A_414 : i1 to i32
          %cond3A_416 = arith.constant 0 : i32
          %cond3A_417 = arith.cmpi ne, %convert_element_type3A_415, %cond3A_416 : i32
          scf.if %cond3A_417 {
            %dma_wait3A_436 = arith.constant 0 : i32
            %dma_wait3A_437 = tpu.memref_slice %arg10[%cond3A_253, %dma_wait3A_436] : memref<8x128xi32, #tpu.memory_space<vmem>> -> memref<1x128xi32, #tpu.memory_space<vmem>>
            %dma_wait3A_438 = tpu.memref_squeeze %dma_wait3A_437 : memref<1x128xi32, #tpu.memory_space<vmem>> -> memref<128xi32, #tpu.memory_space<vmem>>
            %dma_wait3A_439 = arith.constant 0 : i32
            %dma_wait3A_440 = arith.constant 0 : i32
            %dma_wait3A_441 = tpu.memref_slice %arg18[%dma_wait3A_439, %dma_wait3A_440] : memref<10240x128xbf16, #tpu.memory_space<vmem_shared>> -> memref<10240x128xbf16, #tpu.memory_space<vmem_shared>>
            tpu.wait_indirect_dma semaphore(%arg26 : memref<!tpu.dma_semaphore, #tpu.memory_space<semaphore_mem>>) src(%arg12 : memref<128x128xbf16, #tpu.memory_space<vmem>>) dst(%dma_wait3A_441 : memref<10240x128xbf16, #tpu.memory_space<vmem_shared>>)
            %dma_wait3A_442 = arith.constant 0 : i32
            %dma_wait3A_443 = tpu.memref_slice %arg10[%cond3A_253, %dma_wait3A_442] : memref<8x128xi32, #tpu.memory_space<vmem>> -> memref<1x128xi32, #tpu.memory_space<vmem>>
            %dma_wait3A_444 = tpu.memref_squeeze %dma_wait3A_443 : memref<1x128xi32, #tpu.memory_space<vmem>> -> memref<128xi32, #tpu.memory_space<vmem>>
            %dma_wait3A_445 = arith.constant 0 : i32
            %dma_wait3A_446 = tpu.memref_slice %arg19[%dma_wait3A_445] : memref<10240xf32, #tpu.memory_space<vmem_shared>> -> memref<10240xf32, #tpu.memory_space<vmem_shared>>
            tpu.wait_indirect_dma semaphore(%arg30 : memref<!tpu.dma_semaphore, #tpu.memory_space<semaphore_mem>>) src(%arg16 : memref<128xf32, #tpu.memory_space<vmem>>) dst(%dma_wait3A_446 : memref<10240xf32, #tpu.memory_space<vmem_shared>>)
          } else {
          }
          %add3A_418 = arith.addi %mul3A_49, %add3A_236 : i32
          %add3A_419 = arith.constant 1 : i32
          %add3A_420 = arith.addi %add3A_418, %add3A_419 : i32
          %dma_wait3A_421 = arith.constant 0 : i32
          %dma_wait3A_422 = arith.constant 0 : i32
          %dma_wait3A_423 = tpu.memref_slice %arg4[%add3A_420, %dma_wait3A_421, %dma_wait3A_422] : memref<640x8x128xi32, #tpu.memory_space<hbm>> -> memref<1x8x128xi32, #tpu.memory_space<hbm>>
          %dma_wait3A_424 = tpu.memref_squeeze %dma_wait3A_423 : memref<1x8x128xi32, #tpu.memory_space<hbm>> -> memref<8x128xi32, #tpu.memory_space<hbm>>
          %dma_wait3A_425 = arith.constant 0 : i32
          %dma_wait3A_426 = arith.constant 0 : i32
          %dma_wait3A_427 = tpu.memref_slice %arg4[%add3A_420, %dma_wait3A_425, %dma_wait3A_426] : memref<640x8x128xi32, #tpu.memory_space<hbm>> -> memref<1x8x128xi32, #tpu.memory_space<hbm>>
          %dma_wait3A_428 = tpu.memref_squeeze %dma_wait3A_427 : memref<1x8x128xi32, #tpu.memory_space<hbm>> -> memref<8x128xi32, #tpu.memory_space<hbm>>
          tpu.wait_dma2 semaphore(%arg21 : memref<!tpu.dma_semaphore, #tpu.memory_space<semaphore_mem>>) src(%dma_wait3A_428 : memref<8x128xi32, #tpu.memory_space<hbm>>) dst(%arg11 : memref<8x128xi32, #tpu.memory_space<vmem>>)
          %dma_start3A_429 = arith.constant 0 : i32
          %dma_start3A_430 = arith.constant 0 : i32
          %dma_start3A_431 = tpu.memref_slice %arg11[%dma_start3A_429, %dma_start3A_430] : memref<8x128xi32, #tpu.memory_space<vmem>> -> memref<1x128xi32, #tpu.memory_space<vmem>>
          %dma_start3A_432 = tpu.memref_squeeze %dma_start3A_431 : memref<1x128xi32, #tpu.memory_space<vmem>> -> memref<128xi32, #tpu.memory_space<vmem>>
          %dma_start3A_433 = arith.constant 0 : i32
          %dma_start3A_434 = arith.constant 0 : i32
          %dma_start3A_435 = tpu.memref_slice %arg2[%dma_start3A_433, %dma_start3A_434] : memref<10240x128xbf16, #tpu.memory_space<hbm>> -> memref<10240x128xbf16, #tpu.memory_space<hbm>>
          tpu.enqueue_indirect_dma source(%dma_start3A_435 : memref<10240x128xbf16, #tpu.memory_space<hbm>>) target(%arg12 : memref<128x128xbf16, #tpu.memory_space<vmem>>) offsets(%dma_start3A_432 : memref<128xi32, #tpu.memory_space<vmem>>) semaphore(%arg22 : memref<!tpu.dma_semaphore, #tpu.memory_space<semaphore_mem>>)
        } else {
        }
        %dma_start3A_256 = arith.constant 7 : i32
        %dma_start3A_257 = arith.constant 0 : i32
        %dma_start3A_258 = tpu.memref_slice %arg10[%dma_start3A_256, %dma_start3A_257] : memref<8x128xi32, #tpu.memory_space<vmem>> -> memref<1x128xi32, #tpu.memory_space<vmem>>
        %dma_start3A_259 = tpu.memref_squeeze %dma_start3A_258 : memref<1x128xi32, #tpu.memory_space<vmem>> -> memref<128xi32, #tpu.memory_space<vmem>>
        %dma_start3A_260 = arith.constant 0 : i32
        %dma_start3A_261 = arith.constant 0 : i32
        %dma_start3A_262 = tpu.memref_slice %arg18[%dma_start3A_260, %dma_start3A_261] : memref<10240x128xbf16, #tpu.memory_space<vmem_shared>> -> memref<10240x128xbf16, #tpu.memory_space<vmem_shared>>
        tpu.enqueue_indirect_dma source(%arg15 : memref<128x128xbf16, #tpu.memory_space<vmem>>) target(%dma_start3A_262 : memref<10240x128xbf16, #tpu.memory_space<vmem_shared>>) offsets(%dma_start3A_259 : memref<128xi32, #tpu.memory_space<vmem>>) semaphore(%arg29 : memref<!tpu.dma_semaphore, #tpu.memory_space<semaphore_mem>>) {add = true}
        %dma_start3A_263 = arith.constant 7 : i32
        %dma_start3A_264 = arith.constant 0 : i32
        %dma_start3A_265 = tpu.memref_slice %arg10[%dma_start3A_263, %dma_start3A_264] : memref<8x128xi32, #tpu.memory_space<vmem>> -> memref<1x128xi32, #tpu.memory_space<vmem>>
        %dma_start3A_266 = tpu.memref_squeeze %dma_start3A_265 : memref<1x128xi32, #tpu.memory_space<vmem>> -> memref<128xi32, #tpu.memory_space<vmem>>
        %dma_start3A_267 = arith.constant 0 : i32
        %dma_start3A_268 = tpu.memref_slice %arg19[%dma_start3A_267] : memref<10240xf32, #tpu.memory_space<vmem_shared>> -> memref<10240xf32, #tpu.memory_space<vmem_shared>>
        tpu.enqueue_indirect_dma source(%arg16 : memref<128xf32, #tpu.memory_space<vmem>>) target(%dma_start3A_268 : memref<10240xf32, #tpu.memory_space<vmem_shared>>) offsets(%dma_start3A_266 : memref<128xi32, #tpu.memory_space<vmem>>) semaphore(%arg33 : memref<!tpu.dma_semaphore, #tpu.memory_space<semaphore_mem>>) {add = true}
        %mul3A_269 = arith.constant 2 : i32
        %mul3A_270 = arith.muli %mul3A_269, %scan3A_124 : i32
        %add3A_271 = arith.constant 1 : i32
        %add3A_272 = arith.addi %mul3A_270, %add3A_271 : i32
        %mul3A_273 = arith.constant 4 : i32
        %mul3A_274 = arith.muli %mul3A_273, %add3A_272 : i32
        %add3A_275 = arith.constant 0 : i32
        %add3A_276 = arith.addi %mul3A_274, %add3A_275 : i32
        %dma_wait3A_277 = arith.constant 0 : i32
        %dma_wait3A_278 = arith.constant 0 : i32
        %dma_wait3A_279 = tpu.memref_slice %arg11[%dma_wait3A_277, %dma_wait3A_278] : memref<8x128xi32, #tpu.memory_space<vmem>> -> memref<1x128xi32, #tpu.memory_space<vmem>>
        %dma_wait3A_280 = tpu.memref_squeeze %dma_wait3A_279 : memref<1x128xi32, #tpu.memory_space<vmem>> -> memref<128xi32, #tpu.memory_space<vmem>>
        %dma_wait3A_281 = arith.constant 0 : i32
        %dma_wait3A_282 = arith.constant 0 : i32
        %dma_wait3A_283 = tpu.memref_slice %arg2[%dma_wait3A_281, %dma_wait3A_282] : memref<10240x128xbf16, #tpu.memory_space<hbm>> -> memref<10240x128xbf16, #tpu.memory_space<hbm>>
        tpu.wait_indirect_dma semaphore(%arg22 : memref<!tpu.dma_semaphore, #tpu.memory_space<semaphore_mem>>) src(%dma_wait3A_283 : memref<10240x128xbf16, #tpu.memory_space<hbm>>) dst(%arg12 : memref<128x128xbf16, #tpu.memory_space<vmem>>)
        %add3A_284 = arith.constant 1 : i32
        %add3A_285 = arith.addi %add3A_276, %add3A_284 : i32
        %lt3A_286 = arith.constant 160 : i32
        %lt3A_287 = arith.cmpi slt, %add3A_285, %lt3A_286 : i32
        %convert_element_type3A_288 = arith.extui %lt3A_287 : i1 to i32
        %cond3A_289 = arith.constant 3 : i32
        %cond3A_290 = arith.constant 0 : i32
        %cond3A_291 = arith.cmpi ne, %convert_element_type3A_288, %cond3A_290 : i32
        scf.if %cond3A_291 {
          %ge3A = arith.constant 3 : i32
          %ge3A_414 = arith.cmpi sge, %add3A_276, %ge3A : i32
          %convert_element_type3A_415 = arith.extui %ge3A_414 : i1 to i32
          %cond3A_416 = arith.constant 0 : i32
          %cond3A_417 = arith.cmpi ne, %convert_element_type3A_415, %cond3A_416 : i32
          scf.if %cond3A_417 {
            %dma_wait3A_425 = arith.constant 0 : i32
            %dma_wait3A_426 = tpu.memref_slice %arg10[%cond3A_289, %dma_wait3A_425] : memref<8x128xi32, #tpu.memory_space<vmem>> -> memref<1x128xi32, #tpu.memory_space<vmem>>
            %dma_wait3A_427 = tpu.memref_squeeze %dma_wait3A_426 : memref<1x128xi32, #tpu.memory_space<vmem>> -> memref<128xi32, #tpu.memory_space<vmem>>
            %dma_wait3A_428 = arith.constant 0 : i32
            %dma_wait3A_429 = arith.constant 0 : i32
            %dma_wait3A_430 = tpu.memref_slice %arg18[%dma_wait3A_428, %dma_wait3A_429] : memref<10240x128xbf16, #tpu.memory_space<vmem_shared>> -> memref<10240x128xbf16, #tpu.memory_space<vmem_shared>>
            tpu.wait_indirect_dma semaphore(%arg27 : memref<!tpu.dma_semaphore, #tpu.memory_space<semaphore_mem>>) src(%arg13 : memref<128x128xbf16, #tpu.memory_space<vmem>>) dst(%dma_wait3A_430 : memref<10240x128xbf16, #tpu.memory_space<vmem_shared>>)
            %dma_wait3A_431 = arith.constant 0 : i32
            %dma_wait3A_432 = tpu.memref_slice %arg10[%cond3A_289, %dma_wait3A_431] : memref<8x128xi32, #tpu.memory_space<vmem>> -> memref<1x128xi32, #tpu.memory_space<vmem>>
            %dma_wait3A_433 = tpu.memref_squeeze %dma_wait3A_432 : memref<1x128xi32, #tpu.memory_space<vmem>> -> memref<128xi32, #tpu.memory_space<vmem>>
            %dma_wait3A_434 = arith.constant 0 : i32
            %dma_wait3A_435 = tpu.memref_slice %arg19[%dma_wait3A_434] : memref<10240xf32, #tpu.memory_space<vmem_shared>> -> memref<10240xf32, #tpu.memory_space<vmem_shared>>
            tpu.wait_indirect_dma semaphore(%arg31 : memref<!tpu.dma_semaphore, #tpu.memory_space<semaphore_mem>>) src(%arg16 : memref<128xf32, #tpu.memory_space<vmem>>) dst(%dma_wait3A_435 : memref<10240xf32, #tpu.memory_space<vmem_shared>>)
          } else {
          }
          %dma_start3A_418 = arith.constant 2 : i32
          %dma_start3A_419 = arith.constant 0 : i32
          %dma_start3A_420 = tpu.memref_slice %arg11[%dma_start3A_418, %dma_start3A_419] : memref<8x128xi32, #tpu.memory_space<vmem>> -> memref<1x128xi32, #tpu.memory_space<vmem>>
          %dma_start3A_421 = tpu.memref_squeeze %dma_start3A_420 : memref<1x128xi32, #tpu.memory_space<vmem>> -> memref<128xi32, #tpu.memory_space<vmem>>
          %dma_start3A_422 = arith.constant 0 : i32
          %dma_start3A_423 = arith.constant 0 : i32
          %dma_start3A_424 = tpu.memref_slice %arg2[%dma_start3A_422, %dma_start3A_423] : memref<10240x128xbf16, #tpu.memory_space<hbm>> -> memref<10240x128xbf16, #tpu.memory_space<hbm>>
          tpu.enqueue_indirect_dma source(%dma_start3A_424 : memref<10240x128xbf16, #tpu.memory_space<hbm>>) target(%arg13 : memref<128x128xbf16, #tpu.memory_space<vmem>>) offsets(%dma_start3A_421 : memref<128xi32, #tpu.memory_space<vmem>>) semaphore(%arg23 : memref<!tpu.dma_semaphore, #tpu.memory_space<semaphore_mem>>)
        } else {
        }
        %dma_start3A_292 = arith.constant 1 : i32
        %dma_start3A_293 = arith.constant 0 : i32
        %dma_start3A_294 = tpu.memref_slice %arg11[%dma_start3A_292, %dma_start3A_293] : memref<8x128xi32, #tpu.memory_space<vmem>> -> memref<1x128xi32, #tpu.memory_space<vmem>>
        %dma_start3A_295 = tpu.memref_squeeze %dma_start3A_294 : memref<1x128xi32, #tpu.memory_space<vmem>> -> memref<128xi32, #tpu.memory_space<vmem>>
        %dma_start3A_296 = arith.constant 0 : i32
        %dma_start3A_297 = arith.constant 0 : i32
        %dma_start3A_298 = tpu.memref_slice %arg18[%dma_start3A_296, %dma_start3A_297] : memref<10240x128xbf16, #tpu.memory_space<vmem_shared>> -> memref<10240x128xbf16, #tpu.memory_space<vmem_shared>>
        tpu.enqueue_indirect_dma source(%arg12 : memref<128x128xbf16, #tpu.memory_space<vmem>>) target(%dma_start3A_298 : memref<10240x128xbf16, #tpu.memory_space<vmem_shared>>) offsets(%dma_start3A_295 : memref<128xi32, #tpu.memory_space<vmem>>) semaphore(%arg26 : memref<!tpu.dma_semaphore, #tpu.memory_space<semaphore_mem>>) {add = true}
        %dma_start3A_299 = arith.constant 1 : i32
        %dma_start3A_300 = arith.constant 0 : i32
        %dma_start3A_301 = tpu.memref_slice %arg11[%dma_start3A_299, %dma_start3A_300] : memref<8x128xi32, #tpu.memory_space<vmem>> -> memref<1x128xi32, #tpu.memory_space<vmem>>
        %dma_start3A_302 = tpu.memref_squeeze %dma_start3A_301 : memref<1x128xi32, #tpu.memory_space<vmem>> -> memref<128xi32, #tpu.memory_space<vmem>>
        %dma_start3A_303 = arith.constant 0 : i32
        %dma_start3A_304 = tpu.memref_slice %arg19[%dma_start3A_303] : memref<10240xf32, #tpu.memory_space<vmem_shared>> -> memref<10240xf32, #tpu.memory_space<vmem_shared>>
        tpu.enqueue_indirect_dma source(%arg16 : memref<128xf32, #tpu.memory_space<vmem>>) target(%dma_start3A_304 : memref<10240xf32, #tpu.memory_space<vmem_shared>>) offsets(%dma_start3A_302 : memref<128xi32, #tpu.memory_space<vmem>>) semaphore(%arg30 : memref<!tpu.dma_semaphore, #tpu.memory_space<semaphore_mem>>) {add = true}
        %mul3A_305 = arith.constant 2 : i32
        %mul3A_306 = arith.muli %mul3A_305, %scan3A_124 : i32
        %add3A_307 = arith.constant 1 : i32
        %add3A_308 = arith.addi %mul3A_306, %add3A_307 : i32
        %mul3A_309 = arith.constant 4 : i32
        %mul3A_310 = arith.muli %mul3A_309, %add3A_308 : i32
        %add3A_311 = arith.constant 1 : i32
        %add3A_312 = arith.addi %mul3A_310, %add3A_311 : i32
        %dma_wait3A_313 = arith.constant 2 : i32
        %dma_wait3A_314 = arith.constant 0 : i32
        %dma_wait3A_315 = tpu.memref_slice %arg11[%dma_wait3A_313, %dma_wait3A_314] : memref<8x128xi32, #tpu.memory_space<vmem>> -> memref<1x128xi32, #tpu.memory_space<vmem>>
        %dma_wait3A_316 = tpu.memref_squeeze %dma_wait3A_315 : memref<1x128xi32, #tpu.memory_space<vmem>> -> memref<128xi32, #tpu.memory_space<vmem>>
        %dma_wait3A_317 = arith.constant 0 : i32
        %dma_wait3A_318 = arith.constant 0 : i32
        %dma_wait3A_319 = tpu.memref_slice %arg2[%dma_wait3A_317, %dma_wait3A_318] : memref<10240x128xbf16, #tpu.memory_space<hbm>> -> memref<10240x128xbf16, #tpu.memory_space<hbm>>
        tpu.wait_indirect_dma semaphore(%arg23 : memref<!tpu.dma_semaphore, #tpu.memory_space<semaphore_mem>>) src(%dma_wait3A_319 : memref<10240x128xbf16, #tpu.memory_space<hbm>>) dst(%arg13 : memref<128x128xbf16, #tpu.memory_space<vmem>>)
        %add3A_320 = arith.constant 1 : i32
        %add3A_321 = arith.addi %add3A_312, %add3A_320 : i32
        %lt3A_322 = arith.constant 160 : i32
        %lt3A_323 = arith.cmpi slt, %add3A_321, %lt3A_322 : i32
        %convert_element_type3A_324 = arith.extui %lt3A_323 : i1 to i32
        %cond3A_325 = arith.constant 5 : i32
        %cond3A_326 = arith.constant 0 : i32
        %cond3A_327 = arith.cmpi ne, %convert_element_type3A_324, %cond3A_326 : i32
        scf.if %cond3A_327 {
          %ge3A = arith.constant 3 : i32
          %ge3A_414 = arith.cmpi sge, %add3A_312, %ge3A : i32
          %convert_element_type3A_415 = arith.extui %ge3A_414 : i1 to i32
          %cond3A_416 = arith.constant 0 : i32
          %cond3A_417 = arith.cmpi ne, %convert_element_type3A_415, %cond3A_416 : i32
          scf.if %cond3A_417 {
            %dma_wait3A_425 = arith.constant 0 : i32
            %dma_wait3A_426 = tpu.memref_slice %arg10[%cond3A_325, %dma_wait3A_425] : memref<8x128xi32, #tpu.memory_space<vmem>> -> memref<1x128xi32, #tpu.memory_space<vmem>>
            %dma_wait3A_427 = tpu.memref_squeeze %dma_wait3A_426 : memref<1x128xi32, #tpu.memory_space<vmem>> -> memref<128xi32, #tpu.memory_space<vmem>>
            %dma_wait3A_428 = arith.constant 0 : i32
            %dma_wait3A_429 = arith.constant 0 : i32
            %dma_wait3A_430 = tpu.memref_slice %arg18[%dma_wait3A_428, %dma_wait3A_429] : memref<10240x128xbf16, #tpu.memory_space<vmem_shared>> -> memref<10240x128xbf16, #tpu.memory_space<vmem_shared>>
            tpu.wait_indirect_dma semaphore(%arg28 : memref<!tpu.dma_semaphore, #tpu.memory_space<semaphore_mem>>) src(%arg14 : memref<128x128xbf16, #tpu.memory_space<vmem>>) dst(%dma_wait3A_430 : memref<10240x128xbf16, #tpu.memory_space<vmem_shared>>)
            %dma_wait3A_431 = arith.constant 0 : i32
            %dma_wait3A_432 = tpu.memref_slice %arg10[%cond3A_325, %dma_wait3A_431] : memref<8x128xi32, #tpu.memory_space<vmem>> -> memref<1x128xi32, #tpu.memory_space<vmem>>
            %dma_wait3A_433 = tpu.memref_squeeze %dma_wait3A_432 : memref<1x128xi32, #tpu.memory_space<vmem>> -> memref<128xi32, #tpu.memory_space<vmem>>
            %dma_wait3A_434 = arith.constant 0 : i32
            %dma_wait3A_435 = tpu.memref_slice %arg19[%dma_wait3A_434] : memref<10240xf32, #tpu.memory_space<vmem_shared>> -> memref<10240xf32, #tpu.memory_space<vmem_shared>>
            tpu.wait_indirect_dma semaphore(%arg32 : memref<!tpu.dma_semaphore, #tpu.memory_space<semaphore_mem>>) src(%arg16 : memref<128xf32, #tpu.memory_space<vmem>>) dst(%dma_wait3A_435 : memref<10240xf32, #tpu.memory_space<vmem_shared>>)
          } else {
          }
          %dma_start3A_418 = arith.constant 4 : i32
          %dma_start3A_419 = arith.constant 0 : i32
          %dma_start3A_420 = tpu.memref_slice %arg11[%dma_start3A_418, %dma_start3A_419] : memref<8x128xi32, #tpu.memory_space<vmem>> -> memref<1x128xi32, #tpu.memory_space<vmem>>
          %dma_start3A_421 = tpu.memref_squeeze %dma_start3A_420 : memref<1x128xi32, #tpu.memory_space<vmem>> -> memref<128xi32, #tpu.memory_space<vmem>>
          %dma_start3A_422 = arith.constant 0 : i32
          %dma_start3A_423 = arith.constant 0 : i32
          %dma_start3A_424 = tpu.memref_slice %arg2[%dma_start3A_422, %dma_start3A_423] : memref<10240x128xbf16, #tpu.memory_space<hbm>> -> memref<10240x128xbf16, #tpu.memory_space<hbm>>
          tpu.enqueue_indirect_dma source(%dma_start3A_424 : memref<10240x128xbf16, #tpu.memory_space<hbm>>) target(%arg14 : memref<128x128xbf16, #tpu.memory_space<vmem>>) offsets(%dma_start3A_421 : memref<128xi32, #tpu.memory_space<vmem>>) semaphore(%arg24 : memref<!tpu.dma_semaphore, #tpu.memory_space<semaphore_mem>>)
        } else {
        }
        %dma_start3A_328 = arith.constant 3 : i32
        %dma_start3A_329 = arith.constant 0 : i32
        %dma_start3A_330 = tpu.memref_slice %arg11[%dma_start3A_328, %dma_start3A_329] : memref<8x128xi32, #tpu.memory_space<vmem>> -> memref<1x128xi32, #tpu.memory_space<vmem>>
        %dma_start3A_331 = tpu.memref_squeeze %dma_start3A_330 : memref<1x128xi32, #tpu.memory_space<vmem>> -> memref<128xi32, #tpu.memory_space<vmem>>
        %dma_start3A_332 = arith.constant 0 : i32
        %dma_start3A_333 = arith.constant 0 : i32
        %dma_start3A_334 = tpu.memref_slice %arg18[%dma_start3A_332, %dma_start3A_333] : memref<10240x128xbf16, #tpu.memory_space<vmem_shared>> -> memref<10240x128xbf16, #tpu.memory_space<vmem_shared>>
        tpu.enqueue_indirect_dma source(%arg13 : memref<128x128xbf16, #tpu.memory_space<vmem>>) target(%dma_start3A_334 : memref<10240x128xbf16, #tpu.memory_space<vmem_shared>>) offsets(%dma_start3A_331 : memref<128xi32, #tpu.memory_space<vmem>>) semaphore(%arg27 : memref<!tpu.dma_semaphore, #tpu.memory_space<semaphore_mem>>) {add = true}
        %dma_start3A_335 = arith.constant 3 : i32
        %dma_start3A_336 = arith.constant 0 : i32
        %dma_start3A_337 = tpu.memref_slice %arg11[%dma_start3A_335, %dma_start3A_336] : memref<8x128xi32, #tpu.memory_space<vmem>> -> memref<1x128xi32, #tpu.memory_space<vmem>>
        %dma_start3A_338 = tpu.memref_squeeze %dma_start3A_337 : memref<1x128xi32, #tpu.memory_space<vmem>> -> memref<128xi32, #tpu.memory_space<vmem>>
        %dma_start3A_339 = arith.constant 0 : i32
        %dma_start3A_340 = tpu.memref_slice %arg19[%dma_start3A_339] : memref<10240xf32, #tpu.memory_space<vmem_shared>> -> memref<10240xf32, #tpu.memory_space<vmem_shared>>
        tpu.enqueue_indirect_dma source(%arg16 : memref<128xf32, #tpu.memory_space<vmem>>) target(%dma_start3A_340 : memref<10240xf32, #tpu.memory_space<vmem_shared>>) offsets(%dma_start3A_338 : memref<128xi32, #tpu.memory_space<vmem>>) semaphore(%arg31 : memref<!tpu.dma_semaphore, #tpu.memory_space<semaphore_mem>>) {add = true}
        %mul3A_341 = arith.constant 2 : i32
        %mul3A_342 = arith.muli %mul3A_341, %scan3A_124 : i32
        %add3A_343 = arith.constant 1 : i32
        %add3A_344 = arith.addi %mul3A_342, %add3A_343 : i32
        %mul3A_345 = arith.constant 4 : i32
        %mul3A_346 = arith.muli %mul3A_345, %add3A_344 : i32
        %add3A_347 = arith.constant 2 : i32
        %add3A_348 = arith.addi %mul3A_346, %add3A_347 : i32
        %dma_wait3A_349 = arith.constant 4 : i32
        %dma_wait3A_350 = arith.constant 0 : i32
        %dma_wait3A_351 = tpu.memref_slice %arg11[%dma_wait3A_349, %dma_wait3A_350] : memref<8x128xi32, #tpu.memory_space<vmem>> -> memref<1x128xi32, #tpu.memory_space<vmem>>
        %dma_wait3A_352 = tpu.memref_squeeze %dma_wait3A_351 : memref<1x128xi32, #tpu.memory_space<vmem>> -> memref<128xi32, #tpu.memory_space<vmem>>
        %dma_wait3A_353 = arith.constant 0 : i32
        %dma_wait3A_354 = arith.constant 0 : i32
        %dma_wait3A_355 = tpu.memref_slice %arg2[%dma_wait3A_353, %dma_wait3A_354] : memref<10240x128xbf16, #tpu.memory_space<hbm>> -> memref<10240x128xbf16, #tpu.memory_space<hbm>>
        tpu.wait_indirect_dma semaphore(%arg24 : memref<!tpu.dma_semaphore, #tpu.memory_space<semaphore_mem>>) src(%dma_wait3A_355 : memref<10240x128xbf16, #tpu.memory_space<hbm>>) dst(%arg14 : memref<128x128xbf16, #tpu.memory_space<vmem>>)
        %add3A_356 = arith.constant 1 : i32
        %add3A_357 = arith.addi %add3A_348, %add3A_356 : i32
        %lt3A_358 = arith.constant 160 : i32
        %lt3A_359 = arith.cmpi slt, %add3A_357, %lt3A_358 : i32
        %convert_element_type3A_360 = arith.extui %lt3A_359 : i1 to i32
        %cond3A_361 = arith.constant 7 : i32
        %cond3A_362 = arith.constant 0 : i32
        %cond3A_363 = arith.cmpi ne, %convert_element_type3A_360, %cond3A_362 : i32
        scf.if %cond3A_363 {
          %ge3A = arith.constant 3 : i32
          %ge3A_414 = arith.cmpi sge, %add3A_348, %ge3A : i32
          %convert_element_type3A_415 = arith.extui %ge3A_414 : i1 to i32
          %cond3A_416 = arith.constant 0 : i32
          %cond3A_417 = arith.cmpi ne, %convert_element_type3A_415, %cond3A_416 : i32
          scf.if %cond3A_417 {
            %dma_wait3A_434 = arith.constant 0 : i32
            %dma_wait3A_435 = tpu.memref_slice %arg10[%cond3A_361, %dma_wait3A_434] : memref<8x128xi32, #tpu.memory_space<vmem>> -> memref<1x128xi32, #tpu.memory_space<vmem>>
            %dma_wait3A_436 = tpu.memref_squeeze %dma_wait3A_435 : memref<1x128xi32, #tpu.memory_space<vmem>> -> memref<128xi32, #tpu.memory_space<vmem>>
            %dma_wait3A_437 = arith.constant 0 : i32
            %dma_wait3A_438 = arith.constant 0 : i32
            %dma_wait3A_439 = tpu.memref_slice %arg18[%dma_wait3A_437, %dma_wait3A_438] : memref<10240x128xbf16, #tpu.memory_space<vmem_shared>> -> memref<10240x128xbf16, #tpu.memory_space<vmem_shared>>
            tpu.wait_indirect_dma semaphore(%arg29 : memref<!tpu.dma_semaphore, #tpu.memory_space<semaphore_mem>>) src(%arg15 : memref<128x128xbf16, #tpu.memory_space<vmem>>) dst(%dma_wait3A_439 : memref<10240x128xbf16, #tpu.memory_space<vmem_shared>>)
            %dma_wait3A_440 = arith.constant 0 : i32
            %dma_wait3A_441 = tpu.memref_slice %arg10[%cond3A_361, %dma_wait3A_440] : memref<8x128xi32, #tpu.memory_space<vmem>> -> memref<1x128xi32, #tpu.memory_space<vmem>>
            %dma_wait3A_442 = tpu.memref_squeeze %dma_wait3A_441 : memref<1x128xi32, #tpu.memory_space<vmem>> -> memref<128xi32, #tpu.memory_space<vmem>>
            %dma_wait3A_443 = arith.constant 0 : i32
            %dma_wait3A_444 = tpu.memref_slice %arg19[%dma_wait3A_443] : memref<10240xf32, #tpu.memory_space<vmem_shared>> -> memref<10240xf32, #tpu.memory_space<vmem_shared>>
            tpu.wait_indirect_dma semaphore(%arg33 : memref<!tpu.dma_semaphore, #tpu.memory_space<semaphore_mem>>) src(%arg16 : memref<128xf32, #tpu.memory_space<vmem>>) dst(%dma_wait3A_444 : memref<10240xf32, #tpu.memory_space<vmem_shared>>)
          } else {
          }
          %ge3A_418 = arith.constant 1 : i32
          %ge3A_419 = arith.cmpi sge, %add3A_344, %ge3A_418 : i32
          %add3A_420 = arith.constant 1 : i32
          %add3A_421 = arith.addi %add3A_344, %add3A_420 : i32
          %lt3A_422 = arith.constant 40 : i32
          %lt3A_423 = arith.cmpi slt, %add3A_421, %lt3A_422 : i32
          %and3A = arith.andi %ge3A_419, %lt3A_423 : i1
          %convert_element_type3A_424 = arith.extui %and3A : i1 to i32
          %cond3A_425 = arith.constant 0 : i32
          %cond3A_426 = arith.cmpi ne, %convert_element_type3A_424, %cond3A_425 : i32
          scf.if %cond3A_426 {
            %add3A_434 = arith.addi %mul3A_49, %add3A_344 : i32
            %add3A_435 = arith.constant 1 : i32
            %add3A_436 = arith.addi %add3A_434, %add3A_435 : i32
            %dma_start3A_437 = arith.constant 0 : i32
            %dma_start3A_438 = arith.constant 0 : i32
            %dma_start3A_439 = tpu.memref_slice %arg4[%add3A_436, %dma_start3A_437, %dma_start3A_438] : memref<640x8x128xi32, #tpu.memory_space<hbm>> -> memref<1x8x128xi32, #tpu.memory_space<hbm>>
            %dma_start3A_440 = tpu.memref_squeeze %dma_start3A_439 : memref<1x8x128xi32, #tpu.memory_space<hbm>> -> memref<8x128xi32, #tpu.memory_space<hbm>>
            %dma_start3A_441 = arith.constant 0 : i32
            %dma_start3A_442 = arith.constant 0 : i32
            %dma_start3A_443 = tpu.memref_slice %arg4[%add3A_436, %dma_start3A_441, %dma_start3A_442] : memref<640x8x128xi32, #tpu.memory_space<hbm>> -> memref<1x8x128xi32, #tpu.memory_space<hbm>>
            %dma_start3A_444 = tpu.memref_squeeze %dma_start3A_443 : memref<1x8x128xi32, #tpu.memory_space<hbm>> -> memref<8x128xi32, #tpu.memory_space<hbm>>
            tpu.enqueue_dma source(%dma_start3A_444 : memref<8x128xi32, #tpu.memory_space<hbm>>) target(%arg10 : memref<8x128xi32, #tpu.memory_space<vmem>>) target_semaphore(%arg20 : memref<!tpu.dma_semaphore, #tpu.memory_space<semaphore_mem>>)
          } else {
          }
          %dma_start3A_427 = arith.constant 6 : i32
          %dma_start3A_428 = arith.constant 0 : i32
          %dma_start3A_429 = tpu.memref_slice %arg11[%dma_start3A_427, %dma_start3A_428] : memref<8x128xi32, #tpu.memory_space<vmem>> -> memref<1x128xi32, #tpu.memory_space<vmem>>
          %dma_start3A_430 = tpu.memref_squeeze %dma_start3A_429 : memref<1x128xi32, #tpu.memory_space<vmem>> -> memref<128xi32, #tpu.memory_space<vmem>>
          %dma_start3A_431 = arith.constant 0 : i32
          %dma_start3A_432 = arith.constant 0 : i32
          %dma_start3A_433 = tpu.memref_slice %arg2[%dma_start3A_431, %dma_start3A_432] : memref<10240x128xbf16, #tpu.memory_space<hbm>> -> memref<10240x128xbf16, #tpu.memory_space<hbm>>
          tpu.enqueue_indirect_dma source(%dma_start3A_433 : memref<10240x128xbf16, #tpu.memory_space<hbm>>) target(%arg15 : memref<128x128xbf16, #tpu.memory_space<vmem>>) offsets(%dma_start3A_430 : memref<128xi32, #tpu.memory_space<vmem>>) semaphore(%arg25 : memref<!tpu.dma_semaphore, #tpu.memory_space<semaphore_mem>>)
        } else {
        }
        %dma_start3A_364 = arith.constant 5 : i32
        %dma_start3A_365 = arith.constant 0 : i32
        %dma_start3A_366 = tpu.memref_slice %arg11[%dma_start3A_364, %dma_start3A_365] : memref<8x128xi32, #tpu.memory_space<vmem>> -> memref<1x128xi32, #tpu.memory_space<vmem>>
        %dma_start3A_367 = tpu.memref_squeeze %dma_start3A_366 : memref<1x128xi32, #tpu.memory_space<vmem>> -> memref<128xi32, #tpu.memory_space<vmem>>
        %dma_start3A_368 = arith.constant 0 : i32
        %dma_start3A_369 = arith.constant 0 : i32
        %dma_start3A_370 = tpu.memref_slice %arg18[%dma_start3A_368, %dma_start3A_369] : memref<10240x128xbf16, #tpu.memory_space<vmem_shared>> -> memref<10240x128xbf16, #tpu.memory_space<vmem_shared>>
        tpu.enqueue_indirect_dma source(%arg14 : memref<128x128xbf16, #tpu.memory_space<vmem>>) target(%dma_start3A_370 : memref<10240x128xbf16, #tpu.memory_space<vmem_shared>>) offsets(%dma_start3A_367 : memref<128xi32, #tpu.memory_space<vmem>>) semaphore(%arg28 : memref<!tpu.dma_semaphore, #tpu.memory_space<semaphore_mem>>) {add = true}
        %dma_start3A_371 = arith.constant 5 : i32
        %dma_start3A_372 = arith.constant 0 : i32
        %dma_start3A_373 = tpu.memref_slice %arg11[%dma_start3A_371, %dma_start3A_372] : memref<8x128xi32, #tpu.memory_space<vmem>> -> memref<1x128xi32, #tpu.memory_space<vmem>>
        %dma_start3A_374 = tpu.memref_squeeze %dma_start3A_373 : memref<1x128xi32, #tpu.memory_space<vmem>> -> memref<128xi32, #tpu.memory_space<vmem>>
        %dma_start3A_375 = arith.constant 0 : i32
        %dma_start3A_376 = tpu.memref_slice %arg19[%dma_start3A_375] : memref<10240xf32, #tpu.memory_space<vmem_shared>> -> memref<10240xf32, #tpu.memory_space<vmem_shared>>
        tpu.enqueue_indirect_dma source(%arg16 : memref<128xf32, #tpu.memory_space<vmem>>) target(%dma_start3A_376 : memref<10240xf32, #tpu.memory_space<vmem_shared>>) offsets(%dma_start3A_374 : memref<128xi32, #tpu.memory_space<vmem>>) semaphore(%arg32 : memref<!tpu.dma_semaphore, #tpu.memory_space<semaphore_mem>>) {add = true}
        %mul3A_377 = arith.constant 2 : i32
        %mul3A_378 = arith.muli %mul3A_377, %scan3A_124 : i32
        %add3A_379 = arith.constant 1 : i32
        %add3A_380 = arith.addi %mul3A_378, %add3A_379 : i32
        %mul3A_381 = arith.constant 4 : i32
        %mul3A_382 = arith.muli %mul3A_381, %add3A_380 : i32
        %add3A_383 = arith.constant 3 : i32
        %add3A_384 = arith.addi %mul3A_382, %add3A_383 : i32
        %dma_wait3A_385 = arith.constant 6 : i32
        %dma_wait3A_386 = arith.constant 0 : i32
        %dma_wait3A_387 = tpu.memref_slice %arg11[%dma_wait3A_385, %dma_wait3A_386] : memref<8x128xi32, #tpu.memory_space<vmem>> -> memref<1x128xi32, #tpu.memory_space<vmem>>
        %dma_wait3A_388 = tpu.memref_squeeze %dma_wait3A_387 : memref<1x128xi32, #tpu.memory_space<vmem>> -> memref<128xi32, #tpu.memory_space<vmem>>
        %dma_wait3A_389 = arith.constant 0 : i32
        %dma_wait3A_390 = arith.constant 0 : i32
        %dma_wait3A_391 = tpu.memref_slice %arg2[%dma_wait3A_389, %dma_wait3A_390] : memref<10240x128xbf16, #tpu.memory_space<hbm>> -> memref<10240x128xbf16, #tpu.memory_space<hbm>>
        tpu.wait_indirect_dma semaphore(%arg25 : memref<!tpu.dma_semaphore, #tpu.memory_space<semaphore_mem>>) src(%dma_wait3A_391 : memref<10240x128xbf16, #tpu.memory_space<hbm>>) dst(%arg15 : memref<128x128xbf16, #tpu.memory_space<vmem>>)
        %add3A_392 = arith.constant 1 : i32
        %add3A_393 = arith.addi %add3A_384, %add3A_392 : i32
        %lt3A_394 = arith.constant 160 : i32
        %lt3A_395 = arith.cmpi slt, %add3A_393, %lt3A_394 : i32
        %convert_element_type3A_396 = arith.extui %lt3A_395 : i1 to i32
        %cond3A_397 = arith.constant 1 : i32
        %cond3A_398 = arith.constant 0 : i32
        %cond3A_399 = arith.cmpi ne, %convert_element_type3A_396, %cond3A_398 : i32
        scf.if %cond3A_399 {
          %ge3A = arith.constant 3 : i32
          %ge3A_414 = arith.cmpi sge, %add3A_384, %ge3A : i32
          %convert_element_type3A_415 = arith.extui %ge3A_414 : i1 to i32
          %cond3A_416 = arith.constant 0 : i32
          %cond3A_417 = arith.cmpi ne, %convert_element_type3A_415, %cond3A_416 : i32
          scf.if %cond3A_417 {
            %dma_wait3A_436 = arith.constant 0 : i32
            %dma_wait3A_437 = tpu.memref_slice %arg11[%cond3A_397, %dma_wait3A_436] : memref<8x128xi32, #tpu.memory_space<vmem>> -> memref<1x128xi32, #tpu.memory_space<vmem>>
            %dma_wait3A_438 = tpu.memref_squeeze %dma_wait3A_437 : memref<1x128xi32, #tpu.memory_space<vmem>> -> memref<128xi32, #tpu.memory_space<vmem>>
            %dma_wait3A_439 = arith.constant 0 : i32
            %dma_wait3A_440 = arith.constant 0 : i32
            %dma_wait3A_441 = tpu.memref_slice %arg18[%dma_wait3A_439, %dma_wait3A_440] : memref<10240x128xbf16, #tpu.memory_space<vmem_shared>> -> memref<10240x128xbf16, #tpu.memory_space<vmem_shared>>
            tpu.wait_indirect_dma semaphore(%arg26 : memref<!tpu.dma_semaphore, #tpu.memory_space<semaphore_mem>>) src(%arg12 : memref<128x128xbf16, #tpu.memory_space<vmem>>) dst(%dma_wait3A_441 : memref<10240x128xbf16, #tpu.memory_space<vmem_shared>>)
            %dma_wait3A_442 = arith.constant 0 : i32
            %dma_wait3A_443 = tpu.memref_slice %arg11[%cond3A_397, %dma_wait3A_442] : memref<8x128xi32, #tpu.memory_space<vmem>> -> memref<1x128xi32, #tpu.memory_space<vmem>>
            %dma_wait3A_444 = tpu.memref_squeeze %dma_wait3A_443 : memref<1x128xi32, #tpu.memory_space<vmem>> -> memref<128xi32, #tpu.memory_space<vmem>>
            %dma_wait3A_445 = arith.constant 0 : i32
            %dma_wait3A_446 = tpu.memref_slice %arg19[%dma_wait3A_445] : memref<10240xf32, #tpu.memory_space<vmem_shared>> -> memref<10240xf32, #tpu.memory_space<vmem_shared>>
            tpu.wait_indirect_dma semaphore(%arg30 : memref<!tpu.dma_semaphore, #tpu.memory_space<semaphore_mem>>) src(%arg16 : memref<128xf32, #tpu.memory_space<vmem>>) dst(%dma_wait3A_446 : memref<10240xf32, #tpu.memory_space<vmem_shared>>)
          } else {
          }
          %add3A_418 = arith.addi %mul3A_49, %add3A_380 : i32
          %add3A_419 = arith.constant 1 : i32
          %add3A_420 = arith.addi %add3A_418, %add3A_419 : i32
          %dma_wait3A_421 = arith.constant 0 : i32
          %dma_wait3A_422 = arith.constant 0 : i32
          %dma_wait3A_423 = tpu.memref_slice %arg4[%add3A_420, %dma_wait3A_421, %dma_wait3A_422] : memref<640x8x128xi32, #tpu.memory_space<hbm>> -> memref<1x8x128xi32, #tpu.memory_space<hbm>>
          %dma_wait3A_424 = tpu.memref_squeeze %dma_wait3A_423 : memref<1x8x128xi32, #tpu.memory_space<hbm>> -> memref<8x128xi32, #tpu.memory_space<hbm>>
          %dma_wait3A_425 = arith.constant 0 : i32
          %dma_wait3A_426 = arith.constant 0 : i32
          %dma_wait3A_427 = tpu.memref_slice %arg4[%add3A_420, %dma_wait3A_425, %dma_wait3A_426] : memref<640x8x128xi32, #tpu.memory_space<hbm>> -> memref<1x8x128xi32, #tpu.memory_space<hbm>>
          %dma_wait3A_428 = tpu.memref_squeeze %dma_wait3A_427 : memref<1x8x128xi32, #tpu.memory_space<hbm>> -> memref<8x128xi32, #tpu.memory_space<hbm>>
          tpu.wait_dma2 semaphore(%arg20 : memref<!tpu.dma_semaphore, #tpu.memory_space<semaphore_mem>>) src(%dma_wait3A_428 : memref<8x128xi32, #tpu.memory_space<hbm>>) dst(%arg10 : memref<8x128xi32, #tpu.memory_space<vmem>>)
          %dma_start3A_429 = arith.constant 0 : i32
          %dma_start3A_430 = arith.constant 0 : i32
          %dma_start3A_431 = tpu.memref_slice %arg10[%dma_start3A_429, %dma_start3A_430] : memref<8x128xi32, #tpu.memory_space<vmem>> -> memref<1x128xi32, #tpu.memory_space<vmem>>
          %dma_start3A_432 = tpu.memref_squeeze %dma_start3A_431 : memref<1x128xi32, #tpu.memory_space<vmem>> -> memref<128xi32, #tpu.memory_space<vmem>>
          %dma_start3A_433 = arith.constant 0 : i32
          %dma_start3A_434 = arith.constant 0 : i32
          %dma_start3A_435 = tpu.memref_slice %arg2[%dma_start3A_433, %dma_start3A_434] : memref<10240x128xbf16, #tpu.memory_space<hbm>> -> memref<10240x128xbf16, #tpu.memory_space<hbm>>
          tpu.enqueue_indirect_dma source(%dma_start3A_435 : memref<10240x128xbf16, #tpu.memory_space<hbm>>) target(%arg12 : memref<128x128xbf16, #tpu.memory_space<vmem>>) offsets(%dma_start3A_432 : memref<128xi32, #tpu.memory_space<vmem>>) semaphore(%arg22 : memref<!tpu.dma_semaphore, #tpu.memory_space<semaphore_mem>>)
        } else {
        }
        %dma_start3A_400 = arith.constant 7 : i32
        %dma_start3A_401 = arith.constant 0 : i32
        %dma_start3A_402 = tpu.memref_slice %arg11[%dma_start3A_400, %dma_start3A_401] : memref<8x128xi32, #tpu.memory_space<vmem>> -> memref<1x128xi32, #tpu.memory_space<vmem>>
        %dma_start3A_403 = tpu.memref_squeeze %dma_start3A_402 : memref<1x128xi32, #tpu.memory_space<vmem>> -> memref<128xi32, #tpu.memory_space<vmem>>
        %dma_start3A_404 = arith.constant 0 : i32
        %dma_start3A_405 = arith.constant 0 : i32
        %dma_start3A_406 = tpu.memref_slice %arg18[%dma_start3A_404, %dma_start3A_405] : memref<10240x128xbf16, #tpu.memory_space<vmem_shared>> -> memref<10240x128xbf16, #tpu.memory_space<vmem_shared>>
        tpu.enqueue_indirect_dma source(%arg15 : memref<128x128xbf16, #tpu.memory_space<vmem>>) target(%dma_start3A_406 : memref<10240x128xbf16, #tpu.memory_space<vmem_shared>>) offsets(%dma_start3A_403 : memref<128xi32, #tpu.memory_space<vmem>>) semaphore(%arg29 : memref<!tpu.dma_semaphore, #tpu.memory_space<semaphore_mem>>) {add = true}
        %dma_start3A_407 = arith.constant 7 : i32
        %dma_start3A_408 = arith.constant 0 : i32
        %dma_start3A_409 = tpu.memref_slice %arg11[%dma_start3A_407, %dma_start3A_408] : memref<8x128xi32, #tpu.memory_space<vmem>> -> memref<1x128xi32, #tpu.memory_space<vmem>>
        %dma_start3A_410 = tpu.memref_squeeze %dma_start3A_409 : memref<1x128xi32, #tpu.memory_space<vmem>> -> memref<128xi32, #tpu.memory_space<vmem>>
        %dma_start3A_411 = arith.constant 0 : i32
        %dma_start3A_412 = tpu.memref_slice %arg19[%dma_start3A_411] : memref<10240xf32, #tpu.memory_space<vmem_shared>> -> memref<10240xf32, #tpu.memory_space<vmem_shared>>
        tpu.enqueue_indirect_dma source(%arg16 : memref<128xf32, #tpu.memory_space<vmem>>) target(%dma_start3A_412 : memref<10240xf32, #tpu.memory_space<vmem_shared>>) offsets(%dma_start3A_410 : memref<128xi32, #tpu.memory_space<vmem>>) semaphore(%arg33 : memref<!tpu.dma_semaphore, #tpu.memory_space<semaphore_mem>>) {add = true}
        %scan3A_413 = arith.constant 0 : i32
        scf.yield %scan3A_413 : i32
      }
      %scan3A_72 = arith.constant 20 : i32
      %dma_wait3A = arith.constant 1 : i32
      %dma_wait3A_73 = arith.constant 0 : i32
      %dma_wait3A_74 = tpu.memref_slice %arg11[%dma_wait3A, %dma_wait3A_73] : memref<8x128xi32, #tpu.memory_space<vmem>> -> memref<1x128xi32, #tpu.memory_space<vmem>>
      %dma_wait3A_75 = tpu.memref_squeeze %dma_wait3A_74 : memref<1x128xi32, #tpu.memory_space<vmem>> -> memref<128xi32, #tpu.memory_space<vmem>>
      %dma_wait3A_76 = arith.constant 0 : i32
      %dma_wait3A_77 = arith.constant 0 : i32
      %dma_wait3A_78 = tpu.memref_slice %arg18[%dma_wait3A_76, %dma_wait3A_77] : memref<10240x128xbf16, #tpu.memory_space<vmem_shared>> -> memref<10240x128xbf16, #tpu.memory_space<vmem_shared>>
      tpu.wait_indirect_dma semaphore(%arg26 : memref<!tpu.dma_semaphore, #tpu.memory_space<semaphore_mem>>) src(%arg12 : memref<128x128xbf16, #tpu.memory_space<vmem>>) dst(%dma_wait3A_78 : memref<10240x128xbf16, #tpu.memory_space<vmem_shared>>)
      %dma_wait3A_79 = arith.constant 1 : i32
      %dma_wait3A_80 = arith.constant 0 : i32
      %dma_wait3A_81 = tpu.memref_slice %arg11[%dma_wait3A_79, %dma_wait3A_80] : memref<8x128xi32, #tpu.memory_space<vmem>> -> memref<1x128xi32, #tpu.memory_space<vmem>>
      %dma_wait3A_82 = tpu.memref_squeeze %dma_wait3A_81 : memref<1x128xi32, #tpu.memory_space<vmem>> -> memref<128xi32, #tpu.memory_space<vmem>>
      %dma_wait3A_83 = arith.constant 0 : i32
      %dma_wait3A_84 = tpu.memref_slice %arg19[%dma_wait3A_83] : memref<10240xf32, #tpu.memory_space<vmem_shared>> -> memref<10240xf32, #tpu.memory_space<vmem_shared>>
      tpu.wait_indirect_dma semaphore(%arg30 : memref<!tpu.dma_semaphore, #tpu.memory_space<semaphore_mem>>) src(%arg16 : memref<128xf32, #tpu.memory_space<vmem>>) dst(%dma_wait3A_84 : memref<10240xf32, #tpu.memory_space<vmem_shared>>)
      %dma_wait3A_85 = arith.constant 3 : i32
      %dma_wait3A_86 = arith.constant 0 : i32
      %dma_wait3A_87 = tpu.memref_slice %arg11[%dma_wait3A_85, %dma_wait3A_86] : memref<8x128xi32, #tpu.memory_space<vmem>> -> memref<1x128xi32, #tpu.memory_space<vmem>>
      %dma_wait3A_88 = tpu.memref_squeeze %dma_wait3A_87 : memref<1x128xi32, #tpu.memory_space<vmem>> -> memref<128xi32, #tpu.memory_space<vmem>>
      %dma_wait3A_89 = arith.constant 0 : i32
      %dma_wait3A_90 = arith.constant 0 : i32
      %dma_wait3A_91 = tpu.memref_slice %arg18[%dma_wait3A_89, %dma_wait3A_90] : memref<10240x128xbf16, #tpu.memory_space<vmem_shared>> -> memref<10240x128xbf16, #tpu.memory_space<vmem_shared>>
      tpu.wait_indirect_dma semaphore(%arg27 : memref<!tpu.dma_semaphore, #tpu.memory_space<semaphore_mem>>) src(%arg13 : memref<128x128xbf16, #tpu.memory_space<vmem>>) dst(%dma_wait3A_91 : memref<10240x128xbf16, #tpu.memory_space<vmem_shared>>)
      %dma_wait3A_92 = arith.constant 3 : i32
      %dma_wait3A_93 = arith.constant 0 : i32
      %dma_wait3A_94 = tpu.memref_slice %arg11[%dma_wait3A_92, %dma_wait3A_93] : memref<8x128xi32, #tpu.memory_space<vmem>> -> memref<1x128xi32, #tpu.memory_space<vmem>>
      %dma_wait3A_95 = tpu.memref_squeeze %dma_wait3A_94 : memref<1x128xi32, #tpu.memory_space<vmem>> -> memref<128xi32, #tpu.memory_space<vmem>>
      %dma_wait3A_96 = arith.constant 0 : i32
      %dma_wait3A_97 = tpu.memref_slice %arg19[%dma_wait3A_96] : memref<10240xf32, #tpu.memory_space<vmem_shared>> -> memref<10240xf32, #tpu.memory_space<vmem_shared>>
      tpu.wait_indirect_dma semaphore(%arg31 : memref<!tpu.dma_semaphore, #tpu.memory_space<semaphore_mem>>) src(%arg16 : memref<128xf32, #tpu.memory_space<vmem>>) dst(%dma_wait3A_97 : memref<10240xf32, #tpu.memory_space<vmem_shared>>)
      %dma_wait3A_98 = arith.constant 5 : i32
      %dma_wait3A_99 = arith.constant 0 : i32
      %dma_wait3A_100 = tpu.memref_slice %arg11[%dma_wait3A_98, %dma_wait3A_99] : memref<8x128xi32, #tpu.memory_space<vmem>> -> memref<1x128xi32, #tpu.memory_space<vmem>>
      %dma_wait3A_101 = tpu.memref_squeeze %dma_wait3A_100 : memref<1x128xi32, #tpu.memory_space<vmem>> -> memref<128xi32, #tpu.memory_space<vmem>>
      %dma_wait3A_102 = arith.constant 0 : i32
      %dma_wait3A_103 = arith.constant 0 : i32
      %dma_wait3A_104 = tpu.memref_slice %arg18[%dma_wait3A_102, %dma_wait3A_103] : memref<10240x128xbf16, #tpu.memory_space<vmem_shared>> -> memref<10240x128xbf16, #tpu.memory_space<vmem_shared>>
      tpu.wait_indirect_dma semaphore(%arg28 : memref<!tpu.dma_semaphore, #tpu.memory_space<semaphore_mem>>) src(%arg14 : memref<128x128xbf16, #tpu.memory_space<vmem>>) dst(%dma_wait3A_104 : memref<10240x128xbf16, #tpu.memory_space<vmem_shared>>)
      %dma_wait3A_105 = arith.constant 5 : i32
      %dma_wait3A_106 = arith.constant 0 : i32
      %dma_wait3A_107 = tpu.memref_slice %arg11[%dma_wait3A_105, %dma_wait3A_106] : memref<8x128xi32, #tpu.memory_space<vmem>> -> memref<1x128xi32, #tpu.memory_space<vmem>>
      %dma_wait3A_108 = tpu.memref_squeeze %dma_wait3A_107 : memref<1x128xi32, #tpu.memory_space<vmem>> -> memref<128xi32, #tpu.memory_space<vmem>>
      %dma_wait3A_109 = arith.constant 0 : i32
      %dma_wait3A_110 = tpu.memref_slice %arg19[%dma_wait3A_109] : memref<10240xf32, #tpu.memory_space<vmem_shared>> -> memref<10240xf32, #tpu.memory_space<vmem_shared>>
      tpu.wait_indirect_dma semaphore(%arg32 : memref<!tpu.dma_semaphore, #tpu.memory_space<semaphore_mem>>) src(%arg16 : memref<128xf32, #tpu.memory_space<vmem>>) dst(%dma_wait3A_110 : memref<10240xf32, #tpu.memory_space<vmem_shared>>)
      %dma_wait3A_111 = arith.constant 7 : i32
      %dma_wait3A_112 = arith.constant 0 : i32
      %dma_wait3A_113 = tpu.memref_slice %arg11[%dma_wait3A_111, %dma_wait3A_112] : memref<8x128xi32, #tpu.memory_space<vmem>> -> memref<1x128xi32, #tpu.memory_space<vmem>>
      %dma_wait3A_114 = tpu.memref_squeeze %dma_wait3A_113 : memref<1x128xi32, #tpu.memory_space<vmem>> -> memref<128xi32, #tpu.memory_space<vmem>>
      %dma_wait3A_115 = arith.constant 0 : i32
      %dma_wait3A_116 = arith.constant 0 : i32
      %dma_wait3A_117 = tpu.memref_slice %arg18[%dma_wait3A_115, %dma_wait3A_116] : memref<10240x128xbf16, #tpu.memory_space<vmem_shared>> -> memref<10240x128xbf16, #tpu.memory_space<vmem_shared>>
      tpu.wait_indirect_dma semaphore(%arg29 : memref<!tpu.dma_semaphore, #tpu.memory_space<semaphore_mem>>) src(%arg15 : memref<128x128xbf16, #tpu.memory_space<vmem>>) dst(%dma_wait3A_117 : memref<10240x128xbf16, #tpu.memory_space<vmem_shared>>)
      %dma_wait3A_118 = arith.constant 7 : i32
      %dma_wait3A_119 = arith.constant 0 : i32
      %dma_wait3A_120 = tpu.memref_slice %arg11[%dma_wait3A_118, %dma_wait3A_119] : memref<8x128xi32, #tpu.memory_space<vmem>> -> memref<1x128xi32, #tpu.memory_space<vmem>>
      %dma_wait3A_121 = tpu.memref_squeeze %dma_wait3A_120 : memref<1x128xi32, #tpu.memory_space<vmem>> -> memref<128xi32, #tpu.memory_space<vmem>>
      %dma_wait3A_122 = arith.constant 0 : i32
      %dma_wait3A_123 = tpu.memref_slice %arg19[%dma_wait3A_122] : memref<10240xf32, #tpu.memory_space<vmem_shared>> -> memref<10240xf32, #tpu.memory_space<vmem_shared>>
      tpu.wait_indirect_dma semaphore(%arg33 : memref<!tpu.dma_semaphore, #tpu.memory_space<semaphore_mem>>) src(%arg16 : memref<128xf32, #tpu.memory_space<vmem>>) dst(%dma_wait3A_123 : memref<10240xf32, #tpu.memory_space<vmem_shared>>)
    } else {
    }
    %eq3A_32 = arith.constant 1 : i32
    %eq3A_33 = arith.cmpi eq, %arg0, %eq3A_32 : i32
    %convert_element_type3A_34 = arith.extui %eq3A_33 : i1 to i32
    %cond3A_35 = arith.constant 0 : i32
    %cond3A_36 = arith.cmpi ne, %convert_element_type3A_34, %cond3A_35 : i32
    scf.if %cond3A_36 {
      %mul3A_48 = arith.constant 40 : i32
      %mul3A_49 = arith.muli %arg1, %mul3A_48 : i32
      "tpu.region"() ({
        %run_scoped3A = tpu.sem_alloc : memref<!tpu.dma_semaphore, #tpu.memory_space<semaphore_mem>>
        %dma_start3A_124 = arith.constant 0 : i32
        %dma_start3A_125 = arith.constant 0 : i32
        %dma_start3A_126 = tpu.memref_slice %arg5[%mul3A_49, %dma_start3A_124, %dma_start3A_125] : memref<640x8x128xi32, #tpu.memory_space<hbm>> -> memref<1x8x128xi32, #tpu.memory_space<hbm>>
        %dma_start3A_127 = tpu.memref_squeeze %dma_start3A_126 : memref<1x8x128xi32, #tpu.memory_space<hbm>> -> memref<8x128xi32, #tpu.memory_space<hbm>>
        %dma_start3A_128 = arith.constant 0 : i32
        %dma_start3A_129 = arith.constant 0 : i32
        %dma_start3A_130 = tpu.memref_slice %arg5[%mul3A_49, %dma_start3A_128, %dma_start3A_129] : memref<640x8x128xi32, #tpu.memory_space<hbm>> -> memref<1x8x128xi32, #tpu.memory_space<hbm>>
        %dma_start3A_131 = tpu.memref_squeeze %dma_start3A_130 : memref<1x8x128xi32, #tpu.memory_space<hbm>> -> memref<8x128xi32, #tpu.memory_space<hbm>>
        tpu.enqueue_dma source(%dma_start3A_131 : memref<8x128xi32, #tpu.memory_space<hbm>>) target(%arg10 : memref<8x128xi32, #tpu.memory_space<vmem>>) target_semaphore(%run_scoped3A : memref<!tpu.dma_semaphore, #tpu.memory_space<semaphore_mem>>)
        %dma_wait3A_132 = arith.constant 0 : i32
        %dma_wait3A_133 = arith.constant 0 : i32
        %dma_wait3A_134 = tpu.memref_slice %arg5[%mul3A_49, %dma_wait3A_132, %dma_wait3A_133] : memref<640x8x128xi32, #tpu.memory_space<hbm>> -> memref<1x8x128xi32, #tpu.memory_space<hbm>>
        %dma_wait3A_135 = tpu.memref_squeeze %dma_wait3A_134 : memref<1x8x128xi32, #tpu.memory_space<hbm>> -> memref<8x128xi32, #tpu.memory_space<hbm>>
        %dma_wait3A_136 = arith.constant 0 : i32
        %dma_wait3A_137 = arith.constant 0 : i32
        %dma_wait3A_138 = tpu.memref_slice %arg5[%mul3A_49, %dma_wait3A_136, %dma_wait3A_137] : memref<640x8x128xi32, #tpu.memory_space<hbm>> -> memref<1x8x128xi32, #tpu.memory_space<hbm>>
        %dma_wait3A_139 = tpu.memref_squeeze %dma_wait3A_138 : memref<1x8x128xi32, #tpu.memory_space<hbm>> -> memref<8x128xi32, #tpu.memory_space<hbm>>
        tpu.wait_dma2 semaphore(%run_scoped3A : memref<!tpu.dma_semaphore, #tpu.memory_space<semaphore_mem>>) src(%dma_wait3A_139 : memref<8x128xi32, #tpu.memory_space<hbm>>) dst(%arg10 : memref<8x128xi32, #tpu.memory_space<vmem>>)
        tpu.yield
      }) : () -> ()
      %add3A_50 = arith.constant 1 : i32
      %add3A_51 = arith.addi %mul3A_49, %add3A_50 : i32
      %dma_start3A = arith.constant 0 : i32
      %dma_start3A_52 = arith.constant 0 : i32
      %dma_start3A_53 = tpu.memref_slice %arg5[%add3A_51, %dma_start3A, %dma_start3A_52] : memref<640x8x128xi32, #tpu.memory_space<hbm>> -> memref<1x8x128xi32, #tpu.memory_space<hbm>>
      %dma_start3A_54 = tpu.memref_squeeze %dma_start3A_53 : memref<1x8x128xi32, #tpu.memory_space<hbm>> -> memref<8x128xi32, #tpu.memory_space<hbm>>
      %dma_start3A_55 = arith.constant 0 : i32
      %dma_start3A_56 = arith.constant 0 : i32
      %dma_start3A_57 = tpu.memref_slice %arg5[%add3A_51, %dma_start3A_55, %dma_start3A_56] : memref<640x8x128xi32, #tpu.memory_space<hbm>> -> memref<1x8x128xi32, #tpu.memory_space<hbm>>
      %dma_start3A_58 = tpu.memref_squeeze %dma_start3A_57 : memref<1x8x128xi32, #tpu.memory_space<hbm>> -> memref<8x128xi32, #tpu.memory_space<hbm>>
      tpu.enqueue_dma source(%dma_start3A_58 : memref<8x128xi32, #tpu.memory_space<hbm>>) target(%arg11 : memref<8x128xi32, #tpu.memory_space<vmem>>) target_semaphore(%arg21 : memref<!tpu.dma_semaphore, #tpu.memory_space<semaphore_mem>>)
      %dma_start3A_59 = arith.constant 0 : i32
      %dma_start3A_60 = arith.constant 0 : i32
      %dma_start3A_61 = tpu.memref_slice %arg10[%dma_start3A_59, %dma_start3A_60] : memref<8x128xi32, #tpu.memory_space<vmem>> -> memref<1x128xi32, #tpu.memory_space<vmem>>
      %dma_start3A_62 = tpu.memref_squeeze %dma_start3A_61 : memref<1x128xi32, #tpu.memory_space<vmem>> -> memref<128xi32, #tpu.memory_space<vmem>>
      %dma_start3A_63 = arith.constant 0 : i32
      %dma_start3A_64 = arith.constant 0 : i32
      %dma_start3A_65 = tpu.memref_slice %arg3[%dma_start3A_63, %dma_start3A_64] : memref<10240x128xbf16, #tpu.memory_space<hbm>> -> memref<10240x128xbf16, #tpu.memory_space<hbm>>
      tpu.enqueue_indirect_dma source(%dma_start3A_65 : memref<10240x128xbf16, #tpu.memory_space<hbm>>) target(%arg12 : memref<128x128xbf16, #tpu.memory_space<vmem>>) offsets(%dma_start3A_62 : memref<128xi32, #tpu.memory_space<vmem>>) semaphore(%arg22 : memref<!tpu.dma_semaphore, #tpu.memory_space<semaphore_mem>>)
      %scan3A_66 = arith.constant 0 : i32
      %scan3A_67 = arith.constant 0 : i32
      %scan3A_68 = arith.constant 20 : i32
      %scan3A_69 = arith.addi %scan3A_67, %scan3A_68 : i32
      %scan3A_70 = arith.constant 1 : i32
      %scan3A_71 = scf.for %scan3A_124 = %scan3A_67 to %scan3A_69 step %scan3A_70 iter_args(%scan3A_125 = %scan3A_66) -> (i32)  : i32 {
        %mul3A_126 = arith.constant 2 : i32
        %mul3A_127 = arith.muli %mul3A_126, %scan3A_124 : i32
        %add3A_128 = arith.constant 0 : i32
        %add3A_129 = arith.addi %mul3A_127, %add3A_128 : i32
        %mul3A_130 = arith.constant 4 : i32
        %mul3A_131 = arith.muli %mul3A_130, %add3A_129 : i32
        %add3A_132 = arith.constant 0 : i32
        %add3A_133 = arith.addi %mul3A_131, %add3A_132 : i32
        %dma_wait3A_134 = arith.constant 0 : i32
        %dma_wait3A_135 = arith.constant 0 : i32
        %dma_wait3A_136 = tpu.memref_slice %arg10[%dma_wait3A_134, %dma_wait3A_135] : memref<8x128xi32, #tpu.memory_space<vmem>> -> memref<1x128xi32, #tpu.memory_space<vmem>>
        %dma_wait3A_137 = tpu.memref_squeeze %dma_wait3A_136 : memref<1x128xi32, #tpu.memory_space<vmem>> -> memref<128xi32, #tpu.memory_space<vmem>>
        %dma_wait3A_138 = arith.constant 0 : i32
        %dma_wait3A_139 = arith.constant 0 : i32
        %dma_wait3A_140 = tpu.memref_slice %arg3[%dma_wait3A_138, %dma_wait3A_139] : memref<10240x128xbf16, #tpu.memory_space<hbm>> -> memref<10240x128xbf16, #tpu.memory_space<hbm>>
        tpu.wait_indirect_dma semaphore(%arg22 : memref<!tpu.dma_semaphore, #tpu.memory_space<semaphore_mem>>) src(%dma_wait3A_140 : memref<10240x128xbf16, #tpu.memory_space<hbm>>) dst(%arg12 : memref<128x128xbf16, #tpu.memory_space<vmem>>)
        %add3A_141 = arith.constant 1 : i32
        %add3A_142 = arith.addi %add3A_133, %add3A_141 : i32
        %lt3A = arith.constant 160 : i32
        %lt3A_143 = arith.cmpi slt, %add3A_142, %lt3A : i32
        %convert_element_type3A_144 = arith.extui %lt3A_143 : i1 to i32
        %cond3A_145 = arith.constant 3 : i32
        %cond3A_146 = arith.constant 0 : i32
        %cond3A_147 = arith.cmpi ne, %convert_element_type3A_144, %cond3A_146 : i32
        scf.if %cond3A_147 {
          %ge3A = arith.constant 3 : i32
          %ge3A_414 = arith.cmpi sge, %add3A_133, %ge3A : i32
          %convert_element_type3A_415 = arith.extui %ge3A_414 : i1 to i32
          %cond3A_416 = arith.constant 0 : i32
          %cond3A_417 = arith.cmpi ne, %convert_element_type3A_415, %cond3A_416 : i32
          scf.if %cond3A_417 {
            %dma_wait3A_425 = arith.constant 0 : i32
            %dma_wait3A_426 = tpu.memref_slice %arg11[%cond3A_145, %dma_wait3A_425] : memref<8x128xi32, #tpu.memory_space<vmem>> -> memref<1x128xi32, #tpu.memory_space<vmem>>
            %dma_wait3A_427 = tpu.memref_squeeze %dma_wait3A_426 : memref<1x128xi32, #tpu.memory_space<vmem>> -> memref<128xi32, #tpu.memory_space<vmem>>
            %dma_wait3A_428 = arith.constant 0 : i32
            %dma_wait3A_429 = arith.constant 0 : i32
            %dma_wait3A_430 = tpu.memref_slice %arg18[%dma_wait3A_428, %dma_wait3A_429] : memref<10240x128xbf16, #tpu.memory_space<vmem_shared>> -> memref<10240x128xbf16, #tpu.memory_space<vmem_shared>>
            tpu.wait_indirect_dma semaphore(%arg27 : memref<!tpu.dma_semaphore, #tpu.memory_space<semaphore_mem>>) src(%arg13 : memref<128x128xbf16, #tpu.memory_space<vmem>>) dst(%dma_wait3A_430 : memref<10240x128xbf16, #tpu.memory_space<vmem_shared>>)
            %dma_wait3A_431 = arith.constant 0 : i32
            %dma_wait3A_432 = tpu.memref_slice %arg11[%cond3A_145, %dma_wait3A_431] : memref<8x128xi32, #tpu.memory_space<vmem>> -> memref<1x128xi32, #tpu.memory_space<vmem>>
            %dma_wait3A_433 = tpu.memref_squeeze %dma_wait3A_432 : memref<1x128xi32, #tpu.memory_space<vmem>> -> memref<128xi32, #tpu.memory_space<vmem>>
            %dma_wait3A_434 = arith.constant 0 : i32
            %dma_wait3A_435 = tpu.memref_slice %arg19[%dma_wait3A_434] : memref<10240xf32, #tpu.memory_space<vmem_shared>> -> memref<10240xf32, #tpu.memory_space<vmem_shared>>
            tpu.wait_indirect_dma semaphore(%arg31 : memref<!tpu.dma_semaphore, #tpu.memory_space<semaphore_mem>>) src(%arg16 : memref<128xf32, #tpu.memory_space<vmem>>) dst(%dma_wait3A_435 : memref<10240xf32, #tpu.memory_space<vmem_shared>>)
          } else {
          }
          %dma_start3A_418 = arith.constant 2 : i32
          %dma_start3A_419 = arith.constant 0 : i32
          %dma_start3A_420 = tpu.memref_slice %arg10[%dma_start3A_418, %dma_start3A_419] : memref<8x128xi32, #tpu.memory_space<vmem>> -> memref<1x128xi32, #tpu.memory_space<vmem>>
          %dma_start3A_421 = tpu.memref_squeeze %dma_start3A_420 : memref<1x128xi32, #tpu.memory_space<vmem>> -> memref<128xi32, #tpu.memory_space<vmem>>
          %dma_start3A_422 = arith.constant 0 : i32
          %dma_start3A_423 = arith.constant 0 : i32
          %dma_start3A_424 = tpu.memref_slice %arg3[%dma_start3A_422, %dma_start3A_423] : memref<10240x128xbf16, #tpu.memory_space<hbm>> -> memref<10240x128xbf16, #tpu.memory_space<hbm>>
          tpu.enqueue_indirect_dma source(%dma_start3A_424 : memref<10240x128xbf16, #tpu.memory_space<hbm>>) target(%arg13 : memref<128x128xbf16, #tpu.memory_space<vmem>>) offsets(%dma_start3A_421 : memref<128xi32, #tpu.memory_space<vmem>>) semaphore(%arg23 : memref<!tpu.dma_semaphore, #tpu.memory_space<semaphore_mem>>)
        } else {
        }
        %dma_start3A_148 = arith.constant 1 : i32
        %dma_start3A_149 = arith.constant 0 : i32
        %dma_start3A_150 = tpu.memref_slice %arg10[%dma_start3A_148, %dma_start3A_149] : memref<8x128xi32, #tpu.memory_space<vmem>> -> memref<1x128xi32, #tpu.memory_space<vmem>>
        %dma_start3A_151 = tpu.memref_squeeze %dma_start3A_150 : memref<1x128xi32, #tpu.memory_space<vmem>> -> memref<128xi32, #tpu.memory_space<vmem>>
        %dma_start3A_152 = arith.constant 0 : i32
        %dma_start3A_153 = arith.constant 0 : i32
        %dma_start3A_154 = tpu.memref_slice %arg18[%dma_start3A_152, %dma_start3A_153] : memref<10240x128xbf16, #tpu.memory_space<vmem_shared>> -> memref<10240x128xbf16, #tpu.memory_space<vmem_shared>>
        tpu.enqueue_indirect_dma source(%arg12 : memref<128x128xbf16, #tpu.memory_space<vmem>>) target(%dma_start3A_154 : memref<10240x128xbf16, #tpu.memory_space<vmem_shared>>) offsets(%dma_start3A_151 : memref<128xi32, #tpu.memory_space<vmem>>) semaphore(%arg26 : memref<!tpu.dma_semaphore, #tpu.memory_space<semaphore_mem>>) {add = true}
        %dma_start3A_155 = arith.constant 1 : i32
        %dma_start3A_156 = arith.constant 0 : i32
        %dma_start3A_157 = tpu.memref_slice %arg10[%dma_start3A_155, %dma_start3A_156] : memref<8x128xi32, #tpu.memory_space<vmem>> -> memref<1x128xi32, #tpu.memory_space<vmem>>
        %dma_start3A_158 = tpu.memref_squeeze %dma_start3A_157 : memref<1x128xi32, #tpu.memory_space<vmem>> -> memref<128xi32, #tpu.memory_space<vmem>>
        %dma_start3A_159 = arith.constant 0 : i32
        %dma_start3A_160 = tpu.memref_slice %arg19[%dma_start3A_159] : memref<10240xf32, #tpu.memory_space<vmem_shared>> -> memref<10240xf32, #tpu.memory_space<vmem_shared>>
        tpu.enqueue_indirect_dma source(%arg16 : memref<128xf32, #tpu.memory_space<vmem>>) target(%dma_start3A_160 : memref<10240xf32, #tpu.memory_space<vmem_shared>>) offsets(%dma_start3A_158 : memref<128xi32, #tpu.memory_space<vmem>>) semaphore(%arg30 : memref<!tpu.dma_semaphore, #tpu.memory_space<semaphore_mem>>) {add = true}
        %mul3A_161 = arith.constant 2 : i32
        %mul3A_162 = arith.muli %mul3A_161, %scan3A_124 : i32
        %add3A_163 = arith.constant 0 : i32
        %add3A_164 = arith.addi %mul3A_162, %add3A_163 : i32
        %mul3A_165 = arith.constant 4 : i32
        %mul3A_166 = arith.muli %mul3A_165, %add3A_164 : i32
        %add3A_167 = arith.constant 1 : i32
        %add3A_168 = arith.addi %mul3A_166, %add3A_167 : i32
        %dma_wait3A_169 = arith.constant 2 : i32
        %dma_wait3A_170 = arith.constant 0 : i32
        %dma_wait3A_171 = tpu.memref_slice %arg10[%dma_wait3A_169, %dma_wait3A_170] : memref<8x128xi32, #tpu.memory_space<vmem>> -> memref<1x128xi32, #tpu.memory_space<vmem>>
        %dma_wait3A_172 = tpu.memref_squeeze %dma_wait3A_171 : memref<1x128xi32, #tpu.memory_space<vmem>> -> memref<128xi32, #tpu.memory_space<vmem>>
        %dma_wait3A_173 = arith.constant 0 : i32
        %dma_wait3A_174 = arith.constant 0 : i32
        %dma_wait3A_175 = tpu.memref_slice %arg3[%dma_wait3A_173, %dma_wait3A_174] : memref<10240x128xbf16, #tpu.memory_space<hbm>> -> memref<10240x128xbf16, #tpu.memory_space<hbm>>
        tpu.wait_indirect_dma semaphore(%arg23 : memref<!tpu.dma_semaphore, #tpu.memory_space<semaphore_mem>>) src(%dma_wait3A_175 : memref<10240x128xbf16, #tpu.memory_space<hbm>>) dst(%arg13 : memref<128x128xbf16, #tpu.memory_space<vmem>>)
        %add3A_176 = arith.constant 1 : i32
        %add3A_177 = arith.addi %add3A_168, %add3A_176 : i32
        %lt3A_178 = arith.constant 160 : i32
        %lt3A_179 = arith.cmpi slt, %add3A_177, %lt3A_178 : i32
        %convert_element_type3A_180 = arith.extui %lt3A_179 : i1 to i32
        %cond3A_181 = arith.constant 5 : i32
        %cond3A_182 = arith.constant 0 : i32
        %cond3A_183 = arith.cmpi ne, %convert_element_type3A_180, %cond3A_182 : i32
        scf.if %cond3A_183 {
          %ge3A = arith.constant 3 : i32
          %ge3A_414 = arith.cmpi sge, %add3A_168, %ge3A : i32
          %convert_element_type3A_415 = arith.extui %ge3A_414 : i1 to i32
          %cond3A_416 = arith.constant 0 : i32
          %cond3A_417 = arith.cmpi ne, %convert_element_type3A_415, %cond3A_416 : i32
          scf.if %cond3A_417 {
            %dma_wait3A_425 = arith.constant 0 : i32
            %dma_wait3A_426 = tpu.memref_slice %arg11[%cond3A_181, %dma_wait3A_425] : memref<8x128xi32, #tpu.memory_space<vmem>> -> memref<1x128xi32, #tpu.memory_space<vmem>>
            %dma_wait3A_427 = tpu.memref_squeeze %dma_wait3A_426 : memref<1x128xi32, #tpu.memory_space<vmem>> -> memref<128xi32, #tpu.memory_space<vmem>>
            %dma_wait3A_428 = arith.constant 0 : i32
            %dma_wait3A_429 = arith.constant 0 : i32
            %dma_wait3A_430 = tpu.memref_slice %arg18[%dma_wait3A_428, %dma_wait3A_429] : memref<10240x128xbf16, #tpu.memory_space<vmem_shared>> -> memref<10240x128xbf16, #tpu.memory_space<vmem_shared>>
            tpu.wait_indirect_dma semaphore(%arg28 : memref<!tpu.dma_semaphore, #tpu.memory_space<semaphore_mem>>) src(%arg14 : memref<128x128xbf16, #tpu.memory_space<vmem>>) dst(%dma_wait3A_430 : memref<10240x128xbf16, #tpu.memory_space<vmem_shared>>)
            %dma_wait3A_431 = arith.constant 0 : i32
            %dma_wait3A_432 = tpu.memref_slice %arg11[%cond3A_181, %dma_wait3A_431] : memref<8x128xi32, #tpu.memory_space<vmem>> -> memref<1x128xi32, #tpu.memory_space<vmem>>
            %dma_wait3A_433 = tpu.memref_squeeze %dma_wait3A_432 : memref<1x128xi32, #tpu.memory_space<vmem>> -> memref<128xi32, #tpu.memory_space<vmem>>
            %dma_wait3A_434 = arith.constant 0 : i32
            %dma_wait3A_435 = tpu.memref_slice %arg19[%dma_wait3A_434] : memref<10240xf32, #tpu.memory_space<vmem_shared>> -> memref<10240xf32, #tpu.memory_space<vmem_shared>>
            tpu.wait_indirect_dma semaphore(%arg32 : memref<!tpu.dma_semaphore, #tpu.memory_space<semaphore_mem>>) src(%arg16 : memref<128xf32, #tpu.memory_space<vmem>>) dst(%dma_wait3A_435 : memref<10240xf32, #tpu.memory_space<vmem_shared>>)
          } else {
          }
          %dma_start3A_418 = arith.constant 4 : i32
          %dma_start3A_419 = arith.constant 0 : i32
          %dma_start3A_420 = tpu.memref_slice %arg10[%dma_start3A_418, %dma_start3A_419] : memref<8x128xi32, #tpu.memory_space<vmem>> -> memref<1x128xi32, #tpu.memory_space<vmem>>
          %dma_start3A_421 = tpu.memref_squeeze %dma_start3A_420 : memref<1x128xi32, #tpu.memory_space<vmem>> -> memref<128xi32, #tpu.memory_space<vmem>>
          %dma_start3A_422 = arith.constant 0 : i32
          %dma_start3A_423 = arith.constant 0 : i32
          %dma_start3A_424 = tpu.memref_slice %arg3[%dma_start3A_422, %dma_start3A_423] : memref<10240x128xbf16, #tpu.memory_space<hbm>> -> memref<10240x128xbf16, #tpu.memory_space<hbm>>
          tpu.enqueue_indirect_dma source(%dma_start3A_424 : memref<10240x128xbf16, #tpu.memory_space<hbm>>) target(%arg14 : memref<128x128xbf16, #tpu.memory_space<vmem>>) offsets(%dma_start3A_421 : memref<128xi32, #tpu.memory_space<vmem>>) semaphore(%arg24 : memref<!tpu.dma_semaphore, #tpu.memory_space<semaphore_mem>>)
        } else {
        }
        %dma_start3A_184 = arith.constant 3 : i32
        %dma_start3A_185 = arith.constant 0 : i32
        %dma_start3A_186 = tpu.memref_slice %arg10[%dma_start3A_184, %dma_start3A_185] : memref<8x128xi32, #tpu.memory_space<vmem>> -> memref<1x128xi32, #tpu.memory_space<vmem>>
        %dma_start3A_187 = tpu.memref_squeeze %dma_start3A_186 : memref<1x128xi32, #tpu.memory_space<vmem>> -> memref<128xi32, #tpu.memory_space<vmem>>
        %dma_start3A_188 = arith.constant 0 : i32
        %dma_start3A_189 = arith.constant 0 : i32
        %dma_start3A_190 = tpu.memref_slice %arg18[%dma_start3A_188, %dma_start3A_189] : memref<10240x128xbf16, #tpu.memory_space<vmem_shared>> -> memref<10240x128xbf16, #tpu.memory_space<vmem_shared>>
        tpu.enqueue_indirect_dma source(%arg13 : memref<128x128xbf16, #tpu.memory_space<vmem>>) target(%dma_start3A_190 : memref<10240x128xbf16, #tpu.memory_space<vmem_shared>>) offsets(%dma_start3A_187 : memref<128xi32, #tpu.memory_space<vmem>>) semaphore(%arg27 : memref<!tpu.dma_semaphore, #tpu.memory_space<semaphore_mem>>) {add = true}
        %dma_start3A_191 = arith.constant 3 : i32
        %dma_start3A_192 = arith.constant 0 : i32
        %dma_start3A_193 = tpu.memref_slice %arg10[%dma_start3A_191, %dma_start3A_192] : memref<8x128xi32, #tpu.memory_space<vmem>> -> memref<1x128xi32, #tpu.memory_space<vmem>>
        %dma_start3A_194 = tpu.memref_squeeze %dma_start3A_193 : memref<1x128xi32, #tpu.memory_space<vmem>> -> memref<128xi32, #tpu.memory_space<vmem>>
        %dma_start3A_195 = arith.constant 0 : i32
        %dma_start3A_196 = tpu.memref_slice %arg19[%dma_start3A_195] : memref<10240xf32, #tpu.memory_space<vmem_shared>> -> memref<10240xf32, #tpu.memory_space<vmem_shared>>
        tpu.enqueue_indirect_dma source(%arg16 : memref<128xf32, #tpu.memory_space<vmem>>) target(%dma_start3A_196 : memref<10240xf32, #tpu.memory_space<vmem_shared>>) offsets(%dma_start3A_194 : memref<128xi32, #tpu.memory_space<vmem>>) semaphore(%arg31 : memref<!tpu.dma_semaphore, #tpu.memory_space<semaphore_mem>>) {add = true}
        %mul3A_197 = arith.constant 2 : i32
        %mul3A_198 = arith.muli %mul3A_197, %scan3A_124 : i32
        %add3A_199 = arith.constant 0 : i32
        %add3A_200 = arith.addi %mul3A_198, %add3A_199 : i32
        %mul3A_201 = arith.constant 4 : i32
        %mul3A_202 = arith.muli %mul3A_201, %add3A_200 : i32
        %add3A_203 = arith.constant 2 : i32
        %add3A_204 = arith.addi %mul3A_202, %add3A_203 : i32
        %dma_wait3A_205 = arith.constant 4 : i32
        %dma_wait3A_206 = arith.constant 0 : i32
        %dma_wait3A_207 = tpu.memref_slice %arg10[%dma_wait3A_205, %dma_wait3A_206] : memref<8x128xi32, #tpu.memory_space<vmem>> -> memref<1x128xi32, #tpu.memory_space<vmem>>
        %dma_wait3A_208 = tpu.memref_squeeze %dma_wait3A_207 : memref<1x128xi32, #tpu.memory_space<vmem>> -> memref<128xi32, #tpu.memory_space<vmem>>
        %dma_wait3A_209 = arith.constant 0 : i32
        %dma_wait3A_210 = arith.constant 0 : i32
        %dma_wait3A_211 = tpu.memref_slice %arg3[%dma_wait3A_209, %dma_wait3A_210] : memref<10240x128xbf16, #tpu.memory_space<hbm>> -> memref<10240x128xbf16, #tpu.memory_space<hbm>>
        tpu.wait_indirect_dma semaphore(%arg24 : memref<!tpu.dma_semaphore, #tpu.memory_space<semaphore_mem>>) src(%dma_wait3A_211 : memref<10240x128xbf16, #tpu.memory_space<hbm>>) dst(%arg14 : memref<128x128xbf16, #tpu.memory_space<vmem>>)
        %add3A_212 = arith.constant 1 : i32
        %add3A_213 = arith.addi %add3A_204, %add3A_212 : i32
        %lt3A_214 = arith.constant 160 : i32
        %lt3A_215 = arith.cmpi slt, %add3A_213, %lt3A_214 : i32
        %convert_element_type3A_216 = arith.extui %lt3A_215 : i1 to i32
        %cond3A_217 = arith.constant 7 : i32
        %cond3A_218 = arith.constant 0 : i32
        %cond3A_219 = arith.cmpi ne, %convert_element_type3A_216, %cond3A_218 : i32
        scf.if %cond3A_219 {
          %ge3A = arith.constant 3 : i32
          %ge3A_414 = arith.cmpi sge, %add3A_204, %ge3A : i32
          %convert_element_type3A_415 = arith.extui %ge3A_414 : i1 to i32
          %cond3A_416 = arith.constant 0 : i32
          %cond3A_417 = arith.cmpi ne, %convert_element_type3A_415, %cond3A_416 : i32
          scf.if %cond3A_417 {
            %dma_wait3A_434 = arith.constant 0 : i32
            %dma_wait3A_435 = tpu.memref_slice %arg11[%cond3A_217, %dma_wait3A_434] : memref<8x128xi32, #tpu.memory_space<vmem>> -> memref<1x128xi32, #tpu.memory_space<vmem>>
            %dma_wait3A_436 = tpu.memref_squeeze %dma_wait3A_435 : memref<1x128xi32, #tpu.memory_space<vmem>> -> memref<128xi32, #tpu.memory_space<vmem>>
            %dma_wait3A_437 = arith.constant 0 : i32
            %dma_wait3A_438 = arith.constant 0 : i32
            %dma_wait3A_439 = tpu.memref_slice %arg18[%dma_wait3A_437, %dma_wait3A_438] : memref<10240x128xbf16, #tpu.memory_space<vmem_shared>> -> memref<10240x128xbf16, #tpu.memory_space<vmem_shared>>
            tpu.wait_indirect_dma semaphore(%arg29 : memref<!tpu.dma_semaphore, #tpu.memory_space<semaphore_mem>>) src(%arg15 : memref<128x128xbf16, #tpu.memory_space<vmem>>) dst(%dma_wait3A_439 : memref<10240x128xbf16, #tpu.memory_space<vmem_shared>>)
            %dma_wait3A_440 = arith.constant 0 : i32
            %dma_wait3A_441 = tpu.memref_slice %arg11[%cond3A_217, %dma_wait3A_440] : memref<8x128xi32, #tpu.memory_space<vmem>> -> memref<1x128xi32, #tpu.memory_space<vmem>>
            %dma_wait3A_442 = tpu.memref_squeeze %dma_wait3A_441 : memref<1x128xi32, #tpu.memory_space<vmem>> -> memref<128xi32, #tpu.memory_space<vmem>>
            %dma_wait3A_443 = arith.constant 0 : i32
            %dma_wait3A_444 = tpu.memref_slice %arg19[%dma_wait3A_443] : memref<10240xf32, #tpu.memory_space<vmem_shared>> -> memref<10240xf32, #tpu.memory_space<vmem_shared>>
            tpu.wait_indirect_dma semaphore(%arg33 : memref<!tpu.dma_semaphore, #tpu.memory_space<semaphore_mem>>) src(%arg16 : memref<128xf32, #tpu.memory_space<vmem>>) dst(%dma_wait3A_444 : memref<10240xf32, #tpu.memory_space<vmem_shared>>)
          } else {
          }
          %ge3A_418 = arith.constant 1 : i32
          %ge3A_419 = arith.cmpi sge, %add3A_200, %ge3A_418 : i32
          %add3A_420 = arith.constant 1 : i32
          %add3A_421 = arith.addi %add3A_200, %add3A_420 : i32
          %lt3A_422 = arith.constant 40 : i32
          %lt3A_423 = arith.cmpi slt, %add3A_421, %lt3A_422 : i32
          %and3A = arith.andi %ge3A_419, %lt3A_423 : i1
          %convert_element_type3A_424 = arith.extui %and3A : i1 to i32
          %cond3A_425 = arith.constant 0 : i32
          %cond3A_426 = arith.cmpi ne, %convert_element_type3A_424, %cond3A_425 : i32
          scf.if %cond3A_426 {
            %add3A_434 = arith.addi %mul3A_49, %add3A_200 : i32
            %add3A_435 = arith.constant 1 : i32
            %add3A_436 = arith.addi %add3A_434, %add3A_435 : i32
            %dma_start3A_437 = arith.constant 0 : i32
            %dma_start3A_438 = arith.constant 0 : i32
            %dma_start3A_439 = tpu.memref_slice %arg5[%add3A_436, %dma_start3A_437, %dma_start3A_438] : memref<640x8x128xi32, #tpu.memory_space<hbm>> -> memref<1x8x128xi32, #tpu.memory_space<hbm>>
            %dma_start3A_440 = tpu.memref_squeeze %dma_start3A_439 : memref<1x8x128xi32, #tpu.memory_space<hbm>> -> memref<8x128xi32, #tpu.memory_space<hbm>>
            %dma_start3A_441 = arith.constant 0 : i32
            %dma_start3A_442 = arith.constant 0 : i32
            %dma_start3A_443 = tpu.memref_slice %arg5[%add3A_436, %dma_start3A_441, %dma_start3A_442] : memref<640x8x128xi32, #tpu.memory_space<hbm>> -> memref<1x8x128xi32, #tpu.memory_space<hbm>>
            %dma_start3A_444 = tpu.memref_squeeze %dma_start3A_443 : memref<1x8x128xi32, #tpu.memory_space<hbm>> -> memref<8x128xi32, #tpu.memory_space<hbm>>
            tpu.enqueue_dma source(%dma_start3A_444 : memref<8x128xi32, #tpu.memory_space<hbm>>) target(%arg11 : memref<8x128xi32, #tpu.memory_space<vmem>>) target_semaphore(%arg21 : memref<!tpu.dma_semaphore, #tpu.memory_space<semaphore_mem>>)
          } else {
          }
          %dma_start3A_427 = arith.constant 6 : i32
          %dma_start3A_428 = arith.constant 0 : i32
          %dma_start3A_429 = tpu.memref_slice %arg10[%dma_start3A_427, %dma_start3A_428] : memref<8x128xi32, #tpu.memory_space<vmem>> -> memref<1x128xi32, #tpu.memory_space<vmem>>
          %dma_start3A_430 = tpu.memref_squeeze %dma_start3A_429 : memref<1x128xi32, #tpu.memory_space<vmem>> -> memref<128xi32, #tpu.memory_space<vmem>>
          %dma_start3A_431 = arith.constant 0 : i32
          %dma_start3A_432 = arith.constant 0 : i32
          %dma_start3A_433 = tpu.memref_slice %arg3[%dma_start3A_431, %dma_start3A_432] : memref<10240x128xbf16, #tpu.memory_space<hbm>> -> memref<10240x128xbf16, #tpu.memory_space<hbm>>
          tpu.enqueue_indirect_dma source(%dma_start3A_433 : memref<10240x128xbf16, #tpu.memory_space<hbm>>) target(%arg15 : memref<128x128xbf16, #tpu.memory_space<vmem>>) offsets(%dma_start3A_430 : memref<128xi32, #tpu.memory_space<vmem>>) semaphore(%arg25 : memref<!tpu.dma_semaphore, #tpu.memory_space<semaphore_mem>>)
        } else {
        }
        %dma_start3A_220 = arith.constant 5 : i32
        %dma_start3A_221 = arith.constant 0 : i32
        %dma_start3A_222 = tpu.memref_slice %arg10[%dma_start3A_220, %dma_start3A_221] : memref<8x128xi32, #tpu.memory_space<vmem>> -> memref<1x128xi32, #tpu.memory_space<vmem>>
        %dma_start3A_223 = tpu.memref_squeeze %dma_start3A_222 : memref<1x128xi32, #tpu.memory_space<vmem>> -> memref<128xi32, #tpu.memory_space<vmem>>
        %dma_start3A_224 = arith.constant 0 : i32
        %dma_start3A_225 = arith.constant 0 : i32
        %dma_start3A_226 = tpu.memref_slice %arg18[%dma_start3A_224, %dma_start3A_225] : memref<10240x128xbf16, #tpu.memory_space<vmem_shared>> -> memref<10240x128xbf16, #tpu.memory_space<vmem_shared>>
        tpu.enqueue_indirect_dma source(%arg14 : memref<128x128xbf16, #tpu.memory_space<vmem>>) target(%dma_start3A_226 : memref<10240x128xbf16, #tpu.memory_space<vmem_shared>>) offsets(%dma_start3A_223 : memref<128xi32, #tpu.memory_space<vmem>>) semaphore(%arg28 : memref<!tpu.dma_semaphore, #tpu.memory_space<semaphore_mem>>) {add = true}
        %dma_start3A_227 = arith.constant 5 : i32
        %dma_start3A_228 = arith.constant 0 : i32
        %dma_start3A_229 = tpu.memref_slice %arg10[%dma_start3A_227, %dma_start3A_228] : memref<8x128xi32, #tpu.memory_space<vmem>> -> memref<1x128xi32, #tpu.memory_space<vmem>>
        %dma_start3A_230 = tpu.memref_squeeze %dma_start3A_229 : memref<1x128xi32, #tpu.memory_space<vmem>> -> memref<128xi32, #tpu.memory_space<vmem>>
        %dma_start3A_231 = arith.constant 0 : i32
        %dma_start3A_232 = tpu.memref_slice %arg19[%dma_start3A_231] : memref<10240xf32, #tpu.memory_space<vmem_shared>> -> memref<10240xf32, #tpu.memory_space<vmem_shared>>
        tpu.enqueue_indirect_dma source(%arg16 : memref<128xf32, #tpu.memory_space<vmem>>) target(%dma_start3A_232 : memref<10240xf32, #tpu.memory_space<vmem_shared>>) offsets(%dma_start3A_230 : memref<128xi32, #tpu.memory_space<vmem>>) semaphore(%arg32 : memref<!tpu.dma_semaphore, #tpu.memory_space<semaphore_mem>>) {add = true}
        %mul3A_233 = arith.constant 2 : i32
        %mul3A_234 = arith.muli %mul3A_233, %scan3A_124 : i32
        %add3A_235 = arith.constant 0 : i32
        %add3A_236 = arith.addi %mul3A_234, %add3A_235 : i32
        %mul3A_237 = arith.constant 4 : i32
        %mul3A_238 = arith.muli %mul3A_237, %add3A_236 : i32
        %add3A_239 = arith.constant 3 : i32
        %add3A_240 = arith.addi %mul3A_238, %add3A_239 : i32
        %dma_wait3A_241 = arith.constant 6 : i32
        %dma_wait3A_242 = arith.constant 0 : i32
        %dma_wait3A_243 = tpu.memref_slice %arg10[%dma_wait3A_241, %dma_wait3A_242] : memref<8x128xi32, #tpu.memory_space<vmem>> -> memref<1x128xi32, #tpu.memory_space<vmem>>
        %dma_wait3A_244 = tpu.memref_squeeze %dma_wait3A_243 : memref<1x128xi32, #tpu.memory_space<vmem>> -> memref<128xi32, #tpu.memory_space<vmem>>
        %dma_wait3A_245 = arith.constant 0 : i32
        %dma_wait3A_246 = arith.constant 0 : i32
        %dma_wait3A_247 = tpu.memref_slice %arg3[%dma_wait3A_245, %dma_wait3A_246] : memref<10240x128xbf16, #tpu.memory_space<hbm>> -> memref<10240x128xbf16, #tpu.memory_space<hbm>>
        tpu.wait_indirect_dma semaphore(%arg25 : memref<!tpu.dma_semaphore, #tpu.memory_space<semaphore_mem>>) src(%dma_wait3A_247 : memref<10240x128xbf16, #tpu.memory_space<hbm>>) dst(%arg15 : memref<128x128xbf16, #tpu.memory_space<vmem>>)
        %add3A_248 = arith.constant 1 : i32
        %add3A_249 = arith.addi %add3A_240, %add3A_248 : i32
        %lt3A_250 = arith.constant 160 : i32
        %lt3A_251 = arith.cmpi slt, %add3A_249, %lt3A_250 : i32
        %convert_element_type3A_252 = arith.extui %lt3A_251 : i1 to i32
        %cond3A_253 = arith.constant 1 : i32
        %cond3A_254 = arith.constant 0 : i32
        %cond3A_255 = arith.cmpi ne, %convert_element_type3A_252, %cond3A_254 : i32
        scf.if %cond3A_255 {
          %ge3A = arith.constant 3 : i32
          %ge3A_414 = arith.cmpi sge, %add3A_240, %ge3A : i32
          %convert_element_type3A_415 = arith.extui %ge3A_414 : i1 to i32
          %cond3A_416 = arith.constant 0 : i32
          %cond3A_417 = arith.cmpi ne, %convert_element_type3A_415, %cond3A_416 : i32
          scf.if %cond3A_417 {
            %dma_wait3A_436 = arith.constant 0 : i32
            %dma_wait3A_437 = tpu.memref_slice %arg10[%cond3A_253, %dma_wait3A_436] : memref<8x128xi32, #tpu.memory_space<vmem>> -> memref<1x128xi32, #tpu.memory_space<vmem>>
            %dma_wait3A_438 = tpu.memref_squeeze %dma_wait3A_437 : memref<1x128xi32, #tpu.memory_space<vmem>> -> memref<128xi32, #tpu.memory_space<vmem>>
            %dma_wait3A_439 = arith.constant 0 : i32
            %dma_wait3A_440 = arith.constant 0 : i32
            %dma_wait3A_441 = tpu.memref_slice %arg18[%dma_wait3A_439, %dma_wait3A_440] : memref<10240x128xbf16, #tpu.memory_space<vmem_shared>> -> memref<10240x128xbf16, #tpu.memory_space<vmem_shared>>
            tpu.wait_indirect_dma semaphore(%arg26 : memref<!tpu.dma_semaphore, #tpu.memory_space<semaphore_mem>>) src(%arg12 : memref<128x128xbf16, #tpu.memory_space<vmem>>) dst(%dma_wait3A_441 : memref<10240x128xbf16, #tpu.memory_space<vmem_shared>>)
            %dma_wait3A_442 = arith.constant 0 : i32
            %dma_wait3A_443 = tpu.memref_slice %arg10[%cond3A_253, %dma_wait3A_442] : memref<8x128xi32, #tpu.memory_space<vmem>> -> memref<1x128xi32, #tpu.memory_space<vmem>>
            %dma_wait3A_444 = tpu.memref_squeeze %dma_wait3A_443 : memref<1x128xi32, #tpu.memory_space<vmem>> -> memref<128xi32, #tpu.memory_space<vmem>>
            %dma_wait3A_445 = arith.constant 0 : i32
            %dma_wait3A_446 = tpu.memref_slice %arg19[%dma_wait3A_445] : memref<10240xf32, #tpu.memory_space<vmem_shared>> -> memref<10240xf32, #tpu.memory_space<vmem_shared>>
            tpu.wait_indirect_dma semaphore(%arg30 : memref<!tpu.dma_semaphore, #tpu.memory_space<semaphore_mem>>) src(%arg16 : memref<128xf32, #tpu.memory_space<vmem>>) dst(%dma_wait3A_446 : memref<10240xf32, #tpu.memory_space<vmem_shared>>)
          } else {
          }
          %add3A_418 = arith.addi %mul3A_49, %add3A_236 : i32
          %add3A_419 = arith.constant 1 : i32
          %add3A_420 = arith.addi %add3A_418, %add3A_419 : i32
          %dma_wait3A_421 = arith.constant 0 : i32
          %dma_wait3A_422 = arith.constant 0 : i32
          %dma_wait3A_423 = tpu.memref_slice %arg5[%add3A_420, %dma_wait3A_421, %dma_wait3A_422] : memref<640x8x128xi32, #tpu.memory_space<hbm>> -> memref<1x8x128xi32, #tpu.memory_space<hbm>>
          %dma_wait3A_424 = tpu.memref_squeeze %dma_wait3A_423 : memref<1x8x128xi32, #tpu.memory_space<hbm>> -> memref<8x128xi32, #tpu.memory_space<hbm>>
          %dma_wait3A_425 = arith.constant 0 : i32
          %dma_wait3A_426 = arith.constant 0 : i32
          %dma_wait3A_427 = tpu.memref_slice %arg5[%add3A_420, %dma_wait3A_425, %dma_wait3A_426] : memref<640x8x128xi32, #tpu.memory_space<hbm>> -> memref<1x8x128xi32, #tpu.memory_space<hbm>>
          %dma_wait3A_428 = tpu.memref_squeeze %dma_wait3A_427 : memref<1x8x128xi32, #tpu.memory_space<hbm>> -> memref<8x128xi32, #tpu.memory_space<hbm>>
          tpu.wait_dma2 semaphore(%arg21 : memref<!tpu.dma_semaphore, #tpu.memory_space<semaphore_mem>>) src(%dma_wait3A_428 : memref<8x128xi32, #tpu.memory_space<hbm>>) dst(%arg11 : memref<8x128xi32, #tpu.memory_space<vmem>>)
          %dma_start3A_429 = arith.constant 0 : i32
          %dma_start3A_430 = arith.constant 0 : i32
          %dma_start3A_431 = tpu.memref_slice %arg11[%dma_start3A_429, %dma_start3A_430] : memref<8x128xi32, #tpu.memory_space<vmem>> -> memref<1x128xi32, #tpu.memory_space<vmem>>
          %dma_start3A_432 = tpu.memref_squeeze %dma_start3A_431 : memref<1x128xi32, #tpu.memory_space<vmem>> -> memref<128xi32, #tpu.memory_space<vmem>>
          %dma_start3A_433 = arith.constant 0 : i32
          %dma_start3A_434 = arith.constant 0 : i32
          %dma_start3A_435 = tpu.memref_slice %arg3[%dma_start3A_433, %dma_start3A_434] : memref<10240x128xbf16, #tpu.memory_space<hbm>> -> memref<10240x128xbf16, #tpu.memory_space<hbm>>
          tpu.enqueue_indirect_dma source(%dma_start3A_435 : memref<10240x128xbf16, #tpu.memory_space<hbm>>) target(%arg12 : memref<128x128xbf16, #tpu.memory_space<vmem>>) offsets(%dma_start3A_432 : memref<128xi32, #tpu.memory_space<vmem>>) semaphore(%arg22 : memref<!tpu.dma_semaphore, #tpu.memory_space<semaphore_mem>>)
        } else {
        }
        %dma_start3A_256 = arith.constant 7 : i32
        %dma_start3A_257 = arith.constant 0 : i32
        %dma_start3A_258 = tpu.memref_slice %arg10[%dma_start3A_256, %dma_start3A_257] : memref<8x128xi32, #tpu.memory_space<vmem>> -> memref<1x128xi32, #tpu.memory_space<vmem>>
        %dma_start3A_259 = tpu.memref_squeeze %dma_start3A_258 : memref<1x128xi32, #tpu.memory_space<vmem>> -> memref<128xi32, #tpu.memory_space<vmem>>
        %dma_start3A_260 = arith.constant 0 : i32
        %dma_start3A_261 = arith.constant 0 : i32
        %dma_start3A_262 = tpu.memref_slice %arg18[%dma_start3A_260, %dma_start3A_261] : memref<10240x128xbf16, #tpu.memory_space<vmem_shared>> -> memref<10240x128xbf16, #tpu.memory_space<vmem_shared>>
        tpu.enqueue_indirect_dma source(%arg15 : memref<128x128xbf16, #tpu.memory_space<vmem>>) target(%dma_start3A_262 : memref<10240x128xbf16, #tpu.memory_space<vmem_shared>>) offsets(%dma_start3A_259 : memref<128xi32, #tpu.memory_space<vmem>>) semaphore(%arg29 : memref<!tpu.dma_semaphore, #tpu.memory_space<semaphore_mem>>) {add = true}
        %dma_start3A_263 = arith.constant 7 : i32
        %dma_start3A_264 = arith.constant 0 : i32
        %dma_start3A_265 = tpu.memref_slice %arg10[%dma_start3A_263, %dma_start3A_264] : memref<8x128xi32, #tpu.memory_space<vmem>> -> memref<1x128xi32, #tpu.memory_space<vmem>>
        %dma_start3A_266 = tpu.memref_squeeze %dma_start3A_265 : memref<1x128xi32, #tpu.memory_space<vmem>> -> memref<128xi32, #tpu.memory_space<vmem>>
        %dma_start3A_267 = arith.constant 0 : i32
        %dma_start3A_268 = tpu.memref_slice %arg19[%dma_start3A_267] : memref<10240xf32, #tpu.memory_space<vmem_shared>> -> memref<10240xf32, #tpu.memory_space<vmem_shared>>
        tpu.enqueue_indirect_dma source(%arg16 : memref<128xf32, #tpu.memory_space<vmem>>) target(%dma_start3A_268 : memref<10240xf32, #tpu.memory_space<vmem_shared>>) offsets(%dma_start3A_266 : memref<128xi32, #tpu.memory_space<vmem>>) semaphore(%arg33 : memref<!tpu.dma_semaphore, #tpu.memory_space<semaphore_mem>>) {add = true}
        %mul3A_269 = arith.constant 2 : i32
        %mul3A_270 = arith.muli %mul3A_269, %scan3A_124 : i32
        %add3A_271 = arith.constant 1 : i32
        %add3A_272 = arith.addi %mul3A_270, %add3A_271 : i32
        %mul3A_273 = arith.constant 4 : i32
        %mul3A_274 = arith.muli %mul3A_273, %add3A_272 : i32
        %add3A_275 = arith.constant 0 : i32
        %add3A_276 = arith.addi %mul3A_274, %add3A_275 : i32
        %dma_wait3A_277 = arith.constant 0 : i32
        %dma_wait3A_278 = arith.constant 0 : i32
        %dma_wait3A_279 = tpu.memref_slice %arg11[%dma_wait3A_277, %dma_wait3A_278] : memref<8x128xi32, #tpu.memory_space<vmem>> -> memref<1x128xi32, #tpu.memory_space<vmem>>
        %dma_wait3A_280 = tpu.memref_squeeze %dma_wait3A_279 : memref<1x128xi32, #tpu.memory_space<vmem>> -> memref<128xi32, #tpu.memory_space<vmem>>
        %dma_wait3A_281 = arith.constant 0 : i32
        %dma_wait3A_282 = arith.constant 0 : i32
        %dma_wait3A_283 = tpu.memref_slice %arg3[%dma_wait3A_281, %dma_wait3A_282] : memref<10240x128xbf16, #tpu.memory_space<hbm>> -> memref<10240x128xbf16, #tpu.memory_space<hbm>>
        tpu.wait_indirect_dma semaphore(%arg22 : memref<!tpu.dma_semaphore, #tpu.memory_space<semaphore_mem>>) src(%dma_wait3A_283 : memref<10240x128xbf16, #tpu.memory_space<hbm>>) dst(%arg12 : memref<128x128xbf16, #tpu.memory_space<vmem>>)
        %add3A_284 = arith.constant 1 : i32
        %add3A_285 = arith.addi %add3A_276, %add3A_284 : i32
        %lt3A_286 = arith.constant 160 : i32
        %lt3A_287 = arith.cmpi slt, %add3A_285, %lt3A_286 : i32
        %convert_element_type3A_288 = arith.extui %lt3A_287 : i1 to i32
        %cond3A_289 = arith.constant 3 : i32
        %cond3A_290 = arith.constant 0 : i32
        %cond3A_291 = arith.cmpi ne, %convert_element_type3A_288, %cond3A_290 : i32
        scf.if %cond3A_291 {
          %ge3A = arith.constant 3 : i32
          %ge3A_414 = arith.cmpi sge, %add3A_276, %ge3A : i32
          %convert_element_type3A_415 = arith.extui %ge3A_414 : i1 to i32
          %cond3A_416 = arith.constant 0 : i32
          %cond3A_417 = arith.cmpi ne, %convert_element_type3A_415, %cond3A_416 : i32
          scf.if %cond3A_417 {
            %dma_wait3A_425 = arith.constant 0 : i32
            %dma_wait3A_426 = tpu.memref_slice %arg10[%cond3A_289, %dma_wait3A_425] : memref<8x128xi32, #tpu.memory_space<vmem>> -> memref<1x128xi32, #tpu.memory_space<vmem>>
            %dma_wait3A_427 = tpu.memref_squeeze %dma_wait3A_426 : memref<1x128xi32, #tpu.memory_space<vmem>> -> memref<128xi32, #tpu.memory_space<vmem>>
            %dma_wait3A_428 = arith.constant 0 : i32
            %dma_wait3A_429 = arith.constant 0 : i32
            %dma_wait3A_430 = tpu.memref_slice %arg18[%dma_wait3A_428, %dma_wait3A_429] : memref<10240x128xbf16, #tpu.memory_space<vmem_shared>> -> memref<10240x128xbf16, #tpu.memory_space<vmem_shared>>
            tpu.wait_indirect_dma semaphore(%arg27 : memref<!tpu.dma_semaphore, #tpu.memory_space<semaphore_mem>>) src(%arg13 : memref<128x128xbf16, #tpu.memory_space<vmem>>) dst(%dma_wait3A_430 : memref<10240x128xbf16, #tpu.memory_space<vmem_shared>>)
            %dma_wait3A_431 = arith.constant 0 : i32
            %dma_wait3A_432 = tpu.memref_slice %arg10[%cond3A_289, %dma_wait3A_431] : memref<8x128xi32, #tpu.memory_space<vmem>> -> memref<1x128xi32, #tpu.memory_space<vmem>>
            %dma_wait3A_433 = tpu.memref_squeeze %dma_wait3A_432 : memref<1x128xi32, #tpu.memory_space<vmem>> -> memref<128xi32, #tpu.memory_space<vmem>>
            %dma_wait3A_434 = arith.constant 0 : i32
            %dma_wait3A_435 = tpu.memref_slice %arg19[%dma_wait3A_434] : memref<10240xf32, #tpu.memory_space<vmem_shared>> -> memref<10240xf32, #tpu.memory_space<vmem_shared>>
            tpu.wait_indirect_dma semaphore(%arg31 : memref<!tpu.dma_semaphore, #tpu.memory_space<semaphore_mem>>) src(%arg16 : memref<128xf32, #tpu.memory_space<vmem>>) dst(%dma_wait3A_435 : memref<10240xf32, #tpu.memory_space<vmem_shared>>)
          } else {
          }
          %dma_start3A_418 = arith.constant 2 : i32
          %dma_start3A_419 = arith.constant 0 : i32
          %dma_start3A_420 = tpu.memref_slice %arg11[%dma_start3A_418, %dma_start3A_419] : memref<8x128xi32, #tpu.memory_space<vmem>> -> memref<1x128xi32, #tpu.memory_space<vmem>>
          %dma_start3A_421 = tpu.memref_squeeze %dma_start3A_420 : memref<1x128xi32, #tpu.memory_space<vmem>> -> memref<128xi32, #tpu.memory_space<vmem>>
          %dma_start3A_422 = arith.constant 0 : i32
          %dma_start3A_423 = arith.constant 0 : i32
          %dma_start3A_424 = tpu.memref_slice %arg3[%dma_start3A_422, %dma_start3A_423] : memref<10240x128xbf16, #tpu.memory_space<hbm>> -> memref<10240x128xbf16, #tpu.memory_space<hbm>>
          tpu.enqueue_indirect_dma source(%dma_start3A_424 : memref<10240x128xbf16, #tpu.memory_space<hbm>>) target(%arg13 : memref<128x128xbf16, #tpu.memory_space<vmem>>) offsets(%dma_start3A_421 : memref<128xi32, #tpu.memory_space<vmem>>) semaphore(%arg23 : memref<!tpu.dma_semaphore, #tpu.memory_space<semaphore_mem>>)
        } else {
        }
        %dma_start3A_292 = arith.constant 1 : i32
        %dma_start3A_293 = arith.constant 0 : i32
        %dma_start3A_294 = tpu.memref_slice %arg11[%dma_start3A_292, %dma_start3A_293] : memref<8x128xi32, #tpu.memory_space<vmem>> -> memref<1x128xi32, #tpu.memory_space<vmem>>
        %dma_start3A_295 = tpu.memref_squeeze %dma_start3A_294 : memref<1x128xi32, #tpu.memory_space<vmem>> -> memref<128xi32, #tpu.memory_space<vmem>>
        %dma_start3A_296 = arith.constant 0 : i32
        %dma_start3A_297 = arith.constant 0 : i32
        %dma_start3A_298 = tpu.memref_slice %arg18[%dma_start3A_296, %dma_start3A_297] : memref<10240x128xbf16, #tpu.memory_space<vmem_shared>> -> memref<10240x128xbf16, #tpu.memory_space<vmem_shared>>
        tpu.enqueue_indirect_dma source(%arg12 : memref<128x128xbf16, #tpu.memory_space<vmem>>) target(%dma_start3A_298 : memref<10240x128xbf16, #tpu.memory_space<vmem_shared>>) offsets(%dma_start3A_295 : memref<128xi32, #tpu.memory_space<vmem>>) semaphore(%arg26 : memref<!tpu.dma_semaphore, #tpu.memory_space<semaphore_mem>>) {add = true}
        %dma_start3A_299 = arith.constant 1 : i32
        %dma_start3A_300 = arith.constant 0 : i32
        %dma_start3A_301 = tpu.memref_slice %arg11[%dma_start3A_299, %dma_start3A_300] : memref<8x128xi32, #tpu.memory_space<vmem>> -> memref<1x128xi32, #tpu.memory_space<vmem>>
        %dma_start3A_302 = tpu.memref_squeeze %dma_start3A_301 : memref<1x128xi32, #tpu.memory_space<vmem>> -> memref<128xi32, #tpu.memory_space<vmem>>
        %dma_start3A_303 = arith.constant 0 : i32
        %dma_start3A_304 = tpu.memref_slice %arg19[%dma_start3A_303] : memref<10240xf32, #tpu.memory_space<vmem_shared>> -> memref<10240xf32, #tpu.memory_space<vmem_shared>>
        tpu.enqueue_indirect_dma source(%arg16 : memref<128xf32, #tpu.memory_space<vmem>>) target(%dma_start3A_304 : memref<10240xf32, #tpu.memory_space<vmem_shared>>) offsets(%dma_start3A_302 : memref<128xi32, #tpu.memory_space<vmem>>) semaphore(%arg30 : memref<!tpu.dma_semaphore, #tpu.memory_space<semaphore_mem>>) {add = true}
        %mul3A_305 = arith.constant 2 : i32
        %mul3A_306 = arith.muli %mul3A_305, %scan3A_124 : i32
        %add3A_307 = arith.constant 1 : i32
        %add3A_308 = arith.addi %mul3A_306, %add3A_307 : i32
        %mul3A_309 = arith.constant 4 : i32
        %mul3A_310 = arith.muli %mul3A_309, %add3A_308 : i32
        %add3A_311 = arith.constant 1 : i32
        %add3A_312 = arith.addi %mul3A_310, %add3A_311 : i32
        %dma_wait3A_313 = arith.constant 2 : i32
        %dma_wait3A_314 = arith.constant 0 : i32
        %dma_wait3A_315 = tpu.memref_slice %arg11[%dma_wait3A_313, %dma_wait3A_314] : memref<8x128xi32, #tpu.memory_space<vmem>> -> memref<1x128xi32, #tpu.memory_space<vmem>>
        %dma_wait3A_316 = tpu.memref_squeeze %dma_wait3A_315 : memref<1x128xi32, #tpu.memory_space<vmem>> -> memref<128xi32, #tpu.memory_space<vmem>>
        %dma_wait3A_317 = arith.constant 0 : i32
        %dma_wait3A_318 = arith.constant 0 : i32
        %dma_wait3A_319 = tpu.memref_slice %arg3[%dma_wait3A_317, %dma_wait3A_318] : memref<10240x128xbf16, #tpu.memory_space<hbm>> -> memref<10240x128xbf16, #tpu.memory_space<hbm>>
        tpu.wait_indirect_dma semaphore(%arg23 : memref<!tpu.dma_semaphore, #tpu.memory_space<semaphore_mem>>) src(%dma_wait3A_319 : memref<10240x128xbf16, #tpu.memory_space<hbm>>) dst(%arg13 : memref<128x128xbf16, #tpu.memory_space<vmem>>)
        %add3A_320 = arith.constant 1 : i32
        %add3A_321 = arith.addi %add3A_312, %add3A_320 : i32
        %lt3A_322 = arith.constant 160 : i32
        %lt3A_323 = arith.cmpi slt, %add3A_321, %lt3A_322 : i32
        %convert_element_type3A_324 = arith.extui %lt3A_323 : i1 to i32
        %cond3A_325 = arith.constant 5 : i32
        %cond3A_326 = arith.constant 0 : i32
        %cond3A_327 = arith.cmpi ne, %convert_element_type3A_324, %cond3A_326 : i32
        scf.if %cond3A_327 {
          %ge3A = arith.constant 3 : i32
          %ge3A_414 = arith.cmpi sge, %add3A_312, %ge3A : i32
          %convert_element_type3A_415 = arith.extui %ge3A_414 : i1 to i32
          %cond3A_416 = arith.constant 0 : i32
          %cond3A_417 = arith.cmpi ne, %convert_element_type3A_415, %cond3A_416 : i32
          scf.if %cond3A_417 {
            %dma_wait3A_425 = arith.constant 0 : i32
            %dma_wait3A_426 = tpu.memref_slice %arg10[%cond3A_325, %dma_wait3A_425] : memref<8x128xi32, #tpu.memory_space<vmem>> -> memref<1x128xi32, #tpu.memory_space<vmem>>
            %dma_wait3A_427 = tpu.memref_squeeze %dma_wait3A_426 : memref<1x128xi32, #tpu.memory_space<vmem>> -> memref<128xi32, #tpu.memory_space<vmem>>
            %dma_wait3A_428 = arith.constant 0 : i32
            %dma_wait3A_429 = arith.constant 0 : i32
            %dma_wait3A_430 = tpu.memref_slice %arg18[%dma_wait3A_428, %dma_wait3A_429] : memref<10240x128xbf16, #tpu.memory_space<vmem_shared>> -> memref<10240x128xbf16, #tpu.memory_space<vmem_shared>>
            tpu.wait_indirect_dma semaphore(%arg28 : memref<!tpu.dma_semaphore, #tpu.memory_space<semaphore_mem>>) src(%arg14 : memref<128x128xbf16, #tpu.memory_space<vmem>>) dst(%dma_wait3A_430 : memref<10240x128xbf16, #tpu.memory_space<vmem_shared>>)
            %dma_wait3A_431 = arith.constant 0 : i32
            %dma_wait3A_432 = tpu.memref_slice %arg10[%cond3A_325, %dma_wait3A_431] : memref<8x128xi32, #tpu.memory_space<vmem>> -> memref<1x128xi32, #tpu.memory_space<vmem>>
            %dma_wait3A_433 = tpu.memref_squeeze %dma_wait3A_432 : memref<1x128xi32, #tpu.memory_space<vmem>> -> memref<128xi32, #tpu.memory_space<vmem>>
            %dma_wait3A_434 = arith.constant 0 : i32
            %dma_wait3A_435 = tpu.memref_slice %arg19[%dma_wait3A_434] : memref<10240xf32, #tpu.memory_space<vmem_shared>> -> memref<10240xf32, #tpu.memory_space<vmem_shared>>
            tpu.wait_indirect_dma semaphore(%arg32 : memref<!tpu.dma_semaphore, #tpu.memory_space<semaphore_mem>>) src(%arg16 : memref<128xf32, #tpu.memory_space<vmem>>) dst(%dma_wait3A_435 : memref<10240xf32, #tpu.memory_space<vmem_shared>>)
          } else {
          }
          %dma_start3A_418 = arith.constant 4 : i32
          %dma_start3A_419 = arith.constant 0 : i32
          %dma_start3A_420 = tpu.memref_slice %arg11[%dma_start3A_418, %dma_start3A_419] : memref<8x128xi32, #tpu.memory_space<vmem>> -> memref<1x128xi32, #tpu.memory_space<vmem>>
          %dma_start3A_421 = tpu.memref_squeeze %dma_start3A_420 : memref<1x128xi32, #tpu.memory_space<vmem>> -> memref<128xi32, #tpu.memory_space<vmem>>
          %dma_start3A_422 = arith.constant 0 : i32
          %dma_start3A_423 = arith.constant 0 : i32
          %dma_start3A_424 = tpu.memref_slice %arg3[%dma_start3A_422, %dma_start3A_423] : memref<10240x128xbf16, #tpu.memory_space<hbm>> -> memref<10240x128xbf16, #tpu.memory_space<hbm>>
          tpu.enqueue_indirect_dma source(%dma_start3A_424 : memref<10240x128xbf16, #tpu.memory_space<hbm>>) target(%arg14 : memref<128x128xbf16, #tpu.memory_space<vmem>>) offsets(%dma_start3A_421 : memref<128xi32, #tpu.memory_space<vmem>>) semaphore(%arg24 : memref<!tpu.dma_semaphore, #tpu.memory_space<semaphore_mem>>)
        } else {
        }
        %dma_start3A_328 = arith.constant 3 : i32
        %dma_start3A_329 = arith.constant 0 : i32
        %dma_start3A_330 = tpu.memref_slice %arg11[%dma_start3A_328, %dma_start3A_329] : memref<8x128xi32, #tpu.memory_space<vmem>> -> memref<1x128xi32, #tpu.memory_space<vmem>>
        %dma_start3A_331 = tpu.memref_squeeze %dma_start3A_330 : memref<1x128xi32, #tpu.memory_space<vmem>> -> memref<128xi32, #tpu.memory_space<vmem>>
        %dma_start3A_332 = arith.constant 0 : i32
        %dma_start3A_333 = arith.constant 0 : i32
        %dma_start3A_334 = tpu.memref_slice %arg18[%dma_start3A_332, %dma_start3A_333] : memref<10240x128xbf16, #tpu.memory_space<vmem_shared>> -> memref<10240x128xbf16, #tpu.memory_space<vmem_shared>>
        tpu.enqueue_indirect_dma source(%arg13 : memref<128x128xbf16, #tpu.memory_space<vmem>>) target(%dma_start3A_334 : memref<10240x128xbf16, #tpu.memory_space<vmem_shared>>) offsets(%dma_start3A_331 : memref<128xi32, #tpu.memory_space<vmem>>) semaphore(%arg27 : memref<!tpu.dma_semaphore, #tpu.memory_space<semaphore_mem>>) {add = true}
        %dma_start3A_335 = arith.constant 3 : i32
        %dma_start3A_336 = arith.constant 0 : i32
        %dma_start3A_337 = tpu.memref_slice %arg11[%dma_start3A_335, %dma_start3A_336] : memref<8x128xi32, #tpu.memory_space<vmem>> -> memref<1x128xi32, #tpu.memory_space<vmem>>
        %dma_start3A_338 = tpu.memref_squeeze %dma_start3A_337 : memref<1x128xi32, #tpu.memory_space<vmem>> -> memref<128xi32, #tpu.memory_space<vmem>>
        %dma_start3A_339 = arith.constant 0 : i32
        %dma_start3A_340 = tpu.memref_slice %arg19[%dma_start3A_339] : memref<10240xf32, #tpu.memory_space<vmem_shared>> -> memref<10240xf32, #tpu.memory_space<vmem_shared>>
        tpu.enqueue_indirect_dma source(%arg16 : memref<128xf32, #tpu.memory_space<vmem>>) target(%dma_start3A_340 : memref<10240xf32, #tpu.memory_space<vmem_shared>>) offsets(%dma_start3A_338 : memref<128xi32, #tpu.memory_space<vmem>>) semaphore(%arg31 : memref<!tpu.dma_semaphore, #tpu.memory_space<semaphore_mem>>) {add = true}
        %mul3A_341 = arith.constant 2 : i32
        %mul3A_342 = arith.muli %mul3A_341, %scan3A_124 : i32
        %add3A_343 = arith.constant 1 : i32
        %add3A_344 = arith.addi %mul3A_342, %add3A_343 : i32
        %mul3A_345 = arith.constant 4 : i32
        %mul3A_346 = arith.muli %mul3A_345, %add3A_344 : i32
        %add3A_347 = arith.constant 2 : i32
        %add3A_348 = arith.addi %mul3A_346, %add3A_347 : i32
        %dma_wait3A_349 = arith.constant 4 : i32
        %dma_wait3A_350 = arith.constant 0 : i32
        %dma_wait3A_351 = tpu.memref_slice %arg11[%dma_wait3A_349, %dma_wait3A_350] : memref<8x128xi32, #tpu.memory_space<vmem>> -> memref<1x128xi32, #tpu.memory_space<vmem>>
        %dma_wait3A_352 = tpu.memref_squeeze %dma_wait3A_351 : memref<1x128xi32, #tpu.memory_space<vmem>> -> memref<128xi32, #tpu.memory_space<vmem>>
        %dma_wait3A_353 = arith.constant 0 : i32
        %dma_wait3A_354 = arith.constant 0 : i32
        %dma_wait3A_355 = tpu.memref_slice %arg3[%dma_wait3A_353, %dma_wait3A_354] : memref<10240x128xbf16, #tpu.memory_space<hbm>> -> memref<10240x128xbf16, #tpu.memory_space<hbm>>
        tpu.wait_indirect_dma semaphore(%arg24 : memref<!tpu.dma_semaphore, #tpu.memory_space<semaphore_mem>>) src(%dma_wait3A_355 : memref<10240x128xbf16, #tpu.memory_space<hbm>>) dst(%arg14 : memref<128x128xbf16, #tpu.memory_space<vmem>>)
        %add3A_356 = arith.constant 1 : i32
        %add3A_357 = arith.addi %add3A_348, %add3A_356 : i32
        %lt3A_358 = arith.constant 160 : i32
        %lt3A_359 = arith.cmpi slt, %add3A_357, %lt3A_358 : i32
        %convert_element_type3A_360 = arith.extui %lt3A_359 : i1 to i32
        %cond3A_361 = arith.constant 7 : i32
        %cond3A_362 = arith.constant 0 : i32
        %cond3A_363 = arith.cmpi ne, %convert_element_type3A_360, %cond3A_362 : i32
        scf.if %cond3A_363 {
          %ge3A = arith.constant 3 : i32
          %ge3A_414 = arith.cmpi sge, %add3A_348, %ge3A : i32
          %convert_element_type3A_415 = arith.extui %ge3A_414 : i1 to i32
          %cond3A_416 = arith.constant 0 : i32
          %cond3A_417 = arith.cmpi ne, %convert_element_type3A_415, %cond3A_416 : i32
          scf.if %cond3A_417 {
            %dma_wait3A_434 = arith.constant 0 : i32
            %dma_wait3A_435 = tpu.memref_slice %arg10[%cond3A_361, %dma_wait3A_434] : memref<8x128xi32, #tpu.memory_space<vmem>> -> memref<1x128xi32, #tpu.memory_space<vmem>>
            %dma_wait3A_436 = tpu.memref_squeeze %dma_wait3A_435 : memref<1x128xi32, #tpu.memory_space<vmem>> -> memref<128xi32, #tpu.memory_space<vmem>>
            %dma_wait3A_437 = arith.constant 0 : i32
            %dma_wait3A_438 = arith.constant 0 : i32
            %dma_wait3A_439 = tpu.memref_slice %arg18[%dma_wait3A_437, %dma_wait3A_438] : memref<10240x128xbf16, #tpu.memory_space<vmem_shared>> -> memref<10240x128xbf16, #tpu.memory_space<vmem_shared>>
            tpu.wait_indirect_dma semaphore(%arg29 : memref<!tpu.dma_semaphore, #tpu.memory_space<semaphore_mem>>) src(%arg15 : memref<128x128xbf16, #tpu.memory_space<vmem>>) dst(%dma_wait3A_439 : memref<10240x128xbf16, #tpu.memory_space<vmem_shared>>)
            %dma_wait3A_440 = arith.constant 0 : i32
            %dma_wait3A_441 = tpu.memref_slice %arg10[%cond3A_361, %dma_wait3A_440] : memref<8x128xi32, #tpu.memory_space<vmem>> -> memref<1x128xi32, #tpu.memory_space<vmem>>
            %dma_wait3A_442 = tpu.memref_squeeze %dma_wait3A_441 : memref<1x128xi32, #tpu.memory_space<vmem>> -> memref<128xi32, #tpu.memory_space<vmem>>
            %dma_wait3A_443 = arith.constant 0 : i32
            %dma_wait3A_444 = tpu.memref_slice %arg19[%dma_wait3A_443] : memref<10240xf32, #tpu.memory_space<vmem_shared>> -> memref<10240xf32, #tpu.memory_space<vmem_shared>>
            tpu.wait_indirect_dma semaphore(%arg33 : memref<!tpu.dma_semaphore, #tpu.memory_space<semaphore_mem>>) src(%arg16 : memref<128xf32, #tpu.memory_space<vmem>>) dst(%dma_wait3A_444 : memref<10240xf32, #tpu.memory_space<vmem_shared>>)
          } else {
          }
          %ge3A_418 = arith.constant 1 : i32
          %ge3A_419 = arith.cmpi sge, %add3A_344, %ge3A_418 : i32
          %add3A_420 = arith.constant 1 : i32
          %add3A_421 = arith.addi %add3A_344, %add3A_420 : i32
          %lt3A_422 = arith.constant 40 : i32
          %lt3A_423 = arith.cmpi slt, %add3A_421, %lt3A_422 : i32
          %and3A = arith.andi %ge3A_419, %lt3A_423 : i1
          %convert_element_type3A_424 = arith.extui %and3A : i1 to i32
          %cond3A_425 = arith.constant 0 : i32
          %cond3A_426 = arith.cmpi ne, %convert_element_type3A_424, %cond3A_425 : i32
          scf.if %cond3A_426 {
            %add3A_434 = arith.addi %mul3A_49, %add3A_344 : i32
            %add3A_435 = arith.constant 1 : i32
            %add3A_436 = arith.addi %add3A_434, %add3A_435 : i32
            %dma_start3A_437 = arith.constant 0 : i32
            %dma_start3A_438 = arith.constant 0 : i32
            %dma_start3A_439 = tpu.memref_slice %arg5[%add3A_436, %dma_start3A_437, %dma_start3A_438] : memref<640x8x128xi32, #tpu.memory_space<hbm>> -> memref<1x8x128xi32, #tpu.memory_space<hbm>>
            %dma_start3A_440 = tpu.memref_squeeze %dma_start3A_439 : memref<1x8x128xi32, #tpu.memory_space<hbm>> -> memref<8x128xi32, #tpu.memory_space<hbm>>
            %dma_start3A_441 = arith.constant 0 : i32
            %dma_start3A_442 = arith.constant 0 : i32
            %dma_start3A_443 = tpu.memref_slice %arg5[%add3A_436, %dma_start3A_441, %dma_start3A_442] : memref<640x8x128xi32, #tpu.memory_space<hbm>> -> memref<1x8x128xi32, #tpu.memory_space<hbm>>
            %dma_start3A_444 = tpu.memref_squeeze %dma_start3A_443 : memref<1x8x128xi32, #tpu.memory_space<hbm>> -> memref<8x128xi32, #tpu.memory_space<hbm>>
            tpu.enqueue_dma source(%dma_start3A_444 : memref<8x128xi32, #tpu.memory_space<hbm>>) target(%arg10 : memref<8x128xi32, #tpu.memory_space<vmem>>) target_semaphore(%arg20 : memref<!tpu.dma_semaphore, #tpu.memory_space<semaphore_mem>>)
          } else {
          }
          %dma_start3A_427 = arith.constant 6 : i32
          %dma_start3A_428 = arith.constant 0 : i32
          %dma_start3A_429 = tpu.memref_slice %arg11[%dma_start3A_427, %dma_start3A_428] : memref<8x128xi32, #tpu.memory_space<vmem>> -> memref<1x128xi32, #tpu.memory_space<vmem>>
          %dma_start3A_430 = tpu.memref_squeeze %dma_start3A_429 : memref<1x128xi32, #tpu.memory_space<vmem>> -> memref<128xi32, #tpu.memory_space<vmem>>
          %dma_start3A_431 = arith.constant 0 : i32
          %dma_start3A_432 = arith.constant 0 : i32
          %dma_start3A_433 = tpu.memref_slice %arg3[%dma_start3A_431, %dma_start3A_432] : memref<10240x128xbf16, #tpu.memory_space<hbm>> -> memref<10240x128xbf16, #tpu.memory_space<hbm>>
          tpu.enqueue_indirect_dma source(%dma_start3A_433 : memref<10240x128xbf16, #tpu.memory_space<hbm>>) target(%arg15 : memref<128x128xbf16, #tpu.memory_space<vmem>>) offsets(%dma_start3A_430 : memref<128xi32, #tpu.memory_space<vmem>>) semaphore(%arg25 : memref<!tpu.dma_semaphore, #tpu.memory_space<semaphore_mem>>)
        } else {
        }
        %dma_start3A_364 = arith.constant 5 : i32
        %dma_start3A_365 = arith.constant 0 : i32
        %dma_start3A_366 = tpu.memref_slice %arg11[%dma_start3A_364, %dma_start3A_365] : memref<8x128xi32, #tpu.memory_space<vmem>> -> memref<1x128xi32, #tpu.memory_space<vmem>>
        %dma_start3A_367 = tpu.memref_squeeze %dma_start3A_366 : memref<1x128xi32, #tpu.memory_space<vmem>> -> memref<128xi32, #tpu.memory_space<vmem>>
        %dma_start3A_368 = arith.constant 0 : i32
        %dma_start3A_369 = arith.constant 0 : i32
        %dma_start3A_370 = tpu.memref_slice %arg18[%dma_start3A_368, %dma_start3A_369] : memref<10240x128xbf16, #tpu.memory_space<vmem_shared>> -> memref<10240x128xbf16, #tpu.memory_space<vmem_shared>>
        tpu.enqueue_indirect_dma source(%arg14 : memref<128x128xbf16, #tpu.memory_space<vmem>>) target(%dma_start3A_370 : memref<10240x128xbf16, #tpu.memory_space<vmem_shared>>) offsets(%dma_start3A_367 : memref<128xi32, #tpu.memory_space<vmem>>) semaphore(%arg28 : memref<!tpu.dma_semaphore, #tpu.memory_space<semaphore_mem>>) {add = true}
        %dma_start3A_371 = arith.constant 5 : i32
        %dma_start3A_372 = arith.constant 0 : i32
        %dma_start3A_373 = tpu.memref_slice %arg11[%dma_start3A_371, %dma_start3A_372] : memref<8x128xi32, #tpu.memory_space<vmem>> -> memref<1x128xi32, #tpu.memory_space<vmem>>
        %dma_start3A_374 = tpu.memref_squeeze %dma_start3A_373 : memref<1x128xi32, #tpu.memory_space<vmem>> -> memref<128xi32, #tpu.memory_space<vmem>>
        %dma_start3A_375 = arith.constant 0 : i32
        %dma_start3A_376 = tpu.memref_slice %arg19[%dma_start3A_375] : memref<10240xf32, #tpu.memory_space<vmem_shared>> -> memref<10240xf32, #tpu.memory_space<vmem_shared>>
        tpu.enqueue_indirect_dma source(%arg16 : memref<128xf32, #tpu.memory_space<vmem>>) target(%dma_start3A_376 : memref<10240xf32, #tpu.memory_space<vmem_shared>>) offsets(%dma_start3A_374 : memref<128xi32, #tpu.memory_space<vmem>>) semaphore(%arg32 : memref<!tpu.dma_semaphore, #tpu.memory_space<semaphore_mem>>) {add = true}
        %mul3A_377 = arith.constant 2 : i32
        %mul3A_378 = arith.muli %mul3A_377, %scan3A_124 : i32
        %add3A_379 = arith.constant 1 : i32
        %add3A_380 = arith.addi %mul3A_378, %add3A_379 : i32
        %mul3A_381 = arith.constant 4 : i32
        %mul3A_382 = arith.muli %mul3A_381, %add3A_380 : i32
        %add3A_383 = arith.constant 3 : i32
        %add3A_384 = arith.addi %mul3A_382, %add3A_383 : i32
        %dma_wait3A_385 = arith.constant 6 : i32
        %dma_wait3A_386 = arith.constant 0 : i32
        %dma_wait3A_387 = tpu.memref_slice %arg11[%dma_wait3A_385, %dma_wait3A_386] : memref<8x128xi32, #tpu.memory_space<vmem>> -> memref<1x128xi32, #tpu.memory_space<vmem>>
        %dma_wait3A_388 = tpu.memref_squeeze %dma_wait3A_387 : memref<1x128xi32, #tpu.memory_space<vmem>> -> memref<128xi32, #tpu.memory_space<vmem>>
        %dma_wait3A_389 = arith.constant 0 : i32
        %dma_wait3A_390 = arith.constant 0 : i32
        %dma_wait3A_391 = tpu.memref_slice %arg3[%dma_wait3A_389, %dma_wait3A_390] : memref<10240x128xbf16, #tpu.memory_space<hbm>> -> memref<10240x128xbf16, #tpu.memory_space<hbm>>
        tpu.wait_indirect_dma semaphore(%arg25 : memref<!tpu.dma_semaphore, #tpu.memory_space<semaphore_mem>>) src(%dma_wait3A_391 : memref<10240x128xbf16, #tpu.memory_space<hbm>>) dst(%arg15 : memref<128x128xbf16, #tpu.memory_space<vmem>>)
        %add3A_392 = arith.constant 1 : i32
        %add3A_393 = arith.addi %add3A_384, %add3A_392 : i32
        %lt3A_394 = arith.constant 160 : i32
        %lt3A_395 = arith.cmpi slt, %add3A_393, %lt3A_394 : i32
        %convert_element_type3A_396 = arith.extui %lt3A_395 : i1 to i32
        %cond3A_397 = arith.constant 1 : i32
        %cond3A_398 = arith.constant 0 : i32
        %cond3A_399 = arith.cmpi ne, %convert_element_type3A_396, %cond3A_398 : i32
        scf.if %cond3A_399 {
          %ge3A = arith.constant 3 : i32
          %ge3A_414 = arith.cmpi sge, %add3A_384, %ge3A : i32
          %convert_element_type3A_415 = arith.extui %ge3A_414 : i1 to i32
          %cond3A_416 = arith.constant 0 : i32
          %cond3A_417 = arith.cmpi ne, %convert_element_type3A_415, %cond3A_416 : i32
          scf.if %cond3A_417 {
            %dma_wait3A_436 = arith.constant 0 : i32
            %dma_wait3A_437 = tpu.memref_slice %arg11[%cond3A_397, %dma_wait3A_436] : memref<8x128xi32, #tpu.memory_space<vmem>> -> memref<1x128xi32, #tpu.memory_space<vmem>>
            %dma_wait3A_438 = tpu.memref_squeeze %dma_wait3A_437 : memref<1x128xi32, #tpu.memory_space<vmem>> -> memref<128xi32, #tpu.memory_space<vmem>>
            %dma_wait3A_439 = arith.constant 0 : i32
            %dma_wait3A_440 = arith.constant 0 : i32
            %dma_wait3A_441 = tpu.memref_slice %arg18[%dma_wait3A_439, %dma_wait3A_440] : memref<10240x128xbf16, #tpu.memory_space<vmem_shared>> -> memref<10240x128xbf16, #tpu.memory_space<vmem_shared>>
            tpu.wait_indirect_dma semaphore(%arg26 : memref<!tpu.dma_semaphore, #tpu.memory_space<semaphore_mem>>) src(%arg12 : memref<128x128xbf16, #tpu.memory_space<vmem>>) dst(%dma_wait3A_441 : memref<10240x128xbf16, #tpu.memory_space<vmem_shared>>)
            %dma_wait3A_442 = arith.constant 0 : i32
            %dma_wait3A_443 = tpu.memref_slice %arg11[%cond3A_397, %dma_wait3A_442] : memref<8x128xi32, #tpu.memory_space<vmem>> -> memref<1x128xi32, #tpu.memory_space<vmem>>
            %dma_wait3A_444 = tpu.memref_squeeze %dma_wait3A_443 : memref<1x128xi32, #tpu.memory_space<vmem>> -> memref<128xi32, #tpu.memory_space<vmem>>
            %dma_wait3A_445 = arith.constant 0 : i32
            %dma_wait3A_446 = tpu.memref_slice %arg19[%dma_wait3A_445] : memref<10240xf32, #tpu.memory_space<vmem_shared>> -> memref<10240xf32, #tpu.memory_space<vmem_shared>>
            tpu.wait_indirect_dma semaphore(%arg30 : memref<!tpu.dma_semaphore, #tpu.memory_space<semaphore_mem>>) src(%arg16 : memref<128xf32, #tpu.memory_space<vmem>>) dst(%dma_wait3A_446 : memref<10240xf32, #tpu.memory_space<vmem_shared>>)
          } else {
          }
          %add3A_418 = arith.addi %mul3A_49, %add3A_380 : i32
          %add3A_419 = arith.constant 1 : i32
          %add3A_420 = arith.addi %add3A_418, %add3A_419 : i32
          %dma_wait3A_421 = arith.constant 0 : i32
          %dma_wait3A_422 = arith.constant 0 : i32
          %dma_wait3A_423 = tpu.memref_slice %arg5[%add3A_420, %dma_wait3A_421, %dma_wait3A_422] : memref<640x8x128xi32, #tpu.memory_space<hbm>> -> memref<1x8x128xi32, #tpu.memory_space<hbm>>
          %dma_wait3A_424 = tpu.memref_squeeze %dma_wait3A_423 : memref<1x8x128xi32, #tpu.memory_space<hbm>> -> memref<8x128xi32, #tpu.memory_space<hbm>>
          %dma_wait3A_425 = arith.constant 0 : i32
          %dma_wait3A_426 = arith.constant 0 : i32
          %dma_wait3A_427 = tpu.memref_slice %arg5[%add3A_420, %dma_wait3A_425, %dma_wait3A_426] : memref<640x8x128xi32, #tpu.memory_space<hbm>> -> memref<1x8x128xi32, #tpu.memory_space<hbm>>
          %dma_wait3A_428 = tpu.memref_squeeze %dma_wait3A_427 : memref<1x8x128xi32, #tpu.memory_space<hbm>> -> memref<8x128xi32, #tpu.memory_space<hbm>>
          tpu.wait_dma2 semaphore(%arg20 : memref<!tpu.dma_semaphore, #tpu.memory_space<semaphore_mem>>) src(%dma_wait3A_428 : memref<8x128xi32, #tpu.memory_space<hbm>>) dst(%arg10 : memref<8x128xi32, #tpu.memory_space<vmem>>)
          %dma_start3A_429 = arith.constant 0 : i32
          %dma_start3A_430 = arith.constant 0 : i32
          %dma_start3A_431 = tpu.memref_slice %arg10[%dma_start3A_429, %dma_start3A_430] : memref<8x128xi32, #tpu.memory_space<vmem>> -> memref<1x128xi32, #tpu.memory_space<vmem>>
          %dma_start3A_432 = tpu.memref_squeeze %dma_start3A_431 : memref<1x128xi32, #tpu.memory_space<vmem>> -> memref<128xi32, #tpu.memory_space<vmem>>
          %dma_start3A_433 = arith.constant 0 : i32
          %dma_start3A_434 = arith.constant 0 : i32
          %dma_start3A_435 = tpu.memref_slice %arg3[%dma_start3A_433, %dma_start3A_434] : memref<10240x128xbf16, #tpu.memory_space<hbm>> -> memref<10240x128xbf16, #tpu.memory_space<hbm>>
          tpu.enqueue_indirect_dma source(%dma_start3A_435 : memref<10240x128xbf16, #tpu.memory_space<hbm>>) target(%arg12 : memref<128x128xbf16, #tpu.memory_space<vmem>>) offsets(%dma_start3A_432 : memref<128xi32, #tpu.memory_space<vmem>>) semaphore(%arg22 : memref<!tpu.dma_semaphore, #tpu.memory_space<semaphore_mem>>)
        } else {
        }
        %dma_start3A_400 = arith.constant 7 : i32
        %dma_start3A_401 = arith.constant 0 : i32
        %dma_start3A_402 = tpu.memref_slice %arg11[%dma_start3A_400, %dma_start3A_401] : memref<8x128xi32, #tpu.memory_space<vmem>> -> memref<1x128xi32, #tpu.memory_space<vmem>>
        %dma_start3A_403 = tpu.memref_squeeze %dma_start3A_402 : memref<1x128xi32, #tpu.memory_space<vmem>> -> memref<128xi32, #tpu.memory_space<vmem>>
        %dma_start3A_404 = arith.constant 0 : i32
        %dma_start3A_405 = arith.constant 0 : i32
        %dma_start3A_406 = tpu.memref_slice %arg18[%dma_start3A_404, %dma_start3A_405] : memref<10240x128xbf16, #tpu.memory_space<vmem_shared>> -> memref<10240x128xbf16, #tpu.memory_space<vmem_shared>>
        tpu.enqueue_indirect_dma source(%arg15 : memref<128x128xbf16, #tpu.memory_space<vmem>>) target(%dma_start3A_406 : memref<10240x128xbf16, #tpu.memory_space<vmem_shared>>) offsets(%dma_start3A_403 : memref<128xi32, #tpu.memory_space<vmem>>) semaphore(%arg29 : memref<!tpu.dma_semaphore, #tpu.memory_space<semaphore_mem>>) {add = true}
        %dma_start3A_407 = arith.constant 7 : i32
        %dma_start3A_408 = arith.constant 0 : i32
        %dma_start3A_409 = tpu.memref_slice %arg11[%dma_start3A_407, %dma_start3A_408] : memref<8x128xi32, #tpu.memory_space<vmem>> -> memref<1x128xi32, #tpu.memory_space<vmem>>
        %dma_start3A_410 = tpu.memref_squeeze %dma_start3A_409 : memref<1x128xi32, #tpu.memory_space<vmem>> -> memref<128xi32, #tpu.memory_space<vmem>>
        %dma_start3A_411 = arith.constant 0 : i32
        %dma_start3A_412 = tpu.memref_slice %arg19[%dma_start3A_411] : memref<10240xf32, #tpu.memory_space<vmem_shared>> -> memref<10240xf32, #tpu.memory_space<vmem_shared>>
        tpu.enqueue_indirect_dma source(%arg16 : memref<128xf32, #tpu.memory_space<vmem>>) target(%dma_start3A_412 : memref<10240xf32, #tpu.memory_space<vmem_shared>>) offsets(%dma_start3A_410 : memref<128xi32, #tpu.memory_space<vmem>>) semaphore(%arg33 : memref<!tpu.dma_semaphore, #tpu.memory_space<semaphore_mem>>) {add = true}
        %scan3A_413 = arith.constant 0 : i32
        scf.yield %scan3A_413 : i32
      }
      %scan3A_72 = arith.constant 20 : i32
      %dma_wait3A = arith.constant 1 : i32
      %dma_wait3A_73 = arith.constant 0 : i32
      %dma_wait3A_74 = tpu.memref_slice %arg11[%dma_wait3A, %dma_wait3A_73] : memref<8x128xi32, #tpu.memory_space<vmem>> -> memref<1x128xi32, #tpu.memory_space<vmem>>
      %dma_wait3A_75 = tpu.memref_squeeze %dma_wait3A_74 : memref<1x128xi32, #tpu.memory_space<vmem>> -> memref<128xi32, #tpu.memory_space<vmem>>
      %dma_wait3A_76 = arith.constant 0 : i32
      %dma_wait3A_77 = arith.constant 0 : i32
      %dma_wait3A_78 = tpu.memref_slice %arg18[%dma_wait3A_76, %dma_wait3A_77] : memref<10240x128xbf16, #tpu.memory_space<vmem_shared>> -> memref<10240x128xbf16, #tpu.memory_space<vmem_shared>>
      tpu.wait_indirect_dma semaphore(%arg26 : memref<!tpu.dma_semaphore, #tpu.memory_space<semaphore_mem>>) src(%arg12 : memref<128x128xbf16, #tpu.memory_space<vmem>>) dst(%dma_wait3A_78 : memref<10240x128xbf16, #tpu.memory_space<vmem_shared>>)
      %dma_wait3A_79 = arith.constant 1 : i32
      %dma_wait3A_80 = arith.constant 0 : i32
      %dma_wait3A_81 = tpu.memref_slice %arg11[%dma_wait3A_79, %dma_wait3A_80] : memref<8x128xi32, #tpu.memory_space<vmem>> -> memref<1x128xi32, #tpu.memory_space<vmem>>
      %dma_wait3A_82 = tpu.memref_squeeze %dma_wait3A_81 : memref<1x128xi32, #tpu.memory_space<vmem>> -> memref<128xi32, #tpu.memory_space<vmem>>
      %dma_wait3A_83 = arith.constant 0 : i32
      %dma_wait3A_84 = tpu.memref_slice %arg19[%dma_wait3A_83] : memref<10240xf32, #tpu.memory_space<vmem_shared>> -> memref<10240xf32, #tpu.memory_space<vmem_shared>>
      tpu.wait_indirect_dma semaphore(%arg30 : memref<!tpu.dma_semaphore, #tpu.memory_space<semaphore_mem>>) src(%arg16 : memref<128xf32, #tpu.memory_space<vmem>>) dst(%dma_wait3A_84 : memref<10240xf32, #tpu.memory_space<vmem_shared>>)
      %dma_wait3A_85 = arith.constant 3 : i32
      %dma_wait3A_86 = arith.constant 0 : i32
      %dma_wait3A_87 = tpu.memref_slice %arg11[%dma_wait3A_85, %dma_wait3A_86] : memref<8x128xi32, #tpu.memory_space<vmem>> -> memref<1x128xi32, #tpu.memory_space<vmem>>
      %dma_wait3A_88 = tpu.memref_squeeze %dma_wait3A_87 : memref<1x128xi32, #tpu.memory_space<vmem>> -> memref<128xi32, #tpu.memory_space<vmem>>
      %dma_wait3A_89 = arith.constant 0 : i32
      %dma_wait3A_90 = arith.constant 0 : i32
      %dma_wait3A_91 = tpu.memref_slice %arg18[%dma_wait3A_89, %dma_wait3A_90] : memref<10240x128xbf16, #tpu.memory_space<vmem_shared>> -> memref<10240x128xbf16, #tpu.memory_space<vmem_shared>>
      tpu.wait_indirect_dma semaphore(%arg27 : memref<!tpu.dma_semaphore, #tpu.memory_space<semaphore_mem>>) src(%arg13 : memref<128x128xbf16, #tpu.memory_space<vmem>>) dst(%dma_wait3A_91 : memref<10240x128xbf16, #tpu.memory_space<vmem_shared>>)
      %dma_wait3A_92 = arith.constant 3 : i32
      %dma_wait3A_93 = arith.constant 0 : i32
      %dma_wait3A_94 = tpu.memref_slice %arg11[%dma_wait3A_92, %dma_wait3A_93] : memref<8x128xi32, #tpu.memory_space<vmem>> -> memref<1x128xi32, #tpu.memory_space<vmem>>
      %dma_wait3A_95 = tpu.memref_squeeze %dma_wait3A_94 : memref<1x128xi32, #tpu.memory_space<vmem>> -> memref<128xi32, #tpu.memory_space<vmem>>
      %dma_wait3A_96 = arith.constant 0 : i32
      %dma_wait3A_97 = tpu.memref_slice %arg19[%dma_wait3A_96] : memref<10240xf32, #tpu.memory_space<vmem_shared>> -> memref<10240xf32, #tpu.memory_space<vmem_shared>>
      tpu.wait_indirect_dma semaphore(%arg31 : memref<!tpu.dma_semaphore, #tpu.memory_space<semaphore_mem>>) src(%arg16 : memref<128xf32, #tpu.memory_space<vmem>>) dst(%dma_wait3A_97 : memref<10240xf32, #tpu.memory_space<vmem_shared>>)
      %dma_wait3A_98 = arith.constant 5 : i32
      %dma_wait3A_99 = arith.constant 0 : i32
      %dma_wait3A_100 = tpu.memref_slice %arg11[%dma_wait3A_98, %dma_wait3A_99] : memref<8x128xi32, #tpu.memory_space<vmem>> -> memref<1x128xi32, #tpu.memory_space<vmem>>
      %dma_wait3A_101 = tpu.memref_squeeze %dma_wait3A_100 : memref<1x128xi32, #tpu.memory_space<vmem>> -> memref<128xi32, #tpu.memory_space<vmem>>
      %dma_wait3A_102 = arith.constant 0 : i32
      %dma_wait3A_103 = arith.constant 0 : i32
      %dma_wait3A_104 = tpu.memref_slice %arg18[%dma_wait3A_102, %dma_wait3A_103] : memref<10240x128xbf16, #tpu.memory_space<vmem_shared>> -> memref<10240x128xbf16, #tpu.memory_space<vmem_shared>>
      tpu.wait_indirect_dma semaphore(%arg28 : memref<!tpu.dma_semaphore, #tpu.memory_space<semaphore_mem>>) src(%arg14 : memref<128x128xbf16, #tpu.memory_space<vmem>>) dst(%dma_wait3A_104 : memref<10240x128xbf16, #tpu.memory_space<vmem_shared>>)
      %dma_wait3A_105 = arith.constant 5 : i32
      %dma_wait3A_106 = arith.constant 0 : i32
      %dma_wait3A_107 = tpu.memref_slice %arg11[%dma_wait3A_105, %dma_wait3A_106] : memref<8x128xi32, #tpu.memory_space<vmem>> -> memref<1x128xi32, #tpu.memory_space<vmem>>
      %dma_wait3A_108 = tpu.memref_squeeze %dma_wait3A_107 : memref<1x128xi32, #tpu.memory_space<vmem>> -> memref<128xi32, #tpu.memory_space<vmem>>
      %dma_wait3A_109 = arith.constant 0 : i32
      %dma_wait3A_110 = tpu.memref_slice %arg19[%dma_wait3A_109] : memref<10240xf32, #tpu.memory_space<vmem_shared>> -> memref<10240xf32, #tpu.memory_space<vmem_shared>>
      tpu.wait_indirect_dma semaphore(%arg32 : memref<!tpu.dma_semaphore, #tpu.memory_space<semaphore_mem>>) src(%arg16 : memref<128xf32, #tpu.memory_space<vmem>>) dst(%dma_wait3A_110 : memref<10240xf32, #tpu.memory_space<vmem_shared>>)
      %dma_wait3A_111 = arith.constant 7 : i32
      %dma_wait3A_112 = arith.constant 0 : i32
      %dma_wait3A_113 = tpu.memref_slice %arg11[%dma_wait3A_111, %dma_wait3A_112] : memref<8x128xi32, #tpu.memory_space<vmem>> -> memref<1x128xi32, #tpu.memory_space<vmem>>
      %dma_wait3A_114 = tpu.memref_squeeze %dma_wait3A_113 : memref<1x128xi32, #tpu.memory_space<vmem>> -> memref<128xi32, #tpu.memory_space<vmem>>
      %dma_wait3A_115 = arith.constant 0 : i32
      %dma_wait3A_116 = arith.constant 0 : i32
      %dma_wait3A_117 = tpu.memref_slice %arg18[%dma_wait3A_115, %dma_wait3A_116] : memref<10240x128xbf16, #tpu.memory_space<vmem_shared>> -> memref<10240x128xbf16, #tpu.memory_space<vmem_shared>>
      tpu.wait_indirect_dma semaphore(%arg29 : memref<!tpu.dma_semaphore, #tpu.memory_space<semaphore_mem>>) src(%arg15 : memref<128x128xbf16, #tpu.memory_space<vmem>>) dst(%dma_wait3A_117 : memref<10240x128xbf16, #tpu.memory_space<vmem_shared>>)
      %dma_wait3A_118 = arith.constant 7 : i32
      %dma_wait3A_119 = arith.constant 0 : i32
      %dma_wait3A_120 = tpu.memref_slice %arg11[%dma_wait3A_118, %dma_wait3A_119] : memref<8x128xi32, #tpu.memory_space<vmem>> -> memref<1x128xi32, #tpu.memory_space<vmem>>
      %dma_wait3A_121 = tpu.memref_squeeze %dma_wait3A_120 : memref<1x128xi32, #tpu.memory_space<vmem>> -> memref<128xi32, #tpu.memory_space<vmem>>
      %dma_wait3A_122 = arith.constant 0 : i32
      %dma_wait3A_123 = tpu.memref_slice %arg19[%dma_wait3A_122] : memref<10240xf32, #tpu.memory_space<vmem_shared>> -> memref<10240xf32, #tpu.memory_space<vmem_shared>>
      tpu.wait_indirect_dma semaphore(%arg33 : memref<!tpu.dma_semaphore, #tpu.memory_space<semaphore_mem>>) src(%arg16 : memref<128xf32, #tpu.memory_space<vmem>>) dst(%dma_wait3A_123 : memref<10240xf32, #tpu.memory_space<vmem_shared>>)
    } else {
    }
    %barrier3A_37 = arith.constant 0 : index
    tpu.barrier barrier_id(%barrier3A_37)
    %eq3A_38 = arith.constant 0 : i32
    %eq3A_39 = arith.cmpi eq, %arg0, %eq3A_38 : i32
    %convert_element_type3A_40 = arith.extui %eq3A_39 : i1 to i32
    %cond3A_41 = arith.constant 0 : i32
    %cond3A_42 = arith.cmpi ne, %convert_element_type3A_40, %cond3A_41 : i32
    scf.if %cond3A_42 {
      "tpu.region"() ({
        %run_scoped3A = tpu.sem_alloc : memref<!tpu.dma_semaphore, #tpu.memory_space<semaphore_mem>>
        %dma_start3A = arith.constant 0 : i32
        %dma_start3A_48 = tpu.memref_slice %arg6[%mul3A_0, %dma_start3A] : memref<10240x128xbf16, #tpu.memory_space<hbm>> -> memref<640x128xbf16, #tpu.memory_space<hbm>>
        %dma_start3A_49 = arith.constant 0 : i32
        %dma_start3A_50 = tpu.memref_slice %arg18[%mul3A_0, %dma_start3A_49] : memref<10240x128xbf16, #tpu.memory_space<vmem_shared>> -> memref<640x128xbf16, #tpu.memory_space<vmem_shared>>
        tpu.enqueue_dma source(%dma_start3A_50 : memref<640x128xbf16, #tpu.memory_space<vmem_shared>>) target(%dma_start3A_48 : memref<640x128xbf16, #tpu.memory_space<hbm>>) target_semaphore(%run_scoped3A : memref<!tpu.dma_semaphore, #tpu.memory_space<semaphore_mem>>)
        %dma_wait3A = arith.constant 0 : i32
        %dma_wait3A_51 = tpu.memref_slice %arg6[%mul3A_0, %dma_wait3A] : memref<10240x128xbf16, #tpu.memory_space<hbm>> -> memref<640x128xbf16, #tpu.memory_space<hbm>>
        %dma_wait3A_52 = arith.constant 0 : i32
        %dma_wait3A_53 = tpu.memref_slice %arg18[%mul3A_0, %dma_wait3A_52] : memref<10240x128xbf16, #tpu.memory_space<vmem_shared>> -> memref<640x128xbf16, #tpu.memory_space<vmem_shared>>
        tpu.wait_dma2 semaphore(%run_scoped3A : memref<!tpu.dma_semaphore, #tpu.memory_space<semaphore_mem>>) src(%dma_wait3A_53 : memref<640x128xbf16, #tpu.memory_space<vmem_shared>>) dst(%dma_wait3A_51 : memref<640x128xbf16, #tpu.memory_space<hbm>>)
        tpu.yield
      }) : () -> ()
      "tpu.region"() ({
        %run_scoped3A = tpu.sem_alloc : memref<!tpu.dma_semaphore, #tpu.memory_space<semaphore_mem>>
        %dma_start3A = tpu.memref_slice %arg8[%mul3A_0] : memref<10240xf32, #tpu.memory_space<hbm>> -> memref<640xf32, #tpu.memory_space<hbm>>
        %dma_start3A_48 = tpu.memref_slice %arg19[%mul3A_0] : memref<10240xf32, #tpu.memory_space<vmem_shared>> -> memref<640xf32, #tpu.memory_space<vmem_shared>>
        tpu.enqueue_dma source(%dma_start3A_48 : memref<640xf32, #tpu.memory_space<vmem_shared>>) target(%dma_start3A : memref<640xf32, #tpu.memory_space<hbm>>) target_semaphore(%run_scoped3A : memref<!tpu.dma_semaphore, #tpu.memory_space<semaphore_mem>>)
        %dma_wait3A = tpu.memref_slice %arg8[%mul3A_0] : memref<10240xf32, #tpu.memory_space<hbm>> -> memref<640xf32, #tpu.memory_space<hbm>>
        %dma_wait3A_49 = tpu.memref_slice %arg19[%mul3A_0] : memref<10240xf32, #tpu.memory_space<vmem_shared>> -> memref<640xf32, #tpu.memory_space<vmem_shared>>
        tpu.wait_dma2 semaphore(%run_scoped3A : memref<!tpu.dma_semaphore, #tpu.memory_space<semaphore_mem>>) src(%dma_wait3A_49 : memref<640xf32, #tpu.memory_space<vmem_shared>>) dst(%dma_wait3A : memref<640xf32, #tpu.memory_space<hbm>>)
        tpu.yield
      }) : () -> ()
    } else {
    }
    %eq3A_43 = arith.constant 1 : i32
    %eq3A_44 = arith.cmpi eq, %arg0, %eq3A_43 : i32
    %convert_element_type3A_45 = arith.extui %eq3A_44 : i1 to i32
    %cond3A_46 = arith.constant 0 : i32
    %cond3A_47 = arith.cmpi ne, %convert_element_type3A_45, %cond3A_46 : i32
    scf.if %cond3A_47 {
      "tpu.region"() ({
        %run_scoped3A = tpu.sem_alloc : memref<!tpu.dma_semaphore, #tpu.memory_space<semaphore_mem>>
        %dma_start3A = arith.constant 0 : i32
        %dma_start3A_48 = tpu.memref_slice %arg7[%mul3A_0, %dma_start3A] : memref<10240x128xbf16, #tpu.memory_space<hbm>> -> memref<640x128xbf16, #tpu.memory_space<hbm>>
        %dma_start3A_49 = arith.constant 0 : i32
        %dma_start3A_50 = tpu.memref_slice %arg18[%mul3A_0, %dma_start3A_49] : memref<10240x128xbf16, #tpu.memory_space<vmem_shared>> -> memref<640x128xbf16, #tpu.memory_space<vmem_shared>>
        tpu.enqueue_dma source(%dma_start3A_50 : memref<640x128xbf16, #tpu.memory_space<vmem_shared>>) target(%dma_start3A_48 : memref<640x128xbf16, #tpu.memory_space<hbm>>) target_semaphore(%run_scoped3A : memref<!tpu.dma_semaphore, #tpu.memory_space<semaphore_mem>>)
        %dma_wait3A = arith.constant 0 : i32
        %dma_wait3A_51 = tpu.memref_slice %arg7[%mul3A_0, %dma_wait3A] : memref<10240x128xbf16, #tpu.memory_space<hbm>> -> memref<640x128xbf16, #tpu.memory_space<hbm>>
        %dma_wait3A_52 = arith.constant 0 : i32
        %dma_wait3A_53 = tpu.memref_slice %arg18[%mul3A_0, %dma_wait3A_52] : memref<10240x128xbf16, #tpu.memory_space<vmem_shared>> -> memref<640x128xbf16, #tpu.memory_space<vmem_shared>>
        tpu.wait_dma2 semaphore(%run_scoped3A : memref<!tpu.dma_semaphore, #tpu.memory_space<semaphore_mem>>) src(%dma_wait3A_53 : memref<640x128xbf16, #tpu.memory_space<vmem_shared>>) dst(%dma_wait3A_51 : memref<640x128xbf16, #tpu.memory_space<hbm>>)
        tpu.yield
      }) : () -> ()
      "tpu.region"() ({
        %run_scoped3A = tpu.sem_alloc : memref<!tpu.dma_semaphore, #tpu.memory_space<semaphore_mem>>
        %dma_start3A = tpu.memref_slice %arg9[%mul3A_0] : memref<10240xf32, #tpu.memory_space<hbm>> -> memref<640xf32, #tpu.memory_space<hbm>>
        %dma_start3A_48 = tpu.memref_slice %arg19[%mul3A_0] : memref<10240xf32, #tpu.memory_space<vmem_shared>> -> memref<640xf32, #tpu.memory_space<vmem_shared>>
        tpu.enqueue_dma source(%dma_start3A_48 : memref<640xf32, #tpu.memory_space<vmem_shared>>) target(%dma_start3A : memref<640xf32, #tpu.memory_space<hbm>>) target_semaphore(%run_scoped3A : memref<!tpu.dma_semaphore, #tpu.memory_space<semaphore_mem>>)
        %dma_wait3A = tpu.memref_slice %arg9[%mul3A_0] : memref<10240xf32, #tpu.memory_space<hbm>> -> memref<640xf32, #tpu.memory_space<hbm>>
        %dma_wait3A_49 = tpu.memref_slice %arg19[%mul3A_0] : memref<10240xf32, #tpu.memory_space<vmem_shared>> -> memref<640xf32, #tpu.memory_space<vmem_shared>>
        tpu.wait_dma2 semaphore(%run_scoped3A : memref<!tpu.dma_semaphore, #tpu.memory_space<semaphore_mem>>) src(%dma_wait3A_49 : memref<640xf32, #tpu.memory_space<vmem_shared>>) dst(%dma_wait3A : memref<640xf32, #tpu.memory_space<hbm>>)
        tpu.yield
      }) : () -> ()
    } else {
    }
    return
  }
}

module attributes {stable_mosaic.version = 14 : i64} {
  func.func @_layer_body(%arg0: i32, %arg1: memref<1024x128xf32, #tpu.memory_space<vmem>>, %arg2: memref<1024x128xbf16, #tpu.memory_space<vmem>>, %arg3: memref<1024x128xbf16, #tpu.memory_space<vmem>>, %arg4: memref<1024x1xf32, #tpu.memory_space<vmem>>, %arg5: memref<1024x1xf32, #tpu.memory_space<vmem>>, %arg6: memref<128x128xf32, #tpu.memory_space<vmem>>, %arg7: memref<128x128xf32, #tpu.memory_space<vmem>>, %arg8: memref<128x128xf32, #tpu.memory_space<vmem>>, %arg9: memref<128x128xf32, #tpu.memory_space<vmem>>, %arg10: memref<1024x128xf32, #tpu.memory_space<vmem>>, %arg11: memref<1024x128xf32, #tpu.memory_space<vmem>>, %arg12: memref<1024x128xbf16, #tpu.memory_space<vmem>>, %arg13: memref<1024x128xbf16, #tpu.memory_space<vmem>>) attributes {dimension_semantics = [#tpu.dimension_semantics<arbitrary>], iteration_bounds = array<i64: 10>, scalar_prefetch = 0 : i64, scratch_operands = 0 : i64, tpu.core_type = #tpu.core_type<tc>, window_params = [{transform_indices = @transform_0, window_bounds = array<i64: 1024, 128>}, {transform_indices = @transform_1, window_bounds = array<i64: 1024, 128>}, {transform_indices = @transform_2, window_bounds = array<i64: 1024, 128>}, {transform_indices = @transform_3, window_bounds = array<i64: 1024, 1>}, {transform_indices = @transform_4, window_bounds = array<i64: 1024, 1>}, {pipeline_mode = #tpu.pipeline_mode<synchronous>, transform_indices = @transform_5, window_bounds = array<i64: 128, 128>}, {pipeline_mode = #tpu.pipeline_mode<synchronous>, transform_indices = @transform_6, window_bounds = array<i64: 128, 128>}, {pipeline_mode = #tpu.pipeline_mode<synchronous>, transform_indices = @transform_7, window_bounds = array<i64: 128, 128>}, {pipeline_mode = #tpu.pipeline_mode<synchronous>, transform_indices = @transform_8, window_bounds = array<i64: 128, 128>}, {transform_indices = @transform_9, window_bounds = array<i64: 1024, 128>}, {transform_indices = @transform_10, window_bounds = array<i64: 1024, 128>}, {transform_indices = @transform_11, window_bounds = array<i64: 1024, 128>}, {transform_indices = @transform_12, window_bounds = array<i64: 1024, 128>}]} {
    %get3A = arith.constant 0 : index
    %get3A_0 = arith.constant 0 : index
    %get3A_1 = vector.load %arg1[%get3A, %get3A_0] : memref<1024x128xf32, #tpu.memory_space<vmem>>, vector<1024x128xf32>
    %get3A_2 = arith.constant 0 : index
    %get3A_3 = arith.constant 0 : index
    %get3A_4 = vector.load %arg2[%get3A_2, %get3A_3] : memref<1024x128xbf16, #tpu.memory_space<vmem>>, vector<1024x128xbf16>
    %convert_element_type3A = arith.extf %get3A_4 : vector<1024x128xbf16> to vector<1024x128xf32>
    %get3A_5 = arith.constant 0 : index
    %get3A_6 = arith.constant 0 : index
    %get3A_7 = vector.load %arg4[%get3A_5, %get3A_6] : memref<1024x1xf32, #tpu.memory_space<vmem>>, vector<1024x1xf32>
    %max3A = arith.constant 1.000000e+00 : f32
    %max3A_8 = vector.broadcast %max3A : f32 to vector<1024x1xf32>
    %max3A_9 = arith.maximumf %get3A_7, %max3A_8 : vector<1024x1xf32>
    %div3A = arith.constant 1.000000e+00 : f32
    %div3A_10 = vector.broadcast %div3A : f32 to vector<1024x1xf32>
    %div3A_11 = arith.divf %div3A_10, %max3A_9 : vector<1024x1xf32>
    %mul3A = vector.broadcast %div3A_11 : vector<1024x1xf32> to vector<1024x128xf32>
    %mul3A_12 = arith.mulf %convert_element_type3A, %mul3A : vector<1024x128xf32>
    %get3A_13 = arith.constant 0 : index
    %get3A_14 = arith.constant 0 : index
    %get3A_15 = vector.load %arg3[%get3A_13, %get3A_14] : memref<1024x128xbf16, #tpu.memory_space<vmem>>, vector<1024x128xbf16>
    %convert_element_type3A_16 = arith.extf %get3A_15 : vector<1024x128xbf16> to vector<1024x128xf32>
    %get3A_17 = arith.constant 0 : index
    %get3A_18 = arith.constant 0 : index
    %get3A_19 = vector.load %arg5[%get3A_17, %get3A_18] : memref<1024x1xf32, #tpu.memory_space<vmem>>, vector<1024x1xf32>
    %max3A_20 = arith.constant 1.000000e+00 : f32
    %max3A_21 = vector.broadcast %max3A_20 : f32 to vector<1024x1xf32>
    %max3A_22 = arith.maximumf %get3A_19, %max3A_21 : vector<1024x1xf32>
    %div3A_23 = arith.constant 1.000000e+00 : f32
    %div3A_24 = vector.broadcast %div3A_23 : f32 to vector<1024x1xf32>
    %div3A_25 = arith.divf %div3A_24, %max3A_22 : vector<1024x1xf32>
    %mul3A_26 = vector.broadcast %div3A_25 : vector<1024x1xf32> to vector<1024x128xf32>
    %mul3A_27 = arith.mulf %convert_element_type3A_16, %mul3A_26 : vector<1024x128xf32>
    %get3A_28 = arith.constant 0 : index
    %get3A_29 = arith.constant 0 : index
    %get3A_30 = vector.load %arg6[%get3A_28, %get3A_29] : memref<128x128xf32, #tpu.memory_space<vmem>>, vector<128x128xf32>
    %dot_general3A = arith.constant dense<0.000000e+00> : vector<1024x128xf32>
    %dot_general3A_31 = tpu.matmul %get3A_1, %get3A_30, %dot_general3A {dimension_numbers = #tpu.dot_dimension_numbers<[1], [0], [0], [1], [0, 0, 1, 1], [], []>, transpose_lhs_hint = false} : vector<1024x128xf32>, vector<128x128xf32>, vector<1024x128xf32> -> vector<1024x128xf32>
    %get3A_32 = arith.constant 0 : index
    %get3A_33 = arith.constant 0 : index
    %get3A_34 = vector.load %arg7[%get3A_32, %get3A_33] : memref<128x128xf32, #tpu.memory_space<vmem>>, vector<128x128xf32>
    %dot_general3A_35 = arith.constant dense<0.000000e+00> : vector<1024x128xf32>
    %dot_general3A_36 = tpu.matmul %mul3A_12, %get3A_34, %dot_general3A_35 {dimension_numbers = #tpu.dot_dimension_numbers<[1], [0], [0], [1], [0, 0, 1, 1], [], []>, transpose_lhs_hint = false} : vector<1024x128xf32>, vector<128x128xf32>, vector<1024x128xf32> -> vector<1024x128xf32>
    %add3A = arith.addf %dot_general3A_31, %dot_general3A_36 : vector<1024x128xf32>
    %max3A_37 = arith.constant 0.000000e+00 : f32
    %max3A_38 = vector.broadcast %max3A_37 : f32 to vector<1024x128xf32>
    %max3A_39 = arith.maximumf %add3A, %max3A_38 : vector<1024x128xf32>
    %get3A_40 = arith.constant 0 : index
    %get3A_41 = arith.constant 0 : index
    %get3A_42 = vector.load %arg8[%get3A_40, %get3A_41] : memref<128x128xf32, #tpu.memory_space<vmem>>, vector<128x128xf32>
    %dot_general3A_43 = arith.constant dense<0.000000e+00> : vector<1024x128xf32>
    %dot_general3A_44 = tpu.matmul %get3A_1, %get3A_42, %dot_general3A_43 {dimension_numbers = #tpu.dot_dimension_numbers<[1], [0], [0], [1], [0, 0, 1, 1], [], []>, transpose_lhs_hint = false} : vector<1024x128xf32>, vector<128x128xf32>, vector<1024x128xf32> -> vector<1024x128xf32>
    %get3A_45 = arith.constant 0 : index
    %get3A_46 = arith.constant 0 : index
    %get3A_47 = vector.load %arg9[%get3A_45, %get3A_46] : memref<128x128xf32, #tpu.memory_space<vmem>>, vector<128x128xf32>
    %dot_general3A_48 = arith.constant dense<0.000000e+00> : vector<1024x128xf32>
    %dot_general3A_49 = tpu.matmul %mul3A_27, %get3A_47, %dot_general3A_48 {dimension_numbers = #tpu.dot_dimension_numbers<[1], [0], [0], [1], [0, 0, 1, 1], [], []>, transpose_lhs_hint = false} : vector<1024x128xf32>, vector<128x128xf32>, vector<1024x128xf32> -> vector<1024x128xf32>
    %add3A_50 = arith.addf %dot_general3A_44, %dot_general3A_49 : vector<1024x128xf32>
    %max3A_51 = arith.constant 0.000000e+00 : f32
    %max3A_52 = vector.broadcast %max3A_51 : f32 to vector<1024x128xf32>
    %max3A_53 = arith.maximumf %add3A_50, %max3A_52 : vector<1024x128xf32>
    %swap3A = arith.constant 0 : index
    %swap3A_54 = arith.constant 0 : index
    %swap3A_55 = vector.load %arg10[%swap3A, %swap3A_54] : memref<1024x128xf32, #tpu.memory_space<vmem>>, vector<1024x128xf32>
    tpu.vector_store %arg10[%swap3A, %swap3A_54], %max3A_39 {strides = array<i32>} : memref<1024x128xf32, #tpu.memory_space<vmem>>, vector<1024x128xf32>,
    %swap3A_56 = arith.constant 0 : index
    %swap3A_57 = arith.constant 0 : index
    %swap3A_58 = vector.load %arg11[%swap3A_56, %swap3A_57] : memref<1024x128xf32, #tpu.memory_space<vmem>>, vector<1024x128xf32>
    tpu.vector_store %arg11[%swap3A_56, %swap3A_57], %max3A_53 {strides = array<i32>} : memref<1024x128xf32, #tpu.memory_space<vmem>>, vector<1024x128xf32>,
    %convert_element_type3A_59 = arith.truncf %max3A_39 : vector<1024x128xf32> to vector<1024x128xbf16>
    %swap3A_60 = arith.constant 0 : index
    %swap3A_61 = arith.constant 0 : index
    %swap3A_62 = vector.load %arg12[%swap3A_60, %swap3A_61] : memref<1024x128xbf16, #tpu.memory_space<vmem>>, vector<1024x128xbf16>
    tpu.vector_store %arg12[%swap3A_60, %swap3A_61], %convert_element_type3A_59 {strides = array<i32>} : memref<1024x128xbf16, #tpu.memory_space<vmem>>, vector<1024x128xbf16>,
    %convert_element_type3A_63 = arith.truncf %max3A_53 : vector<1024x128xf32> to vector<1024x128xbf16>
    %swap3A_64 = arith.constant 0 : index
    %swap3A_65 = arith.constant 0 : index
    %swap3A_66 = vector.load %arg13[%swap3A_64, %swap3A_65] : memref<1024x128xbf16, #tpu.memory_space<vmem>>, vector<1024x128xbf16>
    tpu.vector_store %arg13[%swap3A_64, %swap3A_65], %convert_element_type3A_63 {strides = array<i32>} : memref<1024x128xbf16, #tpu.memory_space<vmem>>, vector<1024x128xbf16>,
    return
  }
  func.func @transform_0(%arg0: i32) -> (i32, i32) {
    %c0_i32 = arith.constant 0 : i32
    %c0_i32_0 = arith.constant 0 : i32
    return %arg0, %c0_i32 : i32, i32
  }
  func.func @transform_1(%arg0: i32) -> (i32, i32) {
    %c0_i32 = arith.constant 0 : i32
    %c0_i32_0 = arith.constant 0 : i32
    return %arg0, %c0_i32 : i32, i32
  }
  func.func @transform_2(%arg0: i32) -> (i32, i32) {
    %c0_i32 = arith.constant 0 : i32
    %c0_i32_0 = arith.constant 0 : i32
    return %arg0, %c0_i32 : i32, i32
  }
  func.func @transform_3(%arg0: i32) -> (i32, i32) {
    %c0_i32 = arith.constant 0 : i32
    %c0_i32_0 = arith.constant 0 : i32
    return %arg0, %c0_i32 : i32, i32
  }
  func.func @transform_4(%arg0: i32) -> (i32, i32) {
    %c0_i32 = arith.constant 0 : i32
    %c0_i32_0 = arith.constant 0 : i32
    return %arg0, %c0_i32 : i32, i32
  }
  func.func @transform_5(%arg0: i32) -> (i32, i32) {
    %c0_i32 = arith.constant 0 : i32
    %c0_i32_0 = arith.constant 0 : i32
    %c0_i32_1 = arith.constant 0 : i32
    return %c0_i32, %c0_i32_0 : i32, i32
  }
  func.func @transform_6(%arg0: i32) -> (i32, i32) {
    %c0_i32 = arith.constant 0 : i32
    %c0_i32_0 = arith.constant 0 : i32
    %c0_i32_1 = arith.constant 0 : i32
    return %c0_i32, %c0_i32_0 : i32, i32
  }
  func.func @transform_7(%arg0: i32) -> (i32, i32) {
    %c0_i32 = arith.constant 0 : i32
    %c0_i32_0 = arith.constant 0 : i32
    %c0_i32_1 = arith.constant 0 : i32
    return %c0_i32, %c0_i32_0 : i32, i32
  }
  func.func @transform_8(%arg0: i32) -> (i32, i32) {
    %c0_i32 = arith.constant 0 : i32
    %c0_i32_0 = arith.constant 0 : i32
    %c0_i32_1 = arith.constant 0 : i32
    return %c0_i32, %c0_i32_0 : i32, i32
  }
  func.func @transform_9(%arg0: i32) -> (i32, i32) {
    %c0_i32 = arith.constant 0 : i32
    %c0_i32_0 = arith.constant 0 : i32
    return %arg0, %c0_i32 : i32, i32
  }
  func.func @transform_10(%arg0: i32) -> (i32, i32) {
    %c0_i32 = arith.constant 0 : i32
    %c0_i32_0 = arith.constant 0 : i32
    return %arg0, %c0_i32 : i32, i32
  }
  func.func @transform_11(%arg0: i32) -> (i32, i32) {
    %c0_i32 = arith.constant 0 : i32
    %c0_i32_0 = arith.constant 0 : i32
    return %arg0, %c0_i32 : i32, i32
  }
  func.func @transform_12(%arg0: i32) -> (i32, i32) {
    %c0_i32 = arith.constant 0 : i32
    %c0_i32_0 = arith.constant 0 : i32
    return %arg0, %c0_i32 : i32, i32
  }
}

module attributes {stable_mosaic.version = 14 : i64} {
  func.func @_final_body(%arg0: i32, %arg1: memref<1024x128xf32, #tpu.memory_space<vmem>>, %arg2: memref<1024x128xf32, #tpu.memory_space<vmem>>, %arg3: memref<1024x128xbf16, #tpu.memory_space<vmem>>, %arg4: memref<1024x128xbf16, #tpu.memory_space<vmem>>, %arg5: memref<1024x1xf32, #tpu.memory_space<vmem>>, %arg6: memref<1024x1xf32, #tpu.memory_space<vmem>>, %arg7: memref<128x128xf32, #tpu.memory_space<vmem>>, %arg8: memref<128x128xf32, #tpu.memory_space<vmem>>, %arg9: memref<128x128xf32, #tpu.memory_space<vmem>>, %arg10: memref<128x128xf32, #tpu.memory_space<vmem>>, %arg11: memref<128x64xf32, #tpu.memory_space<vmem>>, %arg12: memref<128x64xf32, #tpu.memory_space<vmem>>, %arg13: memref<1x64xf32, #tpu.memory_space<vmem>>, %arg14: memref<1x128xf32, #tpu.memory_space<vmem>>, %arg15: memref<1x128xf32, #tpu.memory_space<vmem>>) attributes {dimension_semantics = [#tpu.dimension_semantics<arbitrary>], iteration_bounds = array<i64: 10>, scalar_prefetch = 0 : i64, scratch_operands = 2 : i64, tpu.core_type = #tpu.core_type<tc>, window_params = [{transform_indices = @transform_0, window_bounds = array<i64: 1024, 128>}, {transform_indices = @transform_1, window_bounds = array<i64: 1024, 128>}, {transform_indices = @transform_2, window_bounds = array<i64: 1024, 128>}, {transform_indices = @transform_3, window_bounds = array<i64: 1024, 128>}, {transform_indices = @transform_4, window_bounds = array<i64: 1024, 1>}, {transform_indices = @transform_5, window_bounds = array<i64: 1024, 1>}, {pipeline_mode = #tpu.pipeline_mode<synchronous>, transform_indices = @transform_6, window_bounds = array<i64: 128, 128>}, {pipeline_mode = #tpu.pipeline_mode<synchronous>, transform_indices = @transform_7, window_bounds = array<i64: 128, 128>}, {pipeline_mode = #tpu.pipeline_mode<synchronous>, transform_indices = @transform_8, window_bounds = array<i64: 128, 128>}, {pipeline_mode = #tpu.pipeline_mode<synchronous>, transform_indices = @transform_9, window_bounds = array<i64: 128, 128>}, {pipeline_mode = #tpu.pipeline_mode<synchronous>, transform_indices = @transform_10, window_bounds = array<i64: 128, 64>}, {pipeline_mode = #tpu.pipeline_mode<synchronous>, transform_indices = @transform_11, window_bounds = array<i64: 128, 64>}, {pipeline_mode = #tpu.pipeline_mode<synchronous>, transform_indices = @transform_12, window_bounds = array<i64: 1, 64>}]} {
    %get3A = arith.constant 0 : index
    %get3A_0 = arith.constant 0 : index
    %get3A_1 = vector.load %arg3[%get3A, %get3A_0] : memref<1024x128xbf16, #tpu.memory_space<vmem>>, vector<1024x128xbf16>
    %convert_element_type3A = arith.extf %get3A_1 : vector<1024x128xbf16> to vector<1024x128xf32>
    %get3A_2 = arith.constant 0 : index
    %get3A_3 = arith.constant 0 : index
    %get3A_4 = vector.load %arg5[%get3A_2, %get3A_3] : memref<1024x1xf32, #tpu.memory_space<vmem>>, vector<1024x1xf32>
    %max3A = arith.constant 1.000000e+00 : f32
    %max3A_5 = vector.broadcast %max3A : f32 to vector<1024x1xf32>
    %max3A_6 = arith.maximumf %get3A_4, %max3A_5 : vector<1024x1xf32>
    %div3A = arith.constant 1.000000e+00 : f32
    %div3A_7 = vector.broadcast %div3A : f32 to vector<1024x1xf32>
    %div3A_8 = arith.divf %div3A_7, %max3A_6 : vector<1024x1xf32>
    %mul3A = vector.broadcast %div3A_8 : vector<1024x1xf32> to vector<1024x128xf32>
    %mul3A_9 = arith.mulf %convert_element_type3A, %mul3A : vector<1024x128xf32>
    %get3A_10 = arith.constant 0 : index
    %get3A_11 = arith.constant 0 : index
    %get3A_12 = vector.load %arg4[%get3A_10, %get3A_11] : memref<1024x128xbf16, #tpu.memory_space<vmem>>, vector<1024x128xbf16>
    %convert_element_type3A_13 = arith.extf %get3A_12 : vector<1024x128xbf16> to vector<1024x128xf32>
    %get3A_14 = arith.constant 0 : index
    %get3A_15 = arith.constant 0 : index
    %get3A_16 = vector.load %arg6[%get3A_14, %get3A_15] : memref<1024x1xf32, #tpu.memory_space<vmem>>, vector<1024x1xf32>
    %max3A_17 = arith.constant 1.000000e+00 : f32
    %max3A_18 = vector.broadcast %max3A_17 : f32 to vector<1024x1xf32>
    %max3A_19 = arith.maximumf %get3A_16, %max3A_18 : vector<1024x1xf32>
    %div3A_20 = arith.constant 1.000000e+00 : f32
    %div3A_21 = vector.broadcast %div3A_20 : f32 to vector<1024x1xf32>
    %div3A_22 = arith.divf %div3A_21, %max3A_19 : vector<1024x1xf32>
    %mul3A_23 = vector.broadcast %div3A_22 : vector<1024x1xf32> to vector<1024x128xf32>
    %mul3A_24 = arith.mulf %convert_element_type3A_13, %mul3A_23 : vector<1024x128xf32>
    %get3A_25 = arith.constant 0 : index
    %get3A_26 = arith.constant 0 : index
    %get3A_27 = vector.load %arg1[%get3A_25, %get3A_26] : memref<1024x128xf32, #tpu.memory_space<vmem>>, vector<1024x128xf32>
    %get3A_28 = arith.constant 0 : index
    %get3A_29 = arith.constant 0 : index
    %get3A_30 = vector.load %arg7[%get3A_28, %get3A_29] : memref<128x128xf32, #tpu.memory_space<vmem>>, vector<128x128xf32>
    %dot_general3A = arith.constant dense<0.000000e+00> : vector<1024x128xf32>
    %dot_general3A_31 = tpu.matmul %get3A_27, %get3A_30, %dot_general3A {dimension_numbers = #tpu.dot_dimension_numbers<[1], [0], [0], [1], [0, 0, 1, 1], [], []>, transpose_lhs_hint = false} : vector<1024x128xf32>, vector<128x128xf32>, vector<1024x128xf32> -> vector<1024x128xf32>
    %get3A_32 = arith.constant 0 : index
    %get3A_33 = arith.constant 0 : index
    %get3A_34 = vector.load %arg8[%get3A_32, %get3A_33] : memref<128x128xf32, #tpu.memory_space<vmem>>, vector<128x128xf32>
    %dot_general3A_35 = arith.constant dense<0.000000e+00> : vector<1024x128xf32>
    %dot_general3A_36 = tpu.matmul %mul3A_9, %get3A_34, %dot_general3A_35 {dimension_numbers = #tpu.dot_dimension_numbers<[1], [0], [0], [1], [0, 0, 1, 1], [], []>, transpose_lhs_hint = false} : vector<1024x128xf32>, vector<128x128xf32>, vector<1024x128xf32> -> vector<1024x128xf32>
    %add3A = arith.addf %dot_general3A_31, %dot_general3A_36 : vector<1024x128xf32>
    %max3A_37 = arith.constant 0.000000e+00 : f32
    %max3A_38 = vector.broadcast %max3A_37 : f32 to vector<1024x128xf32>
    %max3A_39 = arith.maximumf %add3A, %max3A_38 : vector<1024x128xf32>
    %get3A_40 = arith.constant 0 : index
    %get3A_41 = arith.constant 0 : index
    %get3A_42 = vector.load %arg2[%get3A_40, %get3A_41] : memref<1024x128xf32, #tpu.memory_space<vmem>>, vector<1024x128xf32>
    %get3A_43 = arith.constant 0 : index
    %get3A_44 = arith.constant 0 : index
    %get3A_45 = vector.load %arg9[%get3A_43, %get3A_44] : memref<128x128xf32, #tpu.memory_space<vmem>>, vector<128x128xf32>
    %dot_general3A_46 = arith.constant dense<0.000000e+00> : vector<1024x128xf32>
    %dot_general3A_47 = tpu.matmul %get3A_42, %get3A_45, %dot_general3A_46 {dimension_numbers = #tpu.dot_dimension_numbers<[1], [0], [0], [1], [0, 0, 1, 1], [], []>, transpose_lhs_hint = false} : vector<1024x128xf32>, vector<128x128xf32>, vector<1024x128xf32> -> vector<1024x128xf32>
    %get3A_48 = arith.constant 0 : index
    %get3A_49 = arith.constant 0 : index
    %get3A_50 = vector.load %arg10[%get3A_48, %get3A_49] : memref<128x128xf32, #tpu.memory_space<vmem>>, vector<128x128xf32>
    %dot_general3A_51 = arith.constant dense<0.000000e+00> : vector<1024x128xf32>
    %dot_general3A_52 = tpu.matmul %mul3A_24, %get3A_50, %dot_general3A_51 {dimension_numbers = #tpu.dot_dimension_numbers<[1], [0], [0], [1], [0, 0, 1, 1], [], []>, transpose_lhs_hint = false} : vector<1024x128xf32>, vector<128x128xf32>, vector<1024x128xf32> -> vector<1024x128xf32>
    %add3A_53 = arith.addf %dot_general3A_47, %dot_general3A_52 : vector<1024x128xf32>
    %max3A_54 = arith.constant 0.000000e+00 : f32
    %max3A_55 = vector.broadcast %max3A_54 : f32 to vector<1024x128xf32>
    %max3A_56 = arith.maximumf %add3A_53, %max3A_55 : vector<1024x128xf32>
    %mul3A_57 = arith.constant 1024 : i32
    %mul3A_58 = arith.muli %arg0, %mul3A_57 : i32
    %iota3A = tpu.iota {dimensions = array<i32: 0>} : vector<1024x128xi32>
    %add3A_59 = vector.broadcast %mul3A_58 : i32 to vector<1024x128xi32>
    %add3A_60 = arith.addi %add3A_59, %iota3A : vector<1024x128xi32>
    %lt3A = arith.constant 10000 : i32
    %lt3A_61 = vector.broadcast %lt3A : i32 to vector<1024x128xi32>
    %lt3A_62 = arith.cmpi slt, %add3A_60, %lt3A_61 : vector<1024x128xi32>
    %convert_element_type3A_63 = arith.extui %lt3A_62 : vector<1024x128xi1> to vector<1024x128xi32>
    %convert_element_type3A_64 = arith.sitofp %convert_element_type3A_63 : vector<1024x128xi32> to vector<1024x128xf32>
    %mul3A_65 = arith.mulf %max3A_39, %convert_element_type3A_64 : vector<1024x128xf32>
    %reduce_sum3A = arith.constant dense<0.000000e+00> : vector<128xf32>
    %reduce_sum3A_66 = vector.multi_reduction <add>, %mul3A_65, %reduce_sum3A [0] : vector<1024x128xf32> to vector<128xf32>
    %broadcast_in_dim3A = vector.shape_cast %reduce_sum3A_66 : vector<128xf32> to vector<1x128xf32>
    %mul3A_67 = arith.mulf %max3A_56, %convert_element_type3A_64 : vector<1024x128xf32>
    %reduce_sum3A_68 = arith.constant dense<0.000000e+00> : vector<128xf32>
    %reduce_sum3A_69 = vector.multi_reduction <add>, %mul3A_67, %reduce_sum3A_68 [0] : vector<1024x128xf32> to vector<128xf32>
    %broadcast_in_dim3A_70 = vector.shape_cast %reduce_sum3A_69 : vector<128xf32> to vector<1x128xf32>
    %eq3A = arith.constant 0 : i32
    %eq3A_71 = arith.cmpi eq, %arg0, %eq3A : i32
    %convert_element_type3A_72 = arith.extui %eq3A_71 : i1 to i32
    %cond3A = arith.constant 0 : i32
    %cond3A_73 = arith.cmpi ne, %convert_element_type3A_72, %cond3A : i32
    scf.if %cond3A_73 {
      %swap3A = arith.constant 0 : index
      %swap3A_83 = arith.constant 0 : index
      %swap3A_84 = vector.load %arg14[%swap3A, %swap3A_83] : memref<1x128xf32, #tpu.memory_space<vmem>>, vector<1x128xf32>
      tpu.vector_store %arg14[%swap3A, %swap3A_83], %broadcast_in_dim3A {strides = array<i32>} : memref<1x128xf32, #tpu.memory_space<vmem>>, vector<1x128xf32>,
      %swap3A_85 = arith.constant 0 : index
      %swap3A_86 = arith.constant 0 : index
      %swap3A_87 = vector.load %arg15[%swap3A_85, %swap3A_86] : memref<1x128xf32, #tpu.memory_space<vmem>>, vector<1x128xf32>
      tpu.vector_store %arg15[%swap3A_85, %swap3A_86], %broadcast_in_dim3A_70 {strides = array<i32>} : memref<1x128xf32, #tpu.memory_space<vmem>>, vector<1x128xf32>,
    } else {
    }
    %gt3A = arith.constant 0 : i32
    %gt3A_74 = arith.cmpi sgt, %arg0, %gt3A : i32
    %convert_element_type3A_75 = arith.extui %gt3A_74 : i1 to i32
    %cond3A_76 = arith.constant 0 : i32
    %cond3A_77 = arith.cmpi ne, %convert_element_type3A_75, %cond3A_76 : i32
    scf.if %cond3A_77 {
      %get3A_83 = arith.constant 0 : index
      %get3A_84 = arith.constant 0 : index
      %get3A_85 = vector.load %arg14[%get3A_83, %get3A_84] : memref<1x128xf32, #tpu.memory_space<vmem>>, vector<1x128xf32>
      %add3A_86 = arith.addf %get3A_85, %broadcast_in_dim3A : vector<1x128xf32>
      %swap3A = arith.constant 0 : index
      %swap3A_87 = arith.constant 0 : index
      %swap3A_88 = vector.load %arg14[%swap3A, %swap3A_87] : memref<1x128xf32, #tpu.memory_space<vmem>>, vector<1x128xf32>
      tpu.vector_store %arg14[%swap3A, %swap3A_87], %add3A_86 {strides = array<i32>} : memref<1x128xf32, #tpu.memory_space<vmem>>, vector<1x128xf32>,
      %get3A_89 = arith.constant 0 : index
      %get3A_90 = arith.constant 0 : index
      %get3A_91 = vector.load %arg15[%get3A_89, %get3A_90] : memref<1x128xf32, #tpu.memory_space<vmem>>, vector<1x128xf32>
      %add3A_92 = arith.addf %get3A_91, %broadcast_in_dim3A_70 : vector<1x128xf32>
      %swap3A_93 = arith.constant 0 : index
      %swap3A_94 = arith.constant 0 : index
      %swap3A_95 = vector.load %arg15[%swap3A_93, %swap3A_94] : memref<1x128xf32, #tpu.memory_space<vmem>>, vector<1x128xf32>
      tpu.vector_store %arg15[%swap3A_93, %swap3A_94], %add3A_92 {strides = array<i32>} : memref<1x128xf32, #tpu.memory_space<vmem>>, vector<1x128xf32>,
    } else {
    }
    %eq3A_78 = arith.constant 9 : i32
    %eq3A_79 = arith.cmpi eq, %arg0, %eq3A_78 : i32
    %convert_element_type3A_80 = arith.extui %eq3A_79 : i1 to i32
    %cond3A_81 = arith.constant 0 : i32
    %cond3A_82 = arith.cmpi ne, %convert_element_type3A_80, %cond3A_81 : i32
    scf.if %cond3A_82 {
      %get3A_83 = arith.constant 0 : index
      %get3A_84 = arith.constant 0 : index
      %get3A_85 = vector.load %arg14[%get3A_83, %get3A_84] : memref<1x128xf32, #tpu.memory_space<vmem>>, vector<1x128xf32>
      %mul3A_86 = arith.constant 9.99999974E-5 : f32
      %mul3A_87 = vector.broadcast %mul3A_86 : f32 to vector<1x128xf32>
      %mul3A_88 = arith.mulf %get3A_85, %mul3A_87 : vector<1x128xf32>
      %get3A_89 = arith.constant 0 : index
      %get3A_90 = arith.constant 0 : index
      %get3A_91 = vector.load %arg11[%get3A_89, %get3A_90] : memref<128x64xf32, #tpu.memory_space<vmem>>, vector<128x64xf32>
      %dot_general3A_92 = arith.constant dense<0.000000e+00> : vector<1x64xf32>
      %dot_general3A_93 = tpu.matmul %mul3A_88, %get3A_91, %dot_general3A_92 {dimension_numbers = #tpu.dot_dimension_numbers<[1], [0], [0], [1], [0, 0, 1, 1], [], []>, transpose_lhs_hint = false} : vector<1x128xf32>, vector<128x64xf32>, vector<1x64xf32> -> vector<1x64xf32>
      %get3A_94 = arith.constant 0 : index
      %get3A_95 = arith.constant 0 : index
      %get3A_96 = vector.load %arg15[%get3A_94, %get3A_95] : memref<1x128xf32, #tpu.memory_space<vmem>>, vector<1x128xf32>
      %mul3A_97 = arith.constant 9.99999974E-5 : f32
      %mul3A_98 = vector.broadcast %mul3A_97 : f32 to vector<1x128xf32>
      %mul3A_99 = arith.mulf %get3A_96, %mul3A_98 : vector<1x128xf32>
      %get3A_100 = arith.constant 0 : index
      %get3A_101 = arith.constant 0 : index
      %get3A_102 = vector.load %arg12[%get3A_100, %get3A_101] : memref<128x64xf32, #tpu.memory_space<vmem>>, vector<128x64xf32>
      %dot_general3A_103 = arith.constant dense<0.000000e+00> : vector<1x64xf32>
      %dot_general3A_104 = tpu.matmul %mul3A_99, %get3A_102, %dot_general3A_103 {dimension_numbers = #tpu.dot_dimension_numbers<[1], [0], [0], [1], [0, 0, 1, 1], [], []>, transpose_lhs_hint = false} : vector<1x128xf32>, vector<128x64xf32>, vector<1x64xf32> -> vector<1x64xf32>
      %neg3A = arith.constant 0.000000e+00 : f32
      %neg3A_105 = vector.broadcast %neg3A : f32 to vector<1x64xf32>
      %neg3A_106 = arith.subf %neg3A_105, %dot_general3A_93 : vector<1x64xf32>
      %exp3A = math.exp %neg3A_106 : vector<1x64xf32>
      %add3A_107 = arith.constant 1.000000e+00 : f32
      %add3A_108 = vector.broadcast %add3A_107 : f32 to vector<1x64xf32>
      %add3A_109 = arith.addf %add3A_108, %exp3A : vector<1x64xf32>
      %div3A_110 = arith.constant 1.000000e+00 : f32
      %div3A_111 = vector.broadcast %div3A_110 : f32 to vector<1x64xf32>
      %div3A_112 = arith.divf %div3A_111, %add3A_109 : vector<1x64xf32>
      %neg3A_113 = arith.constant 0.000000e+00 : f32
      %neg3A_114 = vector.broadcast %neg3A_113 : f32 to vector<1x64xf32>
      %neg3A_115 = arith.subf %neg3A_114, %dot_general3A_104 : vector<1x64xf32>
      %exp3A_116 = math.exp %neg3A_115 : vector<1x64xf32>
      %add3A_117 = arith.constant 1.000000e+00 : f32
      %add3A_118 = vector.broadcast %add3A_117 : f32 to vector<1x64xf32>
      %add3A_119 = arith.addf %add3A_118, %exp3A_116 : vector<1x64xf32>
      %div3A_120 = arith.constant 1.000000e+00 : f32
      %div3A_121 = vector.broadcast %div3A_120 : f32 to vector<1x64xf32>
      %div3A_122 = arith.divf %div3A_121, %add3A_119 : vector<1x64xf32>
      %add3A_123 = arith.addf %div3A_112, %div3A_122 : vector<1x64xf32>
      %mul3A_124 = arith.constant 5.000000e-01 : f32
      %mul3A_125 = vector.broadcast %mul3A_124 : f32 to vector<1x64xf32>
      %mul3A_126 = arith.mulf %add3A_123, %mul3A_125 : vector<1x64xf32>
      %swap3A = arith.constant 0 : index
      %swap3A_127 = arith.constant 0 : index
      %swap3A_128 = vector.load %arg13[%swap3A, %swap3A_127] : memref<1x64xf32, #tpu.memory_space<vmem>>, vector<1x64xf32>
      tpu.vector_store %arg13[%swap3A, %swap3A_127], %mul3A_126 {strides = array<i32>} : memref<1x64xf32, #tpu.memory_space<vmem>>, vector<1x64xf32>,
    } else {
    }
    return
  }
  func.func @transform_0(%arg0: i32) -> (i32, i32) {
    %c0_i32 = arith.constant 0 : i32
    %c0_i32_0 = arith.constant 0 : i32
    return %arg0, %c0_i32 : i32, i32
  }
  func.func @transform_1(%arg0: i32) -> (i32, i32) {
    %c0_i32 = arith.constant 0 : i32
    %c0_i32_0 = arith.constant 0 : i32
    return %arg0, %c0_i32 : i32, i32
  }
  func.func @transform_2(%arg0: i32) -> (i32, i32) {
    %c0_i32 = arith.constant 0 : i32
    %c0_i32_0 = arith.constant 0 : i32
    return %arg0, %c0_i32 : i32, i32
  }
  func.func @transform_3(%arg0: i32) -> (i32, i32) {
    %c0_i32 = arith.constant 0 : i32
    %c0_i32_0 = arith.constant 0 : i32
    return %arg0, %c0_i32 : i32, i32
  }
  func.func @transform_4(%arg0: i32) -> (i32, i32) {
    %c0_i32 = arith.constant 0 : i32
    %c0_i32_0 = arith.constant 0 : i32
    return %arg0, %c0_i32 : i32, i32
  }
  func.func @transform_5(%arg0: i32) -> (i32, i32) {
    %c0_i32 = arith.constant 0 : i32
    %c0_i32_0 = arith.constant 0 : i32
    return %arg0, %c0_i32 : i32, i32
  }
  func.func @transform_6(%arg0: i32) -> (i32, i32) {
    %c0_i32 = arith.constant 0 : i32
    %c0_i32_0 = arith.constant 0 : i32
    %c0_i32_1 = arith.constant 0 : i32
    return %c0_i32, %c0_i32_0 : i32, i32
  }
  func.func @transform_7(%arg0: i32) -> (i32, i32) {
    %c0_i32 = arith.constant 0 : i32
    %c0_i32_0 = arith.constant 0 : i32
    %c0_i32_1 = arith.constant 0 : i32
    return %c0_i32, %c0_i32_0 : i32, i32
  }
  func.func @transform_8(%arg0: i32) -> (i32, i32) {
    %c0_i32 = arith.constant 0 : i32
    %c0_i32_0 = arith.constant 0 : i32
    %c0_i32_1 = arith.constant 0 : i32
    return %c0_i32, %c0_i32_0 : i32, i32
  }
  func.func @transform_9(%arg0: i32) -> (i32, i32) {
    %c0_i32 = arith.constant 0 : i32
    %c0_i32_0 = arith.constant 0 : i32
    %c0_i32_1 = arith.constant 0 : i32
    return %c0_i32, %c0_i32_0 : i32, i32
  }
  func.func @transform_10(%arg0: i32) -> (i32, i32) {
    %c0_i32 = arith.constant 0 : i32
    %c0_i32_0 = arith.constant 0 : i32
    %c0_i32_1 = arith.constant 0 : i32
    return %c0_i32, %c0_i32_0 : i32, i32
  }
  func.func @transform_11(%arg0: i32) -> (i32, i32) {
    %c0_i32 = arith.constant 0 : i32
    %c0_i32_0 = arith.constant 0 : i32
    %c0_i32_1 = arith.constant 0 : i32
    return %c0_i32, %c0_i32_0 : i32, i32
  }
  func.func @transform_12(%arg0: i32) -> (i32, i32) {
    %c0_i32 = arith.constant 0 : i32
    %c0_i32_0 = arith.constant 0 : i32
    %c0_i32_1 = arith.constant 0 : i32
    return %c0_i32, %c0_i32_0 : i32, i32
  }
}

</mosaic_0001>

<sc_bundles>
// kernel: kernel.6.cloned.1.call-start
scs
__scs_entry_jumppad:
0x0: {  	(pc) =	sbr.rel $0x88, $3  }
0x1: {  	(tag) =	ssettag $0x0;
	lr =	simm.s32 $0x1  }
0x2: {  	[smem:$0x3F94] =	sst lr;
	_ =	strace $0xD0000000  }
0x3: {  	_ = 	snop  }
0x4: {  	_ = 	snop  }
0x5: {  	_ = 	snop  }
0x6: {  	_ = 	snop  }
0x7: {  	_ = 	snop  }
__scs_overlays_trampoline_lowered:
0x8: {  	[smem:$0x3FA3] =	sst s0  }
0x9: {  	[smem:$0x3FA4] =	sst s1  }
0xa: {  	[smem:$0x3FA5] =	sst s2  }
0xb: {  	[smem:$0x3FA6] =	sst s3  }
0xc: {  	[smem:$0x3FA7] =	sst s4  }
0xd: {  	[smem:$0x3FA8] =	sst s5  }
0xe: {  	[smem:$0x3FA9] =	sst s6  }
0xf: {  	[smem:$0x3FAA] =	sst s7  }
0x10: {  	[smem:$0x3FAB] =	sst s8  }
0x11: {  	[smem:$0x3FAC] =	sst s9;
	s0 =	simm.s32 @!p0 $0x0  }
0x12: {  	s1 =	sld [smem:$0x3F92];
	s0 =	simm.s32 @p0 $0x1  }
0x13: {  	[smem:$0x3FAD] =	sst s0;
	s0 =	simm.s32 @!p1 $0x0  }
0x14: {  	s2 =	sld [smem:$0x3F91];
	s0 =	simm.s32 @p1 $0x1  }
0x15: {  	[smem:$0x3FAE] =	sst s0;
	s0 =	simm.s32 @!p2 $0x0  }
0x16: {  	s3 =	sld [smem:$0x3FDB];
	s0 =	simm.s32 @p2 $0x1  }
0x17: {  	s4 =	simm.s32 $0x1BF5;
	[smem:$0x3FB0] =	sst s0  }
0x18: {  	s0 =	sld [smem:$0x3F93];
	_ =	swait.ge [sflag:s4], $0x0  }
0x19: {  	s7 =	sld [smem:$0x3F94]  }
0x1a: {  	s8 =	sadd.s32 $0xFFFFE003, lr  }
0x1b: {  	s9 =	sadd.s32 $0xFFFFFEF7, lr;
	s5 =	simm.s32 $0xFFFFFFFF;
	p2 =	slt.u32 s8, $0xFFFFF086  }
0x1c: {  	p1 =	slt.u32 s9, $0xF7A;
	s5 =	simm.s32 @!p2 $0x0  }
0x1d: {  	s5 =	simm.s32 @p1 $0x1;
	p0 =	seq.s32 s7, s2  }
0x1e: {  	s7 =	smul.u32 @!p0 $0xF7A, s2;
	p2 =	seq.s32 @!p0 s5, $0x0  }
0x1f: {  	s9 =	smul.u32 $0xF7A, s1;
	s8 =	simm.s32 @!p0 $0x1BF5;
	p2 =	por !p2, p0  }
0x20: {  	[sflag:s8] =	ssyncset.s32 @!p0 $0xFFFFF086;
	s6 =	sadd.s32 @!p0 s3, s7;
	s7 =	simm.s32 @!p0 $0x108  }
0x21: {  	s3 =	sadd.s32 s3, s9;
	s6 =	sadd.s32 @!p0 $0x88, s6;
	s7 =	simm.s32 @p2 $0x1082  }
0x22: {  	[simem:s7], [sflag:s8] =	dma.local @!p0 [hbm:s6], $0xF7A  }
0x23: {  	s9 =	sor.u32 $0xD0000000, s2;
	s6 =	simm.s32 $0x108;
	_ =	swait.ge @!p0 [sflag:s8], $0x0  }
0x24: {  	s3 =	sadd.s32 $0x88, s3;
	s6 =	simm.s32 @!p1 $0x1082;
	[sflag:s4] =	ssyncset.s32 $0xFFFFF086  }
0x25: {  	[simem:s6], [sflag:s4] =	dma.local [hbm:s3], $0xF7A  }
0x26: {  	[smem:$0x3F94] =	sst s1;
	(tag) =	ssettag s2;
	_ =	strace s9  }
0x27: {  	s1 =	sld [smem:$0x3FA4]  }
0x28: {  	s2 =	sld [smem:$0x3FA5]  }
0x29: {  	s4 =	sld [smem:$0x3FA7]  }
0x2a: {  	p0 =	seq.s32 s5, $0x0;
	s5 =	sld [smem:$0x3FA8]  }
0x2b: {  	s6 =	sld [smem:$0x3FA9]  }
0x2c: {  	s7 =	sld [smem:$0x3FAA]  }
0x2d: {  	s3 =	simm.s32 $0x108;
	s8 =	sld [smem:$0x3FAB]  }
0x2e: {  	s3 =	simm.s32 @!p0 $0x1082;
	s9 =	sld [smem:$0x3FAC]  }
0x2f: {  	lr =	sadd.s32 s0, s3;
	s0 =	sld [smem:$0x3FA3]  }
0x30: {  	s3 =	sld [smem:$0x3FA6]  }
0x31: {  	[smem:$0x3FAF] =	sst s10  }
0x32: {  	s10 =	sld [smem:$0x3FAD];
	_ =	sdelay $0x3  }
0x33: {  	p0 =	seq.s32 s10, $0x1;
	s10 =	sld [smem:$0x3FAF];
	_ =	sdelay $0x3  }
0x34: {  	[smem:$0x3FAF] =	sst s10  }
0x35: {  	s10 =	sld [smem:$0x3FAE];
	_ =	sdelay $0x3  }
0x36: {  	p1 =	seq.s32 s10, $0x1;
	s10 =	sld [smem:$0x3FAF];
	_ =	sdelay $0x3  }
0x37: {  	[smem:$0x3FAF] =	sst s10  }
0x38: {  	s10 =	sld [smem:$0x3FB0]  }
0x39: {  	_ = 	snop;
	(pc) =	sbr.ind lr, $3  }
0x3a: {  	_ = 	snop  }
0x3b: {  	_ = 	snop  }
0x3c: {  	p2 =	seq.s32 s10, $0x1;
	s10 =	sld [smem:$0x3FAF]  }
0x3d: {  	_ =	shalt  }
0x3e: {  	_ =	shalt  }
0x3f: {  	_ =	shalt  }
0x40: {  	_ =	shalt  }
0x41: {  	_ =	shalt  }
0x42: {  	_ =	shalt  }
0x43: {  	_ =	shalt  }
0x44: {  	_ =	shalt  }
0x45: {  	_ =	shalt  }
0x46: {  	_ =	shalt  }
0x47: {  	_ =	shalt  }
0x48: {  	_ =	shalt  }
0x49: {  	_ =	shalt  }
0x4a: {  	_ =	shalt  }
0x4b: {  	_ =	shalt  }
0x4c: {  	_ =	shalt  }
0x4d: {  	_ =	shalt  }
0x4e: {  	_ =	shalt  }
0x4f: {  	_ =	shalt  }
0x50: {  	_ =	shalt  }
0x51: {  	_ =	shalt  }
0x52: {  	_ =	shalt  }
0x53: {  	_ =	shalt  }
0x54: {  	_ =	shalt  }
0x55: {  	_ =	shalt  }
0x56: {  	_ =	shalt  }
0x57: {  	_ =	shalt  }
0x58: {  	_ =	shalt  }
0x59: {  	_ =	shalt  }
0x5a: {  	_ =	shalt  }
0x5b: {  	_ =	shalt  }
0x5c: {  	_ =	shalt  }
0x5d: {  	_ =	shalt  }
0x5e: {  	_ =	shalt  }
0x5f: {  	_ =	shalt  }
0x60: {  	_ =	shalt  }
0x61: {  	_ =	shalt  }
0x62: {  	_ =	shalt  }
0x63: {  	_ =	shalt  }
0x64: {  	_ =	shalt  }
0x65: {  	_ =	shalt  }
0x66: {  	_ =	shalt  }
0x67: {  	_ =	shalt  }
0x68: {  	_ =	shalt  }
0x69: {  	_ =	shalt  }
0x6a: {  	_ =	shalt  }
0x6b: {  	_ =	shalt  }
0x6c: {  	_ =	shalt  }
0x6d: {  	_ =	shalt  }
0x6e: {  	_ =	shalt  }
0x6f: {  	_ =	shalt  }
0x70: {  	_ =	shalt  }
0x71: {  	_ =	shalt  }
0x72: {  	_ =	shalt  }
0x73: {  	_ =	shalt  }
0x74: {  	_ =	shalt  }
0x75: {  	_ =	shalt  }
0x76: {  	_ =	shalt  }
0x77: {  	_ =	shalt  }
0x78: {  	_ =	shalt  }
0x79: {  	_ =	shalt  }
0x7a: {  	_ =	shalt  }
0x7b: {  	_ =	shalt  }
0x7c: {  	_ =	shalt  }
0x7d: {  	_ =	shalt  }
0x7e: {  	_ =	shalt  }
0x7f: {  	_ =	shalt  }
0x80: {  	_ =	shalt  }
0x81: {  	_ =	shalt  }
0x82: {  	_ =	shalt  }
0x83: {  	_ =	shalt  }
0x84: {  	_ =	shalt  }
0x85: {  	_ =	shalt  }
0x86: {  	_ =	shalt  }
0x87: {  	_ =	shalt  }
.Lfunc_end0:
.L_simem_size_0:
called_computation_lowered:
.L_overlay_start_0:
0x88: {  	s2 =	sld [smem:$0x3FD9]  }
0x89: {  	s3 =	sld [smem:$0x3FFE];
	_ =	sdelay $0x1  }
0x8a: {  	s1 =	srdreg.scid  }
0x8b: {  	s0 =	sand.u32 $0x1, s1  }
0x8c: {  	s16 =	sshll.u32 s0, $0xA;
	s2 =	sadd.s32 s3, s2  }
0x8d: {  	s2 =	sadd.s32 s2, s16  }
0x8e: {  	[smem:$0x3FBB] =	sst s2  }
0x8f: {  	_ = 	snop  }
0x90: {  	(tm) =	ssettm $0x1  }
0x91: {  	s17 =	sld [smem:$0x3FFB];
	_ =	sdelay $0x3  }
0x92: {  	_ =	strace s17  }
0x93: {  	s2 =	sld [smem:$0x3FFC];
	_ =	sdelay $0x3  }
0x94: {  	_ =	strace s2  }
0x95: {  	s2 =	sld [smem:$0x3FFD];
	_ =	sdelay $0x3  }
0x96: {  	_ =	strace s2  }
0x97: {  	_ =	strace $0x8FFFFFFF  }
0x98: {  	s18 =	sld [smem:$0x3FDB];
	_ =	sdelay $0x1  }
0x99: {  	s19 =	simm.s32 $_scs_section_size  }
0x9a: {  	s4 =	simm.s32 $_size__tile_overlayer_lowered;
	s5 =	simm.s32 $_tile_overlayer_lowered  }
0x9b: {  	s22 =	simm.s32 $0x1BFF;
	s21 =	sshll.u32 s5, $0x1;
	s2 =	sadd.s32 s19, s18  }
0x9c: {  	s6 =	simm.s32 $0x0;
	s20 =	sshll.u32 s4, $0x1;
	s4 =	sadd.s32 s21, s2  }
0x9d: {  	[timem:s6], [sflag:s22] =	dma.local [hbm:s4], s20  }
0x9e: {  	_ =	swait.ge [sflag:s22], s20  }
0x9f: {  	s3 =	ssub.s32 $0x0, s20;
	[sflag:s22] =	ssyncset.done $0x0  }
0xa0: {  	[sflag:s22] =	ssyncadd.s32 s3;
	_ =	sdelay $0x1  }
0xa1: {  	s23 =	simm.s32 $0x1B8B  }
0xa2: {  	_ =	swait.ge [sflag:s23], $0x1  }
0xa3: {  	[sflag:s23] =	ssyncset.done $0x0  }
0xa4: {  	s25 =	simm.s32 $0x1B8E;
	s24 =	sld [smem:$0x3FFE];
	[sflag:s23] =	ssyncadd.s32 $0xFFFFFFFF  }
0xa5: {  	s26 =	simm.s32 $execute0_lowered;
	[smem:$0x3FD2] =	sst s25  }
0xa6: {  	s4 =	sshll.u32 s26, $0x1;
	_ =	strace $0x80000046;
	[dreg:$0x1] =	wrdreg $0xFFFFFFFF  }
0xa7: {  	s28 =	simm.s32 $_size_execute0_lowered;
	s2 =	sadd.s32 s2, s4;
	[dreg:$0x0] =	wrdreg $0x0  }
0xa8: {  	s4 =	sshll.u32 s28, $0x1;
	[dreg:$0x2] =	wrdreg s2  }
0xa9: {  	[dreg:$0x3] =	wrdreg s4  }
0xaa: {  	[dreg:$0x4] =	wrdreg $0xC0  }
0xab: {  	_ =	task [dreg:s6], $0x5FFFF  }
0xac: {  	[dreg:$0x1] =	wrdreg $0xFFFFFFFF  }
0xad: {  	[dreg:$0x0] =	wrdreg $0x60  }
0xae: {  	[dreg:$0x2] =	wrdreg s24  }
0xaf: {  	[dreg:$0x3] =	wrdreg $0x8B000  }
0xb0: {  	[dreg:$0x4] =	wrdreg $0x12B000  }
0xb1: {  	[dreg:$0x5] =	wrdreg $0x9  }
0xb2: {  	_ =	task.clear_ibuf [dreg:s6], $0x6FFFF;
	_ =	strace $0x90000046  }
0xb3: {  	s29 =	simm.s32 $0x9;
	_ =	strace $0x80000048  }
0xb4: {  	_ =	swait.ge [sflag:s29], $0x1  }
0xb5: {  	[sflag:s29] =	ssyncadd.s32 $0xFFFFFFFF  }
0xb6: {  	_ =	strace $0x90000048  }
0xb7: {  	_ =	sfence  }
0xb8: {  	s30 =	sld [smem:$0x0];
	_ =	sdelay $0x2  }
0xb9: {  	s31 =	sshll.u32 s1, $0xD;
	s1 =	sshrl.u32 s1, $0x2  }
0xba: {  	s3 =	sand.u32 $0x4000, s31;
	s1 =	sadd.s32 s1, s30  }
0xbb: {  	s0 =	sor.u32 s3, s0;
	s1 =	sshll.u32 s1, $0x11  }
0xbc: {  	s0 =	sor.u32 s1, s0  }
0xbd: {  	s0 =	sadd.s32 $0x8F2B, s0  }
0xbe: {  	[sflag:s0] =	ssyncadd.remote.s32 $0x1  }
0xbf: {  	_ =	sfence.sel $0xFFFF  }
0xc0: {  	[dreg:$0x0] =	wrdreg $0xFFFFFFFF;
	(pc) =	sbr.abs _section_cstart, $3  }
0xc1: {  	[dreg:$0x1] =	wrdreg $0xFFFFFFFF  }
0xc2: {  	_ =	task.clear_ibuf [dreg:s6], $0x2FFFF;
	_ =	strace $0x9FFFFFFF  }
0xc3: {  	(tm) =	ssettm $0x7FFFFFFF  }
tec
execute0_lowered:
.L_overlay_start_1:
0x0: {  	(tag) =	ssettag $0x1  }
0x1: {  	s0 =	rddreg [dreg:$0x0]  }
0x2: {  	s2 =	rddreg [dreg:$0x1]  }
0x3: {  	s3 =	rddreg [dreg:$0x2];
	s1 =	simm.s32 $0x0;
	s9 =	stileid.u32  }
0x4: {  	s4 =	srdreg.scid;
	s28 =	simm.s32 $0x80;
	s29 =	simm.s32 $0x3  }
0x5: {  	s31 =	simm.s32 $0x4800;
	s11 =	simm.s32 $0x2;
	s13 =	simm.s32 $0x8  }
0x6: {  	s14 =	simm.s32 $0xC;
	s30 =	simm.s32 $0xA;
	[smem:$0x7FF] =	sst s1  }
0x7: {  	s15 =	smul.u32 $0x1400, s9;
	s5 =	sadd.s32 $0x2E00, s0;
	s6 =	sadd.s32 $0x53A00, s0  }
0x8: {  	s4 =	sand.u32 $0x1, s4;
	s16 =	smul.u32 $0x14000, s9;
	s7 =	sadd.s32 $0x3FA00, s0  }
0x9: {  	s8 =	smul.u32 $0x28000, s9;
	_ =	strace $0x80000047;
	[dreg:$0x6] =	wrdreg s6  }
0xa: {  	s10 =	sadd.s32 $0x3EE00, s0;
	s9 =	smul.u32 $0x280, s9;
	[dreg:$0x7] =	wrdreg s7  }
0xb: {  	s17 =	ssub.s32 $0x2, s4;
	[dreg:$0x8] =	wrdreg s10;
	p0 =	sne.s32 s4, $0x0  }
0xc: {  	s4 =	simm.s32 $0xB;
	s1 =	sadd.s32 s15, s0;
	s0 =	sadd.s32 $0x3F400, s0  }
0xd: {  	s10 =	simm.s32 $0x9;
	s6 =	sshrl.u32 s16, $0x4;
	[dreg:$0x9] =	wrdreg s0  }
0xe: {  	s18 =	sshrl.u32 s17, $0x1;
	s24 =	sshrl.u32 s9, $0x3;
	[dreg:$0x11] =	wrdreg s6  }
0xf: {  	s19 =	sshrl.u32 s16, $0x1;
	s23 =	sadd.s32 $0x16E80, s1;
	[dreg:$0x12] =	wrdreg s24  }
0x10: {  	s8 =	sshrl.u32 s8, $0x2;
	s25 =	sadd.s32 $0x2AE00, s1;
	[dreg:$0x10] =	wrdreg s23  }
0x11: {  	s26 =	sadd.s32 $0x16E00, s1;
	s1 =	sadd.s32 $0x2AE80, s1;
	[dreg:$0x5] =	wrdreg s25  }
0x12: {  	s15 =	simm.s32 $0xD;
	s0 =	ssub.s32 s17, s18;
	[dreg:$0x13] =	wrdreg s1  }
0x13: {  	s19 =	sadd.s32 s19, s2;
	s20 =	sadd.s32 s8, s2;
	[dreg:$0x4] =	wrdreg s26  }
0x14: {  	s17 =	sadd.s32 s9, s3;
	s24 =	simm.s32 $0xF;
	[dreg:$0xa] =	wrdreg s19  }
0x15: {  	s6 =	simm.s32 $0x8800;
	s8 =	sadd.s32 $0x2000, s20;
	[dreg:$0xf] =	wrdreg s17  }
0x16: {  	s9 =	simm.s32 $0x6800;
	s21 =	sadd.s32 $0x4000, s20;
	[dreg:$0xb] =	wrdreg s8  }
.Ltmp0:
0x17: {  	s22 =	sadd.s32 $0x6000, s20;
	[dreg:$0xc] =	wrdreg s21;
	(pc) =	sbr.rel .LBB2_1-.Ltmp0, $4  }
0x18: {  	s18 =	simm.s32 $0x0;
	s7 =	sadd.s32 $0x8000, s20;
	[dreg:$0xd] =	wrdreg s22  }
0x19: {  	s0 =	smax.u32 s0, $0x1;
	s25 =	simm.s32 $0x2800;
	[dreg:$0xe] =	wrdreg s7  }
0x1a: {  	s1 =	simm.s32 $0x7;
	[dreg:$0x14] =	wrdreg s0;
	s7 =	simm.s32 $0x5  }
0x1b: {  	v0 =	vimm.bf16 $0.0e+00;
	v1 =	vimm.f32 $0.0e+00;
	v2 =	vimm.f32 $1.000000000e+00;
	s21 =	simm.s32 $0x6;
	s22 =	simm.s32 $0x4;
	s8 =	simm.s32 $0xE  }
.LBB2_9:
0x1c: {  	[spmem:s3] =	stream.indirect.scatter.add.f32 [tilespmem:s6], [sflag:$0xE], $0x1, s0, s28, $0xb8;
	[tilespmem:$0x12D80] =	vst v63  }
0x1d: {  	s16 =	rddreg [dreg:$0x7]  }
0x1e: {  	s0 =	rddreg [dreg:$0x9]  }
0x1f: {  	s18 =	rddreg [dreg:$0x15]  }
.LBB2_10:
0x20: {  	_ =	swait.ge [sflag:s1], $0x2000  }
0x21: {  	[sflag:s1] =	ssyncset.done $0x0  }
0x22: {  	[sflag:s1] =	ssyncadd.s32 $0xFFFFE000  }
0x23: {  	_ =	swait.ge [sflag:s4], $0x80  }
0x24: {  	[sflag:s4] =	ssyncset.done $0x0  }
0x25: {  	[sflag:s4] =	ssyncadd.s32 $0xFFFFFF80  }
0x26: {  	_ =	swait.ge [sflag:s13], $0x2000  }
0x27: {  	[sflag:s13] =	ssyncset.done $0x0  }
0x28: {  	[sflag:s13] =	ssyncadd.s32 $0xFFFFE000  }
0x29: {  	_ =	swait.ge [sflag:s14], $0x80  }
0x2a: {  	[sflag:s14] =	ssyncset.done $0x0  }
0x2b: {  	[sflag:s14] =	ssyncadd.s32 $0xFFFFFF80  }
0x2c: {  	_ =	swait.ge [sflag:s10], $0x2000  }
0x2d: {  	[sflag:s10] =	ssyncset.done $0x0  }
0x2e: {  	[sflag:s10] =	ssyncadd.s32 $0xFFFFE000  }
0x2f: {  	_ =	swait.ge [sflag:s15], $0x80  }
0x30: {  	[sflag:s15] =	ssyncset.done $0x0  }
0x31: {  	[sflag:s15] =	ssyncadd.s32 $0xFFFFFF80  }
0x32: {  	_ =	swait.ge [sflag:s30], $0x2000  }
0x33: {  	[sflag:s30] =	ssyncset.done $0x0  }
0x34: {  	[sflag:s30] =	ssyncadd.s32 $0xFFFFE000  }
0x35: {  	_ =	swait.ge [sflag:s8], $0x80  }
0x36: {  	[sflag:s8] =	ssyncset.done $0x0  }
0x37: {  	[sflag:s8] =	ssyncadd.s32 $0xFFFFFF80  }
0x38: {  	s24 =	stileid.u32;
	s12 =	rddreg [dreg:$0x11];
	[bflag:$0x0] =	sbarrier.arrive $0xFFFF  }
0x39: {  	s12 =	sadd.s32 s16, s12;
	s16 =	sshll.u32 s24, $0x6;
	s19 =	rddreg [dreg:$0xa]  }
0x3a: {  	s24 =	simm.s32 $0xF;
	s16 =	sor.u32 $0x1C0F, s16;
	s17 =	sshrl.u32 s19, $0x3  }
0x3b: {  	[hbm:s12], [sflag:s16] =	dma.local [spmem:s17], $0x1400  }
0x3c: {  	_ =	swait.ge [sflag:s24], $0x1400  }
0x3d: {  	s17 =	rddreg [dreg:$0x12]  }
0x3e: {  	[sflag:s24] =	ssyncset.done $0x0;
	s0 =	sadd.s32 s0, s17;
	s17 =	rddreg [dreg:$0xf]  }
0x3f: {  	[sflag:s24] =	ssyncadd.s32 $0xFFFFEC00;
	s20 =	sshrl.u32 s17, $0x3  }
0x40: {  	[hbm:s0], [sflag:s16] =	dma.local [spmem:s20], $0x50  }
0x41: {  	_ =	swait.ge [sflag:s24], $0x50  }
0x42: {  	s18 =	sadd.s32 $0x1, s18;
	s23 =	rddreg [dreg:$0x14]  }
0x43: {  	p1 =	sne.s32 s18, s23  }
.Ltmp1:
0x44: {  	_ = 	snop;
	(pc) =	sbr.rel @!p1 .LBB2_11-.Ltmp1, $3  }
0x45: {  	_ =	sdelay $0x1  }
0x46: {  	[sflag:s24] =	ssyncset.done $0x0  }
0x47: {  	[sflag:s24] =	ssyncadd.s32 $0xFFFFFFB0  }
.LBB2_1:
0x48: {  	s12 =	simm.s32 $0x0  }
0x49: {  	s0 =	sand.u32 $0x7F00, s12;
	s16 =	sand.u32 $0x60, s12  }
0x4a: {  	s0 =	sshrl.u32 s0, $0x2;
	s16 =	sshrl.u32 s16, $0x1  }
0x4b: {  	s16 =	sor.u32 s16, s0  }
0x4c: {  	[dreg:$0x15] =	wrdreg s18;
	s0 =	simm.s32 $0x40;
	[tilespmem:s16+$0x800] =	vst v0;
	s16 =	simm.s32 $0x0  }
.LBB2_2:
0x4d: {  	p1 =	sne.s32 s0, $0x7FC0  }
.Ltmp2:
0x4e: {  	s20 =	sand.u32 $0x7F00, s0;
	s16 =	sadd.s32 $0x20, s16;
	(pc) =	sbr.rel @p1 .LBB2_2-.Ltmp2, $4  }
0x4f: {  	s0 =	sadd.s32 $0x40, s0;
	s23 =	sand.u32 $0x60, s16  }
0x50: {  	s20 =	sshrl.u32 s20, $0x2;
	s23 =	sshrl.u32 s23, $0x1  }
0x51: {  	s20 =	sor.u32 s23, s20  }
0x52: {  	[tilespmem:s20+$0x800] =	vst v0  }
0x53: {  	[tilespmem:$0x8880] =	vst v1  }
0x54: {  	[tilespmem:$0x8890] =	vst v1  }
0x55: {  	[tilespmem:$0x88A0] =	vst v1  }
0x56: {  	[tilespmem:$0x88B0] =	vst v1  }
0x57: {  	[tilespmem:$0x88C0] =	vst v1  }
0x58: {  	[tilespmem:$0x88D0] =	vst v1  }
0x59: {  	[tilespmem:$0x88E0] =	vst v1  }
0x5a: {  	[tilespmem:$0x88F0] =	vst v1  }
0x5b: {  	[tilespmem:$0x8900] =	vst v1  }
0x5c: {  	[tilespmem:$0x8910] =	vst v1  }
0x5d: {  	[tilespmem:$0x8920] =	vst v1  }
0x5e: {  	[tilespmem:$0x8930] =	vst v1  }
0x5f: {  	[tilespmem:$0x8940] =	vst v1  }
0x60: {  	[tilespmem:$0x8950] =	vst v1  }
0x61: {  	[tilespmem:$0x8960] =	vst v1  }
0x62: {  	[tilespmem:$0x8970] =	vst v1  }
0x63: {  	[tilespmem:$0x8980] =	vst v1  }
0x64: {  	[tilespmem:$0x8990] =	vst v1  }
0x65: {  	[tilespmem:$0x89A0] =	vst v1  }
0x66: {  	[tilespmem:$0x89B0] =	vst v1  }
0x67: {  	[tilespmem:$0x89C0] =	vst v1  }
0x68: {  	[tilespmem:$0x89D0] =	vst v1  }
0x69: {  	[tilespmem:$0x89E0] =	vst v1  }
0x6a: {  	[tilespmem:$0x89F0] =	vst v1  }
0x6b: {  	[tilespmem:$0x8A00] =	vst v1  }
0x6c: {  	[tilespmem:$0x8A10] =	vst v1  }
0x6d: {  	[tilespmem:$0x8A20] =	vst v1  }
0x6e: {  	[tilespmem:$0x8A30] =	vst v1  }
0x6f: {  	[tilespmem:$0x8A40] =	vst v1  }
0x70: {  	[tilespmem:$0x8A50] =	vst v1  }
0x71: {  	[tilespmem:$0x8A60] =	vst v1  }
0x72: {  	[tilespmem:$0x8A70] =	vst v1  }
0x73: {  	[tilespmem:$0x8A80] =	vst v1  }
0x74: {  	[tilespmem:$0x8A90] =	vst v1  }
0x75: {  	[tilespmem:$0x8AA0] =	vst v1  }
0x76: {  	[tilespmem:$0x8AB0] =	vst v1  }
0x77: {  	[tilespmem:$0x8AC0] =	vst v1  }
0x78: {  	[tilespmem:$0x8AD0] =	vst v1  }
0x79: {  	[tilespmem:$0x8AE0] =	vst v1  }
0x7a: {  	[tilespmem:$0x8AF0] =	vst v1  }
0x7b: {  	[tilespmem:$0x8800] =	vst v2  }
0x7c: {  	[tilespmem:$0x8810] =	vst v2  }
0x7d: {  	[tilespmem:$0x8820] =	vst v2  }
0x7e: {  	[tilespmem:$0x8830] =	vst v2  }
0x7f: {  	[tilespmem:$0x8840] =	vst v2  }
0x80: {  	[tilespmem:$0x8850] =	vst v2  }
0x81: {  	[tilespmem:$0x8860] =	vst v2  }
0x82: {  	[tilespmem:$0x8870] =	vst v2;
	s0 =	simm.s32 $0x800  }
0x83: {  	[spmem:s19] =	stream.linear.scatter [tilespmem:s0], [sflag:$0xF], $0x2000, $0x38;
	[tilespmem:$0x12D80] =	vst v63  }
0x84: {  	_ =	swait.ge [sflag:s24], $0x2000  }
0x85: {  	[sflag:s24] =	ssyncset.done $0x0  }
0x86: {  	s19 =	simm.s32 $0x800;
	s12 =	rddreg [dreg:$0xb];
	[sflag:s24] =	ssyncadd.s32 $0xFFFFE000  }
0x87: {  	[spmem:s12] =	stream.linear.scatter [tilespmem:s19], [sflag:$0xF], $0x2000, $0x38;
	[tilespmem:$0x12D80] =	vst v63  }
0x88: {  	_ =	swait.ge [sflag:s24], $0x2000  }
0x89: {  	[sflag:s24] =	ssyncset.done $0x0  }
0x8a: {  	s16 =	rddreg [dreg:$0xc];
	[sflag:s24] =	ssyncadd.s32 $0xFFFFE000  }
0x8b: {  	[spmem:s16] =	stream.linear.scatter [tilespmem:s19], [sflag:$0xF], $0x2000, $0x38;
	[tilespmem:$0x12D80] =	vst v63  }
0x8c: {  	_ =	swait.ge [sflag:s24], $0x2000  }
0x8d: {  	[sflag:s24] =	ssyncset.done $0x0  }
0x8e: {  	s18 =	rddreg [dreg:$0xd];
	[sflag:s24] =	ssyncadd.s32 $0xFFFFE000  }
0x8f: {  	[spmem:s18] =	stream.linear.scatter [tilespmem:s19], [sflag:$0xF], $0x2000, $0x38;
	[tilespmem:$0x12D80] =	vst v63  }
0x90: {  	_ =	swait.ge [sflag:s24], $0x2000  }
0x91: {  	[sflag:s24] =	ssyncset.done $0x0  }
0x92: {  	s20 =	rddreg [dreg:$0xe];
	[sflag:s24] =	ssyncadd.s32 $0xFFFFE000  }
0x93: {  	[spmem:s20] =	stream.linear.scatter [tilespmem:s19], [sflag:$0xF], $0x2000, $0x38;
	[tilespmem:$0x12D80] =	vst v63  }
0x94: {  	_ =	swait.ge [sflag:s24], $0x2000  }
0x95: {  	[sflag:s24] =	ssyncset.done $0x0  }
0x96: {  	s23 =	simm.s32 $0x8880;
	[sflag:s24] =	ssyncadd.s32 $0xFFFFE000  }
0x97: {  	[spmem:s17] =	stream.linear.scatter [tilespmem:s23], [sflag:$0xF], $0x280, $0x38;
	[tilespmem:$0x12D80] =	vst v63  }
.Ltmp3:
0x98: {  	_ =	swait.ge [sflag:s24], $0x280;
	(pc) =	sbr.rel @p0 .LBB2_7-.Ltmp3, $4  }
0x99: {  	[sflag:s24] =	ssyncset.done $0x0  }
0x9a: {  	[sflag:s24] =	ssyncadd.s32 $0xFFFFFD80  }
0x9b: {  	[bflag:$0x0] =	sbarrier.arrive $0xFFFF  }
0x9c: {  	s0 =	simm.s32 $0x0  }
0x9d: {  	s26 =	rddreg [dreg:$0x5]  }
0x9e: {  	[tilespmem:s0], [sflag:$0xF] =	stream.linear.gather [hbm4b:s26+s0], $0x400, $0x38;
	[tilespmem:$0x12D80] =	vst v63  }
0x9f: {  	_ =	swait.ge [sflag:s24], $0x400  }
0xa0: {  	[sflag:s24] =	ssyncset.done $0x0  }
0xa1: {  	s17 =	simm.s32 $0x400;
	s12 =	rddreg [dreg:$0x13];
	[sflag:s24] =	ssyncadd.s32 $0xFFFFFC00  }
0xa2: {  	[tilespmem:s17], [sflag:$0x2] =	stream.linear.gather [hbm4b:s12+s0], $0x400, $0x38;
	[tilespmem:$0x12D80] =	vst v63  }
0xa3: {  	_ = 	snop  }
0xa4: {  	[tilespmem:s19], [sflag:$0x3] =	stream.indirect.gather [hbm4b:s5+s28], $0x40, s0, s28, $0xb8;
	[tilespmem:$0x12D80] =	vst v63  }
0xa5: {  	p1 =	por $0x1, $0x1;
	_ =	swait.ge [sflag:s29], $0x2000  }
0xa6: {  	s16 =	simm.s32 @p1 $0x100;
	[sflag:s29] =	ssyncset.done $0x0  }
0xa7: {  	s20 =	simm.s32 @p1 $0x2800;
	s0 =	simm.s32 @p1 $0x80;
	[sflag:s29] =	ssyncadd.s32 $0xFFFFE000  }
0xa8: {  	[tilespmem:s20], [sflag:$0x4] =	stream.indirect.gather @p1 [hbm4b:s5+s0], $0x40, s16, s0, $0xb8;
	[tilespmem:$0x12D80] =	vst v63  }
0xa9: {  	s16 =	simm.s32 @p1 $0x800  }
0xaa: {  	[spmem:s2] =	stream.indirect.scatter.add.bf16 @p1 [tilespmem:s16], [sflag:$0x7], $0x40, s0, s0, $0xb8;
	[tilespmem:$0x12D80] =	vst v63  }
0xab: {  	s20 =	simm.s32 @p1 $0x4;
	s16 =	simm.s32 @p1 $0x8800  }
0xac: {  	[spmem:s3] =	stream.indirect.scatter.add.f32 @p1 [tilespmem:s16], [sflag:$0xB], $0x1, s0, s0, $0xb8;
	[tilespmem:$0x12D80] =	vst v63  }
0xad: {  	_ =	swait.ge @p1 [sflag:s20], $0x2000  }
0xae: {  	[sflag:s20] =	ssyncset.done @p1 $0x0  }
0xaf: {  	s0 =	simm.s32 @!p1 $0x8;
	[sflag:s20] =	ssyncadd.s32 @p1 $0xFFFFE000  }
0xb0: {  	_ =	swait.ge @!p1 [sflag:s0], $0x2000  }
0xb1: {  	[sflag:s0] =	ssyncset.done @!p1 $0x0  }
0xb2: {  	s16 =	simm.s32 @!p1 $0xC;
	[sflag:s0] =	ssyncadd.s32 @!p1 $0xFFFFE000  }
0xb3: {  	_ =	swait.ge @!p1 [sflag:s16], $0x80  }
0xb4: {  	s20 =	simm.s32 @!p1 $0x80;
	[sflag:s16] =	ssyncset.done @!p1 $0x0  }
0xb5: {  	s0 =	simm.s32 @!p1 $0x2800;
	[sflag:s16] =	ssyncadd.s32 @!p1 $0xFFFFFF80;
	s16 =	simm.s32 @!p1 $0x100  }
0xb6: {  	[tilespmem:s0], [sflag:$0x4] =	stream.indirect.gather @!p1 [hbm4b:s5+s20], $0x40, s16, s20, $0xb8;
	[tilespmem:$0x12D80] =	vst v63  }
0xb7: {  	s0 =	simm.s32 @!p1 $0x800  }
0xb8: {  	[spmem:s2] =	stream.indirect.scatter.add.bf16 @!p1 [tilespmem:s0], [sflag:$0x7], $0x40, s20, s20, $0xb8;
	[tilespmem:$0x12D80] =	vst v63  }
0xb9: {  	s16 =	simm.s32 @!p1 $0x4;
	s0 =	simm.s32 @!p1 $0x8800  }
0xba: {  	[spmem:s3] =	stream.indirect.scatter.add.f32 @!p1 [tilespmem:s0], [sflag:$0xB], $0x1, s20, s20, $0xb8;
	[tilespmem:$0x12D80] =	vst v63  }
0xbb: {  	_ =	swait.ge @!p1 [sflag:s16], $0x2000  }
0xbc: {  	[sflag:s16] =	ssyncset.done @!p1 $0x0  }
0xbd: {  	s0 =	simm.s32 @!p1 $0x9;
	[sflag:s16] =	ssyncadd.s32 @!p1 $0xFFFFE000  }
0xbe: {  	_ =	swait.ge @!p1 [sflag:s0], $0x2000  }
0xbf: {  	[sflag:s0] =	ssyncset.done @!p1 $0x0  }
0xc0: {  	s16 =	simm.s32 @!p1 $0xD;
	[sflag:s0] =	ssyncadd.s32 @!p1 $0xFFFFE000  }
0xc1: {  	_ =	swait.ge @!p1 [sflag:s16], $0x80  }
0xc2: {  	[sflag:s16] =	ssyncset.done @!p1 $0x0  }
0xc3: {  	s20 =	simm.s32 $0x200;
	[sflag:s16] =	ssyncadd.s32 @!p1 $0xFFFFFF80  }
0xc4: {  	[tilespmem:s31], [sflag:$0x5] =	stream.indirect.gather [hbm4b:s5+s28], $0x40, s20, s28, $0xb8;
	[tilespmem:$0x12D80] =	vst v63  }
0xc5: {  	s23 =	simm.s32 $0x180  }
0xc6: {  	[spmem:s2] =	stream.indirect.scatter.add.bf16 [tilespmem:s25], [sflag:$0x8], $0x40, s23, s28, $0xb8;
	[tilespmem:$0x12D80] =	vst v63  }
0xc7: {  	_ = 	snop  }
0xc8: {  	[spmem:s3] =	stream.indirect.scatter.add.f32 [tilespmem:s6], [sflag:$0xC], $0x1, s23, s28, $0xb8;
	[tilespmem:$0x12D80] =	vst v63  }
0xc9: {  	_ =	swait.ge [sflag:s7], $0x2000  }
0xca: {  	[sflag:s7] =	ssyncset.done $0x0  }
0xcb: {  	s0 =	simm.s32 @!p1 $0xA;
	[sflag:s7] =	ssyncadd.s32 $0xFFFFE000  }
0xcc: {  	_ =	swait.ge @!p1 [sflag:s0], $0x2000  }
0xcd: {  	[sflag:s0] =	ssyncset.done @!p1 $0x0  }
0xce: {  	s16 =	simm.s32 @!p1 $0xE;
	[sflag:s0] =	ssyncadd.s32 @!p1 $0xFFFFE000  }
0xcf: {  	_ =	swait.ge @!p1 [sflag:s16], $0x80  }
0xd0: {  	s20 =	simm.s32 @!p1 $0x0;
	s0 =	sadd.s32 @!p1 $0x0, s26;
	[sflag:s16] =	ssyncset.done @!p1 $0x0  }
0xd1: {  	s0 =	sadd.s32 @!p1 $0x80, s0;
	[sflag:s16] =	ssyncadd.s32 @!p1 $0xFFFFFF80;
	s16 =	simm.s32 @!p1 $0x400  }
0xd2: {  	[tilespmem:s16], [sflag:$0x2] =	stream.linear.gather @!p1 [hbm4b:s0+s20], $0x400, $0x38;
	[tilespmem:$0x12D80] =	vst v63  }
0xd3: {  	s24 =	simm.s32 $0x300  }
0xd4: {  	[tilespmem:s9], [sflag:$0x6] =	stream.indirect.gather [hbm4b:s5+s28], $0x40, s24, s28, $0xb8;
	[tilespmem:$0x12D80] =	vst v63  }
0xd5: {  	s12 =	simm.s32 $0x280  }
0xd6: {  	[spmem:s2] =	stream.indirect.scatter.add.bf16 [tilespmem:s31], [sflag:$0x9], $0x40, s12, s28, $0xb8;
	[tilespmem:$0x12D80] =	vst v63  }
0xd7: {  	_ = 	snop  }
0xd8: {  	[spmem:s3] =	stream.indirect.scatter.add.f32 [tilespmem:s6], [sflag:$0xD], $0x1, s12, s28, $0xb8;
	[tilespmem:$0x12D80] =	vst v63  }
0xd9: {  	_ =	swait.ge [sflag:s21], $0x2000  }
0xda: {  	[sflag:s21] =	ssyncset.done $0x0  }
0xdb: {  	[sflag:s21] =	ssyncadd.s32 $0xFFFFE000  }
0xdc: {  	_ =	swait.ge [sflag:s1], $0x2000  }
0xdd: {  	[sflag:s1] =	ssyncset.done $0x0  }
0xde: {  	[sflag:s1] =	ssyncadd.s32 $0xFFFFE000  }
0xdf: {  	_ =	swait.ge [sflag:s4], $0x80  }
0xe0: {  	[sflag:s4] =	ssyncset.done $0x0  }
0xe1: {  	[sflag:s4] =	ssyncadd.s32 $0xFFFFFF80  }
0xe2: {  	_ =	swait.ge [sflag:s11], $0x400  }
0xe3: {  	[sflag:s11] =	ssyncset.done $0x0  }
0xe4: {  	[sflag:s11] =	ssyncadd.s32 $0xFFFFFC00  }
0xe5: {  	[tilespmem:s19], [sflag:$0x3] =	stream.indirect.gather [hbm4b:s5+s28], $0x40, s17, s28, $0xb8;
	[tilespmem:$0x12D80] =	vst v63  }
0xe6: {  	s16 =	simm.s32 $0x380  }
0xe7: {  	[spmem:s2] =	stream.indirect.scatter.add.bf16 [tilespmem:s9], [sflag:$0xA], $0x40, s16, s28, $0xb8;
	[tilespmem:$0x12D80] =	vst v63  }
0xe8: {  	_ = 	snop  }
0xe9: {  	[spmem:s3] =	stream.indirect.scatter.add.f32 [tilespmem:s6], [sflag:$0xE], $0x1, s16, s28, $0xb8;
	[tilespmem:$0x12D80] =	vst v63  }
0xea: {  	_ =	swait.ge [sflag:s29], $0x2000  }
0xeb: {  	[sflag:s29] =	ssyncset.done $0x0  }
0xec: {  	[sflag:s29] =	ssyncadd.s32 $0xFFFFE000  }
0xed: {  	_ =	swait.ge [sflag:s13], $0x2000  }
0xee: {  	[sflag:s13] =	ssyncset.done $0x0  }
0xef: {  	[sflag:s13] =	ssyncadd.s32 $0xFFFFE000  }
0xf0: {  	_ =	swait.ge [sflag:s14], $0x80  }
0xf1: {  	[sflag:s14] =	ssyncset.done $0x0  }
0xf2: {  	s17 =	simm.s32 $0x500;
	[sflag:s14] =	ssyncadd.s32 $0xFFFFFF80  }
0xf3: {  	[tilespmem:s25], [sflag:$0x4] =	stream.indirect.gather [hbm4b:s5+s28], $0x40, s17, s28, $0xb8;
	[tilespmem:$0x12D80] =	vst v63  }
0xf4: {  	s18 =	simm.s32 $0x480  }
0xf5: {  	[spmem:s2] =	stream.indirect.scatter.add.bf16 [tilespmem:s19], [sflag:$0x7], $0x40, s18, s28, $0xb8;
	[tilespmem:$0x12D80] =	vst v63  }
0xf6: {  	_ = 	snop  }
0xf7: {  	[spmem:s3] =	stream.indirect.scatter.add.f32 [tilespmem:s6], [sflag:$0xB], $0x1, s18, s28, $0xb8;
	[tilespmem:$0x12D80] =	vst v63  }
0xf8: {  	_ =	swait.ge [sflag:s22], $0x2000  }
0xf9: {  	[sflag:s22] =	ssyncset.done $0x0  }
0xfa: {  	[sflag:s22] =	ssyncadd.s32 $0xFFFFE000  }
0xfb: {  	_ =	swait.ge [sflag:s10], $0x2000  }
0xfc: {  	[sflag:s10] =	ssyncset.done $0x0  }
0xfd: {  	[sflag:s10] =	ssyncadd.s32 $0xFFFFE000  }
0xfe: {  	_ =	swait.ge [sflag:s15], $0x80  }
0xff: {  	[sflag:s15] =	ssyncset.done $0x0  }
0x100: {  	s20 =	simm.s32 $0x600;
	[sflag:s15] =	ssyncadd.s32 $0xFFFFFF80  }
0x101: {  	[tilespmem:s31], [sflag:$0x5] =	stream.indirect.gather [hbm4b:s5+s28], $0x40, s20, s28, $0xb8;
	[tilespmem:$0x12D80] =	vst v63  }
0x102: {  	s18 =	simm.s32 $0x580  }
0x103: {  	[spmem:s2] =	stream.indirect.scatter.add.bf16 [tilespmem:s25], [sflag:$0x8], $0x40, s18, s28, $0xb8;
	[tilespmem:$0x12D80] =	vst v63  }
0x104: {  	_ = 	snop  }
0x105: {  	[spmem:s3] =	stream.indirect.scatter.add.f32 [tilespmem:s6], [sflag:$0xC], $0x1, s18, s28, $0xb8;
	[tilespmem:$0x12D80] =	vst v63  }
0x106: {  	_ =	swait.ge [sflag:s7], $0x2000  }
0x107: {  	[sflag:s7] =	ssyncset.done $0x0  }
0x108: {  	[sflag:s7] =	ssyncadd.s32 $0xFFFFE000  }
0x109: {  	_ =	swait.ge [sflag:s30], $0x2000  }
0x10a: {  	[sflag:s30] =	ssyncset.done $0x0  }
0x10b: {  	[sflag:s30] =	ssyncadd.s32 $0xFFFFE000  }
0x10c: {  	p1 =	por $0x0, $0x0;
	_ =	swait.ge [sflag:s8], $0x80  }
0x10d: {  	s0 =	sadd.s32 @!p1 $0x0, s26;
	[sflag:s8] =	ssyncset.done $0x0  }
0x10e: {  	s0 =	sadd.s32 @!p1 $0x100, s0;
	s16 =	simm.s32 @!p1 $0x0;
	[sflag:s8] =	ssyncadd.s32 $0xFFFFFF80  }
0x10f: {  	[tilespmem:s16], [sflag:$0x1] =	stream.linear.gather @!p1 [hbm4b:s0+s16], $0x400, $0x38;
	[tilespmem:$0x12D80] =	vst v63  }
0x110: {  	s23 =	simm.s32 $0x700  }
0x111: {  	[tilespmem:s9], [sflag:$0x6] =	stream.indirect.gather [hbm4b:s5+s28], $0x40, s23, s28, $0xb8;
	[tilespmem:$0x12D80] =	vst v63  }
0x112: {  	s24 =	simm.s32 $0x680  }
0x113: {  	[spmem:s2] =	stream.indirect.scatter.add.bf16 [tilespmem:s31], [sflag:$0x9], $0x40, s24, s28, $0xb8;
	[tilespmem:$0x12D80] =	vst v63  }
0x114: {  	_ = 	snop  }
0x115: {  	[spmem:s3] =	stream.indirect.scatter.add.f32 [tilespmem:s6], [sflag:$0xD], $0x1, s24, s28, $0xb8;
	[tilespmem:$0x12D80] =	vst v63  }
0x116: {  	_ =	swait.ge [sflag:s21], $0x2000  }
0x117: {  	p1 =	por $0x0, $0x0;
	[sflag:s21] =	ssyncset.done $0x0  }
0x118: {  	s0 =	simm.s32 @!p1 $0x7;
	[sflag:s21] =	ssyncadd.s32 $0xFFFFE000  }
0x119: {  	_ =	swait.ge @!p1 [sflag:s0], $0x2000  }
0x11a: {  	[sflag:s0] =	ssyncset.done @!p1 $0x0  }
0x11b: {  	s16 =	simm.s32 @!p1 $0xB;
	[sflag:s0] =	ssyncadd.s32 @!p1 $0xFFFFE000  }
0x11c: {  	_ =	swait.ge @!p1 [sflag:s16], $0x80  }
0x11d: {  	[sflag:s16] =	ssyncset.done @!p1 $0x0  }
0x11e: {  	s0 =	simm.s32 @!p1 $0x1;
	[sflag:s16] =	ssyncadd.s32 @!p1 $0xFFFFFF80  }
0x11f: {  	_ =	swait.ge @!p1 [sflag:s0], $0x400  }
0x120: {  	s20 =	simm.s32 @!p1 $0x800;
	s24 =	simm.s32 $0x800;
	[sflag:s0] =	ssyncset.done @!p1 $0x0  }
0x121: {  	s16 =	simm.s32 @!p1 $0x0;
	[sflag:s0] =	ssyncadd.s32 @!p1 $0xFFFFFC00;
	s0 =	simm.s32 @!p1 $0x80  }
0x122: {  	[tilespmem:s20], [sflag:$0x3] =	stream.indirect.gather @!p1 [hbm4b:s5+s0], $0x40, s16, s0, $0xb8;
	[tilespmem:$0x12D80] =	vst v63  }
0x123: {  	s0 =	simm.s32 $0x780;
	s16 =	simm.s32 $0x1;
	s20 =	simm.s32 $0x100  }
0x124: {  	[spmem:s2] =	stream.indirect.scatter.add.bf16 [tilespmem:s9], [sflag:$0xA], $0x40, s0, s28, $0xb8;
	[tilespmem:$0x12D80] =	vst v63  }
.LBB2_5:
0x125: {  	s23 =	smov.u32 s20  }
0x126: {  	[spmem:s3] =	stream.indirect.scatter.add.f32 [tilespmem:s6], [sflag:$0xE], $0x1, s0, s28, $0xb8;
	[tilespmem:$0x12D80] =	vst v63  }
0x127: {  	_ =	swait.ge [sflag:s29], $0x2000;
	p2 =	seq.s32 s23, $0x0  }
0x128: {  	[sflag:s29] =	ssyncset.done $0x0;
	s17 =	simm.s32 @p2 $0x80  }
0x129: {  	s0 =	simm.s32 @p2 $0x100;
	s12 =	simm.s32 @p2 $0x2800;
	[sflag:s29] =	ssyncadd.s32 $0xFFFFE000  }
0x12a: {  	[tilespmem:s12], [sflag:$0x4] =	stream.indirect.gather @p2 [hbm4b:s5+s17], $0x40, s0, s17, $0xb8;
	[tilespmem:$0x12D80] =	vst v63  }
0x12b: {  	s19 =	simm.s32 @p2 $0x800  }
0x12c: {  	[spmem:s2] =	stream.indirect.scatter.add.bf16 @p2 [tilespmem:s19], [sflag:$0x7], $0x40, s17, s17, $0xb8;
	[tilespmem:$0x12D80] =	vst v63  }
0x12d: {  	s12 =	simm.s32 @p2 $0x8800;
	s19 =	simm.s32 @p2 $0x4  }
0x12e: {  	[spmem:s3] =	stream.indirect.scatter.add.f32 @p2 [tilespmem:s12], [sflag:$0xB], $0x1, s17, s17, $0xb8;
	[tilespmem:$0x12D80] =	vst v63  }
0x12f: {  	_ =	swait.ge @p2 [sflag:s19], $0x2000  }
0x130: {  	[sflag:s19] =	ssyncset.done @p2 $0x0  }
0x131: {  	s12 =	simm.s32 @!p2 $0x8;
	[sflag:s19] =	ssyncadd.s32 @p2 $0xFFFFE000  }
0x132: {  	_ =	swait.ge @!p2 [sflag:s12], $0x2000  }
0x133: {  	[sflag:s12] =	ssyncset.done @!p2 $0x0  }
0x134: {  	s17 =	simm.s32 @!p2 $0xC;
	[sflag:s12] =	ssyncadd.s32 @!p2 $0xFFFFE000  }
0x135: {  	_ =	swait.ge @!p2 [sflag:s17], $0x80  }
0x136: {  	s0 =	sadd.s32 @!p2 s23, s26;
	s26 =	simm.s32 @!p2 $0x100;
	[sflag:s17] =	ssyncset.done @!p2 $0x0  }
0x137: {  	s19 =	simm.s32 @!p2 $0x80;
	s12 =	simm.s32 @!p2 $0x2800;
	[sflag:s17] =	ssyncadd.s32 @!p2 $0xFFFFFF80  }
0x138: {  	[tilespmem:s12], [sflag:$0x4] =	stream.indirect.gather @!p2 [hbm4b:s5+s19], $0x40, s26, s19, $0xb8;
	[tilespmem:$0x12D80] =	vst v63  }
0x139: {  	s17 =	simm.s32 @!p2 $0x800  }
0x13a: {  	[spmem:s2] =	stream.indirect.scatter.add.bf16 @!p2 [tilespmem:s17], [sflag:$0x7], $0x40, s19, s19, $0xb8;
	[tilespmem:$0x12D80] =	vst v63  }
0x13b: {  	s12 =	simm.s32 @!p2 $0x8800;
	s17 =	simm.s32 @!p2 $0x4  }
0x13c: {  	[spmem:s3] =	stream.indirect.scatter.add.f32 @!p2 [tilespmem:s12], [sflag:$0xB], $0x1, s19, s19, $0xb8;
	[tilespmem:$0x12D80] =	vst v63  }
0x13d: {  	s26 =	rddreg [dreg:$0x5];
	_ =	swait.ge @!p2 [sflag:s17], $0x2000  }
0x13e: {  	[sflag:s17] =	ssyncset.done @!p2 $0x0  }
0x13f: {  	s12 =	simm.s32 @!p2 $0x9;
	[sflag:s17] =	ssyncadd.s32 @!p2 $0xFFFFE000  }
0x140: {  	_ =	swait.ge @!p2 [sflag:s12], $0x2000  }
0x141: {  	[sflag:s12] =	ssyncset.done @!p2 $0x0  }
0x142: {  	s17 =	simm.s32 @!p2 $0xD;
	[sflag:s12] =	ssyncadd.s32 @!p2 $0xFFFFE000  }
0x143: {  	_ =	swait.ge @!p2 [sflag:s17], $0x80  }
0x144: {  	[sflag:s17] =	ssyncset.done @!p2 $0x0  }
0x145: {  	s19 =	simm.s32 $0x200;
	[sflag:s17] =	ssyncadd.s32 @!p2 $0xFFFFFF80  }
0x146: {  	[tilespmem:s31], [sflag:$0x5] =	stream.indirect.gather [hbm4b:s5+s28], $0x40, s19, s28, $0xb8;
	[tilespmem:$0x12D80] =	vst v63  }
0x147: {  	s17 =	simm.s32 $0x180  }
0x148: {  	[spmem:s2] =	stream.indirect.scatter.add.bf16 [tilespmem:s25], [sflag:$0x8], $0x40, s17, s28, $0xb8;
	[tilespmem:$0x12D80] =	vst v63  }
0x149: {  	_ = 	snop  }
0x14a: {  	[spmem:s3] =	stream.indirect.scatter.add.f32 [tilespmem:s6], [sflag:$0xC], $0x1, s17, s28, $0xb8;
	[tilespmem:$0x12D80] =	vst v63  }
0x14b: {  	_ =	swait.ge [sflag:s7], $0x2000  }
0x14c: {  	[sflag:s7] =	ssyncset.done $0x0  }
0x14d: {  	s12 =	simm.s32 @!p2 $0xA;
	[sflag:s7] =	ssyncadd.s32 $0xFFFFE000  }
0x14e: {  	_ =	swait.ge @!p2 [sflag:s12], $0x2000  }
0x14f: {  	[sflag:s12] =	ssyncset.done @!p2 $0x0  }
0x150: {  	s17 =	simm.s32 @!p2 $0xE;
	[sflag:s12] =	ssyncadd.s32 @!p2 $0xFFFFE000  }
0x151: {  	_ =	swait.ge @!p2 [sflag:s17], $0x80  }
0x152: {  	s0 =	sadd.s32 @!p2 $0x80, s0;
	[sflag:s17] =	ssyncset.done @!p2 $0x0  }
0x153: {  	s19 =	simm.s32 @!p2 $0x400;
	s12 =	simm.s32 @!p2 $0x0;
	[sflag:s17] =	ssyncadd.s32 @!p2 $0xFFFFFF80  }
0x154: {  	[tilespmem:s19], [sflag:$0x2] =	stream.linear.gather @!p2 [hbm4b:s0+s12], $0x400, $0x38;
	[tilespmem:$0x12D80] =	vst v63  }
0x155: {  	s19 =	simm.s32 $0x300  }
0x156: {  	[tilespmem:s9], [sflag:$0x6] =	stream.indirect.gather [hbm4b:s5+s28], $0x40, s19, s28, $0xb8;
	[tilespmem:$0x12D80] =	vst v63  }
0x157: {  	s12 =	simm.s32 $0x280  }
0x158: {  	[spmem:s2] =	stream.indirect.scatter.add.bf16 [tilespmem:s31], [sflag:$0x9], $0x40, s12, s28, $0xb8;
	[tilespmem:$0x12D80] =	vst v63  }
0x159: {  	_ = 	snop  }
0x15a: {  	[spmem:s3] =	stream.indirect.scatter.add.f32 [tilespmem:s6], [sflag:$0xD], $0x1, s12, s28, $0xb8;
	[tilespmem:$0x12D80] =	vst v63  }
0x15b: {  	_ =	swait.ge [sflag:s21], $0x2000  }
0x15c: {  	[sflag:s21] =	ssyncset.done $0x0  }
0x15d: {  	[sflag:s21] =	ssyncadd.s32 $0xFFFFE000  }
0x15e: {  	_ =	swait.ge [sflag:s1], $0x2000  }
0x15f: {  	[sflag:s1] =	ssyncset.done $0x0  }
0x160: {  	[sflag:s1] =	ssyncadd.s32 $0xFFFFE000  }
0x161: {  	_ =	swait.ge [sflag:s4], $0x80  }
0x162: {  	[sflag:s4] =	ssyncset.done $0x0  }
0x163: {  	[sflag:s4] =	ssyncadd.s32 $0xFFFFFF80  }
0x164: {  	_ =	swait.ge [sflag:s11], $0x400  }
0x165: {  	[sflag:s11] =	ssyncset.done $0x0  }
0x166: {  	s17 =	simm.s32 $0x400;
	[sflag:s11] =	ssyncadd.s32 $0xFFFFFC00  }
0x167: {  	[tilespmem:s24], [sflag:$0x3] =	stream.indirect.gather [hbm4b:s5+s28], $0x40, s17, s28, $0xb8;
	[tilespmem:$0x12D80] =	vst v63  }
0x168: {  	s19 =	simm.s32 $0x380  }
0x169: {  	[spmem:s2] =	stream.indirect.scatter.add.bf16 [tilespmem:s9], [sflag:$0xA], $0x40, s19, s28, $0xb8;
	[tilespmem:$0x12D80] =	vst v63  }
0x16a: {  	_ = 	snop  }
0x16b: {  	[spmem:s3] =	stream.indirect.scatter.add.f32 [tilespmem:s6], [sflag:$0xE], $0x1, s19, s28, $0xb8;
	[tilespmem:$0x12D80] =	vst v63  }
0x16c: {  	_ =	swait.ge [sflag:s29], $0x2000  }
0x16d: {  	[sflag:s29] =	ssyncset.done $0x0  }
0x16e: {  	[sflag:s29] =	ssyncadd.s32 $0xFFFFE000  }
0x16f: {  	_ =	swait.ge [sflag:s13], $0x2000  }
0x170: {  	[sflag:s13] =	ssyncset.done $0x0  }
0x171: {  	[sflag:s13] =	ssyncadd.s32 $0xFFFFE000  }
0x172: {  	_ =	swait.ge [sflag:s14], $0x80  }
0x173: {  	[sflag:s14] =	ssyncset.done $0x0  }
0x174: {  	s12 =	simm.s32 $0x500;
	[sflag:s14] =	ssyncadd.s32 $0xFFFFFF80  }
0x175: {  	[tilespmem:s25], [sflag:$0x4] =	stream.indirect.gather [hbm4b:s5+s28], $0x40, s12, s28, $0xb8;
	[tilespmem:$0x12D80] =	vst v63  }
0x176: {  	s17 =	simm.s32 $0x480  }
0x177: {  	[spmem:s2] =	stream.indirect.scatter.add.bf16 [tilespmem:s24], [sflag:$0x7], $0x40, s17, s28, $0xb8;
	[tilespmem:$0x12D80] =	vst v63  }
0x178: {  	_ = 	snop  }
0x179: {  	[spmem:s3] =	stream.indirect.scatter.add.f32 [tilespmem:s6], [sflag:$0xB], $0x1, s17, s28, $0xb8;
	[tilespmem:$0x12D80] =	vst v63  }
0x17a: {  	_ =	swait.ge [sflag:s22], $0x2000  }
0x17b: {  	[sflag:s22] =	ssyncset.done $0x0  }
0x17c: {  	[sflag:s22] =	ssyncadd.s32 $0xFFFFE000  }
0x17d: {  	_ =	swait.ge [sflag:s10], $0x2000  }
0x17e: {  	[sflag:s10] =	ssyncset.done $0x0  }
0x17f: {  	[sflag:s10] =	ssyncadd.s32 $0xFFFFE000  }
0x180: {  	_ =	swait.ge [sflag:s15], $0x80  }
0x181: {  	[sflag:s15] =	ssyncset.done $0x0  }
0x182: {  	s19 =	simm.s32 $0x600;
	[sflag:s15] =	ssyncadd.s32 $0xFFFFFF80  }
0x183: {  	[tilespmem:s31], [sflag:$0x5] =	stream.indirect.gather [hbm4b:s5+s28], $0x40, s19, s28, $0xb8;
	[tilespmem:$0x12D80] =	vst v63  }
0x184: {  	_ = 	snop  }
0x185: {  	[spmem:s2] =	stream.indirect.scatter.add.bf16 [tilespmem:s25], [sflag:$0x8], $0x40, s18, s28, $0xb8;
	[tilespmem:$0x12D80] =	vst v63  }
0x186: {  	_ = 	snop  }
0x187: {  	[spmem:s3] =	stream.indirect.scatter.add.f32 [tilespmem:s6], [sflag:$0xC], $0x1, s18, s28, $0xb8;
	[tilespmem:$0x12D80] =	vst v63  }
0x188: {  	_ =	swait.ge [sflag:s7], $0x2000  }
0x189: {  	[sflag:s7] =	ssyncset.done $0x0  }
0x18a: {  	[sflag:s7] =	ssyncadd.s32 $0xFFFFE000  }
0x18b: {  	_ =	swait.ge [sflag:s30], $0x2000  }
0x18c: {  	[sflag:s30] =	ssyncset.done $0x0  }
0x18d: {  	[sflag:s30] =	ssyncadd.s32 $0xFFFFE000  }
0x18e: {  	p2 =	seq.s32 s23, $0x1300;
	_ =	swait.ge [sflag:s8], $0x80  }
0x18f: {  	s0 =	sadd.s32 @!p2 s23, s26;
	[sflag:s8] =	ssyncset.done $0x0  }
0x190: {  	s0 =	sadd.s32 @!p2 $0x100, s0;
	s12 =	simm.s32 @!p2 $0x0;
	[sflag:s8] =	ssyncadd.s32 $0xFFFFFF80  }
0x191: {  	[tilespmem:s12], [sflag:$0x1] =	stream.linear.gather @!p2 [hbm4b:s0+s12], $0x400, $0x38;
	[tilespmem:$0x12D80] =	vst v63  }
0x192: {  	s23 =	simm.s32 $0x700  }
0x193: {  	[tilespmem:s9], [sflag:$0x6] =	stream.indirect.gather [hbm4b:s5+s28], $0x40, s23, s28, $0xb8;
	[tilespmem:$0x12D80] =	vst v63  }
0x194: {  	s19 =	simm.s32 $0x680  }
0x195: {  	[spmem:s2] =	stream.indirect.scatter.add.bf16 [tilespmem:s31], [sflag:$0x9], $0x40, s19, s28, $0xb8;
	[tilespmem:$0x12D80] =	vst v63  }
0x196: {  	_ = 	snop  }
0x197: {  	[spmem:s3] =	stream.indirect.scatter.add.f32 [tilespmem:s6], [sflag:$0xD], $0x1, s19, s28, $0xb8;
	[tilespmem:$0x12D80] =	vst v63  }
0x198: {  	s16 =	sadd.s32 $0x2, s16;
	_ =	swait.ge [sflag:s21], $0x2000  }
0x199: {  	p2 =	sgt.u32 s16, $0x26;
	[sflag:s21] =	ssyncset.done $0x0  }
0x19a: {  	s0 =	simm.s32 @!p2 $0x7;
	[sflag:s21] =	ssyncadd.s32 $0xFFFFE000  }
0x19b: {  	_ =	swait.ge @!p2 [sflag:s0], $0x2000  }
0x19c: {  	[sflag:s0] =	ssyncset.done @!p2 $0x0  }
0x19d: {  	s12 =	simm.s32 @!p2 $0xB;
	[sflag:s0] =	ssyncadd.s32 @!p2 $0xFFFFE000  }
0x19e: {  	_ =	swait.ge @!p2 [sflag:s12], $0x80  }
0x19f: {  	[sflag:s12] =	ssyncset.done @!p2 $0x0  }
0x1a0: {  	s20 =	sadd.s32 $0x100, s20;
	s0 =	simm.s32 @!p2 $0x1;
	[sflag:s12] =	ssyncadd.s32 @!p2 $0xFFFFFF80  }
0x1a1: {  	p1 =	seq.s32 s20, $0x1400;
	_ =	swait.ge @!p2 [sflag:s0], $0x400  }
.Ltmp4:
0x1a2: {  	s17 =	simm.s32 @!p2 $0x800;
	[sflag:s0] =	ssyncset.done @!p2 $0x0;
	(pc) =	sbr.rel @!p1 .LBB2_5-.Ltmp4, $4  }
0x1a3: {  	s19 =	simm.s32 @!p2 $0x80;
	s12 =	simm.s32 @!p2 $0x0;
	[sflag:s0] =	ssyncadd.s32 @!p2 $0xFFFFFC00  }
0x1a4: {  	[tilespmem:s17], [sflag:$0x3] =	stream.indirect.gather @!p2 [hbm4b:s5+s19], $0x40, s12, s19, $0xb8;
	[tilespmem:$0x12D80] =	vst v63  }
0x1a5: {  	s0 =	simm.s32 $0x780  }
0x1a6: {  	[spmem:s2] =	stream.indirect.scatter.add.bf16 [tilespmem:s9], [sflag:$0xA], $0x40, s0, s28, $0xb8;
	[tilespmem:$0x12D80] =	vst v63  }
0x1a7: {  	[spmem:s3] =	stream.indirect.scatter.add.f32 [tilespmem:s6], [sflag:$0xE], $0x1, s0, s28, $0xb8;
	[tilespmem:$0x12D80] =	vst v63  }
.Ltmp5:
0x1a8: {  	_ = 	snop;
	(pc) =	sbr.rel .LBB2_10-.Ltmp5, $4  }
0x1a9: {  	s16 =	rddreg [dreg:$0x6]  }
0x1aa: {  	s0 =	rddreg [dreg:$0x8]  }
0x1ab: {  	s26 =	rddreg [dreg:$0x4]  }
0x1ac: {  	s18 =	rddreg [dreg:$0x15]  }
.LBB2_7:
0x1ad: {  	[tilespmem:s0], [sflag:$0xF] =	stream.linear.gather [hbm4b:s26+s0], $0x400, $0x38;
	[tilespmem:$0x12D80] =	vst v63  }
0x1ae: {  	_ =	swait.ge [sflag:s24], $0x400  }
0x1af: {  	[sflag:s24] =	ssyncset.done $0x0  }
0x1b0: {  	s17 =	simm.s32 $0x400;
	s12 =	rddreg [dreg:$0x10];
	[sflag:s24] =	ssyncadd.s32 $0xFFFFFC00  }
0x1b1: {  	[tilespmem:s17], [sflag:$0x2] =	stream.linear.gather [hbm4b:s12+s0], $0x400, $0x38;
	[tilespmem:$0x12D80] =	vst v63  }
0x1b2: {  	_ = 	snop  }
0x1b3: {  	[tilespmem:s19], [sflag:$0x3] =	stream.indirect.gather [hbm4b:s5+s28], $0x40, s0, s28, $0xb8;
	[tilespmem:$0x12D80] =	vst v63  }
0x1b4: {  	p1 =	por $0x1, $0x1;
	_ =	swait.ge [sflag:s29], $0x2000  }
0x1b5: {  	s16 =	simm.s32 @p1 $0x2800;
	[sflag:s29] =	ssyncset.done $0x0  }
0x1b6: {  	s12 =	simm.s32 @p1 $0x100;
	s0 =	simm.s32 @p1 $0x80;
	[sflag:s29] =	ssyncadd.s32 $0xFFFFE000  }
0x1b7: {  	[tilespmem:s16], [sflag:$0x4] =	stream.indirect.gather @p1 [hbm4b:s5+s0], $0x40, s12, s0, $0xb8;
	[tilespmem:$0x12D80] =	vst v63  }
0x1b8: {  	s12 =	simm.s32 @p1 $0x800  }
0x1b9: {  	[spmem:s2] =	stream.indirect.scatter.add.bf16 @p1 [tilespmem:s12], [sflag:$0x7], $0x40, s0, s0, $0xb8;
	[tilespmem:$0x12D80] =	vst v63  }
0x1ba: {  	s16 =	simm.s32 @p1 $0x4;
	s12 =	simm.s32 @p1 $0x8800  }
0x1bb: {  	[spmem:s3] =	stream.indirect.scatter.add.f32 @p1 [tilespmem:s12], [sflag:$0xB], $0x1, s0, s0, $0xb8;
	[tilespmem:$0x12D80] =	vst v63  }
0x1bc: {  	_ =	swait.ge @p1 [sflag:s16], $0x2000  }
0x1bd: {  	[sflag:s16] =	ssyncset.done @p1 $0x0  }
0x1be: {  	s0 =	simm.s32 @!p1 $0x8;
	[sflag:s16] =	ssyncadd.s32 @p1 $0xFFFFE000  }
0x1bf: {  	_ =	swait.ge @!p1 [sflag:s0], $0x2000  }
0x1c0: {  	[sflag:s0] =	ssyncset.done @!p1 $0x0  }
0x1c1: {  	s12 =	simm.s32 @!p1 $0xC;
	[sflag:s0] =	ssyncadd.s32 @!p1 $0xFFFFE000  }
0x1c2: {  	_ =	swait.ge @!p1 [sflag:s12], $0x80  }
0x1c3: {  	s16 =	simm.s32 @!p1 $0x80;
	[sflag:s12] =	ssyncset.done @!p1 $0x0  }
0x1c4: {  	s0 =	simm.s32 @!p1 $0x2800;
	[sflag:s12] =	ssyncadd.s32 @!p1 $0xFFFFFF80;
	s12 =	simm.s32 @!p1 $0x100  }
0x1c5: {  	[tilespmem:s0], [sflag:$0x4] =	stream.indirect.gather @!p1 [hbm4b:s5+s16], $0x40, s12, s16, $0xb8;
	[tilespmem:$0x12D80] =	vst v63  }
0x1c6: {  	s0 =	simm.s32 @!p1 $0x800  }
0x1c7: {  	[spmem:s2] =	stream.indirect.scatter.add.bf16 @!p1 [tilespmem:s0], [sflag:$0x7], $0x40, s16, s16, $0xb8;
	[tilespmem:$0x12D80] =	vst v63  }
0x1c8: {  	s12 =	simm.s32 @!p1 $0x4;
	s0 =	simm.s32 @!p1 $0x8800  }
0x1c9: {  	[spmem:s3] =	stream.indirect.scatter.add.f32 @!p1 [tilespmem:s0], [sflag:$0xB], $0x1, s16, s16, $0xb8;
	[tilespmem:$0x12D80] =	vst v63  }
0x1ca: {  	_ =	swait.ge @!p1 [sflag:s12], $0x2000  }
0x1cb: {  	[sflag:s12] =	ssyncset.done @!p1 $0x0  }
0x1cc: {  	s0 =	simm.s32 @!p1 $0x9;
	[sflag:s12] =	ssyncadd.s32 @!p1 $0xFFFFE000  }
0x1cd: {  	_ =	swait.ge @!p1 [sflag:s0], $0x2000  }
0x1ce: {  	[sflag:s0] =	ssyncset.done @!p1 $0x0  }
0x1cf: {  	s12 =	simm.s32 @!p1 $0xD;
	[sflag:s0] =	ssyncadd.s32 @!p1 $0xFFFFE000  }
0x1d0: {  	_ =	swait.ge @!p1 [sflag:s12], $0x80  }
0x1d1: {  	[sflag:s12] =	ssyncset.done @!p1 $0x0  }
0x1d2: {  	s20 =	simm.s32 $0x200;
	[sflag:s12] =	ssyncadd.s32 @!p1 $0xFFFFFF80  }
0x1d3: {  	[tilespmem:s31], [sflag:$0x5] =	stream.indirect.gather [hbm4b:s5+s28], $0x40, s20, s28, $0xb8;
	[tilespmem:$0x12D80] =	vst v63  }
0x1d4: {  	s23 =	simm.s32 $0x180  }
0x1d5: {  	[spmem:s2] =	stream.indirect.scatter.add.bf16 [tilespmem:s25], [sflag:$0x8], $0x40, s23, s28, $0xb8;
	[tilespmem:$0x12D80] =	vst v63  }
0x1d6: {  	_ = 	snop  }
0x1d7: {  	[spmem:s3] =	stream.indirect.scatter.add.f32 [tilespmem:s6], [sflag:$0xC], $0x1, s23, s28, $0xb8;
	[tilespmem:$0x12D80] =	vst v63  }
0x1d8: {  	_ =	swait.ge [sflag:s7], $0x2000  }
0x1d9: {  	[sflag:s7] =	ssyncset.done $0x0  }
0x1da: {  	s0 =	simm.s32 @!p1 $0xA;
	[sflag:s7] =	ssyncadd.s32 $0xFFFFE000  }
0x1db: {  	_ =	swait.ge @!p1 [sflag:s0], $0x2000  }
0x1dc: {  	[sflag:s0] =	ssyncset.done @!p1 $0x0  }
0x1dd: {  	s12 =	simm.s32 @!p1 $0xE;
	[sflag:s0] =	ssyncadd.s32 @!p1 $0xFFFFE000  }
0x1de: {  	_ =	swait.ge @!p1 [sflag:s12], $0x80  }
0x1df: {  	s16 =	simm.s32 @!p1 $0x0;
	s0 =	sadd.s32 @!p1 $0x0, s26;
	[sflag:s12] =	ssyncset.done @!p1 $0x0  }
0x1e0: {  	s0 =	sadd.s32 @!p1 $0x80, s0;
	[sflag:s12] =	ssyncadd.s32 @!p1 $0xFFFFFF80;
	s12 =	simm.s32 @!p1 $0x400  }
0x1e1: {  	[tilespmem:s12], [sflag:$0x2] =	stream.linear.gather @!p1 [hbm4b:s0+s16], $0x400, $0x38;
	[tilespmem:$0x12D80] =	vst v63  }
0x1e2: {  	s24 =	simm.s32 $0x300  }
0x1e3: {  	[tilespmem:s9], [sflag:$0x6] =	stream.indirect.gather [hbm4b:s5+s28], $0x40, s24, s28, $0xb8;
	[tilespmem:$0x12D80] =	vst v63  }
0x1e4: {  	s12 =	simm.s32 $0x280  }
0x1e5: {  	[spmem:s2] =	stream.indirect.scatter.add.bf16 [tilespmem:s31], [sflag:$0x9], $0x40, s12, s28, $0xb8;
	[tilespmem:$0x12D80] =	vst v63  }
0x1e6: {  	_ = 	snop  }
0x1e7: {  	[spmem:s3] =	stream.indirect.scatter.add.f32 [tilespmem:s6], [sflag:$0xD], $0x1, s12, s28, $0xb8;
	[tilespmem:$0x12D80] =	vst v63  }
0x1e8: {  	_ =	swait.ge [sflag:s21], $0x2000  }
0x1e9: {  	[sflag:s21] =	ssyncset.done $0x0  }
0x1ea: {  	[sflag:s21] =	ssyncadd.s32 $0xFFFFE000  }
0x1eb: {  	_ =	swait.ge [sflag:s1], $0x2000  }
0x1ec: {  	[sflag:s1] =	ssyncset.done $0x0  }
0x1ed: {  	[sflag:s1] =	ssyncadd.s32 $0xFFFFE000  }
0x1ee: {  	_ =	swait.ge [sflag:s4], $0x80  }
0x1ef: {  	[sflag:s4] =	ssyncset.done $0x0  }
0x1f0: {  	[sflag:s4] =	ssyncadd.s32 $0xFFFFFF80  }
0x1f1: {  	_ =	swait.ge [sflag:s11], $0x400  }
0x1f2: {  	[sflag:s11] =	ssyncset.done $0x0  }
0x1f3: {  	[sflag:s11] =	ssyncadd.s32 $0xFFFFFC00  }
0x1f4: {  	[tilespmem:s19], [sflag:$0x3] =	stream.indirect.gather [hbm4b:s5+s28], $0x40, s17, s28, $0xb8;
	[tilespmem:$0x12D80] =	vst v63  }
0x1f5: {  	s16 =	simm.s32 $0x380  }
0x1f6: {  	[spmem:s2] =	stream.indirect.scatter.add.bf16 [tilespmem:s9], [sflag:$0xA], $0x40, s16, s28, $0xb8;
	[tilespmem:$0x12D80] =	vst v63  }
0x1f7: {  	_ = 	snop  }
0x1f8: {  	[spmem:s3] =	stream.indirect.scatter.add.f32 [tilespmem:s6], [sflag:$0xE], $0x1, s16, s28, $0xb8;
	[tilespmem:$0x12D80] =	vst v63  }
0x1f9: {  	_ =	swait.ge [sflag:s29], $0x2000  }
0x1fa: {  	[sflag:s29] =	ssyncset.done $0x0  }
0x1fb: {  	[sflag:s29] =	ssyncadd.s32 $0xFFFFE000  }
0x1fc: {  	_ =	swait.ge [sflag:s13], $0x2000  }
0x1fd: {  	[sflag:s13] =	ssyncset.done $0x0  }
0x1fe: {  	[sflag:s13] =	ssyncadd.s32 $0xFFFFE000  }
0x1ff: {  	_ =	swait.ge [sflag:s14], $0x80  }
0x200: {  	[sflag:s14] =	ssyncset.done $0x0  }
0x201: {  	s17 =	simm.s32 $0x500;
	[sflag:s14] =	ssyncadd.s32 $0xFFFFFF80  }
0x202: {  	[tilespmem:s25], [sflag:$0x4] =	stream.indirect.gather [hbm4b:s5+s28], $0x40, s17, s28, $0xb8;
	[tilespmem:$0x12D80] =	vst v63  }
0x203: {  	s18 =	simm.s32 $0x480  }
0x204: {  	[spmem:s2] =	stream.indirect.scatter.add.bf16 [tilespmem:s19], [sflag:$0x7], $0x40, s18, s28, $0xb8;
	[tilespmem:$0x12D80] =	vst v63  }
0x205: {  	_ = 	snop  }
0x206: {  	[spmem:s3] =	stream.indirect.scatter.add.f32 [tilespmem:s6], [sflag:$0xB], $0x1, s18, s28, $0xb8;
	[tilespmem:$0x12D80] =	vst v63  }
0x207: {  	_ =	swait.ge [sflag:s22], $0x2000  }
0x208: {  	[sflag:s22] =	ssyncset.done $0x0  }
0x209: {  	[sflag:s22] =	ssyncadd.s32 $0xFFFFE000  }
0x20a: {  	_ =	swait.ge [sflag:s10], $0x2000  }
0x20b: {  	[sflag:s10] =	ssyncset.done $0x0  }
0x20c: {  	[sflag:s10] =	ssyncadd.s32 $0xFFFFE000  }
0x20d: {  	_ =	swait.ge [sflag:s15], $0x80  }
0x20e: {  	[sflag:s15] =	ssyncset.done $0x0  }
0x20f: {  	s20 =	simm.s32 $0x600;
	[sflag:s15] =	ssyncadd.s32 $0xFFFFFF80  }
0x210: {  	[tilespmem:s31], [sflag:$0x5] =	stream.indirect.gather [hbm4b:s5+s28], $0x40, s20, s28, $0xb8;
	[tilespmem:$0x12D80] =	vst v63  }
0x211: {  	s18 =	simm.s32 $0x580  }
0x212: {  	[spmem:s2] =	stream.indirect.scatter.add.bf16 [tilespmem:s25], [sflag:$0x8], $0x40, s18, s28, $0xb8;
	[tilespmem:$0x12D80] =	vst v63  }
0x213: {  	_ = 	snop  }
0x214: {  	[spmem:s3] =	stream.indirect.scatter.add.f32 [tilespmem:s6], [sflag:$0xC], $0x1, s18, s28, $0xb8;
	[tilespmem:$0x12D80] =	vst v63  }
0x215: {  	_ =	swait.ge [sflag:s7], $0x2000  }
0x216: {  	[sflag:s7] =	ssyncset.done $0x0  }
0x217: {  	[sflag:s7] =	ssyncadd.s32 $0xFFFFE000  }
0x218: {  	_ =	swait.ge [sflag:s30], $0x2000  }
0x219: {  	[sflag:s30] =	ssyncset.done $0x0  }
0x21a: {  	[sflag:s30] =	ssyncadd.s32 $0xFFFFE000  }
0x21b: {  	p1 =	por $0x0, $0x0;
	_ =	swait.ge [sflag:s8], $0x80  }
0x21c: {  	s0 =	sadd.s32 @!p1 $0x0, s26;
	[sflag:s8] =	ssyncset.done $0x0  }
0x21d: {  	s0 =	sadd.s32 @!p1 $0x100, s0;
	s12 =	simm.s32 @!p1 $0x0;
	[sflag:s8] =	ssyncadd.s32 $0xFFFFFF80  }
0x21e: {  	[tilespmem:s12], [sflag:$0x1] =	stream.linear.gather @!p1 [hbm4b:s0+s12], $0x400, $0x38;
	[tilespmem:$0x12D80] =	vst v63  }
0x21f: {  	s23 =	simm.s32 $0x700  }
0x220: {  	[tilespmem:s9], [sflag:$0x6] =	stream.indirect.gather [hbm4b:s5+s28], $0x40, s23, s28, $0xb8;
	[tilespmem:$0x12D80] =	vst v63  }
0x221: {  	s24 =	simm.s32 $0x680  }
0x222: {  	[spmem:s2] =	stream.indirect.scatter.add.bf16 [tilespmem:s31], [sflag:$0x9], $0x40, s24, s28, $0xb8;
	[tilespmem:$0x12D80] =	vst v63  }
0x223: {  	_ = 	snop  }
0x224: {  	[spmem:s3] =	stream.indirect.scatter.add.f32 [tilespmem:s6], [sflag:$0xD], $0x1, s24, s28, $0xb8;
	[tilespmem:$0x12D80] =	vst v63  }
0x225: {  	_ =	swait.ge [sflag:s21], $0x2000  }
0x226: {  	p1 =	por $0x0, $0x0;
	[sflag:s21] =	ssyncset.done $0x0  }
0x227: {  	s0 =	simm.s32 @!p1 $0x7;
	[sflag:s21] =	ssyncadd.s32 $0xFFFFE000  }
0x228: {  	_ =	swait.ge @!p1 [sflag:s0], $0x2000  }
0x229: {  	[sflag:s0] =	ssyncset.done @!p1 $0x0  }
0x22a: {  	s12 =	simm.s32 @!p1 $0xB;
	[sflag:s0] =	ssyncadd.s32 @!p1 $0xFFFFE000  }
0x22b: {  	_ =	swait.ge @!p1 [sflag:s12], $0x80  }
0x22c: {  	[sflag:s12] =	ssyncset.done @!p1 $0x0  }
0x22d: {  	s0 =	simm.s32 @!p1 $0x1;
	[sflag:s12] =	ssyncadd.s32 @!p1 $0xFFFFFF80  }
0x22e: {  	_ =	swait.ge @!p1 [sflag:s0], $0x400  }
0x22f: {  	s20 =	simm.s32 $0x100;
	s16 =	simm.s32 @!p1 $0x800;
	[sflag:s0] =	ssyncset.done @!p1 $0x0  }
0x230: {  	s12 =	simm.s32 @!p1 $0x0;
	[sflag:s0] =	ssyncadd.s32 @!p1 $0xFFFFFC00;
	s0 =	simm.s32 @!p1 $0x80  }
0x231: {  	[tilespmem:s16], [sflag:$0x3] =	stream.indirect.gather @!p1 [hbm4b:s5+s0], $0x40, s12, s0, $0xb8;
	[tilespmem:$0x12D80] =	vst v63  }
0x232: {  	s24 =	simm.s32 $0x800;
	s0 =	simm.s32 $0x780;
	s16 =	simm.s32 $0x1  }
0x233: {  	[spmem:s2] =	stream.indirect.scatter.add.bf16 [tilespmem:s9], [sflag:$0xA], $0x40, s0, s28, $0xb8;
	[tilespmem:$0x12D80] =	vst v63  }
.LBB2_8:
0x234: {  	s23 =	smov.u32 s20  }
0x235: {  	[spmem:s3] =	stream.indirect.scatter.add.f32 [tilespmem:s6], [sflag:$0xE], $0x1, s0, s28, $0xb8;
	[tilespmem:$0x12D80] =	vst v63  }
0x236: {  	_ =	swait.ge [sflag:s29], $0x2000;
	p2 =	seq.s32 s23, $0x0  }
0x237: {  	[sflag:s29] =	ssyncset.done $0x0;
	s12 =	simm.s32 @p2 $0x80  }
0x238: {  	s0 =	simm.s32 @p2 $0x100;
	s17 =	simm.s32 @p2 $0x2800;
	[sflag:s29] =	ssyncadd.s32 $0xFFFFE000  }
0x239: {  	[tilespmem:s17], [sflag:$0x4] =	stream.indirect.gather @p2 [hbm4b:s5+s12], $0x40, s0, s12, $0xb8;
	[tilespmem:$0x12D80] =	vst v63  }
0x23a: {  	s19 =	simm.s32 @p2 $0x800  }
0x23b: {  	[spmem:s2] =	stream.indirect.scatter.add.bf16 @p2 [tilespmem:s19], [sflag:$0x7], $0x40, s12, s12, $0xb8;
	[tilespmem:$0x12D80] =	vst v63  }
0x23c: {  	s17 =	simm.s32 @p2 $0x8800;
	s19 =	simm.s32 @p2 $0x4  }
0x23d: {  	[spmem:s3] =	stream.indirect.scatter.add.f32 @p2 [tilespmem:s17], [sflag:$0xB], $0x1, s12, s12, $0xb8;
	[tilespmem:$0x12D80] =	vst v63  }
0x23e: {  	_ =	swait.ge @p2 [sflag:s19], $0x2000  }
0x23f: {  	[sflag:s19] =	ssyncset.done @p2 $0x0  }
0x240: {  	s12 =	simm.s32 @!p2 $0x8;
	[sflag:s19] =	ssyncadd.s32 @p2 $0xFFFFE000  }
0x241: {  	_ =	swait.ge @!p2 [sflag:s12], $0x2000  }
0x242: {  	[sflag:s12] =	ssyncset.done @!p2 $0x0  }
0x243: {  	s17 =	simm.s32 @!p2 $0xC;
	[sflag:s12] =	ssyncadd.s32 @!p2 $0xFFFFE000  }
0x244: {  	_ =	swait.ge @!p2 [sflag:s17], $0x80  }
0x245: {  	s0 =	sadd.s32 @!p2 s23, s26;
	s26 =	simm.s32 @!p2 $0x100;
	[sflag:s17] =	ssyncset.done @!p2 $0x0  }
0x246: {  	s19 =	simm.s32 @!p2 $0x80;
	s12 =	simm.s32 @!p2 $0x2800;
	[sflag:s17] =	ssyncadd.s32 @!p2 $0xFFFFFF80  }
0x247: {  	[tilespmem:s12], [sflag:$0x4] =	stream.indirect.gather @!p2 [hbm4b:s5+s19], $0x40, s26, s19, $0xb8;
	[tilespmem:$0x12D80] =	vst v63  }
0x248: {  	s17 =	simm.s32 @!p2 $0x800  }
0x249: {  	[spmem:s2] =	stream.indirect.scatter.add.bf16 @!p2 [tilespmem:s17], [sflag:$0x7], $0x40, s19, s19, $0xb8;
	[tilespmem:$0x12D80] =	vst v63  }
0x24a: {  	s12 =	simm.s32 @!p2 $0x8800;
	s17 =	simm.s32 @!p2 $0x4  }
0x24b: {  	[spmem:s3] =	stream.indirect.scatter.add.f32 @!p2 [tilespmem:s12], [sflag:$0xB], $0x1, s19, s19, $0xb8;
	[tilespmem:$0x12D80] =	vst v63  }
0x24c: {  	s26 =	rddreg [dreg:$0x4];
	_ =	swait.ge @!p2 [sflag:s17], $0x2000  }
0x24d: {  	[sflag:s17] =	ssyncset.done @!p2 $0x0  }
0x24e: {  	s12 =	simm.s32 @!p2 $0x9;
	[sflag:s17] =	ssyncadd.s32 @!p2 $0xFFFFE000  }
0x24f: {  	_ =	swait.ge @!p2 [sflag:s12], $0x2000  }
0x250: {  	[sflag:s12] =	ssyncset.done @!p2 $0x0  }
0x251: {  	s17 =	simm.s32 @!p2 $0xD;
	[sflag:s12] =	ssyncadd.s32 @!p2 $0xFFFFE000  }
0x252: {  	_ =	swait.ge @!p2 [sflag:s17], $0x80  }
0x253: {  	[sflag:s17] =	ssyncset.done @!p2 $0x0  }
0x254: {  	s19 =	simm.s32 $0x200;
	[sflag:s17] =	ssyncadd.s32 @!p2 $0xFFFFFF80  }
0x255: {  	[tilespmem:s31], [sflag:$0x5] =	stream.indirect.gather [hbm4b:s5+s28], $0x40, s19, s28, $0xb8;
	[tilespmem:$0x12D80] =	vst v63  }
0x256: {  	s17 =	simm.s32 $0x180  }
0x257: {  	[spmem:s2] =	stream.indirect.scatter.add.bf16 [tilespmem:s25], [sflag:$0x8], $0x40, s17, s28, $0xb8;
	[tilespmem:$0x12D80] =	vst v63  }
0x258: {  	_ = 	snop  }
0x259: {  	[spmem:s3] =	stream.indirect.scatter.add.f32 [tilespmem:s6], [sflag:$0xC], $0x1, s17, s28, $0xb8;
	[tilespmem:$0x12D80] =	vst v63  }
0x25a: {  	_ =	swait.ge [sflag:s7], $0x2000  }
0x25b: {  	[sflag:s7] =	ssyncset.done $0x0  }
0x25c: {  	s12 =	simm.s32 @!p2 $0xA;
	[sflag:s7] =	ssyncadd.s32 $0xFFFFE000  }
0x25d: {  	_ =	swait.ge @!p2 [sflag:s12], $0x2000  }
0x25e: {  	[sflag:s12] =	ssyncset.done @!p2 $0x0  }
0x25f: {  	s17 =	simm.s32 @!p2 $0xE;
	[sflag:s12] =	ssyncadd.s32 @!p2 $0xFFFFE000  }
0x260: {  	_ =	swait.ge @!p2 [sflag:s17], $0x80  }
0x261: {  	s0 =	sadd.s32 @!p2 $0x80, s0;
	[sflag:s17] =	ssyncset.done @!p2 $0x0  }
0x262: {  	s19 =	simm.s32 @!p2 $0x400;
	s12 =	simm.s32 @!p2 $0x0;
	[sflag:s17] =	ssyncadd.s32 @!p2 $0xFFFFFF80  }
0x263: {  	[tilespmem:s19], [sflag:$0x2] =	stream.linear.gather @!p2 [hbm4b:s0+s12], $0x400, $0x38;
	[tilespmem:$0x12D80] =	vst v63  }
0x264: {  	s19 =	simm.s32 $0x300  }
0x265: {  	[tilespmem:s9], [sflag:$0x6] =	stream.indirect.gather [hbm4b:s5+s28], $0x40, s19, s28, $0xb8;
	[tilespmem:$0x12D80] =	vst v63  }
0x266: {  	s12 =	simm.s32 $0x280  }
0x267: {  	[spmem:s2] =	stream.indirect.scatter.add.bf16 [tilespmem:s31], [sflag:$0x9], $0x40, s12, s28, $0xb8;
	[tilespmem:$0x12D80] =	vst v63  }
0x268: {  	_ = 	snop  }
0x269: {  	[spmem:s3] =	stream.indirect.scatter.add.f32 [tilespmem:s6], [sflag:$0xD], $0x1, s12, s28, $0xb8;
	[tilespmem:$0x12D80] =	vst v63  }
0x26a: {  	_ =	swait.ge [sflag:s21], $0x2000  }
0x26b: {  	[sflag:s21] =	ssyncset.done $0x0  }
0x26c: {  	[sflag:s21] =	ssyncadd.s32 $0xFFFFE000  }
0x26d: {  	_ =	swait.ge [sflag:s1], $0x2000  }
0x26e: {  	[sflag:s1] =	ssyncset.done $0x0  }
0x26f: {  	[sflag:s1] =	ssyncadd.s32 $0xFFFFE000  }
0x270: {  	_ =	swait.ge [sflag:s4], $0x80  }
0x271: {  	[sflag:s4] =	ssyncset.done $0x0  }
0x272: {  	[sflag:s4] =	ssyncadd.s32 $0xFFFFFF80  }
0x273: {  	_ =	swait.ge [sflag:s11], $0x400  }
0x274: {  	[sflag:s11] =	ssyncset.done $0x0  }
0x275: {  	s17 =	simm.s32 $0x400;
	[sflag:s11] =	ssyncadd.s32 $0xFFFFFC00  }
0x276: {  	[tilespmem:s24], [sflag:$0x3] =	stream.indirect.gather [hbm4b:s5+s28], $0x40, s17, s28, $0xb8;
	[tilespmem:$0x12D80] =	vst v63  }
0x277: {  	s19 =	simm.s32 $0x380  }
0x278: {  	[spmem:s2] =	stream.indirect.scatter.add.bf16 [tilespmem:s9], [sflag:$0xA], $0x40, s19, s28, $0xb8;
	[tilespmem:$0x12D80] =	vst v63  }
0x279: {  	_ = 	snop  }
0x27a: {  	[spmem:s3] =	stream.indirect.scatter.add.f32 [tilespmem:s6], [sflag:$0xE], $0x1, s19, s28, $0xb8;
	[tilespmem:$0x12D80] =	vst v63  }
0x27b: {  	_ =	swait.ge [sflag:s29], $0x2000  }
0x27c: {  	[sflag:s29] =	ssyncset.done $0x0  }
0x27d: {  	[sflag:s29] =	ssyncadd.s32 $0xFFFFE000  }
0x27e: {  	_ =	swait.ge [sflag:s13], $0x2000  }
0x27f: {  	[sflag:s13] =	ssyncset.done $0x0  }
0x280: {  	[sflag:s13] =	ssyncadd.s32 $0xFFFFE000  }
0x281: {  	_ =	swait.ge [sflag:s14], $0x80  }
0x282: {  	[sflag:s14] =	ssyncset.done $0x0  }
0x283: {  	s12 =	simm.s32 $0x500;
	[sflag:s14] =	ssyncadd.s32 $0xFFFFFF80  }
0x284: {  	[tilespmem:s25], [sflag:$0x4] =	stream.indirect.gather [hbm4b:s5+s28], $0x40, s12, s28, $0xb8;
	[tilespmem:$0x12D80] =	vst v63  }
0x285: {  	s17 =	simm.s32 $0x480  }
0x286: {  	[spmem:s2] =	stream.indirect.scatter.add.bf16 [tilespmem:s24], [sflag:$0x7], $0x40, s17, s28, $0xb8;
	[tilespmem:$0x12D80] =	vst v63  }
0x287: {  	_ = 	snop  }
0x288: {  	[spmem:s3] =	stream.indirect.scatter.add.f32 [tilespmem:s6], [sflag:$0xB], $0x1, s17, s28, $0xb8;
	[tilespmem:$0x12D80] =	vst v63  }
0x289: {  	_ =	swait.ge [sflag:s22], $0x2000  }
0x28a: {  	[sflag:s22] =	ssyncset.done $0x0  }
0x28b: {  	[sflag:s22] =	ssyncadd.s32 $0xFFFFE000  }
0x28c: {  	_ =	swait.ge [sflag:s10], $0x2000  }
0x28d: {  	[sflag:s10] =	ssyncset.done $0x0  }
0x28e: {  	[sflag:s10] =	ssyncadd.s32 $0xFFFFE000  }
0x28f: {  	_ =	swait.ge [sflag:s15], $0x80  }
0x290: {  	[sflag:s15] =	ssyncset.done $0x0  }
0x291: {  	s19 =	simm.s32 $0x600;
	[sflag:s15] =	ssyncadd.s32 $0xFFFFFF80  }
0x292: {  	[tilespmem:s31], [sflag:$0x5] =	stream.indirect.gather [hbm4b:s5+s28], $0x40, s19, s28, $0xb8;
	[tilespmem:$0x12D80] =	vst v63  }
0x293: {  	_ = 	snop  }
0x294: {  	[spmem:s2] =	stream.indirect.scatter.add.bf16 [tilespmem:s25], [sflag:$0x8], $0x40, s18, s28, $0xb8;
	[tilespmem:$0x12D80] =	vst v63  }
0x295: {  	_ = 	snop  }
0x296: {  	[spmem:s3] =	stream.indirect.scatter.add.f32 [tilespmem:s6], [sflag:$0xC], $0x1, s18, s28, $0xb8;
	[tilespmem:$0x12D80] =	vst v63  }
0x297: {  	_ =	swait.ge [sflag:s7], $0x2000  }
0x298: {  	[sflag:s7] =	ssyncset.done $0x0  }
0x299: {  	[sflag:s7] =	ssyncadd.s32 $0xFFFFE000  }
0x29a: {  	_ =	swait.ge [sflag:s30], $0x2000  }
0x29b: {  	[sflag:s30] =	ssyncset.done $0x0  }
0x29c: {  	[sflag:s30] =	ssyncadd.s32 $0xFFFFE000  }
0x29d: {  	p2 =	seq.s32 s23, $0x1300;
	_ =	swait.ge [sflag:s8], $0x80  }
0x29e: {  	s0 =	sadd.s32 @!p2 s23, s26;
	[sflag:s8] =	ssyncset.done $0x0  }
0x29f: {  	s0 =	sadd.s32 @!p2 $0x100, s0;
	s12 =	simm.s32 @!p2 $0x0;
	[sflag:s8] =	ssyncadd.s32 $0xFFFFFF80  }
0x2a0: {  	[tilespmem:s12], [sflag:$0x1] =	stream.linear.gather @!p2 [hbm4b:s0+s12], $0x400, $0x38;
	[tilespmem:$0x12D80] =	vst v63  }
0x2a1: {  	s23 =	simm.s32 $0x700  }
0x2a2: {  	[tilespmem:s9], [sflag:$0x6] =	stream.indirect.gather [hbm4b:s5+s28], $0x40, s23, s28, $0xb8;
	[tilespmem:$0x12D80] =	vst v63  }
0x2a3: {  	s19 =	simm.s32 $0x680  }
0x2a4: {  	[spmem:s2] =	stream.indirect.scatter.add.bf16 [tilespmem:s31], [sflag:$0x9], $0x40, s19, s28, $0xb8;
	[tilespmem:$0x12D80] =	vst v63  }
0x2a5: {  	_ = 	snop  }
0x2a6: {  	[spmem:s3] =	stream.indirect.scatter.add.f32 [tilespmem:s6], [sflag:$0xD], $0x1, s19, s28, $0xb8;
	[tilespmem:$0x12D80] =	vst v63  }
0x2a7: {  	s16 =	sadd.s32 $0x2, s16;
	_ =	swait.ge [sflag:s21], $0x2000  }
0x2a8: {  	p2 =	sgt.u32 s16, $0x26;
	[sflag:s21] =	ssyncset.done $0x0  }
0x2a9: {  	s0 =	simm.s32 @!p2 $0x7;
	[sflag:s21] =	ssyncadd.s32 $0xFFFFE000  }
0x2aa: {  	_ =	swait.ge @!p2 [sflag:s0], $0x2000  }
0x2ab: {  	[sflag:s0] =	ssyncset.done @!p2 $0x0  }
0x2ac: {  	s12 =	simm.s32 @!p2 $0xB;
	[sflag:s0] =	ssyncadd.s32 @!p2 $0xFFFFE000  }
0x2ad: {  	_ =	swait.ge @!p2 [sflag:s12], $0x80  }
0x2ae: {  	[sflag:s12] =	ssyncset.done @!p2 $0x0  }
0x2af: {  	s20 =	sadd.s32 $0x100, s20;
	s0 =	simm.s32 @!p2 $0x1;
	[sflag:s12] =	ssyncadd.s32 @!p2 $0xFFFFFF80  }
0x2b0: {  	p1 =	sne.s32 s20, $0x1400;
	_ =	swait.ge @!p2 [sflag:s0], $0x400  }
.Ltmp6:
0x2b1: {  	s17 =	simm.s32 @!p2 $0x800;
	[sflag:s0] =	ssyncset.done @!p2 $0x0;
	(pc) =	sbr.rel @p1 .LBB2_8-.Ltmp6, $4  }
0x2b2: {  	s19 =	simm.s32 @!p2 $0x80;
	s12 =	simm.s32 @!p2 $0x0;
	[sflag:s0] =	ssyncadd.s32 @!p2 $0xFFFFFC00  }
0x2b3: {  	[tilespmem:s17], [sflag:$0x3] =	stream.indirect.gather @!p2 [hbm4b:s5+s19], $0x40, s12, s19, $0xb8;
	[tilespmem:$0x12D80] =	vst v63  }
0x2b4: {  	s0 =	simm.s32 $0x780  }
0x2b5: {  	[spmem:s2] =	stream.indirect.scatter.add.bf16 [tilespmem:s9], [sflag:$0xA], $0x40, s0, s28, $0xb8;
	[tilespmem:$0x12D80] =	vst v63  }
.Ltmp7:
0x2b6: {  	_ = 	snop;
	(pc) =	sbr.rel .LBB2_9-.Ltmp7, $1  }
0x2b7: {  	_ =	sdelay $0x3  }
.LBB2_11:
0x2b8: {  	_ =	sfence.sel $0x180000  }
0x2b9: {  	[bflag:$0x0] =	sbarrier.arrive $0xFFFF  }
0x2ba: {  	_ =	strace $0x90000047  }
0x2bb: {  	s0 =	stileid.u32;
	[bflag:$0x2] =	sbarrier.arrive $0xFFFF  }
0x2bc: {  	p0 =	sne.s32 s0, $0x0;
	s0 =	rddreg [dreg:$0x3]  }
0x2bd: {  	s0 =	sadd.s32 @!p0 $0x100000, s0  }
0x2be: {  	[sflag:s0] =	ssyncadd.tile.s32 @!p0 $0x1;
	_ =	shalt  }
.Lfunc_end2:
_tile_overlayer_lowered:
.L_overlay_start_2:
0x2bf: {  	(tag) =	ssettag $0x2  }
0x2c0: {  	s0 =	rddreg [dreg:$0x0];
	s2 =	stileid.u32  }
0x2c1: {  	s1 =	rddreg [dreg:$0x1];
	p0 =	sne.s32 s2, $0x0  }
0x2c2: {  	s3 =	rddreg [dreg:$0x2];
	[bflag:$0x3] =	sbarrier.arrive $0xFFFF;
	s2 =	simm.s32 @!p0 $0x1C0F  }
0x2c3: {  	[timem:s3], [sflag:s2] =	dma.local @!p0 [hbm:s0], s1  }
0x2c4: {  	s0 =	simm.s32 @!p0 $0xF  }
0x2c5: {  	_ =	swait.ge @!p0 [sflag:s0], s1  }
0x2c6: {  	s1 =	ssub.s32 @!p0 $0x0, s1;
	[sflag:s0] =	ssyncset.done @!p0 $0x0  }
0x2c7: {  	[sflag:s0] =	ssyncadd.s32 @!p0 s1  }
0x2c8: {  	[bflag:$0x3] =	sbarrier.arrive $0xFFFF  }
0x2c9: {  	_ =	shalt  }

// kernel: kernel.9.cloned.1.call-start
scs
__scs_entry_jumppad:
0x0: {  	(pc) =	sbr.rel $0x88, $3  }
0x1: {  	(tag) =	ssettag $0x0;
	lr =	simm.s32 $0x1  }
0x2: {  	[smem:$0x3F94] =	sst lr;
	_ =	strace $0xD0000000  }
0x3: {  	_ = 	snop  }
0x4: {  	_ = 	snop  }
0x5: {  	_ = 	snop  }
0x6: {  	_ = 	snop  }
0x7: {  	_ = 	snop  }
__scs_overlays_trampoline_lowered:
0x8: {  	[smem:$0x3FA3] =	sst s0  }
0x9: {  	[smem:$0x3FA4] =	sst s1  }
0xa: {  	[smem:$0x3FA5] =	sst s2  }
0xb: {  	[smem:$0x3FA6] =	sst s3  }
0xc: {  	[smem:$0x3FA7] =	sst s4  }
0xd: {  	[smem:$0x3FA8] =	sst s5  }
0xe: {  	[smem:$0x3FA9] =	sst s6  }
0xf: {  	[smem:$0x3FAA] =	sst s7  }
0x10: {  	[smem:$0x3FAB] =	sst s8  }
0x11: {  	[smem:$0x3FAC] =	sst s9;
	s0 =	simm.s32 @!p0 $0x0  }
0x12: {  	s1 =	sld [smem:$0x3F92];
	s0 =	simm.s32 @p0 $0x1  }
0x13: {  	[smem:$0x3FAD] =	sst s0;
	s0 =	simm.s32 @!p1 $0x0  }
0x14: {  	s2 =	sld [smem:$0x3F91];
	s0 =	simm.s32 @p1 $0x1  }
0x15: {  	[smem:$0x3FAE] =	sst s0;
	s0 =	simm.s32 @!p2 $0x0  }
0x16: {  	s3 =	sld [smem:$0x3FDB];
	s0 =	simm.s32 @p2 $0x1  }
0x17: {  	s4 =	simm.s32 $0x1BF5;
	[smem:$0x3FB0] =	sst s0  }
0x18: {  	s0 =	sld [smem:$0x3F93];
	_ =	swait.ge [sflag:s4], $0x0  }
0x19: {  	s7 =	sld [smem:$0x3F94]  }
0x1a: {  	s8 =	sadd.s32 $0xFFFFE003, lr  }
0x1b: {  	s9 =	sadd.s32 $0xFFFFFEF7, lr;
	s5 =	simm.s32 $0xFFFFFFFF;
	p2 =	slt.u32 s8, $0xFFFFF086  }
0x1c: {  	p1 =	slt.u32 s9, $0xF7A;
	s5 =	simm.s32 @!p2 $0x0  }
0x1d: {  	s5 =	simm.s32 @p1 $0x1;
	p0 =	seq.s32 s7, s2  }
0x1e: {  	s7 =	smul.u32 @!p0 $0xF7A, s2;
	p2 =	seq.s32 @!p0 s5, $0x0  }
0x1f: {  	s9 =	smul.u32 $0xF7A, s1;
	s8 =	simm.s32 @!p0 $0x1BF5;
	p2 =	por !p2, p0  }
0x20: {  	[sflag:s8] =	ssyncset.s32 @!p0 $0xFFFFF086;
	s6 =	sadd.s32 @!p0 s3, s7;
	s7 =	simm.s32 @!p0 $0x108  }
0x21: {  	s3 =	sadd.s32 s3, s9;
	s6 =	sadd.s32 @!p0 $0x88, s6;
	s7 =	simm.s32 @p2 $0x1082  }
0x22: {  	[simem:s7], [sflag:s8] =	dma.local @!p0 [hbm:s6], $0xF7A  }
0x23: {  	s9 =	sor.u32 $0xD0000000, s2;
	s6 =	simm.s32 $0x108;
	_ =	swait.ge @!p0 [sflag:s8], $0x0  }
0x24: {  	s3 =	sadd.s32 $0x88, s3;
	s6 =	simm.s32 @!p1 $0x1082;
	[sflag:s4] =	ssyncset.s32 $0xFFFFF086  }
0x25: {  	[simem:s6], [sflag:s4] =	dma.local [hbm:s3], $0xF7A  }
0x26: {  	[smem:$0x3F94] =	sst s1;
	(tag) =	ssettag s2;
	_ =	strace s9  }
0x27: {  	s1 =	sld [smem:$0x3FA4]  }
0x28: {  	s2 =	sld [smem:$0x3FA5]  }
0x29: {  	s4 =	sld [smem:$0x3FA7]  }
0x2a: {  	p0 =	seq.s32 s5, $0x0;
	s5 =	sld [smem:$0x3FA8]  }
0x2b: {  	s6 =	sld [smem:$0x3FA9]  }
0x2c: {  	s7 =	sld [smem:$0x3FAA]  }
0x2d: {  	s3 =	simm.s32 $0x108;
	s8 =	sld [smem:$0x3FAB]  }
0x2e: {  	s3 =	simm.s32 @!p0 $0x1082;
	s9 =	sld [smem:$0x3FAC]  }
0x2f: {  	lr =	sadd.s32 s0, s3;
	s0 =	sld [smem:$0x3FA3]  }
0x30: {  	s3 =	sld [smem:$0x3FA6]  }
0x31: {  	[smem:$0x3FAF] =	sst s10  }
0x32: {  	s10 =	sld [smem:$0x3FAD];
	_ =	sdelay $0x3  }
0x33: {  	p0 =	seq.s32 s10, $0x1;
	s10 =	sld [smem:$0x3FAF];
	_ =	sdelay $0x3  }
0x34: {  	[smem:$0x3FAF] =	sst s10  }
0x35: {  	s10 =	sld [smem:$0x3FAE];
	_ =	sdelay $0x3  }
0x36: {  	p1 =	seq.s32 s10, $0x1;
	s10 =	sld [smem:$0x3FAF];
	_ =	sdelay $0x3  }
0x37: {  	[smem:$0x3FAF] =	sst s10  }
0x38: {  	s10 =	sld [smem:$0x3FB0]  }
0x39: {  	_ = 	snop;
	(pc) =	sbr.ind lr, $3  }
0x3a: {  	_ = 	snop  }
0x3b: {  	_ = 	snop  }
0x3c: {  	p2 =	seq.s32 s10, $0x1;
	s10 =	sld [smem:$0x3FAF]  }
0x3d: {  	_ =	shalt  }
0x3e: {  	_ =	shalt  }
0x3f: {  	_ =	shalt  }
0x40: {  	_ =	shalt  }
0x41: {  	_ =	shalt  }
0x42: {  	_ =	shalt  }
0x43: {  	_ =	shalt  }
0x44: {  	_ =	shalt  }
0x45: {  	_ =	shalt  }
0x46: {  	_ =	shalt  }
0x47: {  	_ =	shalt  }
0x48: {  	_ =	shalt  }
0x49: {  	_ =	shalt  }
0x4a: {  	_ =	shalt  }
0x4b: {  	_ =	shalt  }
0x4c: {  	_ =	shalt  }
0x4d: {  	_ =	shalt  }
0x4e: {  	_ =	shalt  }
0x4f: {  	_ =	shalt  }
0x50: {  	_ =	shalt  }
0x51: {  	_ =	shalt  }
0x52: {  	_ =	shalt  }
0x53: {  	_ =	shalt  }
0x54: {  	_ =	shalt  }
0x55: {  	_ =	shalt  }
0x56: {  	_ =	shalt  }
0x57: {  	_ =	shalt  }
0x58: {  	_ =	shalt  }
0x59: {  	_ =	shalt  }
0x5a: {  	_ =	shalt  }
0x5b: {  	_ =	shalt  }
0x5c: {  	_ =	shalt  }
0x5d: {  	_ =	shalt  }
0x5e: {  	_ =	shalt  }
0x5f: {  	_ =	shalt  }
0x60: {  	_ =	shalt  }
0x61: {  	_ =	shalt  }
0x62: {  	_ =	shalt  }
0x63: {  	_ =	shalt  }
0x64: {  	_ =	shalt  }
0x65: {  	_ =	shalt  }
0x66: {  	_ =	shalt  }
0x67: {  	_ =	shalt  }
0x68: {  	_ =	shalt  }
0x69: {  	_ =	shalt  }
0x6a: {  	_ =	shalt  }
0x6b: {  	_ =	shalt  }
0x6c: {  	_ =	shalt  }
0x6d: {  	_ =	shalt  }
0x6e: {  	_ =	shalt  }
0x6f: {  	_ =	shalt  }
0x70: {  	_ =	shalt  }
0x71: {  	_ =	shalt  }
0x72: {  	_ =	shalt  }
0x73: {  	_ =	shalt  }
0x74: {  	_ =	shalt  }
0x75: {  	_ =	shalt  }
0x76: {  	_ =	shalt  }
0x77: {  	_ =	shalt  }
0x78: {  	_ =	shalt  }
0x79: {  	_ =	shalt  }
0x7a: {  	_ =	shalt  }
0x7b: {  	_ =	shalt  }
0x7c: {  	_ =	shalt  }
0x7d: {  	_ =	shalt  }
0x7e: {  	_ =	shalt  }
0x7f: {  	_ =	shalt  }
0x80: {  	_ =	shalt  }
0x81: {  	_ =	shalt  }
0x82: {  	_ =	shalt  }
0x83: {  	_ =	shalt  }
0x84: {  	_ =	shalt  }
0x85: {  	_ =	shalt  }
0x86: {  	_ =	shalt  }
0x87: {  	_ =	shalt  }
.Lfunc_end0:
.L_simem_size_0:
called_computation.1_lowered:
.L_overlay_start_0:
0x88: {  	s2 =	sld [smem:$0x3FD9]  }
0x89: {  	s3 =	sld [smem:$0x3FFE];
	_ =	sdelay $0x1  }
0x8a: {  	s1 =	srdreg.scid  }
0x8b: {  	s0 =	sand.u32 $0x1, s1  }
0x8c: {  	s16 =	sshll.u32 s0, $0xA;
	s2 =	sadd.s32 s3, s2  }
0x8d: {  	s2 =	sadd.s32 s2, s16  }
0x8e: {  	[smem:$0x3FBB] =	sst s2  }
0x8f: {  	_ = 	snop  }
0x90: {  	(tm) =	ssettm $0x1  }
0x91: {  	s17 =	sld [smem:$0x3FFB];
	_ =	sdelay $0x3  }
0x92: {  	_ =	strace s17  }
0x93: {  	s2 =	sld [smem:$0x3FFC];
	_ =	sdelay $0x3  }
0x94: {  	_ =	strace s2  }
0x95: {  	s2 =	sld [smem:$0x3FFD];
	_ =	sdelay $0x3  }
0x96: {  	_ =	strace s2  }
0x97: {  	_ =	strace $0x8FFFFFFF  }
0x98: {  	s18 =	sld [smem:$0x3FDB];
	_ =	sdelay $0x1  }
0x99: {  	s19 =	simm.s32 $_scs_section_size  }
0x9a: {  	s4 =	simm.s32 $_size__tile_overlayer_lowered;
	s5 =	simm.s32 $_tile_overlayer_lowered  }
0x9b: {  	s22 =	simm.s32 $0x1BFF;
	s21 =	sshll.u32 s5, $0x1;
	s2 =	sadd.s32 s19, s18  }
0x9c: {  	s6 =	simm.s32 $0x0;
	s20 =	sshll.u32 s4, $0x1;
	s4 =	sadd.s32 s21, s2  }
0x9d: {  	[timem:s6], [sflag:s22] =	dma.local [hbm:s4], s20  }
0x9e: {  	_ =	swait.ge [sflag:s22], s20  }
0x9f: {  	s3 =	ssub.s32 $0x0, s20;
	[sflag:s22] =	ssyncset.done $0x0  }
0xa0: {  	[sflag:s22] =	ssyncadd.s32 s3;
	_ =	sdelay $0x1  }
0xa1: {  	s23 =	simm.s32 $0x1B8B  }
0xa2: {  	_ =	swait.ge [sflag:s23], $0x1  }
0xa3: {  	[sflag:s23] =	ssyncset.done $0x0  }
0xa4: {  	s25 =	simm.s32 $0x1B8E;
	s24 =	sld [smem:$0x3FFE];
	[sflag:s23] =	ssyncadd.s32 $0xFFFFFFFF  }
0xa5: {  	s26 =	simm.s32 $execute0_lowered;
	[smem:$0x3FD2] =	sst s25  }
0xa6: {  	s4 =	sshll.u32 s26, $0x1;
	_ =	strace $0x80000049;
	[dreg:$0x1] =	wrdreg $0xFFFFFFFF  }
0xa7: {  	s28 =	simm.s32 $_size_execute0_lowered;
	s2 =	sadd.s32 s2, s4;
	[dreg:$0x0] =	wrdreg $0x0  }
0xa8: {  	s4 =	sshll.u32 s28, $0x1;
	[dreg:$0x2] =	wrdreg s2  }
0xa9: {  	[dreg:$0x3] =	wrdreg s4  }
0xaa: {  	[dreg:$0x4] =	wrdreg $0xC0  }
0xab: {  	_ =	task [dreg:s6], $0x5FFFF  }
0xac: {  	[dreg:$0x1] =	wrdreg $0xFFFFFFFF  }
0xad: {  	[dreg:$0x0] =	wrdreg $0x60  }
0xae: {  	[dreg:$0x2] =	wrdreg s24  }
0xaf: {  	[dreg:$0x3] =	wrdreg $0x8A800  }
0xb0: {  	[dreg:$0x4] =	wrdreg $0x9  }
0xb1: {  	_ =	task.clear_ibuf [dreg:s6], $0x5FFFF;
	_ =	strace $0x90000049  }
0xb2: {  	s29 =	simm.s32 $0x9;
	_ =	strace $0x8000004B  }
0xb3: {  	_ =	swait.ge [sflag:s29], $0x1  }
0xb4: {  	[sflag:s29] =	ssyncadd.s32 $0xFFFFFFFF  }
0xb5: {  	_ =	strace $0x9000004B  }
0xb6: {  	_ =	sfence  }
0xb7: {  	s30 =	sld [smem:$0x0];
	_ =	sdelay $0x2  }
0xb8: {  	s31 =	sshll.u32 s1, $0xD;
	s1 =	sshrl.u32 s1, $0x2  }
0xb9: {  	s3 =	sand.u32 $0x4000, s31;
	s1 =	sadd.s32 s1, s30  }
0xba: {  	s0 =	sor.u32 s3, s0;
	s1 =	sshll.u32 s1, $0x11  }
0xbb: {  	s0 =	sor.u32 s1, s0  }
0xbc: {  	s0 =	sadd.s32 $0x8F2B, s0  }
0xbd: {  	[sflag:s0] =	ssyncadd.remote.s32 $0x1  }
0xbe: {  	_ =	sfence.sel $0xFFFF  }
0xbf: {  	[dreg:$0x0] =	wrdreg $0xFFFFFFFF;
	(pc) =	sbr.abs _section_cstart, $3  }
0xc0: {  	[dreg:$0x1] =	wrdreg $0xFFFFFFFF  }
0xc1: {  	_ =	task.clear_ibuf [dreg:s6], $0x2FFFF;
	_ =	strace $0x9FFFFFFF  }
0xc2: {  	(tm) =	ssettm $0x7FFFFFFF  }
0xc3: {  	_ =	shalt  }
tec
execute0_lowered:
.L_overlay_start_1:
0x0: {  	(tag) =	ssettag $0x1  }
0x1: {  	s0 =	rddreg [dreg:$0x0]  }
0x2: {  	s2 =	rddreg [dreg:$0x1]  }
0x3: {  	s1 =	simm.s32 $0x0;
	s7 =	stileid.u32;
	s3 =	srdreg.scid  }
0x4: {  	s19 =	simm.s32 $0x800;
	s15 =	simm.s32 $0x400;
	s17 =	simm.s32 $0x200  }
0x5: {  	s28 =	simm.s32 $0x2800;
	s29 =	simm.s32 $0x5;
	s31 =	simm.s32 $0x6800  }
0x6: {  	s14 =	simm.s32 $0x2;
	s10 =	simm.s32 $0x4;
	s11 =	simm.s32 $0x9  }
0x7: {  	s18 =	simm.s32 $0xA;
	[smem:$0x7FF] =	sst s1;
	s20 =	smul.u32 $0x1400, s7  }
0x8: {  	s4 =	sadd.s32 $0x2E00, s0;
	s5 =	sadd.s32 $0x3EE00, s0;
	s6 =	smul.u32 $0x28000, s7  }
0x9: {  	s8 =	sadd.s32 $0x66E00, s0;
	s3 =	sand.u32 $0x1, s3;
	s7 =	smul.u32 $0x14000, s7  }
0xa: {  	_ =	strace $0x8000004A;
	[dreg:$0x3] =	wrdreg s8;
	s21 =	ssub.s32 $0x2, s3  }
0xb: {  	p0 =	sne.s32 s3, $0x0;
	s3 =	simm.s32 $0xB;
	s8 =	simm.s32 $0x180  }
0xc: {  	s1 =	sadd.s32 s20, s0;
	s0 =	sadd.s32 $0x52E00, s0;
	s6 =	sshrl.u32 s6, $0x2  }
0xd: {  	s22 =	sshrl.u32 s21, $0x1;
	s9 =	sshrl.u32 s7, $0x1;
	s30 =	sshrl.u32 s7, $0x4  }
0xe: {  	s20 =	simm.s32 $0x280;
	s7 =	simm.s32 $0x7;
	[dreg:$0x4] =	wrdreg s0  }
0xf: {  	s13 =	sadd.s32 $0x16E00, s1;
	s26 =	sadd.s32 $0x16E80, s1;
	[dreg:$0xb] =	wrdreg s30  }
0x10: {  	s16 =	sadd.s32 $0x2AE00, s1;
	s1 =	sadd.s32 $0x2AE80, s1;
	[dreg:$0xa] =	wrdreg s26  }
0x11: {  	s6 =	sadd.s32 s6, s2;
	s12 =	sadd.s32 s9, s2;
	[dreg:$0xc] =	wrdreg s1  }
0x12: {  	s0 =	ssub.s32 s21, s22;
	s23 =	sadd.s32 $0x2000, s6;
	[dreg:$0x5] =	wrdreg s12  }
0x13: {  	s22 =	simm.s32 $0x80;
	s24 =	sadd.s32 $0x4000, s6;
	[dreg:$0x6] =	wrdreg s23  }
.Ltmp0:
0x14: {  	s25 =	sadd.s32 $0x6000, s6;
	[dreg:$0x7] =	wrdreg s24;
	(pc) =	sbr.rel .LBB2_1-.Ltmp0, $4  }
0x15: {  	s9 =	simm.s32 $0x300;
	s6 =	sadd.s32 $0x8000, s6;
	[dreg:$0x8] =	wrdreg s25  }
0x16: {  	s21 =	simm.s32 $0x380;
	s0 =	smax.u32 s0, $0x1;
	[dreg:$0x9] =	wrdreg s6  }
0x17: {  	s1 =	simm.s32 $0x8;
	s26 =	simm.s32 $0x0;
	[dreg:$0xd] =	wrdreg s0  }
0x18: {  	v0 =	vimm.bf16 $0.0e+00;
	v1 =	vimm.f32 $0.0e+00;
	s23 =	simm.s32 $0x3;
	s25 =	simm.s32 $0x4800;
	s6 =	simm.s32 $0x6  }
.LBB2_9:
0x19: {  	[spmem:s2] =	stream.indirect.scatter.add.bf16 [tilespmem:s31], [sflag:$0xA], $0x40, s20, s22, $0xb8;
	[tilespmem:$0x12A80] =	vst v63  }
0x1a: {  	s24 =	rddreg [dreg:$0x4]  }
0x1b: {  	s26 =	rddreg [dreg:$0xe]  }
.LBB2_10:
0x1c: {  	_ =	swait.ge [sflag:s7], $0x2000  }
0x1d: {  	[sflag:s7] =	ssyncset.done $0x0  }
0x1e: {  	[sflag:s7] =	ssyncadd.s32 $0xFFFFE000  }
0x1f: {  	_ =	swait.ge [sflag:s1], $0x2000  }
0x20: {  	[sflag:s1] =	ssyncset.done $0x0  }
0x21: {  	[sflag:s1] =	ssyncadd.s32 $0xFFFFE000  }
0x22: {  	_ =	swait.ge [sflag:s11], $0x2000  }
0x23: {  	[sflag:s11] =	ssyncset.done $0x0  }
0x24: {  	[sflag:s11] =	ssyncadd.s32 $0xFFFFE000  }
0x25: {  	_ =	swait.ge [sflag:s18], $0x2000  }
0x26: {  	[sflag:s18] =	ssyncset.done $0x0  }
0x27: {  	[sflag:s18] =	ssyncadd.s32 $0xFFFFE000  }
0x28: {  	s3 =	stileid.u32;
	s0 =	rddreg [dreg:$0xb];
	[bflag:$0x0] =	sbarrier.arrive $0xFFFF  }
0x29: {  	s3 =	sshll.u32 s3, $0x6;
	s12 =	rddreg [dreg:$0x5]  }
0x2a: {  	s3 =	sor.u32 $0x1C0B, s3;
	s0 =	sadd.s32 s24, s0;
	s9 =	sshrl.u32 s12, $0x3  }
0x2b: {  	[hbm:s0], [sflag:s3] =	dma.local [spmem:s9], $0x1400  }
0x2c: {  	s3 =	simm.s32 $0xB  }
0x2d: {  	_ =	swait.ge [sflag:s3], $0x1400  }
0x2e: {  	s26 =	sadd.s32 $0x1, s26;
	s30 =	rddreg [dreg:$0xd]  }
0x2f: {  	p1 =	sne.s32 s26, s30  }
.Ltmp1:
0x30: {  	_ = 	snop;
	(pc) =	sbr.rel @!p1 .LBB2_11-.Ltmp1, $3  }
0x31: {  	_ =	sdelay $0x1  }
0x32: {  	s8 =	simm.s32 $0x180;
	s20 =	simm.s32 $0x280;
	[sflag:s3] =	ssyncset.done $0x0  }
0x33: {  	s21 =	simm.s32 $0x380;
	s9 =	simm.s32 $0x300;
	[sflag:s3] =	ssyncadd.s32 $0xFFFFEC00  }
.LBB2_1:
0x34: {  	s0 =	simm.s32 $0x0  }
0x35: {  	s24 =	sand.u32 $0x7F00, s0;
	s30 =	sand.u32 $0x60, s0  }
0x36: {  	[dreg:$0xe] =	wrdreg s26;
	s24 =	sshrl.u32 s24, $0x2;
	s26 =	sshrl.u32 s30, $0x1  }
0x37: {  	s26 =	sor.u32 s26, s24  }
0x38: {  	s24 =	simm.s32 $0x40;
	[tilespmem:s26+$0x800] =	vst v0;
	s26 =	simm.s32 $0x0  }
.LBB2_2:
0x39: {  	p1 =	sne.s32 s24, $0x7FC0  }
.Ltmp2:
0x3a: {  	s30 =	sand.u32 $0x7F00, s24;
	s26 =	sadd.s32 $0x20, s26;
	(pc) =	sbr.rel @p1 .LBB2_2-.Ltmp2, $4  }
0x3b: {  	s24 =	sadd.s32 $0x40, s24;
	s0 =	sand.u32 $0x60, s26  }
0x3c: {  	s30 =	sshrl.u32 s30, $0x2;
	s0 =	sshrl.u32 s0, $0x1  }
0x3d: {  	s0 =	sor.u32 s0, s30  }
0x3e: {  	[tilespmem:s0+$0x800] =	vst v0  }
0x3f: {  	[tilespmem:$0x8800] =	vst v1  }
0x40: {  	[tilespmem:$0x8810] =	vst v1  }
0x41: {  	[tilespmem:$0x8820] =	vst v1  }
0x42: {  	[tilespmem:$0x8830] =	vst v1  }
0x43: {  	[tilespmem:$0x8840] =	vst v1  }
0x44: {  	[tilespmem:$0x8850] =	vst v1  }
0x45: {  	[tilespmem:$0x8860] =	vst v1  }
0x46: {  	[tilespmem:$0x8870] =	vst v1  }
0x47: {  	[tilespmem:$0x8880] =	vst v1  }
0x48: {  	[tilespmem:$0x8890] =	vst v1  }
0x49: {  	[tilespmem:$0x88A0] =	vst v1  }
0x4a: {  	[tilespmem:$0x88B0] =	vst v1  }
0x4b: {  	[tilespmem:$0x88C0] =	vst v1  }
0x4c: {  	[tilespmem:$0x88D0] =	vst v1  }
0x4d: {  	[tilespmem:$0x88E0] =	vst v1  }
0x4e: {  	[tilespmem:$0x88F0] =	vst v1  }
0x4f: {  	[tilespmem:$0x8900] =	vst v1  }
0x50: {  	[tilespmem:$0x8910] =	vst v1  }
0x51: {  	[tilespmem:$0x8920] =	vst v1  }
0x52: {  	[tilespmem:$0x8930] =	vst v1  }
0x53: {  	[tilespmem:$0x8940] =	vst v1  }
0x54: {  	[tilespmem:$0x8950] =	vst v1  }
0x55: {  	[tilespmem:$0x8960] =	vst v1  }
0x56: {  	[tilespmem:$0x8970] =	vst v1  }
0x57: {  	[tilespmem:$0x8980] =	vst v1  }
0x58: {  	[tilespmem:$0x8990] =	vst v1  }
0x59: {  	[tilespmem:$0x89A0] =	vst v1  }
0x5a: {  	[tilespmem:$0x89B0] =	vst v1  }
0x5b: {  	[tilespmem:$0x89C0] =	vst v1  }
0x5c: {  	[tilespmem:$0x89D0] =	vst v1  }
0x5d: {  	[tilespmem:$0x89E0] =	vst v1  }
0x5e: {  	[tilespmem:$0x89F0] =	vst v1  }
0x5f: {  	[tilespmem:$0x8A00] =	vst v1  }
0x60: {  	[tilespmem:$0x8A10] =	vst v1  }
0x61: {  	[tilespmem:$0x8A20] =	vst v1  }
0x62: {  	[tilespmem:$0x8A30] =	vst v1  }
0x63: {  	[tilespmem:$0x8A40] =	vst v1  }
0x64: {  	[tilespmem:$0x8A50] =	vst v1  }
0x65: {  	[tilespmem:$0x8A60] =	vst v1  }
0x66: {  	[tilespmem:$0x8A70] =	vst v1  }
0x67: {  	[spmem:s12] =	stream.linear.scatter [tilespmem:s19], [sflag:$0xB], $0x2000, $0x38;
	[tilespmem:$0x12A80] =	vst v63  }
0x68: {  	_ =	swait.ge [sflag:s3], $0x2000  }
0x69: {  	[sflag:s3] =	ssyncset.done $0x0  }
0x6a: {  	s0 =	rddreg [dreg:$0x6];
	[sflag:s3] =	ssyncadd.s32 $0xFFFFE000  }
0x6b: {  	[spmem:s0] =	stream.linear.scatter [tilespmem:s19], [sflag:$0xB], $0x2000, $0x38;
	[tilespmem:$0x12A80] =	vst v63  }
0x6c: {  	_ =	swait.ge [sflag:s3], $0x2000  }
0x6d: {  	[sflag:s3] =	ssyncset.done $0x0  }
0x6e: {  	s24 =	rddreg [dreg:$0x7];
	[sflag:s3] =	ssyncadd.s32 $0xFFFFE000  }
0x6f: {  	[spmem:s24] =	stream.linear.scatter [tilespmem:s19], [sflag:$0xB], $0x2000, $0x38;
	[tilespmem:$0x12A80] =	vst v63  }
0x70: {  	_ =	swait.ge [sflag:s3], $0x2000  }
0x71: {  	[sflag:s3] =	ssyncset.done $0x0  }
0x72: {  	s26 =	rddreg [dreg:$0x8];
	[sflag:s3] =	ssyncadd.s32 $0xFFFFE000  }
0x73: {  	[spmem:s26] =	stream.linear.scatter [tilespmem:s19], [sflag:$0xB], $0x2000, $0x38;
	[tilespmem:$0x12A80] =	vst v63  }
0x74: {  	_ =	swait.ge [sflag:s3], $0x2000  }
0x75: {  	[sflag:s3] =	ssyncset.done $0x0  }
0x76: {  	s30 =	rddreg [dreg:$0x9];
	[sflag:s3] =	ssyncadd.s32 $0xFFFFE000  }
0x77: {  	[spmem:s30] =	stream.linear.scatter [tilespmem:s19], [sflag:$0xB], $0x2000, $0x38;
	[tilespmem:$0x12A80] =	vst v63  }
.Ltmp3:
0x78: {  	_ =	swait.ge [sflag:s3], $0x2000;
	(pc) =	sbr.rel @p0 .LBB2_7-.Ltmp3, $4  }
0x79: {  	[sflag:s3] =	ssyncset.done $0x0  }
0x7a: {  	[sflag:s3] =	ssyncadd.s32 $0xFFFFE000  }
0x7b: {  	[bflag:$0x0] =	sbarrier.arrive $0xFFFF  }
0x7c: {  	s0 =	simm.s32 $0x0  }
0x7d: {  	[tilespmem:s0], [sflag:$0xB] =	stream.linear.gather [hbm4b:s16+s0], $0x400, $0x38;
	[tilespmem:$0x12A80] =	vst v63  }
0x7e: {  	_ =	swait.ge [sflag:s3], $0x400  }
0x7f: {  	[sflag:s3] =	ssyncset.done $0x0  }
0x80: {  	s12 =	rddreg [dreg:$0xc];
	[sflag:s3] =	ssyncadd.s32 $0xFFFFFC00  }
0x81: {  	[tilespmem:s15], [sflag:$0x2] =	stream.linear.gather [hbm4b:s12+s0], $0x400, $0x38;
	[tilespmem:$0x12A80] =	vst v63  }
0x82: {  	_ = 	snop  }
0x83: {  	[tilespmem:s19], [sflag:$0x3] =	stream.indirect.gather [hbm4b:s4+s22], $0x40, s0, s22, $0xb8;
	[tilespmem:$0x12A80] =	vst v63  }
0x84: {  	p1 =	por $0x1, $0x1;
	_ =	swait.ge [sflag:s23], $0x2000  }
0x85: {  	s24 =	simm.s32 @p1 $0x100;
	[sflag:s23] =	ssyncset.done $0x0  }
0x86: {  	s26 =	simm.s32 @p1 $0x2800;
	s0 =	simm.s32 @p1 $0x80;
	[sflag:s23] =	ssyncadd.s32 $0xFFFFE000  }
0x87: {  	[tilespmem:s26], [sflag:$0x4] =	stream.indirect.gather @p1 [hbm4b:s4+s0], $0x40, s24, s0, $0xb8;
	[tilespmem:$0x12A80] =	vst v63  }
0x88: {  	s24 =	simm.s32 @p1 $0x800;
	s26 =	simm.s32 @!p1 $0x8  }
0x89: {  	[spmem:s2] =	stream.indirect.scatter.add.bf16 @p1 [tilespmem:s24], [sflag:$0x7], $0x40, s0, s0, $0xb8;
	[tilespmem:$0x12A80] =	vst v63  }
0x8a: {  	_ =	swait.ge @!p1 [sflag:s26], $0x2000  }
0x8b: {  	s0 =	simm.s32 @!p1 $0x2800;
	[sflag:s26] =	ssyncset.done @!p1 $0x0  }
0x8c: {  	s24 =	simm.s32 @!p1 $0x80;
	[sflag:s26] =	ssyncadd.s32 @!p1 $0xFFFFE000;
	s26 =	simm.s32 @!p1 $0x100  }
0x8d: {  	[tilespmem:s0], [sflag:$0x4] =	stream.indirect.gather @!p1 [hbm4b:s4+s24], $0x40, s26, s24, $0xb8;
	[tilespmem:$0x12A80] =	vst v63  }
0x8e: {  	s0 =	simm.s32 @!p1 $0x800;
	s26 =	simm.s32 @!p1 $0x4  }
0x8f: {  	[spmem:s2] =	stream.indirect.scatter.add.bf16 @!p1 [tilespmem:s0], [sflag:$0x7], $0x40, s24, s24, $0xb8;
	[tilespmem:$0x12A80] =	vst v63  }
0x90: {  	_ =	swait.ge @!p1 [sflag:s26], $0x2000  }
0x91: {  	s0 =	simm.s32 @!p1 $0x9;
	[sflag:s26] =	ssyncset.done @!p1 $0x0  }
0x92: {  	s0 =	simm.s32 @p1 $0x4;
	[sflag:s26] =	ssyncadd.s32 @!p1 $0xFFFFE000  }
0x93: {  	_ =	swait.ge [sflag:s0], $0x2000  }
0x94: {  	[sflag:s0] =	ssyncset.done $0x0  }
0x95: {  	[sflag:s0] =	ssyncadd.s32 $0xFFFFE000  }
0x96: {  	[tilespmem:s25], [sflag:$0x5] =	stream.indirect.gather [hbm4b:s4+s22], $0x40, s17, s22, $0xb8;
	[tilespmem:$0x12A80] =	vst v63  }
0x97: {  	_ = 	snop  }
0x98: {  	[spmem:s2] =	stream.indirect.scatter.add.bf16 [tilespmem:s28], [sflag:$0x8], $0x40, s8, s22, $0xb8;
	[tilespmem:$0x12A80] =	vst v63  }
0x99: {  	_ =	swait.ge [sflag:s29], $0x2000  }
0x9a: {  	[sflag:s29] =	ssyncset.done $0x0  }
0x9b: {  	s0 =	simm.s32 @!p1 $0xA;
	[sflag:s29] =	ssyncadd.s32 $0xFFFFE000  }
0x9c: {  	s24 =	sadd.s32 @!p1 $0x0, s16;
	_ =	swait.ge @!p1 [sflag:s0], $0x2000  }
0x9d: {  	s24 =	sadd.s32 @!p1 $0x80, s24;
	[sflag:s0] =	ssyncset.done @!p1 $0x0  }
0x9e: {  	s26 =	simm.s32 @!p1 $0x0;
	[sflag:s0] =	ssyncadd.s32 @!p1 $0xFFFFE000;
	s0 =	simm.s32 @!p1 $0x400  }
0x9f: {  	[tilespmem:s0], [sflag:$0x2] =	stream.linear.gather @!p1 [hbm4b:s24+s26], $0x400, $0x38;
	[tilespmem:$0x12A80] =	vst v63  }
0xa0: {  	_ = 	snop  }
0xa1: {  	[tilespmem:s31], [sflag:$0x6] =	stream.indirect.gather [hbm4b:s4+s22], $0x40, s9, s22, $0xb8;
	[tilespmem:$0x12A80] =	vst v63  }
0xa2: {  	_ = 	snop  }
0xa3: {  	[spmem:s2] =	stream.indirect.scatter.add.bf16 [tilespmem:s25], [sflag:$0x9], $0x40, s20, s22, $0xb8;
	[tilespmem:$0x12A80] =	vst v63  }
0xa4: {  	_ =	swait.ge [sflag:s6], $0x2000  }
0xa5: {  	[sflag:s6] =	ssyncset.done $0x0  }
0xa6: {  	[sflag:s6] =	ssyncadd.s32 $0xFFFFE000  }
0xa7: {  	_ =	swait.ge [sflag:s7], $0x2000  }
0xa8: {  	[sflag:s7] =	ssyncset.done $0x0  }
0xa9: {  	[sflag:s7] =	ssyncadd.s32 $0xFFFFE000  }
0xaa: {  	_ =	swait.ge [sflag:s14], $0x400  }
0xab: {  	[sflag:s14] =	ssyncset.done $0x0  }
0xac: {  	[sflag:s14] =	ssyncadd.s32 $0xFFFFFC00  }
0xad: {  	[tilespmem:s19], [sflag:$0x3] =	stream.indirect.gather [hbm4b:s4+s22], $0x40, s15, s22, $0xb8;
	[tilespmem:$0x12A80] =	vst v63  }
0xae: {  	_ = 	snop  }
0xaf: {  	[spmem:s2] =	stream.indirect.scatter.add.bf16 [tilespmem:s31], [sflag:$0xA], $0x40, s21, s22, $0xb8;
	[tilespmem:$0x12A80] =	vst v63  }
0xb0: {  	_ =	swait.ge [sflag:s23], $0x2000  }
0xb1: {  	[sflag:s23] =	ssyncset.done $0x0  }
0xb2: {  	[sflag:s23] =	ssyncadd.s32 $0xFFFFE000  }
0xb3: {  	_ =	swait.ge [sflag:s1], $0x2000  }
0xb4: {  	[sflag:s1] =	ssyncset.done $0x0  }
0xb5: {  	s17 =	simm.s32 $0x500;
	[sflag:s1] =	ssyncadd.s32 $0xFFFFE000  }
0xb6: {  	[tilespmem:s28], [sflag:$0x4] =	stream.indirect.gather [hbm4b:s4+s22], $0x40, s17, s22, $0xb8;
	[tilespmem:$0x12A80] =	vst v63  }
0xb7: {  	s20 =	simm.s32 $0x480  }
0xb8: {  	[spmem:s2] =	stream.indirect.scatter.add.bf16 [tilespmem:s19], [sflag:$0x7], $0x40, s20, s22, $0xb8;
	[tilespmem:$0x12A80] =	vst v63  }
0xb9: {  	_ =	swait.ge [sflag:s10], $0x2000  }
0xba: {  	[sflag:s10] =	ssyncset.done $0x0  }
0xbb: {  	[sflag:s10] =	ssyncadd.s32 $0xFFFFE000  }
0xbc: {  	_ =	swait.ge [sflag:s11], $0x2000  }
0xbd: {  	[sflag:s11] =	ssyncset.done $0x0  }
0xbe: {  	s21 =	simm.s32 $0x600;
	[sflag:s11] =	ssyncadd.s32 $0xFFFFE000  }
0xbf: {  	[tilespmem:s25], [sflag:$0x5] =	stream.indirect.gather [hbm4b:s4+s22], $0x40, s21, s22, $0xb8;
	[tilespmem:$0x12A80] =	vst v63  }
0xc0: {  	s24 =	simm.s32 $0x580  }
0xc1: {  	[spmem:s2] =	stream.indirect.scatter.add.bf16 [tilespmem:s28], [sflag:$0x8], $0x40, s24, s22, $0xb8;
	[tilespmem:$0x12A80] =	vst v63  }
0xc2: {  	_ =	swait.ge [sflag:s29], $0x2000  }
0xc3: {  	[sflag:s29] =	ssyncset.done $0x0  }
0xc4: {  	[sflag:s29] =	ssyncadd.s32 $0xFFFFE000  }
0xc5: {  	p1 =	por $0x0, $0x0;
	_ =	swait.ge [sflag:s18], $0x2000  }
0xc6: {  	s0 =	sadd.s32 @!p1 $0x0, s16;
	[sflag:s18] =	ssyncset.done $0x0  }
0xc7: {  	s0 =	sadd.s32 @!p1 $0x100, s0;
	s24 =	simm.s32 @!p1 $0x0;
	[sflag:s18] =	ssyncadd.s32 $0xFFFFE000  }
0xc8: {  	[tilespmem:s24], [sflag:$0x1] =	stream.linear.gather @!p1 [hbm4b:s0+s24], $0x400, $0x38;
	[tilespmem:$0x12A80] =	vst v63  }
0xc9: {  	s26 =	simm.s32 $0x700  }
0xca: {  	[tilespmem:s31], [sflag:$0x6] =	stream.indirect.gather [hbm4b:s4+s22], $0x40, s26, s22, $0xb8;
	[tilespmem:$0x12A80] =	vst v63  }
0xcb: {  	s30 =	simm.s32 $0x680  }
0xcc: {  	[spmem:s2] =	stream.indirect.scatter.add.bf16 [tilespmem:s25], [sflag:$0x9], $0x40, s30, s22, $0xb8;
	[tilespmem:$0x12A80] =	vst v63  }
0xcd: {  	_ =	swait.ge [sflag:s6], $0x2000  }
0xce: {  	p1 =	por $0x0, $0x0;
	[sflag:s6] =	ssyncset.done $0x0  }
0xcf: {  	s0 =	simm.s32 @!p1 $0x7;
	[sflag:s6] =	ssyncadd.s32 $0xFFFFE000  }
0xd0: {  	_ =	swait.ge @!p1 [sflag:s0], $0x2000  }
0xd1: {  	[sflag:s0] =	ssyncset.done @!p1 $0x0  }
0xd2: {  	s24 =	simm.s32 @!p1 $0x1;
	[sflag:s0] =	ssyncadd.s32 @!p1 $0xFFFFE000  }
0xd3: {  	s8 =	simm.s32 $0x380;
	_ =	swait.ge @!p1 [sflag:s24], $0x400  }
0xd4: {  	s20 =	simm.s32 $0x300;
	s26 =	simm.s32 @!p1 $0x80;
	[sflag:s24] =	ssyncset.done @!p1 $0x0  }
0xd5: {  	s0 =	simm.s32 @!p1 $0x800;
	[sflag:s24] =	ssyncadd.s32 @!p1 $0xFFFFFC00;
	s24 =	simm.s32 @!p1 $0x0  }
0xd6: {  	[tilespmem:s0], [sflag:$0x3] =	stream.indirect.gather @!p1 [hbm4b:s4+s26], $0x40, s24, s26, $0xb8;
	[tilespmem:$0x12A80] =	vst v63  }
0xd7: {  	s21 =	simm.s32 $0x280;
	s24 =	simm.s32 $0x1;
	s26 =	simm.s32 $0x100  }
.LBB2_5:
0xd8: {  	s24 =	sadd.s32 $0x2, s24  }
0xd9: {  	s30 =	smov.u32 s26;
	s26 =	sadd.s32 $0x100, s26;
	s0 =	simm.s32 $0x780  }
0xda: {  	[spmem:s2] =	stream.indirect.scatter.add.bf16 [tilespmem:s31], [sflag:$0xA], $0x40, s0, s22, $0xb8;
	[tilespmem:$0x12A80] =	vst v63  }
0xdb: {  	p2 =	seq.s32 s30, $0x0;
	p1 =	seq.s32 s26, $0x1400;
	_ =	swait.ge [sflag:s23], $0x2000  }
0xdc: {  	s0 =	simm.s32 @p2 $0x80;
	s17 =	simm.s32 @p2 $0x100;
	[sflag:s23] =	ssyncset.done $0x0  }
0xdd: {  	s3 =	simm.s32 @p2 $0x2800;
	s9 =	simm.s32 @p2 $0x800;
	[sflag:s23] =	ssyncadd.s32 $0xFFFFE000  }
0xde: {  	[tilespmem:s3], [sflag:$0x4] =	stream.indirect.gather @p2 [hbm4b:s4+s0], $0x40, s17, s0, $0xb8;
	[tilespmem:$0x12A80] =	vst v63  }
0xdf: {  	s12 =	sadd.s32 @!p2 s30, s16;
	s3 =	simm.s32 @!p2 $0x8;
	s17 =	simm.s32 @!p2 $0x9  }
0xe0: {  	[spmem:s2] =	stream.indirect.scatter.add.bf16 @p2 [tilespmem:s9], [sflag:$0x7], $0x40, s0, s0, $0xb8;
	[tilespmem:$0x12A80] =	vst v63  }
0xe1: {  	s0 =	simm.s32 @!p2 $0x2800;
	s9 =	sadd.s32 @!p2 $0x80, s12;
	_ =	swait.ge @!p2 [sflag:s3], $0x2000  }
0xe2: {  	s15 =	simm.s32 @!p2 $0x100;
	s12 =	simm.s32 @!p2 $0x80;
	[sflag:s3] =	ssyncset.done @!p2 $0x0  }
0xe3: {  	[sflag:s3] =	ssyncadd.s32 @!p2 $0xFFFFE000;
	s3 =	simm.s32 @!p2 $0x800  }
0xe4: {  	[tilespmem:s0], [sflag:$0x4] =	stream.indirect.gather @!p2 [hbm4b:s4+s12], $0x40, s15, s12, $0xb8;
	[tilespmem:$0x12A80] =	vst v63  }
0xe5: {  	s15 =	simm.s32 $0x400  }
0xe6: {  	s0 =	simm.s32 @!p2 $0x4  }
0xe7: {  	[spmem:s2] =	stream.indirect.scatter.add.bf16 @!p2 [tilespmem:s3], [sflag:$0x7], $0x40, s12, s12, $0xb8;
	[tilespmem:$0x12A80] =	vst v63  }
0xe8: {  	_ =	swait.ge @!p2 [sflag:s0], $0x2000  }
0xe9: {  	s17 =	simm.s32 @p2 $0x4;
	[sflag:s0] =	ssyncset.done @!p2 $0x0  }
0xea: {  	[sflag:s0] =	ssyncadd.s32 @!p2 $0xFFFFE000  }
0xeb: {  	_ =	swait.ge [sflag:s17], $0x2000  }
0xec: {  	[sflag:s17] =	ssyncset.done $0x0  }
0xed: {  	[sflag:s17] =	ssyncadd.s32 $0xFFFFE000;
	s17 =	simm.s32 $0x200  }
0xee: {  	[tilespmem:s25], [sflag:$0x5] =	stream.indirect.gather [hbm4b:s4+s22], $0x40, s17, s22, $0xb8;
	[tilespmem:$0x12A80] =	vst v63  }
0xef: {  	s0 =	simm.s32 $0x180  }
0xf0: {  	[spmem:s2] =	stream.indirect.scatter.add.bf16 [tilespmem:s28], [sflag:$0x8], $0x40, s0, s22, $0xb8;
	[tilespmem:$0x12A80] =	vst v63  }
0xf1: {  	_ =	swait.ge [sflag:s29], $0x2000  }
0xf2: {  	s0 =	simm.s32 @!p2 $0xA;
	[sflag:s29] =	ssyncset.done $0x0  }
0xf3: {  	[sflag:s29] =	ssyncadd.s32 $0xFFFFE000  }
0xf4: {  	_ =	swait.ge @!p2 [sflag:s0], $0x2000  }
0xf5: {  	s3 =	simm.s32 @!p2 $0x0;
	s12 =	simm.s32 @!p2 $0x400;
	[sflag:s0] =	ssyncset.done @!p2 $0x0  }
0xf6: {  	[sflag:s0] =	ssyncadd.s32 @!p2 $0xFFFFE000  }
0xf7: {  	[tilespmem:s12], [sflag:$0x2] =	stream.linear.gather @!p2 [hbm4b:s9+s3], $0x400, $0x38;
	[tilespmem:$0x12A80] =	vst v63  }
0xf8: {  	_ = 	snop  }
0xf9: {  	[tilespmem:s31], [sflag:$0x6] =	stream.indirect.gather [hbm4b:s4+s22], $0x40, s20, s22, $0xb8;
	[tilespmem:$0x12A80] =	vst v63  }
0xfa: {  	_ = 	snop  }
0xfb: {  	[spmem:s2] =	stream.indirect.scatter.add.bf16 [tilespmem:s25], [sflag:$0x9], $0x40, s21, s22, $0xb8;
	[tilespmem:$0x12A80] =	vst v63  }
0xfc: {  	_ =	swait.ge [sflag:s6], $0x2000  }
0xfd: {  	[sflag:s6] =	ssyncset.done $0x0  }
0xfe: {  	[sflag:s6] =	ssyncadd.s32 $0xFFFFE000  }
0xff: {  	_ =	swait.ge [sflag:s7], $0x2000  }
0x100: {  	[sflag:s7] =	ssyncset.done $0x0  }
0x101: {  	[sflag:s7] =	ssyncadd.s32 $0xFFFFE000  }
0x102: {  	_ =	swait.ge [sflag:s14], $0x400  }
0x103: {  	[sflag:s14] =	ssyncset.done $0x0  }
0x104: {  	[sflag:s14] =	ssyncadd.s32 $0xFFFFFC00  }
0x105: {  	[tilespmem:s19], [sflag:$0x3] =	stream.indirect.gather [hbm4b:s4+s22], $0x40, s15, s22, $0xb8;
	[tilespmem:$0x12A80] =	vst v63  }
0x106: {  	_ = 	snop  }
0x107: {  	[spmem:s2] =	stream.indirect.scatter.add.bf16 [tilespmem:s31], [sflag:$0xA], $0x40, s8, s22, $0xb8;
	[tilespmem:$0x12A80] =	vst v63  }
0x108: {  	_ =	swait.ge [sflag:s23], $0x2000  }
0x109: {  	[sflag:s23] =	ssyncset.done $0x0  }
0x10a: {  	[sflag:s23] =	ssyncadd.s32 $0xFFFFE000  }
0x10b: {  	_ =	swait.ge [sflag:s1], $0x2000  }
0x10c: {  	[sflag:s1] =	ssyncset.done $0x0  }
0x10d: {  	s0 =	simm.s32 $0x500;
	[sflag:s1] =	ssyncadd.s32 $0xFFFFE000  }
0x10e: {  	[tilespmem:s28], [sflag:$0x4] =	stream.indirect.gather [hbm4b:s4+s22], $0x40, s0, s22, $0xb8;
	[tilespmem:$0x12A80] =	vst v63  }
0x10f: {  	s0 =	simm.s32 $0x480  }
0x110: {  	[spmem:s2] =	stream.indirect.scatter.add.bf16 [tilespmem:s19], [sflag:$0x7], $0x40, s0, s22, $0xb8;
	[tilespmem:$0x12A80] =	vst v63  }
0x111: {  	_ =	swait.ge [sflag:s10], $0x2000  }
0x112: {  	[sflag:s10] =	ssyncset.done $0x0  }
0x113: {  	[sflag:s10] =	ssyncadd.s32 $0xFFFFE000  }
0x114: {  	_ =	swait.ge [sflag:s11], $0x2000  }
0x115: {  	[sflag:s11] =	ssyncset.done $0x0  }
0x116: {  	s0 =	simm.s32 $0x600;
	[sflag:s11] =	ssyncadd.s32 $0xFFFFE000  }
0x117: {  	[tilespmem:s25], [sflag:$0x5] =	stream.indirect.gather [hbm4b:s4+s22], $0x40, s0, s22, $0xb8;
	[tilespmem:$0x12A80] =	vst v63  }
0x118: {  	s0 =	simm.s32 $0x580  }
0x119: {  	[spmem:s2] =	stream.indirect.scatter.add.bf16 [tilespmem:s28], [sflag:$0x8], $0x40, s0, s22, $0xb8;
	[tilespmem:$0x12A80] =	vst v63  }
0x11a: {  	_ =	swait.ge [sflag:s29], $0x2000  }
0x11b: {  	[sflag:s29] =	ssyncset.done $0x0  }
0x11c: {  	p2 =	seq.s32 s30, $0x1300;
	s12 =	simm.s32 $0x680;
	[sflag:s29] =	ssyncadd.s32 $0xFFFFE000  }
0x11d: {  	s9 =	simm.s32 $0x700;
	s0 =	sadd.s32 @!p2 s30, s16;
	_ =	swait.ge [sflag:s18], $0x2000  }
0x11e: {  	s3 =	simm.s32 @!p2 $0x0;
	s0 =	sadd.s32 @!p2 $0x100, s0;
	[sflag:s18] =	ssyncset.done $0x0  }
0x11f: {  	[sflag:s18] =	ssyncadd.s32 $0xFFFFE000  }
0x120: {  	[tilespmem:s3], [sflag:$0x1] =	stream.linear.gather @!p2 [hbm4b:s0+s3], $0x400, $0x38;
	[tilespmem:$0x12A80] =	vst v63  }
0x121: {  	_ = 	snop  }
0x122: {  	[tilespmem:s31], [sflag:$0x6] =	stream.indirect.gather [hbm4b:s4+s22], $0x40, s9, s22, $0xb8;
	[tilespmem:$0x12A80] =	vst v63  }
0x123: {  	_ = 	snop  }
0x124: {  	[spmem:s2] =	stream.indirect.scatter.add.bf16 [tilespmem:s25], [sflag:$0x9], $0x40, s12, s22, $0xb8;
	[tilespmem:$0x12A80] =	vst v63  }
0x125: {  	p2 =	sgt.u32 s24, $0x26;
	_ =	swait.ge [sflag:s6], $0x2000  }
0x126: {  	s0 =	simm.s32 @!p2 $0x7;
	[sflag:s6] =	ssyncset.done $0x0  }
0x127: {  	[sflag:s6] =	ssyncadd.s32 $0xFFFFE000  }
0x128: {  	_ =	swait.ge @!p2 [sflag:s0], $0x2000  }
0x129: {  	s3 =	simm.s32 @!p2 $0x1;
	[sflag:s0] =	ssyncset.done @!p2 $0x0  }
.Ltmp4:
0x12a: {  	[sflag:s0] =	ssyncadd.s32 @!p2 $0xFFFFE000;
	(pc) =	sbr.rel @!p1 .LBB2_5-.Ltmp4, $4  }
0x12b: {  	s0 =	simm.s32 @!p2 $0x800;
	_ =	swait.ge @!p2 [sflag:s3], $0x400  }
0x12c: {  	s9 =	simm.s32 @!p2 $0x80;
	s12 =	simm.s32 @!p2 $0x0;
	[sflag:s3] =	ssyncset.done @!p2 $0x0  }
0x12d: {  	[sflag:s3] =	ssyncadd.s32 @!p2 $0xFFFFFC00  }
0x12e: {  	[tilespmem:s0], [sflag:$0x3] =	stream.indirect.gather @!p2 [hbm4b:s4+s9], $0x40, s12, s9, $0xb8;
	[tilespmem:$0x12A80] =	vst v63  }
.Ltmp5:
0x12f: {  	(pc) =	sbr.rel .LBB2_10-.Ltmp5, $4  }
0x130: {  	_ = 	snop  }
0x131: {  	s24 =	rddreg [dreg:$0x3]  }
0x132: {  	s0 =	simm.s32 $0x780;
	s26 =	rddreg [dreg:$0xe]  }
0x133: {  	[spmem:s2] =	stream.indirect.scatter.add.bf16 [tilespmem:s31], [sflag:$0xA], $0x40, s0, s22, $0xb8;
	[tilespmem:$0x12A80] =	vst v63  }
.LBB2_7:
0x134: {  	[tilespmem:s0], [sflag:$0xB] =	stream.linear.gather [hbm4b:s13+s0], $0x400, $0x38;
	[tilespmem:$0x12A80] =	vst v63  }
0x135: {  	_ =	swait.ge [sflag:s3], $0x400  }
0x136: {  	[sflag:s3] =	ssyncset.done $0x0  }
0x137: {  	s20 =	rddreg [dreg:$0xa];
	[sflag:s3] =	ssyncadd.s32 $0xFFFFFC00  }
0x138: {  	[tilespmem:s15], [sflag:$0x2] =	stream.linear.gather [hbm4b:s20+s0], $0x400, $0x38;
	[tilespmem:$0x12A80] =	vst v63  }
0x139: {  	_ = 	snop  }
0x13a: {  	[tilespmem:s19], [sflag:$0x3] =	stream.indirect.gather [hbm4b:s5+s22], $0x40, s0, s22, $0xb8;
	[tilespmem:$0x12A80] =	vst v63  }
0x13b: {  	p1 =	por $0x1, $0x1;
	_ =	swait.ge [sflag:s23], $0x2000  }
0x13c: {  	s9 =	simm.s32 @p1 $0x2800;
	[sflag:s23] =	ssyncset.done $0x0  }
0x13d: {  	s3 =	simm.s32 @p1 $0x100;
	s0 =	simm.s32 @p1 $0x80;
	[sflag:s23] =	ssyncadd.s32 $0xFFFFE000  }
0x13e: {  	[tilespmem:s9], [sflag:$0x4] =	stream.indirect.gather @p1 [hbm4b:s5+s0], $0x40, s3, s0, $0xb8;
	[tilespmem:$0x12A80] =	vst v63  }
0x13f: {  	s3 =	simm.s32 @p1 $0x800;
	s9 =	simm.s32 @!p1 $0x8  }
0x140: {  	[spmem:s2] =	stream.indirect.scatter.add.bf16 @p1 [tilespmem:s3], [sflag:$0x7], $0x40, s0, s0, $0xb8;
	[tilespmem:$0x12A80] =	vst v63  }
0x141: {  	_ =	swait.ge @!p1 [sflag:s9], $0x2000  }
0x142: {  	s0 =	simm.s32 @!p1 $0x2800;
	[sflag:s9] =	ssyncset.done @!p1 $0x0  }
0x143: {  	s3 =	simm.s32 @!p1 $0x80;
	[sflag:s9] =	ssyncadd.s32 @!p1 $0xFFFFE000;
	s9 =	simm.s32 @!p1 $0x100  }
0x144: {  	[tilespmem:s0], [sflag:$0x4] =	stream.indirect.gather @!p1 [hbm4b:s5+s3], $0x40, s9, s3, $0xb8;
	[tilespmem:$0x12A80] =	vst v63  }
0x145: {  	s0 =	simm.s32 @!p1 $0x800;
	s9 =	simm.s32 @!p1 $0x4  }
0x146: {  	[spmem:s2] =	stream.indirect.scatter.add.bf16 @!p1 [tilespmem:s0], [sflag:$0x7], $0x40, s3, s3, $0xb8;
	[tilespmem:$0x12A80] =	vst v63  }
0x147: {  	_ =	swait.ge @!p1 [sflag:s9], $0x2000  }
0x148: {  	s0 =	simm.s32 @!p1 $0x9;
	[sflag:s9] =	ssyncset.done @!p1 $0x0  }
0x149: {  	s0 =	simm.s32 @p1 $0x4;
	[sflag:s9] =	ssyncadd.s32 @!p1 $0xFFFFE000  }
0x14a: {  	_ =	swait.ge [sflag:s0], $0x2000  }
0x14b: {  	[sflag:s0] =	ssyncset.done $0x0  }
0x14c: {  	[sflag:s0] =	ssyncadd.s32 $0xFFFFE000  }
0x14d: {  	[tilespmem:s25], [sflag:$0x5] =	stream.indirect.gather [hbm4b:s5+s22], $0x40, s17, s22, $0xb8;
	[tilespmem:$0x12A80] =	vst v63  }
0x14e: {  	s8 =	simm.s32 $0x180  }
0x14f: {  	[spmem:s2] =	stream.indirect.scatter.add.bf16 [tilespmem:s28], [sflag:$0x8], $0x40, s8, s22, $0xb8;
	[tilespmem:$0x12A80] =	vst v63  }
0x150: {  	_ =	swait.ge [sflag:s29], $0x2000  }
0x151: {  	[sflag:s29] =	ssyncset.done $0x0  }
0x152: {  	s0 =	simm.s32 @!p1 $0xA;
	[sflag:s29] =	ssyncadd.s32 $0xFFFFE000  }
0x153: {  	s3 =	sadd.s32 @!p1 $0x0, s13;
	_ =	swait.ge @!p1 [sflag:s0], $0x2000  }
0x154: {  	s3 =	sadd.s32 @!p1 $0x80, s3;
	[sflag:s0] =	ssyncset.done @!p1 $0x0  }
0x155: {  	s9 =	simm.s32 @!p1 $0x0;
	[sflag:s0] =	ssyncadd.s32 @!p1 $0xFFFFE000;
	s0 =	simm.s32 @!p1 $0x400  }
0x156: {  	[tilespmem:s0], [sflag:$0x2] =	stream.linear.gather @!p1 [hbm4b:s3+s9], $0x400, $0x38;
	[tilespmem:$0x12A80] =	vst v63  }
0x157: {  	s21 =	simm.s32 $0x300  }
0x158: {  	[tilespmem:s31], [sflag:$0x6] =	stream.indirect.gather [hbm4b:s5+s22], $0x40, s21, s22, $0xb8;
	[tilespmem:$0x12A80] =	vst v63  }
0x159: {  	s20 =	simm.s32 $0x280  }
0x15a: {  	[spmem:s2] =	stream.indirect.scatter.add.bf16 [tilespmem:s25], [sflag:$0x9], $0x40, s20, s22, $0xb8;
	[tilespmem:$0x12A80] =	vst v63  }
0x15b: {  	_ =	swait.ge [sflag:s6], $0x2000  }
0x15c: {  	[sflag:s6] =	ssyncset.done $0x0  }
0x15d: {  	[sflag:s6] =	ssyncadd.s32 $0xFFFFE000  }
0x15e: {  	_ =	swait.ge [sflag:s7], $0x2000  }
0x15f: {  	[sflag:s7] =	ssyncset.done $0x0  }
0x160: {  	[sflag:s7] =	ssyncadd.s32 $0xFFFFE000  }
0x161: {  	_ =	swait.ge [sflag:s14], $0x400  }
0x162: {  	[sflag:s14] =	ssyncset.done $0x0  }
0x163: {  	[sflag:s14] =	ssyncadd.s32 $0xFFFFFC00  }
0x164: {  	[tilespmem:s19], [sflag:$0x3] =	stream.indirect.gather [hbm4b:s5+s22], $0x40, s15, s22, $0xb8;
	[tilespmem:$0x12A80] =	vst v63  }
0x165: {  	s12 =	simm.s32 $0x380  }
0x166: {  	[spmem:s2] =	stream.indirect.scatter.add.bf16 [tilespmem:s31], [sflag:$0xA], $0x40, s12, s22, $0xb8;
	[tilespmem:$0x12A80] =	vst v63  }
0x167: {  	_ =	swait.ge [sflag:s23], $0x2000  }
0x168: {  	[sflag:s23] =	ssyncset.done $0x0  }
0x169: {  	[sflag:s23] =	ssyncadd.s32 $0xFFFFE000  }
0x16a: {  	_ =	swait.ge [sflag:s1], $0x2000  }
0x16b: {  	[sflag:s1] =	ssyncset.done $0x0  }
0x16c: {  	s21 =	simm.s32 $0x500;
	[sflag:s1] =	ssyncadd.s32 $0xFFFFE000  }
0x16d: {  	[tilespmem:s28], [sflag:$0x4] =	stream.indirect.gather [hbm4b:s5+s22], $0x40, s21, s22, $0xb8;
	[tilespmem:$0x12A80] =	vst v63  }
0x16e: {  	s24 =	simm.s32 $0x480  }
0x16f: {  	[spmem:s2] =	stream.indirect.scatter.add.bf16 [tilespmem:s19], [sflag:$0x7], $0x40, s24, s22, $0xb8;
	[tilespmem:$0x12A80] =	vst v63  }
0x170: {  	_ =	swait.ge [sflag:s10], $0x2000  }
0x171: {  	[sflag:s10] =	ssyncset.done $0x0  }
0x172: {  	[sflag:s10] =	ssyncadd.s32 $0xFFFFE000  }
0x173: {  	_ =	swait.ge [sflag:s11], $0x2000  }
0x174: {  	[sflag:s11] =	ssyncset.done $0x0  }
0x175: {  	s21 =	simm.s32 $0x600;
	[sflag:s11] =	ssyncadd.s32 $0xFFFFE000  }
0x176: {  	[tilespmem:s25], [sflag:$0x5] =	stream.indirect.gather [hbm4b:s5+s22], $0x40, s21, s22, $0xb8;
	[tilespmem:$0x12A80] =	vst v63  }
0x177: {  	s8 =	simm.s32 $0x580  }
0x178: {  	[spmem:s2] =	stream.indirect.scatter.add.bf16 [tilespmem:s28], [sflag:$0x8], $0x40, s8, s22, $0xb8;
	[tilespmem:$0x12A80] =	vst v63  }
0x179: {  	_ =	swait.ge [sflag:s29], $0x2000  }
0x17a: {  	[sflag:s29] =	ssyncset.done $0x0  }
0x17b: {  	[sflag:s29] =	ssyncadd.s32 $0xFFFFE000  }
0x17c: {  	p1 =	por $0x0, $0x0;
	_ =	swait.ge [sflag:s18], $0x2000  }
0x17d: {  	s0 =	sadd.s32 @!p1 $0x0, s13;
	[sflag:s18] =	ssyncset.done $0x0  }
0x17e: {  	s3 =	simm.s32 @!p1 $0x0;
	s0 =	sadd.s32 @!p1 $0x100, s0;
	[sflag:s18] =	ssyncadd.s32 $0xFFFFE000  }
0x17f: {  	[tilespmem:s3], [sflag:$0x1] =	stream.linear.gather @!p1 [hbm4b:s0+s3], $0x400, $0x38;
	[tilespmem:$0x12A80] =	vst v63  }
0x180: {  	s26 =	simm.s32 $0x700  }
0x181: {  	[tilespmem:s31], [sflag:$0x6] =	stream.indirect.gather [hbm4b:s5+s22], $0x40, s26, s22, $0xb8;
	[tilespmem:$0x12A80] =	vst v63  }
0x182: {  	s30 =	simm.s32 $0x680  }
0x183: {  	[spmem:s2] =	stream.indirect.scatter.add.bf16 [tilespmem:s25], [sflag:$0x9], $0x40, s30, s22, $0xb8;
	[tilespmem:$0x12A80] =	vst v63  }
0x184: {  	_ =	swait.ge [sflag:s6], $0x2000  }
0x185: {  	p1 =	por $0x0, $0x0;
	[sflag:s6] =	ssyncset.done $0x0  }
0x186: {  	s0 =	simm.s32 @!p1 $0x7;
	[sflag:s6] =	ssyncadd.s32 $0xFFFFE000  }
0x187: {  	_ =	swait.ge @!p1 [sflag:s0], $0x2000  }
0x188: {  	[sflag:s0] =	ssyncset.done @!p1 $0x0  }
0x189: {  	s3 =	simm.s32 @!p1 $0x1;
	[sflag:s0] =	ssyncadd.s32 @!p1 $0xFFFFE000  }
0x18a: {  	s20 =	simm.s32 $0x780;
	s24 =	simm.s32 $0x1;
	_ =	swait.ge @!p1 [sflag:s3], $0x400  }
0x18b: {  	s9 =	simm.s32 @!p1 $0x80;
	s26 =	simm.s32 $0x100;
	[sflag:s3] =	ssyncset.done @!p1 $0x0  }
0x18c: {  	s0 =	simm.s32 @!p1 $0x800;
	[sflag:s3] =	ssyncadd.s32 @!p1 $0xFFFFFC00;
	s3 =	simm.s32 @!p1 $0x0  }
0x18d: {  	[tilespmem:s0], [sflag:$0x3] =	stream.indirect.gather @!p1 [hbm4b:s5+s9], $0x40, s3, s9, $0xb8;
	[tilespmem:$0x12A80] =	vst v63  }
.LBB2_8:
0x18e: {  	s24 =	sadd.s32 $0x2, s24;
	s30 =	smov.u32 s26;
	s26 =	sadd.s32 $0x100, s26  }
0x18f: {  	[spmem:s2] =	stream.indirect.scatter.add.bf16 [tilespmem:s31], [sflag:$0xA], $0x40, s20, s22, $0xb8;
	[tilespmem:$0x12A80] =	vst v63  }
0x190: {  	p2 =	seq.s32 s30, $0x0;
	p1 =	sne.s32 s26, $0x1400;
	_ =	swait.ge [sflag:s23], $0x2000  }
0x191: {  	s0 =	simm.s32 @p2 $0x80;
	s3 =	simm.s32 @p2 $0x100;
	[sflag:s23] =	ssyncset.done $0x0  }
0x192: {  	s9 =	simm.s32 @p2 $0x2800;
	s12 =	simm.s32 @p2 $0x800;
	[sflag:s23] =	ssyncadd.s32 $0xFFFFE000  }
0x193: {  	[tilespmem:s9], [sflag:$0x4] =	stream.indirect.gather @p2 [hbm4b:s5+s0], $0x40, s3, s0, $0xb8;
	[tilespmem:$0x12A80] =	vst v63  }
0x194: {  	s15 =	sadd.s32 @!p2 s30, s13;
	s3 =	simm.s32 @!p2 $0x8;
	s9 =	simm.s32 @!p2 $0x9  }
0x195: {  	[spmem:s2] =	stream.indirect.scatter.add.bf16 @p2 [tilespmem:s12], [sflag:$0x7], $0x40, s0, s0, $0xb8;
	[tilespmem:$0x12A80] =	vst v63  }
0x196: {  	s0 =	simm.s32 @!p2 $0x2800;
	s12 =	sadd.s32 @!p2 $0x80, s15;
	_ =	swait.ge @!p2 [sflag:s3], $0x2000  }
0x197: {  	s17 =	simm.s32 @!p2 $0x100;
	s15 =	simm.s32 @!p2 $0x80;
	[sflag:s3] =	ssyncset.done @!p2 $0x0  }
0x198: {  	[sflag:s3] =	ssyncadd.s32 @!p2 $0xFFFFE000;
	s3 =	simm.s32 @!p2 $0x800  }
0x199: {  	[tilespmem:s0], [sflag:$0x4] =	stream.indirect.gather @!p2 [hbm4b:s5+s15], $0x40, s17, s15, $0xb8;
	[tilespmem:$0x12A80] =	vst v63  }
0x19a: {  	s17 =	simm.s32 $0x200  }
0x19b: {  	s0 =	simm.s32 @!p2 $0x4  }
0x19c: {  	[spmem:s2] =	stream.indirect.scatter.add.bf16 @!p2 [tilespmem:s3], [sflag:$0x7], $0x40, s15, s15, $0xb8;
	[tilespmem:$0x12A80] =	vst v63  }
0x19d: {  	s15 =	simm.s32 $0x400  }
0x19e: {  	_ =	swait.ge @!p2 [sflag:s0], $0x2000  }
0x19f: {  	s9 =	simm.s32 @p2 $0x4;
	[sflag:s0] =	ssyncset.done @!p2 $0x0  }
0x1a0: {  	[sflag:s0] =	ssyncadd.s32 @!p2 $0xFFFFE000  }
0x1a1: {  	_ =	swait.ge [sflag:s9], $0x2000  }
0x1a2: {  	[sflag:s9] =	ssyncset.done $0x0  }
0x1a3: {  	[sflag:s9] =	ssyncadd.s32 $0xFFFFE000  }
0x1a4: {  	[tilespmem:s25], [sflag:$0x5] =	stream.indirect.gather [hbm4b:s5+s22], $0x40, s17, s22, $0xb8;
	[tilespmem:$0x12A80] =	vst v63  }
0x1a5: {  	s0 =	simm.s32 $0x180  }
0x1a6: {  	[spmem:s2] =	stream.indirect.scatter.add.bf16 [tilespmem:s28], [sflag:$0x8], $0x40, s0, s22, $0xb8;
	[tilespmem:$0x12A80] =	vst v63  }
0x1a7: {  	_ =	swait.ge [sflag:s29], $0x2000  }
0x1a8: {  	s0 =	simm.s32 @!p2 $0xA;
	[sflag:s29] =	ssyncset.done $0x0  }
0x1a9: {  	[sflag:s29] =	ssyncadd.s32 $0xFFFFE000  }
0x1aa: {  	_ =	swait.ge @!p2 [sflag:s0], $0x2000  }
0x1ab: {  	s3 =	simm.s32 @!p2 $0x0;
	s9 =	simm.s32 @!p2 $0x400;
	[sflag:s0] =	ssyncset.done @!p2 $0x0  }
0x1ac: {  	[sflag:s0] =	ssyncadd.s32 @!p2 $0xFFFFE000  }
0x1ad: {  	[tilespmem:s9], [sflag:$0x2] =	stream.linear.gather @!p2 [hbm4b:s12+s3], $0x400, $0x38;
	[tilespmem:$0x12A80] =	vst v63  }
0x1ae: {  	s0 =	simm.s32 $0x300  }
0x1af: {  	[tilespmem:s31], [sflag:$0x6] =	stream.indirect.gather [hbm4b:s5+s22], $0x40, s0, s22, $0xb8;
	[tilespmem:$0x12A80] =	vst v63  }
0x1b0: {  	s0 =	simm.s32 $0x280  }
0x1b1: {  	[spmem:s2] =	stream.indirect.scatter.add.bf16 [tilespmem:s25], [sflag:$0x9], $0x40, s0, s22, $0xb8;
	[tilespmem:$0x12A80] =	vst v63  }
0x1b2: {  	_ =	swait.ge [sflag:s6], $0x2000  }
0x1b3: {  	[sflag:s6] =	ssyncset.done $0x0  }
0x1b4: {  	[sflag:s6] =	ssyncadd.s32 $0xFFFFE000  }
0x1b5: {  	_ =	swait.ge [sflag:s7], $0x2000  }
0x1b6: {  	[sflag:s7] =	ssyncset.done $0x0  }
0x1b7: {  	[sflag:s7] =	ssyncadd.s32 $0xFFFFE000  }
0x1b8: {  	_ =	swait.ge [sflag:s14], $0x400  }
0x1b9: {  	[sflag:s14] =	ssyncset.done $0x0  }
0x1ba: {  	[sflag:s14] =	ssyncadd.s32 $0xFFFFFC00  }
0x1bb: {  	[tilespmem:s19], [sflag:$0x3] =	stream.indirect.gather [hbm4b:s5+s22], $0x40, s15, s22, $0xb8;
	[tilespmem:$0x12A80] =	vst v63  }
0x1bc: {  	s0 =	simm.s32 $0x380  }
0x1bd: {  	[spmem:s2] =	stream.indirect.scatter.add.bf16 [tilespmem:s31], [sflag:$0xA], $0x40, s0, s22, $0xb8;
	[tilespmem:$0x12A80] =	vst v63  }
0x1be: {  	_ =	swait.ge [sflag:s23], $0x2000  }
0x1bf: {  	[sflag:s23] =	ssyncset.done $0x0  }
0x1c0: {  	[sflag:s23] =	ssyncadd.s32 $0xFFFFE000  }
0x1c1: {  	_ =	swait.ge [sflag:s1], $0x2000  }
0x1c2: {  	[sflag:s1] =	ssyncset.done $0x0  }
0x1c3: {  	s0 =	simm.s32 $0x500;
	[sflag:s1] =	ssyncadd.s32 $0xFFFFE000  }
0x1c4: {  	[tilespmem:s28], [sflag:$0x4] =	stream.indirect.gather [hbm4b:s5+s22], $0x40, s0, s22, $0xb8;
	[tilespmem:$0x12A80] =	vst v63  }
0x1c5: {  	s0 =	simm.s32 $0x480  }
0x1c6: {  	[spmem:s2] =	stream.indirect.scatter.add.bf16 [tilespmem:s19], [sflag:$0x7], $0x40, s0, s22, $0xb8;
	[tilespmem:$0x12A80] =	vst v63  }
0x1c7: {  	_ =	swait.ge [sflag:s10], $0x2000  }
0x1c8: {  	[sflag:s10] =	ssyncset.done $0x0  }
0x1c9: {  	[sflag:s10] =	ssyncadd.s32 $0xFFFFE000  }
0x1ca: {  	_ =	swait.ge [sflag:s11], $0x2000  }
0x1cb: {  	[sflag:s11] =	ssyncset.done $0x0  }
0x1cc: {  	[sflag:s11] =	ssyncadd.s32 $0xFFFFE000  }
0x1cd: {  	[tilespmem:s25], [sflag:$0x5] =	stream.indirect.gather [hbm4b:s5+s22], $0x40, s21, s22, $0xb8;
	[tilespmem:$0x12A80] =	vst v63  }
0x1ce: {  	_ = 	snop  }
0x1cf: {  	[spmem:s2] =	stream.indirect.scatter.add.bf16 [tilespmem:s28], [sflag:$0x8], $0x40, s8, s22, $0xb8;
	[tilespmem:$0x12A80] =	vst v63  }
0x1d0: {  	_ =	swait.ge [sflag:s29], $0x2000  }
0x1d1: {  	[sflag:s29] =	ssyncset.done $0x0  }
0x1d2: {  	p2 =	seq.s32 s30, $0x1300;
	s12 =	simm.s32 $0x680;
	[sflag:s29] =	ssyncadd.s32 $0xFFFFE000  }
0x1d3: {  	s9 =	simm.s32 $0x700;
	s0 =	sadd.s32 @!p2 s30, s13;
	_ =	swait.ge [sflag:s18], $0x2000  }
0x1d4: {  	s3 =	simm.s32 @!p2 $0x0;
	s0 =	sadd.s32 @!p2 $0x100, s0;
	[sflag:s18] =	ssyncset.done $0x0  }
0x1d5: {  	[sflag:s18] =	ssyncadd.s32 $0xFFFFE000  }
0x1d6: {  	[tilespmem:s3], [sflag:$0x1] =	stream.linear.gather @!p2 [hbm4b:s0+s3], $0x400, $0x38;
	[tilespmem:$0x12A80] =	vst v63  }
0x1d7: {  	_ = 	snop  }
0x1d8: {  	[tilespmem:s31], [sflag:$0x6] =	stream.indirect.gather [hbm4b:s5+s22], $0x40, s9, s22, $0xb8;
	[tilespmem:$0x12A80] =	vst v63  }
0x1d9: {  	_ = 	snop  }
0x1da: {  	[spmem:s2] =	stream.indirect.scatter.add.bf16 [tilespmem:s25], [sflag:$0x9], $0x40, s12, s22, $0xb8;
	[tilespmem:$0x12A80] =	vst v63  }
0x1db: {  	p2 =	sgt.u32 s24, $0x26;
	_ =	swait.ge [sflag:s6], $0x2000  }
0x1dc: {  	s0 =	simm.s32 @!p2 $0x7;
	[sflag:s6] =	ssyncset.done $0x0  }
0x1dd: {  	[sflag:s6] =	ssyncadd.s32 $0xFFFFE000  }
0x1de: {  	_ =	swait.ge @!p2 [sflag:s0], $0x2000  }
0x1df: {  	s3 =	simm.s32 @!p2 $0x1;
	[sflag:s0] =	ssyncset.done @!p2 $0x0  }
.Ltmp6:
0x1e0: {  	[sflag:s0] =	ssyncadd.s32 @!p2 $0xFFFFE000;
	(pc) =	sbr.rel @p1 .LBB2_8-.Ltmp6, $4  }
0x1e1: {  	s0 =	simm.s32 @!p2 $0x800;
	_ =	swait.ge @!p2 [sflag:s3], $0x400  }
0x1e2: {  	s9 =	simm.s32 @!p2 $0x80;
	s12 =	simm.s32 @!p2 $0x0;
	[sflag:s3] =	ssyncset.done @!p2 $0x0  }
0x1e3: {  	[sflag:s3] =	ssyncadd.s32 @!p2 $0xFFFFFC00  }
0x1e4: {  	[tilespmem:s0], [sflag:$0x3] =	stream.indirect.gather @!p2 [hbm4b:s5+s9], $0x40, s12, s9, $0xb8;
	[tilespmem:$0x12A80] =	vst v63  }
.Ltmp7:
0x1e5: {  	_ = 	snop;
	(pc) =	sbr.rel .LBB2_9-.Ltmp7, $1  }
0x1e6: {  	_ =	sdelay $0x3  }
.LBB2_11:
0x1e7: {  	_ =	sfence.sel $0x180000  }
0x1e8: {  	[bflag:$0x0] =	sbarrier.arrive $0xFFFF  }
0x1e9: {  	_ =	strace $0x9000004A  }
0x1ea: {  	s0 =	stileid.u32;
	[bflag:$0x2] =	sbarrier.arrive $0xFFFF  }
0x1eb: {  	p0 =	sne.s32 s0, $0x0;
	s0 =	rddreg [dreg:$0x2]  }
0x1ec: {  	s0 =	sadd.s32 @!p0 $0x100000, s0  }
0x1ed: {  	[sflag:s0] =	ssyncadd.tile.s32 @!p0 $0x1;
	_ =	shalt  }
.Lfunc_end2:
_tile_overlayer_lowered:
.L_overlay_start_2:
0x1ee: {  	(tag) =	ssettag $0x2  }
0x1ef: {  	s0 =	rddreg [dreg:$0x0];
	s2 =	stileid.u32  }
0x1f0: {  	s1 =	rddreg [dreg:$0x1];
	p0 =	sne.s32 s2, $0x0  }
0x1f1: {  	s3 =	rddreg [dreg:$0x2];
	[bflag:$0x3] =	sbarrier.arrive $0xFFFF;
	s2 =	simm.s32 @!p0 $0x1C0B  }
0x1f2: {  	[timem:s3], [sflag:s2] =	dma.local @!p0 [hbm:s0], s1  }
0x1f3: {  	s0 =	simm.s32 @!p0 $0xB  }
0x1f4: {  	_ =	swait.ge @!p0 [sflag:s0], s1  }
0x1f5: {  	s1 =	ssub.s32 @!p0 $0x0, s1;
	[sflag:s0] =	ssyncset.done @!p0 $0x0  }
0x1f6: {  	[sflag:s0] =	ssyncadd.s32 @!p0 s1  }
0x1f7: {  	[bflag:$0x3] =	sbarrier.arrive $0xFFFF  }
0x1f8: {  	_ =	shalt  }

</sc_bundles>
